<compile_context>
chip_gen: v7x
topology: tpu7x:2x2x1
jax: 0.10.2.dev20260603
libtpu: 0.0.44.dev20260713+nightly
codegen_flags: <defaults>
</compile_context>

<pallas_src>
import functools

import jax
import jax.numpy as jnp
from jax import lax
from jax.experimental import pallas as pl
from jax.experimental.pallas import tpu as pltpu
from jax.experimental.pallas import tpu_sc as plsc

B = 4096
T = 50
E = 64
H = 128
CHUNK = 128
NSEG = 5
TS = T // NSEG


def _sc_gather(table, idx, n_t):
    n = idx.shape[0]
    info = plsc.get_sparse_core_info()
    nw = info.num_cores * info.num_subcores
    per_w = n // nw
    n_chunks = per_w // CHUNK
    n_pairs = n_chunks // 2
    mesh = plsc.VectorSubcoreMesh(core_axis_name="c", subcore_axis_name="s")

    @functools.partial(
        pl.kernel,
        mesh=mesh,
        out_type=jax.ShapeDtypeStruct((n_t, B, 128), jnp.float32),
        scratch_types=[
            pltpu.VMEM((per_w,), jnp.int32),
            pltpu.VMEM((CHUNK, 128), jnp.float32),
            pltpu.VMEM((CHUNK, 128), jnp.float32),
            pltpu.SemaphoreType.DMA,
            pltpu.SemaphoreType.DMA,
            pltpu.SemaphoreType.DMA,
            pltpu.SemaphoreType.DMA,
        ],
        compiler_params=pltpu.CompilerParams(use_tc_tiling_on_sc=False),
    )
    def gather_kernel(table_hbm, idx_hbm, out_hbm, idx_v, rows_a, rows_b,
                      sga, sgb, swa, swb):
        wid = lax.axis_index("s") * info.num_cores + lax.axis_index("c")
        base = wid * per_w
        pltpu.sync_copy(idx_hbm.at[pl.ds(base, per_w)], idx_v)

        def start_g(j, rows, sem):
            return pltpu.async_copy(
                table_hbm.at[idx_v.at[pl.ds(j * CHUNK, CHUNK)]], rows, sem)

        def out_slice(j):
            f = base + j * CHUNK
            return out_hbm.at[f // B, pl.ds(f % B, CHUNK), pl.ds(0, 128)]

        def start_w(j, rows, sem):
            return pltpu.async_copy(rows, out_slice(j), sem)

        def wait_w(j, rows, sem):
            pltpu.make_async_copy(rows, out_slice(j), sem).wait()

        def body(i, _):
            j = 2 * i
            start_g(j, rows_a, sga).wait()

            @pl.when(i > 0)
            def _():
                wait_w(j - 1, rows_b, swb)

            start_w(j, rows_a, swa)
            start_g(j + 1, rows_b, sgb).wait()
            wait_w(j, rows_a, swa)
            start_w(j + 1, rows_b, swb)
            return 0

        lax.fori_loop(0, n_pairs, body, 0)
        wait_w(n_chunks - 1, rows_b, swb)

    return gather_kernel(table, idx)


def _lstm_body(x_ref, w1_ref, w2_ref, hin_ref, cin_ref,
               hout_ref, cout_ref, h_ref, c_ref, *, n_t):
    t = pl.program_id(0)

    @pl.when(t == 0)
    def _():
        h_ref[...] = hin_ref[...].astype(jnp.bfloat16)
        c_ref[...] = cin_ref[...]

    x = x_ref[0].astype(jnp.bfloat16)
    h = h_ref[...]
    gates = (
        jnp.dot(x, w1_ref[...], preferred_element_type=jnp.float32)
        + jnp.dot(h, w2_ref[...], preferred_element_type=jnp.float32)
    )

    def _sigmoid(z):
        return 0.5 + 0.5 * jnp.tanh(z)

    i = _sigmoid(gates[:, 0:H])
    f = _sigmoid(gates[:, H : 2 * H])
    g = jnp.tanh(gates[:, 2 * H : 3 * H])
    o = _sigmoid(gates[:, 3 * H : 4 * H])
    c = f * c_ref[...] + i * g
    h_new = o * jnp.tanh(c)
    c_ref[...] = c
    h_ref[...] = h_new.astype(jnp.bfloat16)

    @pl.when(t == n_t - 1)
    def _():
        hout_ref[...] = h_new
        cout_ref[...] = c


def _lstm_tc(x, w1, w2, h_in, c_in):
    n_t = x.shape[0]
    return pl.pallas_call(
        functools.partial(_lstm_body, n_t=n_t),
        grid=(n_t,),
        in_specs=[
            pl.BlockSpec((1, B, 128), lambda t: (t, 0, 0)),
            pl.BlockSpec((128, 4 * H), lambda t: (0, 0)),
            pl.BlockSpec((H, 4 * H), lambda t: (0, 0)),
            pl.BlockSpec((B, H), lambda t: (0, 0)),
            pl.BlockSpec((B, H), lambda t: (0, 0)),
        ],
        out_specs=[
            pl.BlockSpec((B, H), lambda t: (0, 0)),
            pl.BlockSpec((B, H), lambda t: (0, 0)),
        ],
        out_shape=[
            jax.ShapeDtypeStruct((B, H), jnp.float32),
            jax.ShapeDtypeStruct((B, H), jnp.float32),
        ],
        scratch_shapes=[
            pltpu.VMEM((B, H), jnp.bfloat16),
            pltpu.VMEM((B, H), jnp.float32),
        ],
        compiler_params=pltpu.CompilerParams(
            dimension_semantics=("arbitrary",),
        ),
    )(x, w1, w2, h_in, c_in)


def kernel(program_ops, emb_table, W_ih, W_hh, b_ih, b_hh):
    n_ops = emb_table.shape[0]
    idx = program_ops.T.reshape(-1).astype(jnp.int32)

    table_p = jnp.concatenate(
        [
            emb_table,
            jnp.ones((n_ops, 2), jnp.float32),
            jnp.zeros((n_ops, 126 - E), jnp.float32),
        ],
        axis=1,
    )

    scale = jnp.concatenate(
        [jnp.full((H,), 0.5), jnp.full((H,), 0.5), jnp.ones((H,)),
         jnp.full((H,), 0.5)]
    ).astype(jnp.float32)
    bias = (b_ih + b_hh) * scale
    bias_hi = bias.astype(jnp.bfloat16).astype(jnp.float32)
    w1 = jnp.concatenate(
        [W_ih.T * scale[None, :], bias_hi[None, :], (bias - bias_hi)[None, :],
         jnp.zeros((126 - E, 4 * H), jnp.float32)],
        axis=0,
    ).astype(jnp.bfloat16)
    w2 = (W_hh.T * scale[None, :]).astype(jnp.bfloat16)

    xs = [
        _sc_gather(table_p, idx[s * TS * B : (s + 1) * TS * B], TS)
        for s in range(NSEG)
    ]
    h = jnp.zeros((B, H), jnp.float32)
    c = jnp.zeros((B, H), jnp.float32)
    for s in range(NSEG):
        h, c = _lstm_tc(xs[s], w1, w2, h, c)
    return h

# --- scband reference (transcript-rebuilt; emitter-appended) ---
"""Pipeline reference for scband-neural-program-encoder-31516470018195 (READ-ONLY COPY).

The authoritative reference and input builder live on the scoring server;
editing this copy changes nothing except your own understanding.
"""

import jax, jax.numpy as jnp
import numpy as np

NUM_OPS = 100000
EMBED_DIM = 64
HIDDEN = 128
B = 4096
T = 50

def setup_inputs(seed: int = 0) -> dict:
    key = jax.random.key(seed)
    k0, k1, k2, k3, k4, k5 = jax.random.split(key, 6)
    program_ops = jax.random.randint(k0, (B, T), 0, NUM_OPS, dtype=jnp.int64) if jax.config.jax_enable_x64 else jax.random.randint(k0, (B, T), 0, NUM_OPS, dtype=jnp.int32)
    emb_table = jax.random.normal(k1, (NUM_OPS, EMBED_DIM), dtype=jnp.float32) * 0.02
    s = 1.0 / np.sqrt(HIDDEN)
    W_ih = jax.random.uniform(k2, (4 * HIDDEN, EMBED_DIM), dtype=jnp.float32, minval=-s, maxval=s)
    W_hh = jax.random.uniform(k3, (4 * HIDDEN, HIDDEN), dtype=jnp.float32, minval=-s, maxval=s)
    b_ih = jax.random.uniform(k4, (4 * HIDDEN,), dtype=jnp.float32, minval=-s, maxval=s)
    b_hh = jax.random.uniform(k5, (4 * HIDDEN,), dtype=jnp.float32, minval=-s, maxval=s)
    return {"program_ops": program_ops, "emb_table": emb_table, "W_ih": W_ih, "W_hh": W_hh, "b_ih": b_ih, "b_hh": b_hh}

def _lstm_last_h(x, W_ih, W_hh, b_ih, b_hh):
    # x: [B, T, E]; single-layer LSTM, PyTorch gate order (i, f, g, o)
    Bsz = x.shape[0]
    H = W_hh.shape[1]
    x_t = jnp.swapaxes(x, 0, 1)  # [T, B, E]

    def step(carry, xt):
        h, c = carry
        gates = xt @ W_ih.T + h @ W_hh.T + b_ih + b_hh
        i, f, g, o = jnp.split(gates, 4, axis=-1)
        i = jax.nn.sigmoid(i)
        f = jax.nn.sigmoid(f)
        g = jnp.tanh(g)
        o = jax.nn.sigmoid(o)
        c_new = f * c + i * g
        h_new = o * jnp.tanh(c_new)
        return (h_new, c_new), None

    h0 = jnp.zeros((Bsz, H), dtype=x.dtype)
    c0 = jnp.zeros((Bsz, H), dtype=x.dtype)
    (h_n, _), _ = jax.lax.scan(step, (h0, c0), x_t)
    return h_n

def reference(program_ops, emb_table, W_ih, W_hh, b_ih, b_hh):
    # embedding lookup: [B, T] -> [B, T, E]
    op_embeddings = jnp.take(emb_table, program_ops, axis=0)
    # LSTM, return final hidden state h_n squeezed: [B, H]
    h_n = _lstm_last_h(op_embeddings, W_ih, W_hh, b_ih, b_hh)
    return h_n

if __name__ == "__main__":
    import jax
    _d = setup_inputs()
    print(jax.jit(kernel)(*tuple(_d.values())))

</pallas_src>

<mosaic_0001>
#map = affine_map<(d0, d1) -> (0, 0)>
#map1 = affine_map<(d0, d1) -> (0)>
#map2 = affine_map<(d0, d1) -> (0, 0, 0)>
module attributes {stable_mosaic.version = 14 : i64} {
  func.func @gather_kernel(%arg0: i32, %arg1: i32, %arg2: memref<100000x128xf32, #tpu.memory_space<hbm>>, %arg3: memref<40960xi32, #tpu.memory_space<hbm>>, %arg4: memref<10x4096x128xf32, #tpu.memory_space<hbm>>, %arg5: memref<1280xi32, #tpu.memory_space<vmem>>, %arg6: memref<128x128xf32, #tpu.memory_space<vmem>>, %arg7: memref<128x128xf32, #tpu.memory_space<vmem>>, %arg8: memref<!tpu.dma_semaphore, #tpu.memory_space<semaphore_mem>>, %arg9: memref<!tpu.dma_semaphore, #tpu.memory_space<semaphore_mem>>, %arg10: memref<!tpu.dma_semaphore, #tpu.memory_space<semaphore_mem>>, %arg11: memref<!tpu.dma_semaphore, #tpu.memory_space<semaphore_mem>>) attributes {dimension_semantics = [#tpu.dimension_semantics<core_parallel>, #tpu.dimension_semantics<subcore_parallel>], iteration_bounds = array<i64: 2, 16>, scalar_prefetch = 0 : i64, scratch_operands = 7 : i64, tpu.core_type = #tpu.core_type<sc_vector_subcore>, window_params = [{transform_indices = #map}, {transform_indices = #map1}, {transform_indices = #map2}]} {
    %mul3A = arith.constant 2 : i32
    %mul3A_0 = arith.muli %arg1, %mul3A : i32
    %add3A = arith.addi %mul3A_0, %arg0 : i32
    %mul3A_1 = arith.constant 1280 : i32
    %mul3A_2 = arith.muli %add3A, %mul3A_1 : i32
    "tpu.region"() ({
      %run_scoped3A = tpu.sem_alloc : memref<!tpu.dma_semaphore, #tpu.memory_space<semaphore_mem>>
      %dma_start3A = tpu.memref_slice %arg3[%mul3A_2] : memref<40960xi32, #tpu.memory_space<hbm>> -> memref<1280xi32, #tpu.memory_space<hbm>>
      %dma_start3A_46 = tpu.memref_slice %arg3[%mul3A_2] : memref<40960xi32, #tpu.memory_space<hbm>> -> memref<1280xi32, #tpu.memory_space<hbm>>
      tpu.enqueue_dma source(%dma_start3A_46 : memref<1280xi32, #tpu.memory_space<hbm>>) target(%arg5 : memref<1280xi32, #tpu.memory_space<vmem>>) target_semaphore(%run_scoped3A : memref<!tpu.dma_semaphore, #tpu.memory_space<semaphore_mem>>)
      %dma_wait3A_47 = tpu.memref_slice %arg3[%mul3A_2] : memref<40960xi32, #tpu.memory_space<hbm>> -> memref<1280xi32, #tpu.memory_space<hbm>>
      %dma_wait3A_48 = tpu.memref_slice %arg3[%mul3A_2] : memref<40960xi32, #tpu.memory_space<hbm>> -> memref<1280xi32, #tpu.memory_space<hbm>>
      tpu.wait_dma2 semaphore(%run_scoped3A : memref<!tpu.dma_semaphore, #tpu.memory_space<semaphore_mem>>) src(%dma_wait3A_48 : memref<1280xi32, #tpu.memory_space<hbm>>) dst(%arg5 : memref<1280xi32, #tpu.memory_space<vmem>>)
      tpu.yield
    }) : () -> ()
    %scan3A = arith.constant 0 : i32
    %scan3A_3 = arith.constant 0 : i32
    %scan3A_4 = arith.constant 5 : i32
    %scan3A_5 = arith.addi %scan3A_3, %scan3A_4 : i32
    %scan3A_6 = arith.constant 1 : i32
    %scan3A_7 = scf.for %scan3A_46 = %scan3A_3 to %scan3A_5 step %scan3A_6 iter_args(%scan3A_47 = %scan3A) -> (i32)  : i32 {
      %mul3A_48 = arith.constant 2 : i32
      %mul3A_49 = arith.muli %mul3A_48, %scan3A_46 : i32
      %mul3A_50 = arith.constant 128 : i32
      %mul3A_51 = arith.muli %mul3A_49, %mul3A_50 : i32
      %dma_start3A = tpu.memref_slice %arg5[%mul3A_51] : memref<1280xi32, #tpu.memory_space<vmem>> -> memref<128xi32, #tpu.memory_space<vmem>>
      %dma_start3A_52 = arith.constant 0 : i32
      %dma_start3A_53 = arith.constant 0 : i32
      %dma_start3A_54 = tpu.memref_slice %arg2[%dma_start3A_52, %dma_start3A_53] : memref<100000x128xf32, #tpu.memory_space<hbm>> -> memref<100000x128xf32, #tpu.memory_space<hbm>>
      tpu.enqueue_indirect_dma source(%dma_start3A_54 : memref<100000x128xf32, #tpu.memory_space<hbm>>) target(%arg6 : memref<128x128xf32, #tpu.memory_space<vmem>>) offsets(%dma_start3A : memref<128xi32, #tpu.memory_space<vmem>>) semaphore(%arg8 : memref<!tpu.dma_semaphore, #tpu.memory_space<semaphore_mem>>)
      %dma_wait3A_55 = tpu.memref_slice %arg5[%mul3A_51] : memref<1280xi32, #tpu.memory_space<vmem>> -> memref<128xi32, #tpu.memory_space<vmem>>
      %dma_wait3A_56 = arith.constant 0 : i32
      %dma_wait3A_57 = arith.constant 0 : i32
      %dma_wait3A_58 = tpu.memref_slice %arg2[%dma_wait3A_56, %dma_wait3A_57] : memref<100000x128xf32, #tpu.memory_space<hbm>> -> memref<100000x128xf32, #tpu.memory_space<hbm>>
      tpu.wait_indirect_dma semaphore(%arg8 : memref<!tpu.dma_semaphore, #tpu.memory_space<semaphore_mem>>) src(%dma_wait3A_58 : memref<100000x128xf32, #tpu.memory_space<hbm>>) dst(%arg6 : memref<128x128xf32, #tpu.memory_space<vmem>>)
      %gt3A = arith.constant 0 : i32
      %gt3A_59 = arith.cmpi sgt, %scan3A_46, %gt3A : i32
      %convert_element_type3A = arith.extui %gt3A_59 : i1 to i32
      %cond3A = arith.constant 0 : i32
      %cond3A_60 = arith.cmpi ne, %convert_element_type3A, %cond3A : i32
      scf.if %cond3A_60 {
        %sub3A_223 = arith.constant 1 : i32
        %sub3A_224 = arith.subi %mul3A_49, %sub3A_223 : i32
        %mul3A_225 = arith.constant 128 : i32
        %mul3A_226 = arith.muli %sub3A_224, %mul3A_225 : i32
        %add3A_227 = arith.addi %mul3A_2, %mul3A_226 : i32
        %jit3A_228 = arith.constant 4096 : i32
        %div3A_229 = arith.divsi %add3A_227, %jit3A_228 : i32
        %sign3A_230 = arith.constant 0 : i32
        %sign3A_231 = arith.cmpi sgt, %add3A_227, %sign3A_230 : i32
        %sign3A_232 = arith.extui %sign3A_231 : i1 to i32
        %sign3A_233 = arith.constant 0 : i32
        %sign3A_234 = arith.cmpi slt, %add3A_227, %sign3A_233 : i32
        %sign3A_235 = arith.extui %sign3A_234 : i1 to i32
        %sign3A_236 = arith.subi %sign3A_232, %sign3A_235 : i32
        %sign3A_237 = arith.constant 0 : i32
        %sign3A_238 = arith.cmpi sgt, %jit3A_228, %sign3A_237 : i32
        %sign3A_239 = arith.extui %sign3A_238 : i1 to i32
        %sign3A_240 = arith.constant 0 : i32
        %sign3A_241 = arith.cmpi slt, %jit3A_228, %sign3A_240 : i32
        %sign3A_242 = arith.extui %sign3A_241 : i1 to i32
        %sign3A_243 = arith.subi %sign3A_239, %sign3A_242 : i32
        %ne3A_244 = arith.cmpi ne, %sign3A_236, %sign3A_243 : i32
        %rem3A_245 = arith.remsi %add3A_227, %jit3A_228 : i32
        %ne3A_246 = arith.constant 0 : i32
        %ne3A_247 = arith.cmpi ne, %rem3A_245, %ne3A_246 : i32
        %and3A_248 = arith.andi %ne3A_244, %ne3A_247 : i1
        %sub3A_249 = arith.constant 1 : i32
        %sub3A_250 = arith.subi %div3A_229, %sub3A_249 : i32
        %select_n3A_251 = arith.select %and3A_248, %sub3A_250, %div3A_229 : i32
        %jit3A_252 = arith.constant 4096 : i32
        %eq3A_253 = arith.constant 0 : i32
        %eq3A_254 = arith.cmpi eq, %jit3A_252, %eq3A_253 : i32
        %jit3A_255 = arith.constant 1 : i32
        %select_n3A_256 = arith.select %eq3A_254, %jit3A_255, %jit3A_252 : i32
        %rem3A_257 = arith.remsi %add3A_227, %select_n3A_256 : i32
        %ne3A_258 = arith.constant 0 : i32
        %ne3A_259 = arith.cmpi ne, %rem3A_257, %ne3A_258 : i32
        %lt3A_260 = arith.constant 0 : i32
        %lt3A_261 = arith.cmpi slt, %rem3A_257, %lt3A_260 : i32
        %lt3A_262 = arith.constant 0 : i32
        %lt3A_263 = arith.cmpi slt, %select_n3A_256, %lt3A_262 : i32
        %ne3A_264 = arith.xori %lt3A_261, %lt3A_263 : i1
        %and3A_265 = arith.andi %ne3A_264, %ne3A_259 : i1
        %add3A_266 = arith.addi %rem3A_257, %select_n3A_256 : i32
        %select_n3A_267 = arith.select %and3A_265, %add3A_266, %rem3A_257 : i32
        %dma_wait3A_268 = arith.constant 0 : i32
        %dma_wait3A_269 = tpu.memref_slice %arg4[%select_n3A_251, %select_n3A_267, %dma_wait3A_268] : memref<10x4096x128xf32, #tpu.memory_space<hbm>> -> memref<1x128x128xf32, #tpu.memory_space<hbm>>
        %dma_wait3A_270 = tpu.memref_squeeze %dma_wait3A_269 : memref<1x128x128xf32, #tpu.memory_space<hbm>> -> memref<128x128xf32, #tpu.memory_space<hbm>>
        %dma_wait3A_271 = arith.constant 0 : i32
        %dma_wait3A_272 = tpu.memref_slice %arg4[%select_n3A_251, %select_n3A_267, %dma_wait3A_271] : memref<10x4096x128xf32, #tpu.memory_space<hbm>> -> memref<1x128x128xf32, #tpu.memory_space<hbm>>
        %dma_wait3A_273 = tpu.memref_squeeze %dma_wait3A_272 : memref<1x128x128xf32, #tpu.memory_space<hbm>> -> memref<128x128xf32, #tpu.memory_space<hbm>>
        tpu.wait_dma2 semaphore(%arg11 : memref<!tpu.dma_semaphore, #tpu.memory_space<semaphore_mem>>) src(%arg7 : memref<128x128xf32, #tpu.memory_space<vmem>>) dst(%dma_wait3A_273 : memref<128x128xf32, #tpu.memory_space<hbm>>)
      } else {
      }
      %mul3A_61 = arith.constant 128 : i32
      %mul3A_62 = arith.muli %mul3A_49, %mul3A_61 : i32
      %add3A_63 = arith.addi %mul3A_2, %mul3A_62 : i32
      %jit3A_64 = arith.constant 4096 : i32
      %div3A_65 = arith.divsi %add3A_63, %jit3A_64 : i32
      %sign3A_66 = arith.constant 0 : i32
      %sign3A_67 = arith.cmpi sgt, %add3A_63, %sign3A_66 : i32
      %sign3A_68 = arith.extui %sign3A_67 : i1 to i32
      %sign3A_69 = arith.constant 0 : i32
      %sign3A_70 = arith.cmpi slt, %add3A_63, %sign3A_69 : i32
      %sign3A_71 = arith.extui %sign3A_70 : i1 to i32
      %sign3A_72 = arith.subi %sign3A_68, %sign3A_71 : i32
      %sign3A_73 = arith.constant 0 : i32
      %sign3A_74 = arith.cmpi sgt, %jit3A_64, %sign3A_73 : i32
      %sign3A_75 = arith.extui %sign3A_74 : i1 to i32
      %sign3A_76 = arith.constant 0 : i32
      %sign3A_77 = arith.cmpi slt, %jit3A_64, %sign3A_76 : i32
      %sign3A_78 = arith.extui %sign3A_77 : i1 to i32
      %sign3A_79 = arith.subi %sign3A_75, %sign3A_78 : i32
      %ne3A_80 = arith.cmpi ne, %sign3A_72, %sign3A_79 : i32
      %rem3A_81 = arith.remsi %add3A_63, %jit3A_64 : i32
      %ne3A_82 = arith.constant 0 : i32
      %ne3A_83 = arith.cmpi ne, %rem3A_81, %ne3A_82 : i32
      %and3A_84 = arith.andi %ne3A_80, %ne3A_83 : i1
      %sub3A_85 = arith.constant 1 : i32
      %sub3A_86 = arith.subi %div3A_65, %sub3A_85 : i32
      %select_n3A_87 = arith.select %and3A_84, %sub3A_86, %div3A_65 : i32
      %jit3A_88 = arith.constant 4096 : i32
      %eq3A_89 = arith.constant 0 : i32
      %eq3A_90 = arith.cmpi eq, %jit3A_88, %eq3A_89 : i32
      %jit3A_91 = arith.constant 1 : i32
      %select_n3A_92 = arith.select %eq3A_90, %jit3A_91, %jit3A_88 : i32
      %rem3A_93 = arith.remsi %add3A_63, %select_n3A_92 : i32
      %ne3A_94 = arith.constant 0 : i32
      %ne3A_95 = arith.cmpi ne, %rem3A_93, %ne3A_94 : i32
      %lt3A_96 = arith.constant 0 : i32
      %lt3A_97 = arith.cmpi slt, %rem3A_93, %lt3A_96 : i32
      %lt3A_98 = arith.constant 0 : i32
      %lt3A_99 = arith.cmpi slt, %select_n3A_92, %lt3A_98 : i32
      %ne3A_100 = arith.xori %lt3A_97, %lt3A_99 : i1
      %and3A_101 = arith.andi %ne3A_100, %ne3A_95 : i1
      %add3A_102 = arith.addi %rem3A_93, %select_n3A_92 : i32
      %select_n3A_103 = arith.select %and3A_101, %add3A_102, %rem3A_93 : i32
      %dma_start3A_104 = arith.constant 0 : i32
      %dma_start3A_105 = tpu.memref_slice %arg4[%select_n3A_87, %select_n3A_103, %dma_start3A_104] : memref<10x4096x128xf32, #tpu.memory_space<hbm>> -> memref<1x128x128xf32, #tpu.memory_space<hbm>>
      %dma_start3A_106 = tpu.memref_squeeze %dma_start3A_105 : memref<1x128x128xf32, #tpu.memory_space<hbm>> -> memref<128x128xf32, #tpu.memory_space<hbm>>
      %dma_start3A_107 = arith.constant 0 : i32
      %dma_start3A_108 = tpu.memref_slice %arg4[%select_n3A_87, %select_n3A_103, %dma_start3A_107] : memref<10x4096x128xf32, #tpu.memory_space<hbm>> -> memref<1x128x128xf32, #tpu.memory_space<hbm>>
      %dma_start3A_109 = tpu.memref_squeeze %dma_start3A_108 : memref<1x128x128xf32, #tpu.memory_space<hbm>> -> memref<128x128xf32, #tpu.memory_space<hbm>>
      tpu.enqueue_dma source(%arg6 : memref<128x128xf32, #tpu.memory_space<vmem>>) target(%dma_start3A_109 : memref<128x128xf32, #tpu.memory_space<hbm>>) target_semaphore(%arg10 : memref<!tpu.dma_semaphore, #tpu.memory_space<semaphore_mem>>)
      %add3A_110 = arith.constant 1 : i32
      %add3A_111 = arith.addi %mul3A_49, %add3A_110 : i32
      %mul3A_112 = arith.constant 128 : i32
      %mul3A_113 = arith.muli %add3A_111, %mul3A_112 : i32
      %dma_start3A_114 = tpu.memref_slice %arg5[%mul3A_113] : memref<1280xi32, #tpu.memory_space<vmem>> -> memref<128xi32, #tpu.memory_space<vmem>>
      %dma_start3A_115 = arith.constant 0 : i32
      %dma_start3A_116 = arith.constant 0 : i32
      %dma_start3A_117 = tpu.memref_slice %arg2[%dma_start3A_115, %dma_start3A_116] : memref<100000x128xf32, #tpu.memory_space<hbm>> -> memref<100000x128xf32, #tpu.memory_space<hbm>>
      tpu.enqueue_indirect_dma source(%dma_start3A_117 : memref<100000x128xf32, #tpu.memory_space<hbm>>) target(%arg7 : memref<128x128xf32, #tpu.memory_space<vmem>>) offsets(%dma_start3A_114 : memref<128xi32, #tpu.memory_space<vmem>>) semaphore(%arg9 : memref<!tpu.dma_semaphore, #tpu.memory_space<semaphore_mem>>)
      %dma_wait3A_118 = tpu.memref_slice %arg5[%mul3A_113] : memref<1280xi32, #tpu.memory_space<vmem>> -> memref<128xi32, #tpu.memory_space<vmem>>
      %dma_wait3A_119 = arith.constant 0 : i32
      %dma_wait3A_120 = arith.constant 0 : i32
      %dma_wait3A_121 = tpu.memref_slice %arg2[%dma_wait3A_119, %dma_wait3A_120] : memref<100000x128xf32, #tpu.memory_space<hbm>> -> memref<100000x128xf32, #tpu.memory_space<hbm>>
      tpu.wait_indirect_dma semaphore(%arg9 : memref<!tpu.dma_semaphore, #tpu.memory_space<semaphore_mem>>) src(%dma_wait3A_121 : memref<100000x128xf32, #tpu.memory_space<hbm>>) dst(%arg7 : memref<128x128xf32, #tpu.memory_space<vmem>>)
      %mul3A_122 = arith.constant 128 : i32
      %mul3A_123 = arith.muli %mul3A_49, %mul3A_122 : i32
      %add3A_124 = arith.addi %mul3A_2, %mul3A_123 : i32
      %jit3A_125 = arith.constant 4096 : i32
      %div3A_126 = arith.divsi %add3A_124, %jit3A_125 : i32
      %sign3A_127 = arith.constant 0 : i32
      %sign3A_128 = arith.cmpi sgt, %add3A_124, %sign3A_127 : i32
      %sign3A_129 = arith.extui %sign3A_128 : i1 to i32
      %sign3A_130 = arith.constant 0 : i32
      %sign3A_131 = arith.cmpi slt, %add3A_124, %sign3A_130 : i32
      %sign3A_132 = arith.extui %sign3A_131 : i1 to i32
      %sign3A_133 = arith.subi %sign3A_129, %sign3A_132 : i32
      %sign3A_134 = arith.constant 0 : i32
      %sign3A_135 = arith.cmpi sgt, %jit3A_125, %sign3A_134 : i32
      %sign3A_136 = arith.extui %sign3A_135 : i1 to i32
      %sign3A_137 = arith.constant 0 : i32
      %sign3A_138 = arith.cmpi slt, %jit3A_125, %sign3A_137 : i32
      %sign3A_139 = arith.extui %sign3A_138 : i1 to i32
      %sign3A_140 = arith.subi %sign3A_136, %sign3A_139 : i32
      %ne3A_141 = arith.cmpi ne, %sign3A_133, %sign3A_140 : i32
      %rem3A_142 = arith.remsi %add3A_124, %jit3A_125 : i32
      %ne3A_143 = arith.constant 0 : i32
      %ne3A_144 = arith.cmpi ne, %rem3A_142, %ne3A_143 : i32
      %and3A_145 = arith.andi %ne3A_141, %ne3A_144 : i1
      %sub3A_146 = arith.constant 1 : i32
      %sub3A_147 = arith.subi %div3A_126, %sub3A_146 : i32
      %select_n3A_148 = arith.select %and3A_145, %sub3A_147, %div3A_126 : i32
      %jit3A_149 = arith.constant 4096 : i32
      %eq3A_150 = arith.constant 0 : i32
      %eq3A_151 = arith.cmpi eq, %jit3A_149, %eq3A_150 : i32
      %jit3A_152 = arith.constant 1 : i32
      %select_n3A_153 = arith.select %eq3A_151, %jit3A_152, %jit3A_149 : i32
      %rem3A_154 = arith.remsi %add3A_124, %select_n3A_153 : i32
      %ne3A_155 = arith.constant 0 : i32
      %ne3A_156 = arith.cmpi ne, %rem3A_154, %ne3A_155 : i32
      %lt3A_157 = arith.constant 0 : i32
      %lt3A_158 = arith.cmpi slt, %rem3A_154, %lt3A_157 : i32
      %lt3A_159 = arith.constant 0 : i32
      %lt3A_160 = arith.cmpi slt, %select_n3A_153, %lt3A_159 : i32
      %ne3A_161 = arith.xori %lt3A_158, %lt3A_160 : i1
      %and3A_162 = arith.andi %ne3A_161, %ne3A_156 : i1
      %add3A_163 = arith.addi %rem3A_154, %select_n3A_153 : i32
      %select_n3A_164 = arith.select %and3A_162, %add3A_163, %rem3A_154 : i32
      %dma_wait3A_165 = arith.constant 0 : i32
      %dma_wait3A_166 = tpu.memref_slice %arg4[%select_n3A_148, %select_n3A_164, %dma_wait3A_165] : memref<10x4096x128xf32, #tpu.memory_space<hbm>> -> memref<1x128x128xf32, #tpu.memory_space<hbm>>
      %dma_wait3A_167 = tpu.memref_squeeze %dma_wait3A_166 : memref<1x128x128xf32, #tpu.memory_space<hbm>> -> memref<128x128xf32, #tpu.memory_space<hbm>>
      %dma_wait3A_168 = arith.constant 0 : i32
      %dma_wait3A_169 = tpu.memref_slice %arg4[%select_n3A_148, %select_n3A_164, %dma_wait3A_168] : memref<10x4096x128xf32, #tpu.memory_space<hbm>> -> memref<1x128x128xf32, #tpu.memory_space<hbm>>
      %dma_wait3A_170 = tpu.memref_squeeze %dma_wait3A_169 : memref<1x128x128xf32, #tpu.memory_space<hbm>> -> memref<128x128xf32, #tpu.memory_space<hbm>>
      tpu.wait_dma2 semaphore(%arg10 : memref<!tpu.dma_semaphore, #tpu.memory_space<semaphore_mem>>) src(%arg6 : memref<128x128xf32, #tpu.memory_space<vmem>>) dst(%dma_wait3A_170 : memref<128x128xf32, #tpu.memory_space<hbm>>)
      %add3A_171 = arith.constant 1 : i32
      %add3A_172 = arith.addi %mul3A_49, %add3A_171 : i32
      %mul3A_173 = arith.constant 128 : i32
      %mul3A_174 = arith.muli %add3A_172, %mul3A_173 : i32
      %add3A_175 = arith.addi %mul3A_2, %mul3A_174 : i32
      %jit3A_176 = arith.constant 4096 : i32
      %div3A_177 = arith.divsi %add3A_175, %jit3A_176 : i32
      %sign3A_178 = arith.constant 0 : i32
      %sign3A_179 = arith.cmpi sgt, %add3A_175, %sign3A_178 : i32
      %sign3A_180 = arith.extui %sign3A_179 : i1 to i32
      %sign3A_181 = arith.constant 0 : i32
      %sign3A_182 = arith.cmpi slt, %add3A_175, %sign3A_181 : i32
      %sign3A_183 = arith.extui %sign3A_182 : i1 to i32
      %sign3A_184 = arith.subi %sign3A_180, %sign3A_183 : i32
      %sign3A_185 = arith.constant 0 : i32
      %sign3A_186 = arith.cmpi sgt, %jit3A_176, %sign3A_185 : i32
      %sign3A_187 = arith.extui %sign3A_186 : i1 to i32
      %sign3A_188 = arith.constant 0 : i32
      %sign3A_189 = arith.cmpi slt, %jit3A_176, %sign3A_188 : i32
      %sign3A_190 = arith.extui %sign3A_189 : i1 to i32
      %sign3A_191 = arith.subi %sign3A_187, %sign3A_190 : i32
      %ne3A_192 = arith.cmpi ne, %sign3A_184, %sign3A_191 : i32
      %rem3A_193 = arith.remsi %add3A_175, %jit3A_176 : i32
      %ne3A_194 = arith.constant 0 : i32
      %ne3A_195 = arith.cmpi ne, %rem3A_193, %ne3A_194 : i32
      %and3A_196 = arith.andi %ne3A_192, %ne3A_195 : i1
      %sub3A_197 = arith.constant 1 : i32
      %sub3A_198 = arith.subi %div3A_177, %sub3A_197 : i32
      %select_n3A_199 = arith.select %and3A_196, %sub3A_198, %div3A_177 : i32
      %jit3A_200 = arith.constant 4096 : i32
      %eq3A_201 = arith.constant 0 : i32
      %eq3A_202 = arith.cmpi eq, %jit3A_200, %eq3A_201 : i32
      %jit3A_203 = arith.constant 1 : i32
      %select_n3A_204 = arith.select %eq3A_202, %jit3A_203, %jit3A_200 : i32
      %rem3A_205 = arith.remsi %add3A_175, %select_n3A_204 : i32
      %ne3A_206 = arith.constant 0 : i32
      %ne3A_207 = arith.cmpi ne, %rem3A_205, %ne3A_206 : i32
      %lt3A_208 = arith.constant 0 : i32
      %lt3A_209 = arith.cmpi slt, %rem3A_205, %lt3A_208 : i32
      %lt3A_210 = arith.constant 0 : i32
      %lt3A_211 = arith.cmpi slt, %select_n3A_204, %lt3A_210 : i32
      %ne3A_212 = arith.xori %lt3A_209, %lt3A_211 : i1
      %and3A_213 = arith.andi %ne3A_212, %ne3A_207 : i1
      %add3A_214 = arith.addi %rem3A_205, %select_n3A_204 : i32
      %select_n3A_215 = arith.select %and3A_213, %add3A_214, %rem3A_205 : i32
      %dma_start3A_216 = arith.constant 0 : i32
      %dma_start3A_217 = tpu.memref_slice %arg4[%select_n3A_199, %select_n3A_215, %dma_start3A_216] : memref<10x4096x128xf32, #tpu.memory_space<hbm>> -> memref<1x128x128xf32, #tpu.memory_space<hbm>>
      %dma_start3A_218 = tpu.memref_squeeze %dma_start3A_217 : memref<1x128x128xf32, #tpu.memory_space<hbm>> -> memref<128x128xf32, #tpu.memory_space<hbm>>
      %dma_start3A_219 = arith.constant 0 : i32
      %dma_start3A_220 = tpu.memref_slice %arg4[%select_n3A_199, %select_n3A_215, %dma_start3A_219] : memref<10x4096x128xf32, #tpu.memory_space<hbm>> -> memref<1x128x128xf32, #tpu.memory_space<hbm>>
      %dma_start3A_221 = tpu.memref_squeeze %dma_start3A_220 : memref<1x128x128xf32, #tpu.memory_space<hbm>> -> memref<128x128xf32, #tpu.memory_space<hbm>>
      tpu.enqueue_dma source(%arg7 : memref<128x128xf32, #tpu.memory_space<vmem>>) target(%dma_start3A_221 : memref<128x128xf32, #tpu.memory_space<hbm>>) target_semaphore(%arg11 : memref<!tpu.dma_semaphore, #tpu.memory_space<semaphore_mem>>)
      %scan3A_222 = arith.constant 0 : i32
      scf.yield %scan3A_222 : i32
    }
    %scan3A_8 = arith.constant 5 : i32
    %add3A_9 = arith.constant 1152 : i32
    %add3A_10 = arith.addi %mul3A_2, %add3A_9 : i32
    %jit3A = arith.constant 4096 : i32
    %div3A = arith.divsi %add3A_10, %jit3A : i32
    %sign3A = arith.constant 0 : i32
    %sign3A_11 = arith.cmpi sgt, %add3A_10, %sign3A : i32
    %sign3A_12 = arith.extui %sign3A_11 : i1 to i32
    %sign3A_13 = arith.constant 0 : i32
    %sign3A_14 = arith.cmpi slt, %add3A_10, %sign3A_13 : i32
    %sign3A_15 = arith.extui %sign3A_14 : i1 to i32
    %sign3A_16 = arith.subi %sign3A_12, %sign3A_15 : i32
    %sign3A_17 = arith.constant 0 : i32
    %sign3A_18 = arith.cmpi sgt, %jit3A, %sign3A_17 : i32
    %sign3A_19 = arith.extui %sign3A_18 : i1 to i32
    %sign3A_20 = arith.constant 0 : i32
    %sign3A_21 = arith.cmpi slt, %jit3A, %sign3A_20 : i32
    %sign3A_22 = arith.extui %sign3A_21 : i1 to i32
    %sign3A_23 = arith.subi %sign3A_19, %sign3A_22 : i32
    %ne3A = arith.cmpi ne, %sign3A_16, %sign3A_23 : i32
    %rem3A = arith.remsi %add3A_10, %jit3A : i32
    %ne3A_24 = arith.constant 0 : i32
    %ne3A_25 = arith.cmpi ne, %rem3A, %ne3A_24 : i32
    %and3A = arith.andi %ne3A, %ne3A_25 : i1
    %sub3A = arith.constant 1 : i32
    %sub3A_26 = arith.subi %div3A, %sub3A : i32
    %select_n3A = arith.select %and3A, %sub3A_26, %div3A : i32
    %jit3A_27 = arith.constant 4096 : i32
    %eq3A = arith.constant 0 : i32
    %eq3A_28 = arith.cmpi eq, %jit3A_27, %eq3A : i32
    %jit3A_29 = arith.constant 1 : i32
    %select_n3A_30 = arith.select %eq3A_28, %jit3A_29, %jit3A_27 : i32
    %rem3A_31 = arith.remsi %add3A_10, %select_n3A_30 : i32
    %ne3A_32 = arith.constant 0 : i32
    %ne3A_33 = arith.cmpi ne, %rem3A_31, %ne3A_32 : i32
    %lt3A = arith.constant 0 : i32
    %lt3A_34 = arith.cmpi slt, %rem3A_31, %lt3A : i32
    %lt3A_35 = arith.constant 0 : i32
    %lt3A_36 = arith.cmpi slt, %select_n3A_30, %lt3A_35 : i32
    %ne3A_37 = arith.xori %lt3A_34, %lt3A_36 : i1
    %and3A_38 = arith.andi %ne3A_37, %ne3A_33 : i1
    %add3A_39 = arith.addi %rem3A_31, %select_n3A_30 : i32
    %select_n3A_40 = arith.select %and3A_38, %add3A_39, %rem3A_31 : i32
    %dma_wait3A = arith.constant 0 : i32
    %dma_wait3A_41 = tpu.memref_slice %arg4[%select_n3A, %select_n3A_40, %dma_wait3A] : memref<10x4096x128xf32, #tpu.memory_space<hbm>> -> memref<1x128x128xf32, #tpu.memory_space<hbm>>
    %dma_wait3A_42 = tpu.memref_squeeze %dma_wait3A_41 : memref<1x128x128xf32, #tpu.memory_space<hbm>> -> memref<128x128xf32, #tpu.memory_space<hbm>>
    %dma_wait3A_43 = arith.constant 0 : i32
    %dma_wait3A_44 = tpu.memref_slice %arg4[%select_n3A, %select_n3A_40, %dma_wait3A_43] : memref<10x4096x128xf32, #tpu.memory_space<hbm>> -> memref<1x128x128xf32, #tpu.memory_space<hbm>>
    %dma_wait3A_45 = tpu.memref_squeeze %dma_wait3A_44 : memref<1x128x128xf32, #tpu.memory_space<hbm>> -> memref<128x128xf32, #tpu.memory_space<hbm>>
    tpu.wait_dma2 semaphore(%arg11 : memref<!tpu.dma_semaphore, #tpu.memory_space<semaphore_mem>>) src(%arg7 : memref<128x128xf32, #tpu.memory_space<vmem>>) dst(%dma_wait3A_45 : memref<128x128xf32, #tpu.memory_space<hbm>>)
    return
  }
}

#map = affine_map<(d0, d1) -> (0, 0)>
#map1 = affine_map<(d0, d1) -> (0)>
#map2 = affine_map<(d0, d1) -> (0, 0, 0)>
module attributes {stable_mosaic.version = 14 : i64} {
  func.func @gather_kernel(%arg0: i32, %arg1: i32, %arg2: memref<100000x128xf32, #tpu.memory_space<hbm>>, %arg3: memref<40960xi32, #tpu.memory_space<hbm>>, %arg4: memref<10x4096x128xf32, #tpu.memory_space<hbm>>, %arg5: memref<1280xi32, #tpu.memory_space<vmem>>, %arg6: memref<128x128xf32, #tpu.memory_space<vmem>>, %arg7: memref<128x128xf32, #tpu.memory_space<vmem>>, %arg8: memref<!tpu.dma_semaphore, #tpu.memory_space<semaphore_mem>>, %arg9: memref<!tpu.dma_semaphore, #tpu.memory_space<semaphore_mem>>, %arg10: memref<!tpu.dma_semaphore, #tpu.memory_space<semaphore_mem>>, %arg11: memref<!tpu.dma_semaphore, #tpu.memory_space<semaphore_mem>>) attributes {dimension_semantics = [#tpu.dimension_semantics<core_parallel>, #tpu.dimension_semantics<subcore_parallel>], iteration_bounds = array<i64: 2, 16>, scalar_prefetch = 0 : i64, scratch_operands = 7 : i64, tpu.core_type = #tpu.core_type<sc_vector_subcore>, window_params = [{transform_indices = #map}, {transform_indices = #map1}, {transform_indices = #map2}]} {
    %mul3A = arith.constant 2 : i32
    %mul3A_0 = arith.muli %arg1, %mul3A : i32
    %add3A = arith.addi %mul3A_0, %arg0 : i32
    %mul3A_1 = arith.constant 1280 : i32
    %mul3A_2 = arith.muli %add3A, %mul3A_1 : i32
    "tpu.region"() ({
      %run_scoped3A = tpu.sem_alloc : memref<!tpu.dma_semaphore, #tpu.memory_space<semaphore_mem>>
      %dma_start3A = tpu.memref_slice %arg3[%mul3A_2] : memref<40960xi32, #tpu.memory_space<hbm>> -> memref<1280xi32, #tpu.memory_space<hbm>>
      %dma_start3A_46 = tpu.memref_slice %arg3[%mul3A_2] : memref<40960xi32, #tpu.memory_space<hbm>> -> memref<1280xi32, #tpu.memory_space<hbm>>
      tpu.enqueue_dma source(%dma_start3A_46 : memref<1280xi32, #tpu.memory_space<hbm>>) target(%arg5 : memref<1280xi32, #tpu.memory_space<vmem>>) target_semaphore(%run_scoped3A : memref<!tpu.dma_semaphore, #tpu.memory_space<semaphore_mem>>)
      %dma_wait3A_47 = tpu.memref_slice %arg3[%mul3A_2] : memref<40960xi32, #tpu.memory_space<hbm>> -> memref<1280xi32, #tpu.memory_space<hbm>>
      %dma_wait3A_48 = tpu.memref_slice %arg3[%mul3A_2] : memref<40960xi32, #tpu.memory_space<hbm>> -> memref<1280xi32, #tpu.memory_space<hbm>>
      tpu.wait_dma2 semaphore(%run_scoped3A : memref<!tpu.dma_semaphore, #tpu.memory_space<semaphore_mem>>) src(%dma_wait3A_48 : memref<1280xi32, #tpu.memory_space<hbm>>) dst(%arg5 : memref<1280xi32, #tpu.memory_space<vmem>>)
      tpu.yield
    }) : () -> ()
    %scan3A = arith.constant 0 : i32
    %scan3A_3 = arith.constant 0 : i32
    %scan3A_4 = arith.constant 5 : i32
    %scan3A_5 = arith.addi %scan3A_3, %scan3A_4 : i32
    %scan3A_6 = arith.constant 1 : i32
    %scan3A_7 = scf.for %scan3A_46 = %scan3A_3 to %scan3A_5 step %scan3A_6 iter_args(%scan3A_47 = %scan3A) -> (i32)  : i32 {
      %mul3A_48 = arith.constant 2 : i32
      %mul3A_49 = arith.muli %mul3A_48, %scan3A_46 : i32
      %mul3A_50 = arith.constant 128 : i32
      %mul3A_51 = arith.muli %mul3A_49, %mul3A_50 : i32
      %dma_start3A = tpu.memref_slice %arg5[%mul3A_51] : memref<1280xi32, #tpu.memory_space<vmem>> -> memref<128xi32, #tpu.memory_space<vmem>>
      %dma_start3A_52 = arith.constant 0 : i32
      %dma_start3A_53 = arith.constant 0 : i32
      %dma_start3A_54 = tpu.memref_slice %arg2[%dma_start3A_52, %dma_start3A_53] : memref<100000x128xf32, #tpu.memory_space<hbm>> -> memref<100000x128xf32, #tpu.memory_space<hbm>>
      tpu.enqueue_indirect_dma source(%dma_start3A_54 : memref<100000x128xf32, #tpu.memory_space<hbm>>) target(%arg6 : memref<128x128xf32, #tpu.memory_space<vmem>>) offsets(%dma_start3A : memref<128xi32, #tpu.memory_space<vmem>>) semaphore(%arg8 : memref<!tpu.dma_semaphore, #tpu.memory_space<semaphore_mem>>)
      %dma_wait3A_55 = tpu.memref_slice %arg5[%mul3A_51] : memref<1280xi32, #tpu.memory_space<vmem>> -> memref<128xi32, #tpu.memory_space<vmem>>
      %dma_wait3A_56 = arith.constant 0 : i32
      %dma_wait3A_57 = arith.constant 0 : i32
      %dma_wait3A_58 = tpu.memref_slice %arg2[%dma_wait3A_56, %dma_wait3A_57] : memref<100000x128xf32, #tpu.memory_space<hbm>> -> memref<100000x128xf32, #tpu.memory_space<hbm>>
      tpu.wait_indirect_dma semaphore(%arg8 : memref<!tpu.dma_semaphore, #tpu.memory_space<semaphore_mem>>) src(%dma_wait3A_58 : memref<100000x128xf32, #tpu.memory_space<hbm>>) dst(%arg6 : memref<128x128xf32, #tpu.memory_space<vmem>>)
      %gt3A = arith.constant 0 : i32
      %gt3A_59 = arith.cmpi sgt, %scan3A_46, %gt3A : i32
      %convert_element_type3A = arith.extui %gt3A_59 : i1 to i32
      %cond3A = arith.constant 0 : i32
      %cond3A_60 = arith.cmpi ne, %convert_element_type3A, %cond3A : i32
      scf.if %cond3A_60 {
        %sub3A_223 = arith.constant 1 : i32
        %sub3A_224 = arith.subi %mul3A_49, %sub3A_223 : i32
        %mul3A_225 = arith.constant 128 : i32
        %mul3A_226 = arith.muli %sub3A_224, %mul3A_225 : i32
        %add3A_227 = arith.addi %mul3A_2, %mul3A_226 : i32
        %jit3A_228 = arith.constant 4096 : i32
        %div3A_229 = arith.divsi %add3A_227, %jit3A_228 : i32
        %sign3A_230 = arith.constant 0 : i32
        %sign3A_231 = arith.cmpi sgt, %add3A_227, %sign3A_230 : i32
        %sign3A_232 = arith.extui %sign3A_231 : i1 to i32
        %sign3A_233 = arith.constant 0 : i32
        %sign3A_234 = arith.cmpi slt, %add3A_227, %sign3A_233 : i32
        %sign3A_235 = arith.extui %sign3A_234 : i1 to i32
        %sign3A_236 = arith.subi %sign3A_232, %sign3A_235 : i32
        %sign3A_237 = arith.constant 0 : i32
        %sign3A_238 = arith.cmpi sgt, %jit3A_228, %sign3A_237 : i32
        %sign3A_239 = arith.extui %sign3A_238 : i1 to i32
        %sign3A_240 = arith.constant 0 : i32
        %sign3A_241 = arith.cmpi slt, %jit3A_228, %sign3A_240 : i32
        %sign3A_242 = arith.extui %sign3A_241 : i1 to i32
        %sign3A_243 = arith.subi %sign3A_239, %sign3A_242 : i32
        %ne3A_244 = arith.cmpi ne, %sign3A_236, %sign3A_243 : i32
        %rem3A_245 = arith.remsi %add3A_227, %jit3A_228 : i32
        %ne3A_246 = arith.constant 0 : i32
        %ne3A_247 = arith.cmpi ne, %rem3A_245, %ne3A_246 : i32
        %and3A_248 = arith.andi %ne3A_244, %ne3A_247 : i1
        %sub3A_249 = arith.constant 1 : i32
        %sub3A_250 = arith.subi %div3A_229, %sub3A_249 : i32
        %select_n3A_251 = arith.select %and3A_248, %sub3A_250, %div3A_229 : i32
        %jit3A_252 = arith.constant 4096 : i32
        %eq3A_253 = arith.constant 0 : i32
        %eq3A_254 = arith.cmpi eq, %jit3A_252, %eq3A_253 : i32
        %jit3A_255 = arith.constant 1 : i32
        %select_n3A_256 = arith.select %eq3A_254, %jit3A_255, %jit3A_252 : i32
        %rem3A_257 = arith.remsi %add3A_227, %select_n3A_256 : i32
        %ne3A_258 = arith.constant 0 : i32
        %ne3A_259 = arith.cmpi ne, %rem3A_257, %ne3A_258 : i32
        %lt3A_260 = arith.constant 0 : i32
        %lt3A_261 = arith.cmpi slt, %rem3A_257, %lt3A_260 : i32
        %lt3A_262 = arith.constant 0 : i32
        %lt3A_263 = arith.cmpi slt, %select_n3A_256, %lt3A_262 : i32
        %ne3A_264 = arith.xori %lt3A_261, %lt3A_263 : i1
        %and3A_265 = arith.andi %ne3A_264, %ne3A_259 : i1
        %add3A_266 = arith.addi %rem3A_257, %select_n3A_256 : i32
        %select_n3A_267 = arith.select %and3A_265, %add3A_266, %rem3A_257 : i32
        %dma_wait3A_268 = arith.constant 0 : i32
        %dma_wait3A_269 = tpu.memref_slice %arg4[%select_n3A_251, %select_n3A_267, %dma_wait3A_268] : memref<10x4096x128xf32, #tpu.memory_space<hbm>> -> memref<1x128x128xf32, #tpu.memory_space<hbm>>
        %dma_wait3A_270 = tpu.memref_squeeze %dma_wait3A_269 : memref<1x128x128xf32, #tpu.memory_space<hbm>> -> memref<128x128xf32, #tpu.memory_space<hbm>>
        %dma_wait3A_271 = arith.constant 0 : i32
        %dma_wait3A_272 = tpu.memref_slice %arg4[%select_n3A_251, %select_n3A_267, %dma_wait3A_271] : memref<10x4096x128xf32, #tpu.memory_space<hbm>> -> memref<1x128x128xf32, #tpu.memory_space<hbm>>
        %dma_wait3A_273 = tpu.memref_squeeze %dma_wait3A_272 : memref<1x128x128xf32, #tpu.memory_space<hbm>> -> memref<128x128xf32, #tpu.memory_space<hbm>>
        tpu.wait_dma2 semaphore(%arg11 : memref<!tpu.dma_semaphore, #tpu.memory_space<semaphore_mem>>) src(%arg7 : memref<128x128xf32, #tpu.memory_space<vmem>>) dst(%dma_wait3A_273 : memref<128x128xf32, #tpu.memory_space<hbm>>)
      } else {
      }
      %mul3A_61 = arith.constant 128 : i32
      %mul3A_62 = arith.muli %mul3A_49, %mul3A_61 : i32
      %add3A_63 = arith.addi %mul3A_2, %mul3A_62 : i32
      %jit3A_64 = arith.constant 4096 : i32
      %div3A_65 = arith.divsi %add3A_63, %jit3A_64 : i32
      %sign3A_66 = arith.constant 0 : i32
      %sign3A_67 = arith.cmpi sgt, %add3A_63, %sign3A_66 : i32
      %sign3A_68 = arith.extui %sign3A_67 : i1 to i32
      %sign3A_69 = arith.constant 0 : i32
      %sign3A_70 = arith.cmpi slt, %add3A_63, %sign3A_69 : i32
      %sign3A_71 = arith.extui %sign3A_70 : i1 to i32
      %sign3A_72 = arith.subi %sign3A_68, %sign3A_71 : i32
      %sign3A_73 = arith.constant 0 : i32
      %sign3A_74 = arith.cmpi sgt, %jit3A_64, %sign3A_73 : i32
      %sign3A_75 = arith.extui %sign3A_74 : i1 to i32
      %sign3A_76 = arith.constant 0 : i32
      %sign3A_77 = arith.cmpi slt, %jit3A_64, %sign3A_76 : i32
      %sign3A_78 = arith.extui %sign3A_77 : i1 to i32
      %sign3A_79 = arith.subi %sign3A_75, %sign3A_78 : i32
      %ne3A_80 = arith.cmpi ne, %sign3A_72, %sign3A_79 : i32
      %rem3A_81 = arith.remsi %add3A_63, %jit3A_64 : i32
      %ne3A_82 = arith.constant 0 : i32
      %ne3A_83 = arith.cmpi ne, %rem3A_81, %ne3A_82 : i32
      %and3A_84 = arith.andi %ne3A_80, %ne3A_83 : i1
      %sub3A_85 = arith.constant 1 : i32
      %sub3A_86 = arith.subi %div3A_65, %sub3A_85 : i32
      %select_n3A_87 = arith.select %and3A_84, %sub3A_86, %div3A_65 : i32
      %jit3A_88 = arith.constant 4096 : i32
      %eq3A_89 = arith.constant 0 : i32
      %eq3A_90 = arith.cmpi eq, %jit3A_88, %eq3A_89 : i32
      %jit3A_91 = arith.constant 1 : i32
      %select_n3A_92 = arith.select %eq3A_90, %jit3A_91, %jit3A_88 : i32
      %rem3A_93 = arith.remsi %add3A_63, %select_n3A_92 : i32
      %ne3A_94 = arith.constant 0 : i32
      %ne3A_95 = arith.cmpi ne, %rem3A_93, %ne3A_94 : i32
      %lt3A_96 = arith.constant 0 : i32
      %lt3A_97 = arith.cmpi slt, %rem3A_93, %lt3A_96 : i32
      %lt3A_98 = arith.constant 0 : i32
      %lt3A_99 = arith.cmpi slt, %select_n3A_92, %lt3A_98 : i32
      %ne3A_100 = arith.xori %lt3A_97, %lt3A_99 : i1
      %and3A_101 = arith.andi %ne3A_100, %ne3A_95 : i1
      %add3A_102 = arith.addi %rem3A_93, %select_n3A_92 : i32
      %select_n3A_103 = arith.select %and3A_101, %add3A_102, %rem3A_93 : i32
      %dma_start3A_104 = arith.constant 0 : i32
      %dma_start3A_105 = tpu.memref_slice %arg4[%select_n3A_87, %select_n3A_103, %dma_start3A_104] : memref<10x4096x128xf32, #tpu.memory_space<hbm>> -> memref<1x128x128xf32, #tpu.memory_space<hbm>>
      %dma_start3A_106 = tpu.memref_squeeze %dma_start3A_105 : memref<1x128x128xf32, #tpu.memory_space<hbm>> -> memref<128x128xf32, #tpu.memory_space<hbm>>
      %dma_start3A_107 = arith.constant 0 : i32
      %dma_start3A_108 = tpu.memref_slice %arg4[%select_n3A_87, %select_n3A_103, %dma_start3A_107] : memref<10x4096x128xf32, #tpu.memory_space<hbm>> -> memref<1x128x128xf32, #tpu.memory_space<hbm>>
      %dma_start3A_109 = tpu.memref_squeeze %dma_start3A_108 : memref<1x128x128xf32, #tpu.memory_space<hbm>> -> memref<128x128xf32, #tpu.memory_space<hbm>>
      tpu.enqueue_dma source(%arg6 : memref<128x128xf32, #tpu.memory_space<vmem>>) target(%dma_start3A_109 : memref<128x128xf32, #tpu.memory_space<hbm>>) target_semaphore(%arg10 : memref<!tpu.dma_semaphore, #tpu.memory_space<semaphore_mem>>)
      %add3A_110 = arith.constant 1 : i32
      %add3A_111 = arith.addi %mul3A_49, %add3A_110 : i32
      %mul3A_112 = arith.constant 128 : i32
      %mul3A_113 = arith.muli %add3A_111, %mul3A_112 : i32
      %dma_start3A_114 = tpu.memref_slice %arg5[%mul3A_113] : memref<1280xi32, #tpu.memory_space<vmem>> -> memref<128xi32, #tpu.memory_space<vmem>>
      %dma_start3A_115 = arith.constant 0 : i32
      %dma_start3A_116 = arith.constant 0 : i32
      %dma_start3A_117 = tpu.memref_slice %arg2[%dma_start3A_115, %dma_start3A_116] : memref<100000x128xf32, #tpu.memory_space<hbm>> -> memref<100000x128xf32, #tpu.memory_space<hbm>>
      tpu.enqueue_indirect_dma source(%dma_start3A_117 : memref<100000x128xf32, #tpu.memory_space<hbm>>) target(%arg7 : memref<128x128xf32, #tpu.memory_space<vmem>>) offsets(%dma_start3A_114 : memref<128xi32, #tpu.memory_space<vmem>>) semaphore(%arg9 : memref<!tpu.dma_semaphore, #tpu.memory_space<semaphore_mem>>)
      %dma_wait3A_118 = tpu.memref_slice %arg5[%mul3A_113] : memref<1280xi32, #tpu.memory_space<vmem>> -> memref<128xi32, #tpu.memory_space<vmem>>
      %dma_wait3A_119 = arith.constant 0 : i32
      %dma_wait3A_120 = arith.constant 0 : i32
      %dma_wait3A_121 = tpu.memref_slice %arg2[%dma_wait3A_119, %dma_wait3A_120] : memref<100000x128xf32, #tpu.memory_space<hbm>> -> memref<100000x128xf32, #tpu.memory_space<hbm>>
      tpu.wait_indirect_dma semaphore(%arg9 : memref<!tpu.dma_semaphore, #tpu.memory_space<semaphore_mem>>) src(%dma_wait3A_121 : memref<100000x128xf32, #tpu.memory_space<hbm>>) dst(%arg7 : memref<128x128xf32, #tpu.memory_space<vmem>>)
      %mul3A_122 = arith.constant 128 : i32
      %mul3A_123 = arith.muli %mul3A_49, %mul3A_122 : i32
      %add3A_124 = arith.addi %mul3A_2, %mul3A_123 : i32
      %jit3A_125 = arith.constant 4096 : i32
      %div3A_126 = arith.divsi %add3A_124, %jit3A_125 : i32
      %sign3A_127 = arith.constant 0 : i32
      %sign3A_128 = arith.cmpi sgt, %add3A_124, %sign3A_127 : i32
      %sign3A_129 = arith.extui %sign3A_128 : i1 to i32
      %sign3A_130 = arith.constant 0 : i32
      %sign3A_131 = arith.cmpi slt, %add3A_124, %sign3A_130 : i32
      %sign3A_132 = arith.extui %sign3A_131 : i1 to i32
      %sign3A_133 = arith.subi %sign3A_129, %sign3A_132 : i32
      %sign3A_134 = arith.constant 0 : i32
      %sign3A_135 = arith.cmpi sgt, %jit3A_125, %sign3A_134 : i32
      %sign3A_136 = arith.extui %sign3A_135 : i1 to i32
      %sign3A_137 = arith.constant 0 : i32
      %sign3A_138 = arith.cmpi slt, %jit3A_125, %sign3A_137 : i32
      %sign3A_139 = arith.extui %sign3A_138 : i1 to i32
      %sign3A_140 = arith.subi %sign3A_136, %sign3A_139 : i32
      %ne3A_141 = arith.cmpi ne, %sign3A_133, %sign3A_140 : i32
      %rem3A_142 = arith.remsi %add3A_124, %jit3A_125 : i32
      %ne3A_143 = arith.constant 0 : i32
      %ne3A_144 = arith.cmpi ne, %rem3A_142, %ne3A_143 : i32
      %and3A_145 = arith.andi %ne3A_141, %ne3A_144 : i1
      %sub3A_146 = arith.constant 1 : i32
      %sub3A_147 = arith.subi %div3A_126, %sub3A_146 : i32
      %select_n3A_148 = arith.select %and3A_145, %sub3A_147, %div3A_126 : i32
      %jit3A_149 = arith.constant 4096 : i32
      %eq3A_150 = arith.constant 0 : i32
      %eq3A_151 = arith.cmpi eq, %jit3A_149, %eq3A_150 : i32
      %jit3A_152 = arith.constant 1 : i32
      %select_n3A_153 = arith.select %eq3A_151, %jit3A_152, %jit3A_149 : i32
      %rem3A_154 = arith.remsi %add3A_124, %select_n3A_153 : i32
      %ne3A_155 = arith.constant 0 : i32
      %ne3A_156 = arith.cmpi ne, %rem3A_154, %ne3A_155 : i32
      %lt3A_157 = arith.constant 0 : i32
      %lt3A_158 = arith.cmpi slt, %rem3A_154, %lt3A_157 : i32
      %lt3A_159 = arith.constant 0 : i32
      %lt3A_160 = arith.cmpi slt, %select_n3A_153, %lt3A_159 : i32
      %ne3A_161 = arith.xori %lt3A_158, %lt3A_160 : i1
      %and3A_162 = arith.andi %ne3A_161, %ne3A_156 : i1
      %add3A_163 = arith.addi %rem3A_154, %select_n3A_153 : i32
      %select_n3A_164 = arith.select %and3A_162, %add3A_163, %rem3A_154 : i32
      %dma_wait3A_165 = arith.constant 0 : i32
      %dma_wait3A_166 = tpu.memref_slice %arg4[%select_n3A_148, %select_n3A_164, %dma_wait3A_165] : memref<10x4096x128xf32, #tpu.memory_space<hbm>> -> memref<1x128x128xf32, #tpu.memory_space<hbm>>
      %dma_wait3A_167 = tpu.memref_squeeze %dma_wait3A_166 : memref<1x128x128xf32, #tpu.memory_space<hbm>> -> memref<128x128xf32, #tpu.memory_space<hbm>>
      %dma_wait3A_168 = arith.constant 0 : i32
      %dma_wait3A_169 = tpu.memref_slice %arg4[%select_n3A_148, %select_n3A_164, %dma_wait3A_168] : memref<10x4096x128xf32, #tpu.memory_space<hbm>> -> memref<1x128x128xf32, #tpu.memory_space<hbm>>
      %dma_wait3A_170 = tpu.memref_squeeze %dma_wait3A_169 : memref<1x128x128xf32, #tpu.memory_space<hbm>> -> memref<128x128xf32, #tpu.memory_space<hbm>>
      tpu.wait_dma2 semaphore(%arg10 : memref<!tpu.dma_semaphore, #tpu.memory_space<semaphore_mem>>) src(%arg6 : memref<128x128xf32, #tpu.memory_space<vmem>>) dst(%dma_wait3A_170 : memref<128x128xf32, #tpu.memory_space<hbm>>)
      %add3A_171 = arith.constant 1 : i32
      %add3A_172 = arith.addi %mul3A_49, %add3A_171 : i32
      %mul3A_173 = arith.constant 128 : i32
      %mul3A_174 = arith.muli %add3A_172, %mul3A_173 : i32
      %add3A_175 = arith.addi %mul3A_2, %mul3A_174 : i32
      %jit3A_176 = arith.constant 4096 : i32
      %div3A_177 = arith.divsi %add3A_175, %jit3A_176 : i32
      %sign3A_178 = arith.constant 0 : i32
      %sign3A_179 = arith.cmpi sgt, %add3A_175, %sign3A_178 : i32
      %sign3A_180 = arith.extui %sign3A_179 : i1 to i32
      %sign3A_181 = arith.constant 0 : i32
      %sign3A_182 = arith.cmpi slt, %add3A_175, %sign3A_181 : i32
      %sign3A_183 = arith.extui %sign3A_182 : i1 to i32
      %sign3A_184 = arith.subi %sign3A_180, %sign3A_183 : i32
      %sign3A_185 = arith.constant 0 : i32
      %sign3A_186 = arith.cmpi sgt, %jit3A_176, %sign3A_185 : i32
      %sign3A_187 = arith.extui %sign3A_186 : i1 to i32
      %sign3A_188 = arith.constant 0 : i32
      %sign3A_189 = arith.cmpi slt, %jit3A_176, %sign3A_188 : i32
      %sign3A_190 = arith.extui %sign3A_189 : i1 to i32
      %sign3A_191 = arith.subi %sign3A_187, %sign3A_190 : i32
      %ne3A_192 = arith.cmpi ne, %sign3A_184, %sign3A_191 : i32
      %rem3A_193 = arith.remsi %add3A_175, %jit3A_176 : i32
      %ne3A_194 = arith.constant 0 : i32
      %ne3A_195 = arith.cmpi ne, %rem3A_193, %ne3A_194 : i32
      %and3A_196 = arith.andi %ne3A_192, %ne3A_195 : i1
      %sub3A_197 = arith.constant 1 : i32
      %sub3A_198 = arith.subi %div3A_177, %sub3A_197 : i32
      %select_n3A_199 = arith.select %and3A_196, %sub3A_198, %div3A_177 : i32
      %jit3A_200 = arith.constant 4096 : i32
      %eq3A_201 = arith.constant 0 : i32
      %eq3A_202 = arith.cmpi eq, %jit3A_200, %eq3A_201 : i32
      %jit3A_203 = arith.constant 1 : i32
      %select_n3A_204 = arith.select %eq3A_202, %jit3A_203, %jit3A_200 : i32
      %rem3A_205 = arith.remsi %add3A_175, %select_n3A_204 : i32
      %ne3A_206 = arith.constant 0 : i32
      %ne3A_207 = arith.cmpi ne, %rem3A_205, %ne3A_206 : i32
      %lt3A_208 = arith.constant 0 : i32
      %lt3A_209 = arith.cmpi slt, %rem3A_205, %lt3A_208 : i32
      %lt3A_210 = arith.constant 0 : i32
      %lt3A_211 = arith.cmpi slt, %select_n3A_204, %lt3A_210 : i32
      %ne3A_212 = arith.xori %lt3A_209, %lt3A_211 : i1
      %and3A_213 = arith.andi %ne3A_212, %ne3A_207 : i1
      %add3A_214 = arith.addi %rem3A_205, %select_n3A_204 : i32
      %select_n3A_215 = arith.select %and3A_213, %add3A_214, %rem3A_205 : i32
      %dma_start3A_216 = arith.constant 0 : i32
      %dma_start3A_217 = tpu.memref_slice %arg4[%select_n3A_199, %select_n3A_215, %dma_start3A_216] : memref<10x4096x128xf32, #tpu.memory_space<hbm>> -> memref<1x128x128xf32, #tpu.memory_space<hbm>>
      %dma_start3A_218 = tpu.memref_squeeze %dma_start3A_217 : memref<1x128x128xf32, #tpu.memory_space<hbm>> -> memref<128x128xf32, #tpu.memory_space<hbm>>
      %dma_start3A_219 = arith.constant 0 : i32
      %dma_start3A_220 = tpu.memref_slice %arg4[%select_n3A_199, %select_n3A_215, %dma_start3A_219] : memref<10x4096x128xf32, #tpu.memory_space<hbm>> -> memref<1x128x128xf32, #tpu.memory_space<hbm>>
      %dma_start3A_221 = tpu.memref_squeeze %dma_start3A_220 : memref<1x128x128xf32, #tpu.memory_space<hbm>> -> memref<128x128xf32, #tpu.memory_space<hbm>>
      tpu.enqueue_dma source(%arg7 : memref<128x128xf32, #tpu.memory_space<vmem>>) target(%dma_start3A_221 : memref<128x128xf32, #tpu.memory_space<hbm>>) target_semaphore(%arg11 : memref<!tpu.dma_semaphore, #tpu.memory_space<semaphore_mem>>)
      %scan3A_222 = arith.constant 0 : i32
      scf.yield %scan3A_222 : i32
    }
    %scan3A_8 = arith.constant 5 : i32
    %add3A_9 = arith.constant 1152 : i32
    %add3A_10 = arith.addi %mul3A_2, %add3A_9 : i32
    %jit3A = arith.constant 4096 : i32
    %div3A = arith.divsi %add3A_10, %jit3A : i32
    %sign3A = arith.constant 0 : i32
    %sign3A_11 = arith.cmpi sgt, %add3A_10, %sign3A : i32
    %sign3A_12 = arith.extui %sign3A_11 : i1 to i32
    %sign3A_13 = arith.constant 0 : i32
    %sign3A_14 = arith.cmpi slt, %add3A_10, %sign3A_13 : i32
    %sign3A_15 = arith.extui %sign3A_14 : i1 to i32
    %sign3A_16 = arith.subi %sign3A_12, %sign3A_15 : i32
    %sign3A_17 = arith.constant 0 : i32
    %sign3A_18 = arith.cmpi sgt, %jit3A, %sign3A_17 : i32
    %sign3A_19 = arith.extui %sign3A_18 : i1 to i32
    %sign3A_20 = arith.constant 0 : i32
    %sign3A_21 = arith.cmpi slt, %jit3A, %sign3A_20 : i32
    %sign3A_22 = arith.extui %sign3A_21 : i1 to i32
    %sign3A_23 = arith.subi %sign3A_19, %sign3A_22 : i32
    %ne3A = arith.cmpi ne, %sign3A_16, %sign3A_23 : i32
    %rem3A = arith.remsi %add3A_10, %jit3A : i32
    %ne3A_24 = arith.constant 0 : i32
    %ne3A_25 = arith.cmpi ne, %rem3A, %ne3A_24 : i32
    %and3A = arith.andi %ne3A, %ne3A_25 : i1
    %sub3A = arith.constant 1 : i32
    %sub3A_26 = arith.subi %div3A, %sub3A : i32
    %select_n3A = arith.select %and3A, %sub3A_26, %div3A : i32
    %jit3A_27 = arith.constant 4096 : i32
    %eq3A = arith.constant 0 : i32
    %eq3A_28 = arith.cmpi eq, %jit3A_27, %eq3A : i32
    %jit3A_29 = arith.constant 1 : i32
    %select_n3A_30 = arith.select %eq3A_28, %jit3A_29, %jit3A_27 : i32
    %rem3A_31 = arith.remsi %add3A_10, %select_n3A_30 : i32
    %ne3A_32 = arith.constant 0 : i32
    %ne3A_33 = arith.cmpi ne, %rem3A_31, %ne3A_32 : i32
    %lt3A = arith.constant 0 : i32
    %lt3A_34 = arith.cmpi slt, %rem3A_31, %lt3A : i32
    %lt3A_35 = arith.constant 0 : i32
    %lt3A_36 = arith.cmpi slt, %select_n3A_30, %lt3A_35 : i32
    %ne3A_37 = arith.xori %lt3A_34, %lt3A_36 : i1
    %and3A_38 = arith.andi %ne3A_37, %ne3A_33 : i1
    %add3A_39 = arith.addi %rem3A_31, %select_n3A_30 : i32
    %select_n3A_40 = arith.select %and3A_38, %add3A_39, %rem3A_31 : i32
    %dma_wait3A = arith.constant 0 : i32
    %dma_wait3A_41 = tpu.memref_slice %arg4[%select_n3A, %select_n3A_40, %dma_wait3A] : memref<10x4096x128xf32, #tpu.memory_space<hbm>> -> memref<1x128x128xf32, #tpu.memory_space<hbm>>
    %dma_wait3A_42 = tpu.memref_squeeze %dma_wait3A_41 : memref<1x128x128xf32, #tpu.memory_space<hbm>> -> memref<128x128xf32, #tpu.memory_space<hbm>>
    %dma_wait3A_43 = arith.constant 0 : i32
    %dma_wait3A_44 = tpu.memref_slice %arg4[%select_n3A, %select_n3A_40, %dma_wait3A_43] : memref<10x4096x128xf32, #tpu.memory_space<hbm>> -> memref<1x128x128xf32, #tpu.memory_space<hbm>>
    %dma_wait3A_45 = tpu.memref_squeeze %dma_wait3A_44 : memref<1x128x128xf32, #tpu.memory_space<hbm>> -> memref<128x128xf32, #tpu.memory_space<hbm>>
    tpu.wait_dma2 semaphore(%arg11 : memref<!tpu.dma_semaphore, #tpu.memory_space<semaphore_mem>>) src(%arg7 : memref<128x128xf32, #tpu.memory_space<vmem>>) dst(%dma_wait3A_45 : memref<128x128xf32, #tpu.memory_space<hbm>>)
    return
  }
}

#map = affine_map<(d0, d1) -> (0, 0)>
#map1 = affine_map<(d0, d1) -> (0)>
#map2 = affine_map<(d0, d1) -> (0, 0, 0)>
module attributes {stable_mosaic.version = 14 : i64} {
  func.func @gather_kernel(%arg0: i32, %arg1: i32, %arg2: memref<100000x128xf32, #tpu.memory_space<hbm>>, %arg3: memref<40960xi32, #tpu.memory_space<hbm>>, %arg4: memref<10x4096x128xf32, #tpu.memory_space<hbm>>, %arg5: memref<1280xi32, #tpu.memory_space<vmem>>, %arg6: memref<128x128xf32, #tpu.memory_space<vmem>>, %arg7: memref<128x128xf32, #tpu.memory_space<vmem>>, %arg8: memref<!tpu.dma_semaphore, #tpu.memory_space<semaphore_mem>>, %arg9: memref<!tpu.dma_semaphore, #tpu.memory_space<semaphore_mem>>, %arg10: memref<!tpu.dma_semaphore, #tpu.memory_space<semaphore_mem>>, %arg11: memref<!tpu.dma_semaphore, #tpu.memory_space<semaphore_mem>>) attributes {dimension_semantics = [#tpu.dimension_semantics<core_parallel>, #tpu.dimension_semantics<subcore_parallel>], iteration_bounds = array<i64: 2, 16>, scalar_prefetch = 0 : i64, scratch_operands = 7 : i64, tpu.core_type = #tpu.core_type<sc_vector_subcore>, window_params = [{transform_indices = #map}, {transform_indices = #map1}, {transform_indices = #map2}]} {
    %mul3A = arith.constant 2 : i32
    %mul3A_0 = arith.muli %arg1, %mul3A : i32
    %add3A = arith.addi %mul3A_0, %arg0 : i32
    %mul3A_1 = arith.constant 1280 : i32
    %mul3A_2 = arith.muli %add3A, %mul3A_1 : i32
    "tpu.region"() ({
      %run_scoped3A = tpu.sem_alloc : memref<!tpu.dma_semaphore, #tpu.memory_space<semaphore_mem>>
      %dma_start3A = tpu.memref_slice %arg3[%mul3A_2] : memref<40960xi32, #tpu.memory_space<hbm>> -> memref<1280xi32, #tpu.memory_space<hbm>>
      %dma_start3A_46 = tpu.memref_slice %arg3[%mul3A_2] : memref<40960xi32, #tpu.memory_space<hbm>> -> memref<1280xi32, #tpu.memory_space<hbm>>
      tpu.enqueue_dma source(%dma_start3A_46 : memref<1280xi32, #tpu.memory_space<hbm>>) target(%arg5 : memref<1280xi32, #tpu.memory_space<vmem>>) target_semaphore(%run_scoped3A : memref<!tpu.dma_semaphore, #tpu.memory_space<semaphore_mem>>)
      %dma_wait3A_47 = tpu.memref_slice %arg3[%mul3A_2] : memref<40960xi32, #tpu.memory_space<hbm>> -> memref<1280xi32, #tpu.memory_space<hbm>>
      %dma_wait3A_48 = tpu.memref_slice %arg3[%mul3A_2] : memref<40960xi32, #tpu.memory_space<hbm>> -> memref<1280xi32, #tpu.memory_space<hbm>>
      tpu.wait_dma2 semaphore(%run_scoped3A : memref<!tpu.dma_semaphore, #tpu.memory_space<semaphore_mem>>) src(%dma_wait3A_48 : memref<1280xi32, #tpu.memory_space<hbm>>) dst(%arg5 : memref<1280xi32, #tpu.memory_space<vmem>>)
      tpu.yield
    }) : () -> ()
    %scan3A = arith.constant 0 : i32
    %scan3A_3 = arith.constant 0 : i32
    %scan3A_4 = arith.constant 5 : i32
    %scan3A_5 = arith.addi %scan3A_3, %scan3A_4 : i32
    %scan3A_6 = arith.constant 1 : i32
    %scan3A_7 = scf.for %scan3A_46 = %scan3A_3 to %scan3A_5 step %scan3A_6 iter_args(%scan3A_47 = %scan3A) -> (i32)  : i32 {
      %mul3A_48 = arith.constant 2 : i32
      %mul3A_49 = arith.muli %mul3A_48, %scan3A_46 : i32
      %mul3A_50 = arith.constant 128 : i32
      %mul3A_51 = arith.muli %mul3A_49, %mul3A_50 : i32
      %dma_start3A = tpu.memref_slice %arg5[%mul3A_51] : memref<1280xi32, #tpu.memory_space<vmem>> -> memref<128xi32, #tpu.memory_space<vmem>>
      %dma_start3A_52 = arith.constant 0 : i32
      %dma_start3A_53 = arith.constant 0 : i32
      %dma_start3A_54 = tpu.memref_slice %arg2[%dma_start3A_52, %dma_start3A_53] : memref<100000x128xf32, #tpu.memory_space<hbm>> -> memref<100000x128xf32, #tpu.memory_space<hbm>>
      tpu.enqueue_indirect_dma source(%dma_start3A_54 : memref<100000x128xf32, #tpu.memory_space<hbm>>) target(%arg6 : memref<128x128xf32, #tpu.memory_space<vmem>>) offsets(%dma_start3A : memref<128xi32, #tpu.memory_space<vmem>>) semaphore(%arg8 : memref<!tpu.dma_semaphore, #tpu.memory_space<semaphore_mem>>)
      %dma_wait3A_55 = tpu.memref_slice %arg5[%mul3A_51] : memref<1280xi32, #tpu.memory_space<vmem>> -> memref<128xi32, #tpu.memory_space<vmem>>
      %dma_wait3A_56 = arith.constant 0 : i32
      %dma_wait3A_57 = arith.constant 0 : i32
      %dma_wait3A_58 = tpu.memref_slice %arg2[%dma_wait3A_56, %dma_wait3A_57] : memref<100000x128xf32, #tpu.memory_space<hbm>> -> memref<100000x128xf32, #tpu.memory_space<hbm>>
      tpu.wait_indirect_dma semaphore(%arg8 : memref<!tpu.dma_semaphore, #tpu.memory_space<semaphore_mem>>) src(%dma_wait3A_58 : memref<100000x128xf32, #tpu.memory_space<hbm>>) dst(%arg6 : memref<128x128xf32, #tpu.memory_space<vmem>>)
      %gt3A = arith.constant 0 : i32
      %gt3A_59 = arith.cmpi sgt, %scan3A_46, %gt3A : i32
      %convert_element_type3A = arith.extui %gt3A_59 : i1 to i32
      %cond3A = arith.constant 0 : i32
      %cond3A_60 = arith.cmpi ne, %convert_element_type3A, %cond3A : i32
      scf.if %cond3A_60 {
        %sub3A_223 = arith.constant 1 : i32
        %sub3A_224 = arith.subi %mul3A_49, %sub3A_223 : i32
        %mul3A_225 = arith.constant 128 : i32
        %mul3A_226 = arith.muli %sub3A_224, %mul3A_225 : i32
        %add3A_227 = arith.addi %mul3A_2, %mul3A_226 : i32
        %jit3A_228 = arith.constant 4096 : i32
        %div3A_229 = arith.divsi %add3A_227, %jit3A_228 : i32
        %sign3A_230 = arith.constant 0 : i32
        %sign3A_231 = arith.cmpi sgt, %add3A_227, %sign3A_230 : i32
        %sign3A_232 = arith.extui %sign3A_231 : i1 to i32
        %sign3A_233 = arith.constant 0 : i32
        %sign3A_234 = arith.cmpi slt, %add3A_227, %sign3A_233 : i32
        %sign3A_235 = arith.extui %sign3A_234 : i1 to i32
        %sign3A_236 = arith.subi %sign3A_232, %sign3A_235 : i32
        %sign3A_237 = arith.constant 0 : i32
        %sign3A_238 = arith.cmpi sgt, %jit3A_228, %sign3A_237 : i32
        %sign3A_239 = arith.extui %sign3A_238 : i1 to i32
        %sign3A_240 = arith.constant 0 : i32
        %sign3A_241 = arith.cmpi slt, %jit3A_228, %sign3A_240 : i32
        %sign3A_242 = arith.extui %sign3A_241 : i1 to i32
        %sign3A_243 = arith.subi %sign3A_239, %sign3A_242 : i32
        %ne3A_244 = arith.cmpi ne, %sign3A_236, %sign3A_243 : i32
        %rem3A_245 = arith.remsi %add3A_227, %jit3A_228 : i32
        %ne3A_246 = arith.constant 0 : i32
        %ne3A_247 = arith.cmpi ne, %rem3A_245, %ne3A_246 : i32
        %and3A_248 = arith.andi %ne3A_244, %ne3A_247 : i1
        %sub3A_249 = arith.constant 1 : i32
        %sub3A_250 = arith.subi %div3A_229, %sub3A_249 : i32
        %select_n3A_251 = arith.select %and3A_248, %sub3A_250, %div3A_229 : i32
        %jit3A_252 = arith.constant 4096 : i32
        %eq3A_253 = arith.constant 0 : i32
        %eq3A_254 = arith.cmpi eq, %jit3A_252, %eq3A_253 : i32
        %jit3A_255 = arith.constant 1 : i32
        %select_n3A_256 = arith.select %eq3A_254, %jit3A_255, %jit3A_252 : i32
        %rem3A_257 = arith.remsi %add3A_227, %select_n3A_256 : i32
        %ne3A_258 = arith.constant 0 : i32
        %ne3A_259 = arith.cmpi ne, %rem3A_257, %ne3A_258 : i32
        %lt3A_260 = arith.constant 0 : i32
        %lt3A_261 = arith.cmpi slt, %rem3A_257, %lt3A_260 : i32
        %lt3A_262 = arith.constant 0 : i32
        %lt3A_263 = arith.cmpi slt, %select_n3A_256, %lt3A_262 : i32
        %ne3A_264 = arith.xori %lt3A_261, %lt3A_263 : i1
        %and3A_265 = arith.andi %ne3A_264, %ne3A_259 : i1
        %add3A_266 = arith.addi %rem3A_257, %select_n3A_256 : i32
        %select_n3A_267 = arith.select %and3A_265, %add3A_266, %rem3A_257 : i32
        %dma_wait3A_268 = arith.constant 0 : i32
        %dma_wait3A_269 = tpu.memref_slice %arg4[%select_n3A_251, %select_n3A_267, %dma_wait3A_268] : memref<10x4096x128xf32, #tpu.memory_space<hbm>> -> memref<1x128x128xf32, #tpu.memory_space<hbm>>
        %dma_wait3A_270 = tpu.memref_squeeze %dma_wait3A_269 : memref<1x128x128xf32, #tpu.memory_space<hbm>> -> memref<128x128xf32, #tpu.memory_space<hbm>>
        %dma_wait3A_271 = arith.constant 0 : i32
        %dma_wait3A_272 = tpu.memref_slice %arg4[%select_n3A_251, %select_n3A_267, %dma_wait3A_271] : memref<10x4096x128xf32, #tpu.memory_space<hbm>> -> memref<1x128x128xf32, #tpu.memory_space<hbm>>
        %dma_wait3A_273 = tpu.memref_squeeze %dma_wait3A_272 : memref<1x128x128xf32, #tpu.memory_space<hbm>> -> memref<128x128xf32, #tpu.memory_space<hbm>>
        tpu.wait_dma2 semaphore(%arg11 : memref<!tpu.dma_semaphore, #tpu.memory_space<semaphore_mem>>) src(%arg7 : memref<128x128xf32, #tpu.memory_space<vmem>>) dst(%dma_wait3A_273 : memref<128x128xf32, #tpu.memory_space<hbm>>)
      } else {
      }
      %mul3A_61 = arith.constant 128 : i32
      %mul3A_62 = arith.muli %mul3A_49, %mul3A_61 : i32
      %add3A_63 = arith.addi %mul3A_2, %mul3A_62 : i32
      %jit3A_64 = arith.constant 4096 : i32
      %div3A_65 = arith.divsi %add3A_63, %jit3A_64 : i32
      %sign3A_66 = arith.constant 0 : i32
      %sign3A_67 = arith.cmpi sgt, %add3A_63, %sign3A_66 : i32
      %sign3A_68 = arith.extui %sign3A_67 : i1 to i32
      %sign3A_69 = arith.constant 0 : i32
      %sign3A_70 = arith.cmpi slt, %add3A_63, %sign3A_69 : i32
      %sign3A_71 = arith.extui %sign3A_70 : i1 to i32
      %sign3A_72 = arith.subi %sign3A_68, %sign3A_71 : i32
      %sign3A_73 = arith.constant 0 : i32
      %sign3A_74 = arith.cmpi sgt, %jit3A_64, %sign3A_73 : i32
      %sign3A_75 = arith.extui %sign3A_74 : i1 to i32
      %sign3A_76 = arith.constant 0 : i32
      %sign3A_77 = arith.cmpi slt, %jit3A_64, %sign3A_76 : i32
      %sign3A_78 = arith.extui %sign3A_77 : i1 to i32
      %sign3A_79 = arith.subi %sign3A_75, %sign3A_78 : i32
      %ne3A_80 = arith.cmpi ne, %sign3A_72, %sign3A_79 : i32
      %rem3A_81 = arith.remsi %add3A_63, %jit3A_64 : i32
      %ne3A_82 = arith.constant 0 : i32
      %ne3A_83 = arith.cmpi ne, %rem3A_81, %ne3A_82 : i32
      %and3A_84 = arith.andi %ne3A_80, %ne3A_83 : i1
      %sub3A_85 = arith.constant 1 : i32
      %sub3A_86 = arith.subi %div3A_65, %sub3A_85 : i32
      %select_n3A_87 = arith.select %and3A_84, %sub3A_86, %div3A_65 : i32
      %jit3A_88 = arith.constant 4096 : i32
      %eq3A_89 = arith.constant 0 : i32
      %eq3A_90 = arith.cmpi eq, %jit3A_88, %eq3A_89 : i32
      %jit3A_91 = arith.constant 1 : i32
      %select_n3A_92 = arith.select %eq3A_90, %jit3A_91, %jit3A_88 : i32
      %rem3A_93 = arith.remsi %add3A_63, %select_n3A_92 : i32
      %ne3A_94 = arith.constant 0 : i32
      %ne3A_95 = arith.cmpi ne, %rem3A_93, %ne3A_94 : i32
      %lt3A_96 = arith.constant 0 : i32
      %lt3A_97 = arith.cmpi slt, %rem3A_93, %lt3A_96 : i32
      %lt3A_98 = arith.constant 0 : i32
      %lt3A_99 = arith.cmpi slt, %select_n3A_92, %lt3A_98 : i32
      %ne3A_100 = arith.xori %lt3A_97, %lt3A_99 : i1
      %and3A_101 = arith.andi %ne3A_100, %ne3A_95 : i1
      %add3A_102 = arith.addi %rem3A_93, %select_n3A_92 : i32
      %select_n3A_103 = arith.select %and3A_101, %add3A_102, %rem3A_93 : i32
      %dma_start3A_104 = arith.constant 0 : i32
      %dma_start3A_105 = tpu.memref_slice %arg4[%select_n3A_87, %select_n3A_103, %dma_start3A_104] : memref<10x4096x128xf32, #tpu.memory_space<hbm>> -> memref<1x128x128xf32, #tpu.memory_space<hbm>>
      %dma_start3A_106 = tpu.memref_squeeze %dma_start3A_105 : memref<1x128x128xf32, #tpu.memory_space<hbm>> -> memref<128x128xf32, #tpu.memory_space<hbm>>
      %dma_start3A_107 = arith.constant 0 : i32
      %dma_start3A_108 = tpu.memref_slice %arg4[%select_n3A_87, %select_n3A_103, %dma_start3A_107] : memref<10x4096x128xf32, #tpu.memory_space<hbm>> -> memref<1x128x128xf32, #tpu.memory_space<hbm>>
      %dma_start3A_109 = tpu.memref_squeeze %dma_start3A_108 : memref<1x128x128xf32, #tpu.memory_space<hbm>> -> memref<128x128xf32, #tpu.memory_space<hbm>>
      tpu.enqueue_dma source(%arg6 : memref<128x128xf32, #tpu.memory_space<vmem>>) target(%dma_start3A_109 : memref<128x128xf32, #tpu.memory_space<hbm>>) target_semaphore(%arg10 : memref<!tpu.dma_semaphore, #tpu.memory_space<semaphore_mem>>)
      %add3A_110 = arith.constant 1 : i32
      %add3A_111 = arith.addi %mul3A_49, %add3A_110 : i32
      %mul3A_112 = arith.constant 128 : i32
      %mul3A_113 = arith.muli %add3A_111, %mul3A_112 : i32
      %dma_start3A_114 = tpu.memref_slice %arg5[%mul3A_113] : memref<1280xi32, #tpu.memory_space<vmem>> -> memref<128xi32, #tpu.memory_space<vmem>>
      %dma_start3A_115 = arith.constant 0 : i32
      %dma_start3A_116 = arith.constant 0 : i32
      %dma_start3A_117 = tpu.memref_slice %arg2[%dma_start3A_115, %dma_start3A_116] : memref<100000x128xf32, #tpu.memory_space<hbm>> -> memref<100000x128xf32, #tpu.memory_space<hbm>>
      tpu.enqueue_indirect_dma source(%dma_start3A_117 : memref<100000x128xf32, #tpu.memory_space<hbm>>) target(%arg7 : memref<128x128xf32, #tpu.memory_space<vmem>>) offsets(%dma_start3A_114 : memref<128xi32, #tpu.memory_space<vmem>>) semaphore(%arg9 : memref<!tpu.dma_semaphore, #tpu.memory_space<semaphore_mem>>)
      %dma_wait3A_118 = tpu.memref_slice %arg5[%mul3A_113] : memref<1280xi32, #tpu.memory_space<vmem>> -> memref<128xi32, #tpu.memory_space<vmem>>
      %dma_wait3A_119 = arith.constant 0 : i32
      %dma_wait3A_120 = arith.constant 0 : i32
      %dma_wait3A_121 = tpu.memref_slice %arg2[%dma_wait3A_119, %dma_wait3A_120] : memref<100000x128xf32, #tpu.memory_space<hbm>> -> memref<100000x128xf32, #tpu.memory_space<hbm>>
      tpu.wait_indirect_dma semaphore(%arg9 : memref<!tpu.dma_semaphore, #tpu.memory_space<semaphore_mem>>) src(%dma_wait3A_121 : memref<100000x128xf32, #tpu.memory_space<hbm>>) dst(%arg7 : memref<128x128xf32, #tpu.memory_space<vmem>>)
      %mul3A_122 = arith.constant 128 : i32
      %mul3A_123 = arith.muli %mul3A_49, %mul3A_122 : i32
      %add3A_124 = arith.addi %mul3A_2, %mul3A_123 : i32
      %jit3A_125 = arith.constant 4096 : i32
      %div3A_126 = arith.divsi %add3A_124, %jit3A_125 : i32
      %sign3A_127 = arith.constant 0 : i32
      %sign3A_128 = arith.cmpi sgt, %add3A_124, %sign3A_127 : i32
      %sign3A_129 = arith.extui %sign3A_128 : i1 to i32
      %sign3A_130 = arith.constant 0 : i32
      %sign3A_131 = arith.cmpi slt, %add3A_124, %sign3A_130 : i32
      %sign3A_132 = arith.extui %sign3A_131 : i1 to i32
      %sign3A_133 = arith.subi %sign3A_129, %sign3A_132 : i32
      %sign3A_134 = arith.constant 0 : i32
      %sign3A_135 = arith.cmpi sgt, %jit3A_125, %sign3A_134 : i32
      %sign3A_136 = arith.extui %sign3A_135 : i1 to i32
      %sign3A_137 = arith.constant 0 : i32
      %sign3A_138 = arith.cmpi slt, %jit3A_125, %sign3A_137 : i32
      %sign3A_139 = arith.extui %sign3A_138 : i1 to i32
      %sign3A_140 = arith.subi %sign3A_136, %sign3A_139 : i32
      %ne3A_141 = arith.cmpi ne, %sign3A_133, %sign3A_140 : i32
      %rem3A_142 = arith.remsi %add3A_124, %jit3A_125 : i32
      %ne3A_143 = arith.constant 0 : i32
      %ne3A_144 = arith.cmpi ne, %rem3A_142, %ne3A_143 : i32
      %and3A_145 = arith.andi %ne3A_141, %ne3A_144 : i1
      %sub3A_146 = arith.constant 1 : i32
      %sub3A_147 = arith.subi %div3A_126, %sub3A_146 : i32
      %select_n3A_148 = arith.select %and3A_145, %sub3A_147, %div3A_126 : i32
      %jit3A_149 = arith.constant 4096 : i32
      %eq3A_150 = arith.constant 0 : i32
      %eq3A_151 = arith.cmpi eq, %jit3A_149, %eq3A_150 : i32
      %jit3A_152 = arith.constant 1 : i32
      %select_n3A_153 = arith.select %eq3A_151, %jit3A_152, %jit3A_149 : i32
      %rem3A_154 = arith.remsi %add3A_124, %select_n3A_153 : i32
      %ne3A_155 = arith.constant 0 : i32
      %ne3A_156 = arith.cmpi ne, %rem3A_154, %ne3A_155 : i32
      %lt3A_157 = arith.constant 0 : i32
      %lt3A_158 = arith.cmpi slt, %rem3A_154, %lt3A_157 : i32
      %lt3A_159 = arith.constant 0 : i32
      %lt3A_160 = arith.cmpi slt, %select_n3A_153, %lt3A_159 : i32
      %ne3A_161 = arith.xori %lt3A_158, %lt3A_160 : i1
      %and3A_162 = arith.andi %ne3A_161, %ne3A_156 : i1
      %add3A_163 = arith.addi %rem3A_154, %select_n3A_153 : i32
      %select_n3A_164 = arith.select %and3A_162, %add3A_163, %rem3A_154 : i32
      %dma_wait3A_165 = arith.constant 0 : i32
      %dma_wait3A_166 = tpu.memref_slice %arg4[%select_n3A_148, %select_n3A_164, %dma_wait3A_165] : memref<10x4096x128xf32, #tpu.memory_space<hbm>> -> memref<1x128x128xf32, #tpu.memory_space<hbm>>
      %dma_wait3A_167 = tpu.memref_squeeze %dma_wait3A_166 : memref<1x128x128xf32, #tpu.memory_space<hbm>> -> memref<128x128xf32, #tpu.memory_space<hbm>>
      %dma_wait3A_168 = arith.constant 0 : i32
      %dma_wait3A_169 = tpu.memref_slice %arg4[%select_n3A_148, %select_n3A_164, %dma_wait3A_168] : memref<10x4096x128xf32, #tpu.memory_space<hbm>> -> memref<1x128x128xf32, #tpu.memory_space<hbm>>
      %dma_wait3A_170 = tpu.memref_squeeze %dma_wait3A_169 : memref<1x128x128xf32, #tpu.memory_space<hbm>> -> memref<128x128xf32, #tpu.memory_space<hbm>>
      tpu.wait_dma2 semaphore(%arg10 : memref<!tpu.dma_semaphore, #tpu.memory_space<semaphore_mem>>) src(%arg6 : memref<128x128xf32, #tpu.memory_space<vmem>>) dst(%dma_wait3A_170 : memref<128x128xf32, #tpu.memory_space<hbm>>)
      %add3A_171 = arith.constant 1 : i32
      %add3A_172 = arith.addi %mul3A_49, %add3A_171 : i32
      %mul3A_173 = arith.constant 128 : i32
      %mul3A_174 = arith.muli %add3A_172, %mul3A_173 : i32
      %add3A_175 = arith.addi %mul3A_2, %mul3A_174 : i32
      %jit3A_176 = arith.constant 4096 : i32
      %div3A_177 = arith.divsi %add3A_175, %jit3A_176 : i32
      %sign3A_178 = arith.constant 0 : i32
      %sign3A_179 = arith.cmpi sgt, %add3A_175, %sign3A_178 : i32
      %sign3A_180 = arith.extui %sign3A_179 : i1 to i32
      %sign3A_181 = arith.constant 0 : i32
      %sign3A_182 = arith.cmpi slt, %add3A_175, %sign3A_181 : i32
      %sign3A_183 = arith.extui %sign3A_182 : i1 to i32
      %sign3A_184 = arith.subi %sign3A_180, %sign3A_183 : i32
      %sign3A_185 = arith.constant 0 : i32
      %sign3A_186 = arith.cmpi sgt, %jit3A_176, %sign3A_185 : i32
      %sign3A_187 = arith.extui %sign3A_186 : i1 to i32
      %sign3A_188 = arith.constant 0 : i32
      %sign3A_189 = arith.cmpi slt, %jit3A_176, %sign3A_188 : i32
      %sign3A_190 = arith.extui %sign3A_189 : i1 to i32
      %sign3A_191 = arith.subi %sign3A_187, %sign3A_190 : i32
      %ne3A_192 = arith.cmpi ne, %sign3A_184, %sign3A_191 : i32
      %rem3A_193 = arith.remsi %add3A_175, %jit3A_176 : i32
      %ne3A_194 = arith.constant 0 : i32
      %ne3A_195 = arith.cmpi ne, %rem3A_193, %ne3A_194 : i32
      %and3A_196 = arith.andi %ne3A_192, %ne3A_195 : i1
      %sub3A_197 = arith.constant 1 : i32
      %sub3A_198 = arith.subi %div3A_177, %sub3A_197 : i32
      %select_n3A_199 = arith.select %and3A_196, %sub3A_198, %div3A_177 : i32
      %jit3A_200 = arith.constant 4096 : i32
      %eq3A_201 = arith.constant 0 : i32
      %eq3A_202 = arith.cmpi eq, %jit3A_200, %eq3A_201 : i32
      %jit3A_203 = arith.constant 1 : i32
      %select_n3A_204 = arith.select %eq3A_202, %jit3A_203, %jit3A_200 : i32
      %rem3A_205 = arith.remsi %add3A_175, %select_n3A_204 : i32
      %ne3A_206 = arith.constant 0 : i32
      %ne3A_207 = arith.cmpi ne, %rem3A_205, %ne3A_206 : i32
      %lt3A_208 = arith.constant 0 : i32
      %lt3A_209 = arith.cmpi slt, %rem3A_205, %lt3A_208 : i32
      %lt3A_210 = arith.constant 0 : i32
      %lt3A_211 = arith.cmpi slt, %select_n3A_204, %lt3A_210 : i32
      %ne3A_212 = arith.xori %lt3A_209, %lt3A_211 : i1
      %and3A_213 = arith.andi %ne3A_212, %ne3A_207 : i1
      %add3A_214 = arith.addi %rem3A_205, %select_n3A_204 : i32
      %select_n3A_215 = arith.select %and3A_213, %add3A_214, %rem3A_205 : i32
      %dma_start3A_216 = arith.constant 0 : i32
      %dma_start3A_217 = tpu.memref_slice %arg4[%select_n3A_199, %select_n3A_215, %dma_start3A_216] : memref<10x4096x128xf32, #tpu.memory_space<hbm>> -> memref<1x128x128xf32, #tpu.memory_space<hbm>>
      %dma_start3A_218 = tpu.memref_squeeze %dma_start3A_217 : memref<1x128x128xf32, #tpu.memory_space<hbm>> -> memref<128x128xf32, #tpu.memory_space<hbm>>
      %dma_start3A_219 = arith.constant 0 : i32
      %dma_start3A_220 = tpu.memref_slice %arg4[%select_n3A_199, %select_n3A_215, %dma_start3A_219] : memref<10x4096x128xf32, #tpu.memory_space<hbm>> -> memref<1x128x128xf32, #tpu.memory_space<hbm>>
      %dma_start3A_221 = tpu.memref_squeeze %dma_start3A_220 : memref<1x128x128xf32, #tpu.memory_space<hbm>> -> memref<128x128xf32, #tpu.memory_space<hbm>>
      tpu.enqueue_dma source(%arg7 : memref<128x128xf32, #tpu.memory_space<vmem>>) target(%dma_start3A_221 : memref<128x128xf32, #tpu.memory_space<hbm>>) target_semaphore(%arg11 : memref<!tpu.dma_semaphore, #tpu.memory_space<semaphore_mem>>)
      %scan3A_222 = arith.constant 0 : i32
      scf.yield %scan3A_222 : i32
    }
    %scan3A_8 = arith.constant 5 : i32
    %add3A_9 = arith.constant 1152 : i32
    %add3A_10 = arith.addi %mul3A_2, %add3A_9 : i32
    %jit3A = arith.constant 4096 : i32
    %div3A = arith.divsi %add3A_10, %jit3A : i32
    %sign3A = arith.constant 0 : i32
    %sign3A_11 = arith.cmpi sgt, %add3A_10, %sign3A : i32
    %sign3A_12 = arith.extui %sign3A_11 : i1 to i32
    %sign3A_13 = arith.constant 0 : i32
    %sign3A_14 = arith.cmpi slt, %add3A_10, %sign3A_13 : i32
    %sign3A_15 = arith.extui %sign3A_14 : i1 to i32
    %sign3A_16 = arith.subi %sign3A_12, %sign3A_15 : i32
    %sign3A_17 = arith.constant 0 : i32
    %sign3A_18 = arith.cmpi sgt, %jit3A, %sign3A_17 : i32
    %sign3A_19 = arith.extui %sign3A_18 : i1 to i32
    %sign3A_20 = arith.constant 0 : i32
    %sign3A_21 = arith.cmpi slt, %jit3A, %sign3A_20 : i32
    %sign3A_22 = arith.extui %sign3A_21 : i1 to i32
    %sign3A_23 = arith.subi %sign3A_19, %sign3A_22 : i32
    %ne3A = arith.cmpi ne, %sign3A_16, %sign3A_23 : i32
    %rem3A = arith.remsi %add3A_10, %jit3A : i32
    %ne3A_24 = arith.constant 0 : i32
    %ne3A_25 = arith.cmpi ne, %rem3A, %ne3A_24 : i32
    %and3A = arith.andi %ne3A, %ne3A_25 : i1
    %sub3A = arith.constant 1 : i32
    %sub3A_26 = arith.subi %div3A, %sub3A : i32
    %select_n3A = arith.select %and3A, %sub3A_26, %div3A : i32
    %jit3A_27 = arith.constant 4096 : i32
    %eq3A = arith.constant 0 : i32
    %eq3A_28 = arith.cmpi eq, %jit3A_27, %eq3A : i32
    %jit3A_29 = arith.constant 1 : i32
    %select_n3A_30 = arith.select %eq3A_28, %jit3A_29, %jit3A_27 : i32
    %rem3A_31 = arith.remsi %add3A_10, %select_n3A_30 : i32
    %ne3A_32 = arith.constant 0 : i32
    %ne3A_33 = arith.cmpi ne, %rem3A_31, %ne3A_32 : i32
    %lt3A = arith.constant 0 : i32
    %lt3A_34 = arith.cmpi slt, %rem3A_31, %lt3A : i32
    %lt3A_35 = arith.constant 0 : i32
    %lt3A_36 = arith.cmpi slt, %select_n3A_30, %lt3A_35 : i32
    %ne3A_37 = arith.xori %lt3A_34, %lt3A_36 : i1
    %and3A_38 = arith.andi %ne3A_37, %ne3A_33 : i1
    %add3A_39 = arith.addi %rem3A_31, %select_n3A_30 : i32
    %select_n3A_40 = arith.select %and3A_38, %add3A_39, %rem3A_31 : i32
    %dma_wait3A = arith.constant 0 : i32
    %dma_wait3A_41 = tpu.memref_slice %arg4[%select_n3A, %select_n3A_40, %dma_wait3A] : memref<10x4096x128xf32, #tpu.memory_space<hbm>> -> memref<1x128x128xf32, #tpu.memory_space<hbm>>
    %dma_wait3A_42 = tpu.memref_squeeze %dma_wait3A_41 : memref<1x128x128xf32, #tpu.memory_space<hbm>> -> memref<128x128xf32, #tpu.memory_space<hbm>>
    %dma_wait3A_43 = arith.constant 0 : i32
    %dma_wait3A_44 = tpu.memref_slice %arg4[%select_n3A, %select_n3A_40, %dma_wait3A_43] : memref<10x4096x128xf32, #tpu.memory_space<hbm>> -> memref<1x128x128xf32, #tpu.memory_space<hbm>>
    %dma_wait3A_45 = tpu.memref_squeeze %dma_wait3A_44 : memref<1x128x128xf32, #tpu.memory_space<hbm>> -> memref<128x128xf32, #tpu.memory_space<hbm>>
    tpu.wait_dma2 semaphore(%arg11 : memref<!tpu.dma_semaphore, #tpu.memory_space<semaphore_mem>>) src(%arg7 : memref<128x128xf32, #tpu.memory_space<vmem>>) dst(%dma_wait3A_45 : memref<128x128xf32, #tpu.memory_space<hbm>>)
    return
  }
}

#map = affine_map<(d0, d1) -> (0, 0)>
#map1 = affine_map<(d0, d1) -> (0)>
#map2 = affine_map<(d0, d1) -> (0, 0, 0)>
module attributes {stable_mosaic.version = 14 : i64} {
  func.func @gather_kernel(%arg0: i32, %arg1: i32, %arg2: memref<100000x128xf32, #tpu.memory_space<hbm>>, %arg3: memref<40960xi32, #tpu.memory_space<hbm>>, %arg4: memref<10x4096x128xf32, #tpu.memory_space<hbm>>, %arg5: memref<1280xi32, #tpu.memory_space<vmem>>, %arg6: memref<128x128xf32, #tpu.memory_space<vmem>>, %arg7: memref<128x128xf32, #tpu.memory_space<vmem>>, %arg8: memref<!tpu.dma_semaphore, #tpu.memory_space<semaphore_mem>>, %arg9: memref<!tpu.dma_semaphore, #tpu.memory_space<semaphore_mem>>, %arg10: memref<!tpu.dma_semaphore, #tpu.memory_space<semaphore_mem>>, %arg11: memref<!tpu.dma_semaphore, #tpu.memory_space<semaphore_mem>>) attributes {dimension_semantics = [#tpu.dimension_semantics<core_parallel>, #tpu.dimension_semantics<subcore_parallel>], iteration_bounds = array<i64: 2, 16>, scalar_prefetch = 0 : i64, scratch_operands = 7 : i64, tpu.core_type = #tpu.core_type<sc_vector_subcore>, window_params = [{transform_indices = #map}, {transform_indices = #map1}, {transform_indices = #map2}]} {
    %mul3A = arith.constant 2 : i32
    %mul3A_0 = arith.muli %arg1, %mul3A : i32
    %add3A = arith.addi %mul3A_0, %arg0 : i32
    %mul3A_1 = arith.constant 1280 : i32
    %mul3A_2 = arith.muli %add3A, %mul3A_1 : i32
    "tpu.region"() ({
      %run_scoped3A = tpu.sem_alloc : memref<!tpu.dma_semaphore, #tpu.memory_space<semaphore_mem>>
      %dma_start3A = tpu.memref_slice %arg3[%mul3A_2] : memref<40960xi32, #tpu.memory_space<hbm>> -> memref<1280xi32, #tpu.memory_space<hbm>>
      %dma_start3A_46 = tpu.memref_slice %arg3[%mul3A_2] : memref<40960xi32, #tpu.memory_space<hbm>> -> memref<1280xi32, #tpu.memory_space<hbm>>
      tpu.enqueue_dma source(%dma_start3A_46 : memref<1280xi32, #tpu.memory_space<hbm>>) target(%arg5 : memref<1280xi32, #tpu.memory_space<vmem>>) target_semaphore(%run_scoped3A : memref<!tpu.dma_semaphore, #tpu.memory_space<semaphore_mem>>)
      %dma_wait3A_47 = tpu.memref_slice %arg3[%mul3A_2] : memref<40960xi32, #tpu.memory_space<hbm>> -> memref<1280xi32, #tpu.memory_space<hbm>>
      %dma_wait3A_48 = tpu.memref_slice %arg3[%mul3A_2] : memref<40960xi32, #tpu.memory_space<hbm>> -> memref<1280xi32, #tpu.memory_space<hbm>>
      tpu.wait_dma2 semaphore(%run_scoped3A : memref<!tpu.dma_semaphore, #tpu.memory_space<semaphore_mem>>) src(%dma_wait3A_48 : memref<1280xi32, #tpu.memory_space<hbm>>) dst(%arg5 : memref<1280xi32, #tpu.memory_space<vmem>>)
      tpu.yield
    }) : () -> ()
    %scan3A = arith.constant 0 : i32
    %scan3A_3 = arith.constant 0 : i32
    %scan3A_4 = arith.constant 5 : i32
    %scan3A_5 = arith.addi %scan3A_3, %scan3A_4 : i32
    %scan3A_6 = arith.constant 1 : i32
    %scan3A_7 = scf.for %scan3A_46 = %scan3A_3 to %scan3A_5 step %scan3A_6 iter_args(%scan3A_47 = %scan3A) -> (i32)  : i32 {
      %mul3A_48 = arith.constant 2 : i32
      %mul3A_49 = arith.muli %mul3A_48, %scan3A_46 : i32
      %mul3A_50 = arith.constant 128 : i32
      %mul3A_51 = arith.muli %mul3A_49, %mul3A_50 : i32
      %dma_start3A = tpu.memref_slice %arg5[%mul3A_51] : memref<1280xi32, #tpu.memory_space<vmem>> -> memref<128xi32, #tpu.memory_space<vmem>>
      %dma_start3A_52 = arith.constant 0 : i32
      %dma_start3A_53 = arith.constant 0 : i32
      %dma_start3A_54 = tpu.memref_slice %arg2[%dma_start3A_52, %dma_start3A_53] : memref<100000x128xf32, #tpu.memory_space<hbm>> -> memref<100000x128xf32, #tpu.memory_space<hbm>>
      tpu.enqueue_indirect_dma source(%dma_start3A_54 : memref<100000x128xf32, #tpu.memory_space<hbm>>) target(%arg6 : memref<128x128xf32, #tpu.memory_space<vmem>>) offsets(%dma_start3A : memref<128xi32, #tpu.memory_space<vmem>>) semaphore(%arg8 : memref<!tpu.dma_semaphore, #tpu.memory_space<semaphore_mem>>)
      %dma_wait3A_55 = tpu.memref_slice %arg5[%mul3A_51] : memref<1280xi32, #tpu.memory_space<vmem>> -> memref<128xi32, #tpu.memory_space<vmem>>
      %dma_wait3A_56 = arith.constant 0 : i32
      %dma_wait3A_57 = arith.constant 0 : i32
      %dma_wait3A_58 = tpu.memref_slice %arg2[%dma_wait3A_56, %dma_wait3A_57] : memref<100000x128xf32, #tpu.memory_space<hbm>> -> memref<100000x128xf32, #tpu.memory_space<hbm>>
      tpu.wait_indirect_dma semaphore(%arg8 : memref<!tpu.dma_semaphore, #tpu.memory_space<semaphore_mem>>) src(%dma_wait3A_58 : memref<100000x128xf32, #tpu.memory_space<hbm>>) dst(%arg6 : memref<128x128xf32, #tpu.memory_space<vmem>>)
      %gt3A = arith.constant 0 : i32
      %gt3A_59 = arith.cmpi sgt, %scan3A_46, %gt3A : i32
      %convert_element_type3A = arith.extui %gt3A_59 : i1 to i32
      %cond3A = arith.constant 0 : i32
      %cond3A_60 = arith.cmpi ne, %convert_element_type3A, %cond3A : i32
      scf.if %cond3A_60 {
        %sub3A_223 = arith.constant 1 : i32
        %sub3A_224 = arith.subi %mul3A_49, %sub3A_223 : i32
        %mul3A_225 = arith.constant 128 : i32
        %mul3A_226 = arith.muli %sub3A_224, %mul3A_225 : i32
        %add3A_227 = arith.addi %mul3A_2, %mul3A_226 : i32
        %jit3A_228 = arith.constant 4096 : i32
        %div3A_229 = arith.divsi %add3A_227, %jit3A_228 : i32
        %sign3A_230 = arith.constant 0 : i32
        %sign3A_231 = arith.cmpi sgt, %add3A_227, %sign3A_230 : i32
        %sign3A_232 = arith.extui %sign3A_231 : i1 to i32
        %sign3A_233 = arith.constant 0 : i32
        %sign3A_234 = arith.cmpi slt, %add3A_227, %sign3A_233 : i32
        %sign3A_235 = arith.extui %sign3A_234 : i1 to i32
        %sign3A_236 = arith.subi %sign3A_232, %sign3A_235 : i32
        %sign3A_237 = arith.constant 0 : i32
        %sign3A_238 = arith.cmpi sgt, %jit3A_228, %sign3A_237 : i32
        %sign3A_239 = arith.extui %sign3A_238 : i1 to i32
        %sign3A_240 = arith.constant 0 : i32
        %sign3A_241 = arith.cmpi slt, %jit3A_228, %sign3A_240 : i32
        %sign3A_242 = arith.extui %sign3A_241 : i1 to i32
        %sign3A_243 = arith.subi %sign3A_239, %sign3A_242 : i32
        %ne3A_244 = arith.cmpi ne, %sign3A_236, %sign3A_243 : i32
        %rem3A_245 = arith.remsi %add3A_227, %jit3A_228 : i32
        %ne3A_246 = arith.constant 0 : i32
        %ne3A_247 = arith.cmpi ne, %rem3A_245, %ne3A_246 : i32
        %and3A_248 = arith.andi %ne3A_244, %ne3A_247 : i1
        %sub3A_249 = arith.constant 1 : i32
        %sub3A_250 = arith.subi %div3A_229, %sub3A_249 : i32
        %select_n3A_251 = arith.select %and3A_248, %sub3A_250, %div3A_229 : i32
        %jit3A_252 = arith.constant 4096 : i32
        %eq3A_253 = arith.constant 0 : i32
        %eq3A_254 = arith.cmpi eq, %jit3A_252, %eq3A_253 : i32
        %jit3A_255 = arith.constant 1 : i32
        %select_n3A_256 = arith.select %eq3A_254, %jit3A_255, %jit3A_252 : i32
        %rem3A_257 = arith.remsi %add3A_227, %select_n3A_256 : i32
        %ne3A_258 = arith.constant 0 : i32
        %ne3A_259 = arith.cmpi ne, %rem3A_257, %ne3A_258 : i32
        %lt3A_260 = arith.constant 0 : i32
        %lt3A_261 = arith.cmpi slt, %rem3A_257, %lt3A_260 : i32
        %lt3A_262 = arith.constant 0 : i32
        %lt3A_263 = arith.cmpi slt, %select_n3A_256, %lt3A_262 : i32
        %ne3A_264 = arith.xori %lt3A_261, %lt3A_263 : i1
        %and3A_265 = arith.andi %ne3A_264, %ne3A_259 : i1
        %add3A_266 = arith.addi %rem3A_257, %select_n3A_256 : i32
        %select_n3A_267 = arith.select %and3A_265, %add3A_266, %rem3A_257 : i32
        %dma_wait3A_268 = arith.constant 0 : i32
        %dma_wait3A_269 = tpu.memref_slice %arg4[%select_n3A_251, %select_n3A_267, %dma_wait3A_268] : memref<10x4096x128xf32, #tpu.memory_space<hbm>> -> memref<1x128x128xf32, #tpu.memory_space<hbm>>
        %dma_wait3A_270 = tpu.memref_squeeze %dma_wait3A_269 : memref<1x128x128xf32, #tpu.memory_space<hbm>> -> memref<128x128xf32, #tpu.memory_space<hbm>>
        %dma_wait3A_271 = arith.constant 0 : i32
        %dma_wait3A_272 = tpu.memref_slice %arg4[%select_n3A_251, %select_n3A_267, %dma_wait3A_271] : memref<10x4096x128xf32, #tpu.memory_space<hbm>> -> memref<1x128x128xf32, #tpu.memory_space<hbm>>
        %dma_wait3A_273 = tpu.memref_squeeze %dma_wait3A_272 : memref<1x128x128xf32, #tpu.memory_space<hbm>> -> memref<128x128xf32, #tpu.memory_space<hbm>>
        tpu.wait_dma2 semaphore(%arg11 : memref<!tpu.dma_semaphore, #tpu.memory_space<semaphore_mem>>) src(%arg7 : memref<128x128xf32, #tpu.memory_space<vmem>>) dst(%dma_wait3A_273 : memref<128x128xf32, #tpu.memory_space<hbm>>)
      } else {
      }
      %mul3A_61 = arith.constant 128 : i32
      %mul3A_62 = arith.muli %mul3A_49, %mul3A_61 : i32
      %add3A_63 = arith.addi %mul3A_2, %mul3A_62 : i32
      %jit3A_64 = arith.constant 4096 : i32
      %div3A_65 = arith.divsi %add3A_63, %jit3A_64 : i32
      %sign3A_66 = arith.constant 0 : i32
      %sign3A_67 = arith.cmpi sgt, %add3A_63, %sign3A_66 : i32
      %sign3A_68 = arith.extui %sign3A_67 : i1 to i32
      %sign3A_69 = arith.constant 0 : i32
      %sign3A_70 = arith.cmpi slt, %add3A_63, %sign3A_69 : i32
      %sign3A_71 = arith.extui %sign3A_70 : i1 to i32
      %sign3A_72 = arith.subi %sign3A_68, %sign3A_71 : i32
      %sign3A_73 = arith.constant 0 : i32
      %sign3A_74 = arith.cmpi sgt, %jit3A_64, %sign3A_73 : i32
      %sign3A_75 = arith.extui %sign3A_74 : i1 to i32
      %sign3A_76 = arith.constant 0 : i32
      %sign3A_77 = arith.cmpi slt, %jit3A_64, %sign3A_76 : i32
      %sign3A_78 = arith.extui %sign3A_77 : i1 to i32
      %sign3A_79 = arith.subi %sign3A_75, %sign3A_78 : i32
      %ne3A_80 = arith.cmpi ne, %sign3A_72, %sign3A_79 : i32
      %rem3A_81 = arith.remsi %add3A_63, %jit3A_64 : i32
      %ne3A_82 = arith.constant 0 : i32
      %ne3A_83 = arith.cmpi ne, %rem3A_81, %ne3A_82 : i32
      %and3A_84 = arith.andi %ne3A_80, %ne3A_83 : i1
      %sub3A_85 = arith.constant 1 : i32
      %sub3A_86 = arith.subi %div3A_65, %sub3A_85 : i32
      %select_n3A_87 = arith.select %and3A_84, %sub3A_86, %div3A_65 : i32
      %jit3A_88 = arith.constant 4096 : i32
      %eq3A_89 = arith.constant 0 : i32
      %eq3A_90 = arith.cmpi eq, %jit3A_88, %eq3A_89 : i32
      %jit3A_91 = arith.constant 1 : i32
      %select_n3A_92 = arith.select %eq3A_90, %jit3A_91, %jit3A_88 : i32
      %rem3A_93 = arith.remsi %add3A_63, %select_n3A_92 : i32
      %ne3A_94 = arith.constant 0 : i32
      %ne3A_95 = arith.cmpi ne, %rem3A_93, %ne3A_94 : i32
      %lt3A_96 = arith.constant 0 : i32
      %lt3A_97 = arith.cmpi slt, %rem3A_93, %lt3A_96 : i32
      %lt3A_98 = arith.constant 0 : i32
      %lt3A_99 = arith.cmpi slt, %select_n3A_92, %lt3A_98 : i32
      %ne3A_100 = arith.xori %lt3A_97, %lt3A_99 : i1
      %and3A_101 = arith.andi %ne3A_100, %ne3A_95 : i1
      %add3A_102 = arith.addi %rem3A_93, %select_n3A_92 : i32
      %select_n3A_103 = arith.select %and3A_101, %add3A_102, %rem3A_93 : i32
      %dma_start3A_104 = arith.constant 0 : i32
      %dma_start3A_105 = tpu.memref_slice %arg4[%select_n3A_87, %select_n3A_103, %dma_start3A_104] : memref<10x4096x128xf32, #tpu.memory_space<hbm>> -> memref<1x128x128xf32, #tpu.memory_space<hbm>>
      %dma_start3A_106 = tpu.memref_squeeze %dma_start3A_105 : memref<1x128x128xf32, #tpu.memory_space<hbm>> -> memref<128x128xf32, #tpu.memory_space<hbm>>
      %dma_start3A_107 = arith.constant 0 : i32
      %dma_start3A_108 = tpu.memref_slice %arg4[%select_n3A_87, %select_n3A_103, %dma_start3A_107] : memref<10x4096x128xf32, #tpu.memory_space<hbm>> -> memref<1x128x128xf32, #tpu.memory_space<hbm>>
      %dma_start3A_109 = tpu.memref_squeeze %dma_start3A_108 : memref<1x128x128xf32, #tpu.memory_space<hbm>> -> memref<128x128xf32, #tpu.memory_space<hbm>>
      tpu.enqueue_dma source(%arg6 : memref<128x128xf32, #tpu.memory_space<vmem>>) target(%dma_start3A_109 : memref<128x128xf32, #tpu.memory_space<hbm>>) target_semaphore(%arg10 : memref<!tpu.dma_semaphore, #tpu.memory_space<semaphore_mem>>)
      %add3A_110 = arith.constant 1 : i32
      %add3A_111 = arith.addi %mul3A_49, %add3A_110 : i32
      %mul3A_112 = arith.constant 128 : i32
      %mul3A_113 = arith.muli %add3A_111, %mul3A_112 : i32
      %dma_start3A_114 = tpu.memref_slice %arg5[%mul3A_113] : memref<1280xi32, #tpu.memory_space<vmem>> -> memref<128xi32, #tpu.memory_space<vmem>>
      %dma_start3A_115 = arith.constant 0 : i32
      %dma_start3A_116 = arith.constant 0 : i32
      %dma_start3A_117 = tpu.memref_slice %arg2[%dma_start3A_115, %dma_start3A_116] : memref<100000x128xf32, #tpu.memory_space<hbm>> -> memref<100000x128xf32, #tpu.memory_space<hbm>>
      tpu.enqueue_indirect_dma source(%dma_start3A_117 : memref<100000x128xf32, #tpu.memory_space<hbm>>) target(%arg7 : memref<128x128xf32, #tpu.memory_space<vmem>>) offsets(%dma_start3A_114 : memref<128xi32, #tpu.memory_space<vmem>>) semaphore(%arg9 : memref<!tpu.dma_semaphore, #tpu.memory_space<semaphore_mem>>)
      %dma_wait3A_118 = tpu.memref_slice %arg5[%mul3A_113] : memref<1280xi32, #tpu.memory_space<vmem>> -> memref<128xi32, #tpu.memory_space<vmem>>
      %dma_wait3A_119 = arith.constant 0 : i32
      %dma_wait3A_120 = arith.constant 0 : i32
      %dma_wait3A_121 = tpu.memref_slice %arg2[%dma_wait3A_119, %dma_wait3A_120] : memref<100000x128xf32, #tpu.memory_space<hbm>> -> memref<100000x128xf32, #tpu.memory_space<hbm>>
      tpu.wait_indirect_dma semaphore(%arg9 : memref<!tpu.dma_semaphore, #tpu.memory_space<semaphore_mem>>) src(%dma_wait3A_121 : memref<100000x128xf32, #tpu.memory_space<hbm>>) dst(%arg7 : memref<128x128xf32, #tpu.memory_space<vmem>>)
      %mul3A_122 = arith.constant 128 : i32
      %mul3A_123 = arith.muli %mul3A_49, %mul3A_122 : i32
      %add3A_124 = arith.addi %mul3A_2, %mul3A_123 : i32
      %jit3A_125 = arith.constant 4096 : i32
      %div3A_126 = arith.divsi %add3A_124, %jit3A_125 : i32
      %sign3A_127 = arith.constant 0 : i32
      %sign3A_128 = arith.cmpi sgt, %add3A_124, %sign3A_127 : i32
      %sign3A_129 = arith.extui %sign3A_128 : i1 to i32
      %sign3A_130 = arith.constant 0 : i32
      %sign3A_131 = arith.cmpi slt, %add3A_124, %sign3A_130 : i32
      %sign3A_132 = arith.extui %sign3A_131 : i1 to i32
      %sign3A_133 = arith.subi %sign3A_129, %sign3A_132 : i32
      %sign3A_134 = arith.constant 0 : i32
      %sign3A_135 = arith.cmpi sgt, %jit3A_125, %sign3A_134 : i32
      %sign3A_136 = arith.extui %sign3A_135 : i1 to i32
      %sign3A_137 = arith.constant 0 : i32
      %sign3A_138 = arith.cmpi slt, %jit3A_125, %sign3A_137 : i32
      %sign3A_139 = arith.extui %sign3A_138 : i1 to i32
      %sign3A_140 = arith.subi %sign3A_136, %sign3A_139 : i32
      %ne3A_141 = arith.cmpi ne, %sign3A_133, %sign3A_140 : i32
      %rem3A_142 = arith.remsi %add3A_124, %jit3A_125 : i32
      %ne3A_143 = arith.constant 0 : i32
      %ne3A_144 = arith.cmpi ne, %rem3A_142, %ne3A_143 : i32
      %and3A_145 = arith.andi %ne3A_141, %ne3A_144 : i1
      %sub3A_146 = arith.constant 1 : i32
      %sub3A_147 = arith.subi %div3A_126, %sub3A_146 : i32
      %select_n3A_148 = arith.select %and3A_145, %sub3A_147, %div3A_126 : i32
      %jit3A_149 = arith.constant 4096 : i32
      %eq3A_150 = arith.constant 0 : i32
      %eq3A_151 = arith.cmpi eq, %jit3A_149, %eq3A_150 : i32
      %jit3A_152 = arith.constant 1 : i32
      %select_n3A_153 = arith.select %eq3A_151, %jit3A_152, %jit3A_149 : i32
      %rem3A_154 = arith.remsi %add3A_124, %select_n3A_153 : i32
      %ne3A_155 = arith.constant 0 : i32
      %ne3A_156 = arith.cmpi ne, %rem3A_154, %ne3A_155 : i32
      %lt3A_157 = arith.constant 0 : i32
      %lt3A_158 = arith.cmpi slt, %rem3A_154, %lt3A_157 : i32
      %lt3A_159 = arith.constant 0 : i32
      %lt3A_160 = arith.cmpi slt, %select_n3A_153, %lt3A_159 : i32
      %ne3A_161 = arith.xori %lt3A_158, %lt3A_160 : i1
      %and3A_162 = arith.andi %ne3A_161, %ne3A_156 : i1
      %add3A_163 = arith.addi %rem3A_154, %select_n3A_153 : i32
      %select_n3A_164 = arith.select %and3A_162, %add3A_163, %rem3A_154 : i32
      %dma_wait3A_165 = arith.constant 0 : i32
      %dma_wait3A_166 = tpu.memref_slice %arg4[%select_n3A_148, %select_n3A_164, %dma_wait3A_165] : memref<10x4096x128xf32, #tpu.memory_space<hbm>> -> memref<1x128x128xf32, #tpu.memory_space<hbm>>
      %dma_wait3A_167 = tpu.memref_squeeze %dma_wait3A_166 : memref<1x128x128xf32, #tpu.memory_space<hbm>> -> memref<128x128xf32, #tpu.memory_space<hbm>>
      %dma_wait3A_168 = arith.constant 0 : i32
      %dma_wait3A_169 = tpu.memref_slice %arg4[%select_n3A_148, %select_n3A_164, %dma_wait3A_168] : memref<10x4096x128xf32, #tpu.memory_space<hbm>> -> memref<1x128x128xf32, #tpu.memory_space<hbm>>
      %dma_wait3A_170 = tpu.memref_squeeze %dma_wait3A_169 : memref<1x128x128xf32, #tpu.memory_space<hbm>> -> memref<128x128xf32, #tpu.memory_space<hbm>>
      tpu.wait_dma2 semaphore(%arg10 : memref<!tpu.dma_semaphore, #tpu.memory_space<semaphore_mem>>) src(%arg6 : memref<128x128xf32, #tpu.memory_space<vmem>>) dst(%dma_wait3A_170 : memref<128x128xf32, #tpu.memory_space<hbm>>)
      %add3A_171 = arith.constant 1 : i32
      %add3A_172 = arith.addi %mul3A_49, %add3A_171 : i32
      %mul3A_173 = arith.constant 128 : i32
      %mul3A_174 = arith.muli %add3A_172, %mul3A_173 : i32
      %add3A_175 = arith.addi %mul3A_2, %mul3A_174 : i32
      %jit3A_176 = arith.constant 4096 : i32
      %div3A_177 = arith.divsi %add3A_175, %jit3A_176 : i32
      %sign3A_178 = arith.constant 0 : i32
      %sign3A_179 = arith.cmpi sgt, %add3A_175, %sign3A_178 : i32
      %sign3A_180 = arith.extui %sign3A_179 : i1 to i32
      %sign3A_181 = arith.constant 0 : i32
      %sign3A_182 = arith.cmpi slt, %add3A_175, %sign3A_181 : i32
      %sign3A_183 = arith.extui %sign3A_182 : i1 to i32
      %sign3A_184 = arith.subi %sign3A_180, %sign3A_183 : i32
      %sign3A_185 = arith.constant 0 : i32
      %sign3A_186 = arith.cmpi sgt, %jit3A_176, %sign3A_185 : i32
      %sign3A_187 = arith.extui %sign3A_186 : i1 to i32
      %sign3A_188 = arith.constant 0 : i32
      %sign3A_189 = arith.cmpi slt, %jit3A_176, %sign3A_188 : i32
      %sign3A_190 = arith.extui %sign3A_189 : i1 to i32
      %sign3A_191 = arith.subi %sign3A_187, %sign3A_190 : i32
      %ne3A_192 = arith.cmpi ne, %sign3A_184, %sign3A_191 : i32
      %rem3A_193 = arith.remsi %add3A_175, %jit3A_176 : i32
      %ne3A_194 = arith.constant 0 : i32
      %ne3A_195 = arith.cmpi ne, %rem3A_193, %ne3A_194 : i32
      %and3A_196 = arith.andi %ne3A_192, %ne3A_195 : i1
      %sub3A_197 = arith.constant 1 : i32
      %sub3A_198 = arith.subi %div3A_177, %sub3A_197 : i32
      %select_n3A_199 = arith.select %and3A_196, %sub3A_198, %div3A_177 : i32
      %jit3A_200 = arith.constant 4096 : i32
      %eq3A_201 = arith.constant 0 : i32
      %eq3A_202 = arith.cmpi eq, %jit3A_200, %eq3A_201 : i32
      %jit3A_203 = arith.constant 1 : i32
      %select_n3A_204 = arith.select %eq3A_202, %jit3A_203, %jit3A_200 : i32
      %rem3A_205 = arith.remsi %add3A_175, %select_n3A_204 : i32
      %ne3A_206 = arith.constant 0 : i32
      %ne3A_207 = arith.cmpi ne, %rem3A_205, %ne3A_206 : i32
      %lt3A_208 = arith.constant 0 : i32
      %lt3A_209 = arith.cmpi slt, %rem3A_205, %lt3A_208 : i32
      %lt3A_210 = arith.constant 0 : i32
      %lt3A_211 = arith.cmpi slt, %select_n3A_204, %lt3A_210 : i32
      %ne3A_212 = arith.xori %lt3A_209, %lt3A_211 : i1
      %and3A_213 = arith.andi %ne3A_212, %ne3A_207 : i1
      %add3A_214 = arith.addi %rem3A_205, %select_n3A_204 : i32
      %select_n3A_215 = arith.select %and3A_213, %add3A_214, %rem3A_205 : i32
      %dma_start3A_216 = arith.constant 0 : i32
      %dma_start3A_217 = tpu.memref_slice %arg4[%select_n3A_199, %select_n3A_215, %dma_start3A_216] : memref<10x4096x128xf32, #tpu.memory_space<hbm>> -> memref<1x128x128xf32, #tpu.memory_space<hbm>>
      %dma_start3A_218 = tpu.memref_squeeze %dma_start3A_217 : memref<1x128x128xf32, #tpu.memory_space<hbm>> -> memref<128x128xf32, #tpu.memory_space<hbm>>
      %dma_start3A_219 = arith.constant 0 : i32
      %dma_start3A_220 = tpu.memref_slice %arg4[%select_n3A_199, %select_n3A_215, %dma_start3A_219] : memref<10x4096x128xf32, #tpu.memory_space<hbm>> -> memref<1x128x128xf32, #tpu.memory_space<hbm>>
      %dma_start3A_221 = tpu.memref_squeeze %dma_start3A_220 : memref<1x128x128xf32, #tpu.memory_space<hbm>> -> memref<128x128xf32, #tpu.memory_space<hbm>>
      tpu.enqueue_dma source(%arg7 : memref<128x128xf32, #tpu.memory_space<vmem>>) target(%dma_start3A_221 : memref<128x128xf32, #tpu.memory_space<hbm>>) target_semaphore(%arg11 : memref<!tpu.dma_semaphore, #tpu.memory_space<semaphore_mem>>)
      %scan3A_222 = arith.constant 0 : i32
      scf.yield %scan3A_222 : i32
    }
    %scan3A_8 = arith.constant 5 : i32
    %add3A_9 = arith.constant 1152 : i32
    %add3A_10 = arith.addi %mul3A_2, %add3A_9 : i32
    %jit3A = arith.constant 4096 : i32
    %div3A = arith.divsi %add3A_10, %jit3A : i32
    %sign3A = arith.constant 0 : i32
    %sign3A_11 = arith.cmpi sgt, %add3A_10, %sign3A : i32
    %sign3A_12 = arith.extui %sign3A_11 : i1 to i32
    %sign3A_13 = arith.constant 0 : i32
    %sign3A_14 = arith.cmpi slt, %add3A_10, %sign3A_13 : i32
    %sign3A_15 = arith.extui %sign3A_14 : i1 to i32
    %sign3A_16 = arith.subi %sign3A_12, %sign3A_15 : i32
    %sign3A_17 = arith.constant 0 : i32
    %sign3A_18 = arith.cmpi sgt, %jit3A, %sign3A_17 : i32
    %sign3A_19 = arith.extui %sign3A_18 : i1 to i32
    %sign3A_20 = arith.constant 0 : i32
    %sign3A_21 = arith.cmpi slt, %jit3A, %sign3A_20 : i32
    %sign3A_22 = arith.extui %sign3A_21 : i1 to i32
    %sign3A_23 = arith.subi %sign3A_19, %sign3A_22 : i32
    %ne3A = arith.cmpi ne, %sign3A_16, %sign3A_23 : i32
    %rem3A = arith.remsi %add3A_10, %jit3A : i32
    %ne3A_24 = arith.constant 0 : i32
    %ne3A_25 = arith.cmpi ne, %rem3A, %ne3A_24 : i32
    %and3A = arith.andi %ne3A, %ne3A_25 : i1
    %sub3A = arith.constant 1 : i32
    %sub3A_26 = arith.subi %div3A, %sub3A : i32
    %select_n3A = arith.select %and3A, %sub3A_26, %div3A : i32
    %jit3A_27 = arith.constant 4096 : i32
    %eq3A = arith.constant 0 : i32
    %eq3A_28 = arith.cmpi eq, %jit3A_27, %eq3A : i32
    %jit3A_29 = arith.constant 1 : i32
    %select_n3A_30 = arith.select %eq3A_28, %jit3A_29, %jit3A_27 : i32
    %rem3A_31 = arith.remsi %add3A_10, %select_n3A_30 : i32
    %ne3A_32 = arith.constant 0 : i32
    %ne3A_33 = arith.cmpi ne, %rem3A_31, %ne3A_32 : i32
    %lt3A = arith.constant 0 : i32
    %lt3A_34 = arith.cmpi slt, %rem3A_31, %lt3A : i32
    %lt3A_35 = arith.constant 0 : i32
    %lt3A_36 = arith.cmpi slt, %select_n3A_30, %lt3A_35 : i32
    %ne3A_37 = arith.xori %lt3A_34, %lt3A_36 : i1
    %and3A_38 = arith.andi %ne3A_37, %ne3A_33 : i1
    %add3A_39 = arith.addi %rem3A_31, %select_n3A_30 : i32
    %select_n3A_40 = arith.select %and3A_38, %add3A_39, %rem3A_31 : i32
    %dma_wait3A = arith.constant 0 : i32
    %dma_wait3A_41 = tpu.memref_slice %arg4[%select_n3A, %select_n3A_40, %dma_wait3A] : memref<10x4096x128xf32, #tpu.memory_space<hbm>> -> memref<1x128x128xf32, #tpu.memory_space<hbm>>
    %dma_wait3A_42 = tpu.memref_squeeze %dma_wait3A_41 : memref<1x128x128xf32, #tpu.memory_space<hbm>> -> memref<128x128xf32, #tpu.memory_space<hbm>>
    %dma_wait3A_43 = arith.constant 0 : i32
    %dma_wait3A_44 = tpu.memref_slice %arg4[%select_n3A, %select_n3A_40, %dma_wait3A_43] : memref<10x4096x128xf32, #tpu.memory_space<hbm>> -> memref<1x128x128xf32, #tpu.memory_space<hbm>>
    %dma_wait3A_45 = tpu.memref_squeeze %dma_wait3A_44 : memref<1x128x128xf32, #tpu.memory_space<hbm>> -> memref<128x128xf32, #tpu.memory_space<hbm>>
    tpu.wait_dma2 semaphore(%arg11 : memref<!tpu.dma_semaphore, #tpu.memory_space<semaphore_mem>>) src(%arg7 : memref<128x128xf32, #tpu.memory_space<vmem>>) dst(%dma_wait3A_45 : memref<128x128xf32, #tpu.memory_space<hbm>>)
    return
  }
}

#map = affine_map<(d0, d1) -> (0, 0)>
#map1 = affine_map<(d0, d1) -> (0)>
#map2 = affine_map<(d0, d1) -> (0, 0, 0)>
module attributes {stable_mosaic.version = 14 : i64} {
  func.func @gather_kernel(%arg0: i32, %arg1: i32, %arg2: memref<100000x128xf32, #tpu.memory_space<hbm>>, %arg3: memref<40960xi32, #tpu.memory_space<hbm>>, %arg4: memref<10x4096x128xf32, #tpu.memory_space<hbm>>, %arg5: memref<1280xi32, #tpu.memory_space<vmem>>, %arg6: memref<128x128xf32, #tpu.memory_space<vmem>>, %arg7: memref<128x128xf32, #tpu.memory_space<vmem>>, %arg8: memref<!tpu.dma_semaphore, #tpu.memory_space<semaphore_mem>>, %arg9: memref<!tpu.dma_semaphore, #tpu.memory_space<semaphore_mem>>, %arg10: memref<!tpu.dma_semaphore, #tpu.memory_space<semaphore_mem>>, %arg11: memref<!tpu.dma_semaphore, #tpu.memory_space<semaphore_mem>>) attributes {dimension_semantics = [#tpu.dimension_semantics<core_parallel>, #tpu.dimension_semantics<subcore_parallel>], iteration_bounds = array<i64: 2, 16>, scalar_prefetch = 0 : i64, scratch_operands = 7 : i64, tpu.core_type = #tpu.core_type<sc_vector_subcore>, window_params = [{transform_indices = #map}, {transform_indices = #map1}, {transform_indices = #map2}]} {
    %mul3A = arith.constant 2 : i32
    %mul3A_0 = arith.muli %arg1, %mul3A : i32
    %add3A = arith.addi %mul3A_0, %arg0 : i32
    %mul3A_1 = arith.constant 1280 : i32
    %mul3A_2 = arith.muli %add3A, %mul3A_1 : i32
    "tpu.region"() ({
      %run_scoped3A = tpu.sem_alloc : memref<!tpu.dma_semaphore, #tpu.memory_space<semaphore_mem>>
      %dma_start3A = tpu.memref_slice %arg3[%mul3A_2] : memref<40960xi32, #tpu.memory_space<hbm>> -> memref<1280xi32, #tpu.memory_space<hbm>>
      %dma_start3A_46 = tpu.memref_slice %arg3[%mul3A_2] : memref<40960xi32, #tpu.memory_space<hbm>> -> memref<1280xi32, #tpu.memory_space<hbm>>
      tpu.enqueue_dma source(%dma_start3A_46 : memref<1280xi32, #tpu.memory_space<hbm>>) target(%arg5 : memref<1280xi32, #tpu.memory_space<vmem>>) target_semaphore(%run_scoped3A : memref<!tpu.dma_semaphore, #tpu.memory_space<semaphore_mem>>)
      %dma_wait3A_47 = tpu.memref_slice %arg3[%mul3A_2] : memref<40960xi32, #tpu.memory_space<hbm>> -> memref<1280xi32, #tpu.memory_space<hbm>>
      %dma_wait3A_48 = tpu.memref_slice %arg3[%mul3A_2] : memref<40960xi32, #tpu.memory_space<hbm>> -> memref<1280xi32, #tpu.memory_space<hbm>>
      tpu.wait_dma2 semaphore(%run_scoped3A : memref<!tpu.dma_semaphore, #tpu.memory_space<semaphore_mem>>) src(%dma_wait3A_48 : memref<1280xi32, #tpu.memory_space<hbm>>) dst(%arg5 : memref<1280xi32, #tpu.memory_space<vmem>>)
      tpu.yield
    }) : () -> ()
    %scan3A = arith.constant 0 : i32
    %scan3A_3 = arith.constant 0 : i32
    %scan3A_4 = arith.constant 5 : i32
    %scan3A_5 = arith.addi %scan3A_3, %scan3A_4 : i32
    %scan3A_6 = arith.constant 1 : i32
    %scan3A_7 = scf.for %scan3A_46 = %scan3A_3 to %scan3A_5 step %scan3A_6 iter_args(%scan3A_47 = %scan3A) -> (i32)  : i32 {
      %mul3A_48 = arith.constant 2 : i32
      %mul3A_49 = arith.muli %mul3A_48, %scan3A_46 : i32
      %mul3A_50 = arith.constant 128 : i32
      %mul3A_51 = arith.muli %mul3A_49, %mul3A_50 : i32
      %dma_start3A = tpu.memref_slice %arg5[%mul3A_51] : memref<1280xi32, #tpu.memory_space<vmem>> -> memref<128xi32, #tpu.memory_space<vmem>>
      %dma_start3A_52 = arith.constant 0 : i32
      %dma_start3A_53 = arith.constant 0 : i32
      %dma_start3A_54 = tpu.memref_slice %arg2[%dma_start3A_52, %dma_start3A_53] : memref<100000x128xf32, #tpu.memory_space<hbm>> -> memref<100000x128xf32, #tpu.memory_space<hbm>>
      tpu.enqueue_indirect_dma source(%dma_start3A_54 : memref<100000x128xf32, #tpu.memory_space<hbm>>) target(%arg6 : memref<128x128xf32, #tpu.memory_space<vmem>>) offsets(%dma_start3A : memref<128xi32, #tpu.memory_space<vmem>>) semaphore(%arg8 : memref<!tpu.dma_semaphore, #tpu.memory_space<semaphore_mem>>)
      %dma_wait3A_55 = tpu.memref_slice %arg5[%mul3A_51] : memref<1280xi32, #tpu.memory_space<vmem>> -> memref<128xi32, #tpu.memory_space<vmem>>
      %dma_wait3A_56 = arith.constant 0 : i32
      %dma_wait3A_57 = arith.constant 0 : i32
      %dma_wait3A_58 = tpu.memref_slice %arg2[%dma_wait3A_56, %dma_wait3A_57] : memref<100000x128xf32, #tpu.memory_space<hbm>> -> memref<100000x128xf32, #tpu.memory_space<hbm>>
      tpu.wait_indirect_dma semaphore(%arg8 : memref<!tpu.dma_semaphore, #tpu.memory_space<semaphore_mem>>) src(%dma_wait3A_58 : memref<100000x128xf32, #tpu.memory_space<hbm>>) dst(%arg6 : memref<128x128xf32, #tpu.memory_space<vmem>>)
      %gt3A = arith.constant 0 : i32
      %gt3A_59 = arith.cmpi sgt, %scan3A_46, %gt3A : i32
      %convert_element_type3A = arith.extui %gt3A_59 : i1 to i32
      %cond3A = arith.constant 0 : i32
      %cond3A_60 = arith.cmpi ne, %convert_element_type3A, %cond3A : i32
      scf.if %cond3A_60 {
        %sub3A_223 = arith.constant 1 : i32
        %sub3A_224 = arith.subi %mul3A_49, %sub3A_223 : i32
        %mul3A_225 = arith.constant 128 : i32
        %mul3A_226 = arith.muli %sub3A_224, %mul3A_225 : i32
        %add3A_227 = arith.addi %mul3A_2, %mul3A_226 : i32
        %jit3A_228 = arith.constant 4096 : i32
        %div3A_229 = arith.divsi %add3A_227, %jit3A_228 : i32
        %sign3A_230 = arith.constant 0 : i32
        %sign3A_231 = arith.cmpi sgt, %add3A_227, %sign3A_230 : i32
        %sign3A_232 = arith.extui %sign3A_231 : i1 to i32
        %sign3A_233 = arith.constant 0 : i32
        %sign3A_234 = arith.cmpi slt, %add3A_227, %sign3A_233 : i32
        %sign3A_235 = arith.extui %sign3A_234 : i1 to i32
        %sign3A_236 = arith.subi %sign3A_232, %sign3A_235 : i32
        %sign3A_237 = arith.constant 0 : i32
        %sign3A_238 = arith.cmpi sgt, %jit3A_228, %sign3A_237 : i32
        %sign3A_239 = arith.extui %sign3A_238 : i1 to i32
        %sign3A_240 = arith.constant 0 : i32
        %sign3A_241 = arith.cmpi slt, %jit3A_228, %sign3A_240 : i32
        %sign3A_242 = arith.extui %sign3A_241 : i1 to i32
        %sign3A_243 = arith.subi %sign3A_239, %sign3A_242 : i32
        %ne3A_244 = arith.cmpi ne, %sign3A_236, %sign3A_243 : i32
        %rem3A_245 = arith.remsi %add3A_227, %jit3A_228 : i32
        %ne3A_246 = arith.constant 0 : i32
        %ne3A_247 = arith.cmpi ne, %rem3A_245, %ne3A_246 : i32
        %and3A_248 = arith.andi %ne3A_244, %ne3A_247 : i1
        %sub3A_249 = arith.constant 1 : i32
        %sub3A_250 = arith.subi %div3A_229, %sub3A_249 : i32
        %select_n3A_251 = arith.select %and3A_248, %sub3A_250, %div3A_229 : i32
        %jit3A_252 = arith.constant 4096 : i32
        %eq3A_253 = arith.constant 0 : i32
        %eq3A_254 = arith.cmpi eq, %jit3A_252, %eq3A_253 : i32
        %jit3A_255 = arith.constant 1 : i32
        %select_n3A_256 = arith.select %eq3A_254, %jit3A_255, %jit3A_252 : i32
        %rem3A_257 = arith.remsi %add3A_227, %select_n3A_256 : i32
        %ne3A_258 = arith.constant 0 : i32
        %ne3A_259 = arith.cmpi ne, %rem3A_257, %ne3A_258 : i32
        %lt3A_260 = arith.constant 0 : i32
        %lt3A_261 = arith.cmpi slt, %rem3A_257, %lt3A_260 : i32
        %lt3A_262 = arith.constant 0 : i32
        %lt3A_263 = arith.cmpi slt, %select_n3A_256, %lt3A_262 : i32
        %ne3A_264 = arith.xori %lt3A_261, %lt3A_263 : i1
        %and3A_265 = arith.andi %ne3A_264, %ne3A_259 : i1
        %add3A_266 = arith.addi %rem3A_257, %select_n3A_256 : i32
        %select_n3A_267 = arith.select %and3A_265, %add3A_266, %rem3A_257 : i32
        %dma_wait3A_268 = arith.constant 0 : i32
        %dma_wait3A_269 = tpu.memref_slice %arg4[%select_n3A_251, %select_n3A_267, %dma_wait3A_268] : memref<10x4096x128xf32, #tpu.memory_space<hbm>> -> memref<1x128x128xf32, #tpu.memory_space<hbm>>
        %dma_wait3A_270 = tpu.memref_squeeze %dma_wait3A_269 : memref<1x128x128xf32, #tpu.memory_space<hbm>> -> memref<128x128xf32, #tpu.memory_space<hbm>>
        %dma_wait3A_271 = arith.constant 0 : i32
        %dma_wait3A_272 = tpu.memref_slice %arg4[%select_n3A_251, %select_n3A_267, %dma_wait3A_271] : memref<10x4096x128xf32, #tpu.memory_space<hbm>> -> memref<1x128x128xf32, #tpu.memory_space<hbm>>
        %dma_wait3A_273 = tpu.memref_squeeze %dma_wait3A_272 : memref<1x128x128xf32, #tpu.memory_space<hbm>> -> memref<128x128xf32, #tpu.memory_space<hbm>>
        tpu.wait_dma2 semaphore(%arg11 : memref<!tpu.dma_semaphore, #tpu.memory_space<semaphore_mem>>) src(%arg7 : memref<128x128xf32, #tpu.memory_space<vmem>>) dst(%dma_wait3A_273 : memref<128x128xf32, #tpu.memory_space<hbm>>)
      } else {
      }
      %mul3A_61 = arith.constant 128 : i32
      %mul3A_62 = arith.muli %mul3A_49, %mul3A_61 : i32
      %add3A_63 = arith.addi %mul3A_2, %mul3A_62 : i32
      %jit3A_64 = arith.constant 4096 : i32
      %div3A_65 = arith.divsi %add3A_63, %jit3A_64 : i32
      %sign3A_66 = arith.constant 0 : i32
      %sign3A_67 = arith.cmpi sgt, %add3A_63, %sign3A_66 : i32
      %sign3A_68 = arith.extui %sign3A_67 : i1 to i32
      %sign3A_69 = arith.constant 0 : i32
      %sign3A_70 = arith.cmpi slt, %add3A_63, %sign3A_69 : i32
      %sign3A_71 = arith.extui %sign3A_70 : i1 to i32
      %sign3A_72 = arith.subi %sign3A_68, %sign3A_71 : i32
      %sign3A_73 = arith.constant 0 : i32
      %sign3A_74 = arith.cmpi sgt, %jit3A_64, %sign3A_73 : i32
      %sign3A_75 = arith.extui %sign3A_74 : i1 to i32
      %sign3A_76 = arith.constant 0 : i32
      %sign3A_77 = arith.cmpi slt, %jit3A_64, %sign3A_76 : i32
      %sign3A_78 = arith.extui %sign3A_77 : i1 to i32
      %sign3A_79 = arith.subi %sign3A_75, %sign3A_78 : i32
      %ne3A_80 = arith.cmpi ne, %sign3A_72, %sign3A_79 : i32
      %rem3A_81 = arith.remsi %add3A_63, %jit3A_64 : i32
      %ne3A_82 = arith.constant 0 : i32
      %ne3A_83 = arith.cmpi ne, %rem3A_81, %ne3A_82 : i32
      %and3A_84 = arith.andi %ne3A_80, %ne3A_83 : i1
      %sub3A_85 = arith.constant 1 : i32
      %sub3A_86 = arith.subi %div3A_65, %sub3A_85 : i32
      %select_n3A_87 = arith.select %and3A_84, %sub3A_86, %div3A_65 : i32
      %jit3A_88 = arith.constant 4096 : i32
      %eq3A_89 = arith.constant 0 : i32
      %eq3A_90 = arith.cmpi eq, %jit3A_88, %eq3A_89 : i32
      %jit3A_91 = arith.constant 1 : i32
      %select_n3A_92 = arith.select %eq3A_90, %jit3A_91, %jit3A_88 : i32
      %rem3A_93 = arith.remsi %add3A_63, %select_n3A_92 : i32
      %ne3A_94 = arith.constant 0 : i32
      %ne3A_95 = arith.cmpi ne, %rem3A_93, %ne3A_94 : i32
      %lt3A_96 = arith.constant 0 : i32
      %lt3A_97 = arith.cmpi slt, %rem3A_93, %lt3A_96 : i32
      %lt3A_98 = arith.constant 0 : i32
      %lt3A_99 = arith.cmpi slt, %select_n3A_92, %lt3A_98 : i32
      %ne3A_100 = arith.xori %lt3A_97, %lt3A_99 : i1
      %and3A_101 = arith.andi %ne3A_100, %ne3A_95 : i1
      %add3A_102 = arith.addi %rem3A_93, %select_n3A_92 : i32
      %select_n3A_103 = arith.select %and3A_101, %add3A_102, %rem3A_93 : i32
      %dma_start3A_104 = arith.constant 0 : i32
      %dma_start3A_105 = tpu.memref_slice %arg4[%select_n3A_87, %select_n3A_103, %dma_start3A_104] : memref<10x4096x128xf32, #tpu.memory_space<hbm>> -> memref<1x128x128xf32, #tpu.memory_space<hbm>>
      %dma_start3A_106 = tpu.memref_squeeze %dma_start3A_105 : memref<1x128x128xf32, #tpu.memory_space<hbm>> -> memref<128x128xf32, #tpu.memory_space<hbm>>
      %dma_start3A_107 = arith.constant 0 : i32
      %dma_start3A_108 = tpu.memref_slice %arg4[%select_n3A_87, %select_n3A_103, %dma_start3A_107] : memref<10x4096x128xf32, #tpu.memory_space<hbm>> -> memref<1x128x128xf32, #tpu.memory_space<hbm>>
      %dma_start3A_109 = tpu.memref_squeeze %dma_start3A_108 : memref<1x128x128xf32, #tpu.memory_space<hbm>> -> memref<128x128xf32, #tpu.memory_space<hbm>>
      tpu.enqueue_dma source(%arg6 : memref<128x128xf32, #tpu.memory_space<vmem>>) target(%dma_start3A_109 : memref<128x128xf32, #tpu.memory_space<hbm>>) target_semaphore(%arg10 : memref<!tpu.dma_semaphore, #tpu.memory_space<semaphore_mem>>)
      %add3A_110 = arith.constant 1 : i32
      %add3A_111 = arith.addi %mul3A_49, %add3A_110 : i32
      %mul3A_112 = arith.constant 128 : i32
      %mul3A_113 = arith.muli %add3A_111, %mul3A_112 : i32
      %dma_start3A_114 = tpu.memref_slice %arg5[%mul3A_113] : memref<1280xi32, #tpu.memory_space<vmem>> -> memref<128xi32, #tpu.memory_space<vmem>>
      %dma_start3A_115 = arith.constant 0 : i32
      %dma_start3A_116 = arith.constant 0 : i32
      %dma_start3A_117 = tpu.memref_slice %arg2[%dma_start3A_115, %dma_start3A_116] : memref<100000x128xf32, #tpu.memory_space<hbm>> -> memref<100000x128xf32, #tpu.memory_space<hbm>>
      tpu.enqueue_indirect_dma source(%dma_start3A_117 : memref<100000x128xf32, #tpu.memory_space<hbm>>) target(%arg7 : memref<128x128xf32, #tpu.memory_space<vmem>>) offsets(%dma_start3A_114 : memref<128xi32, #tpu.memory_space<vmem>>) semaphore(%arg9 : memref<!tpu.dma_semaphore, #tpu.memory_space<semaphore_mem>>)
      %dma_wait3A_118 = tpu.memref_slice %arg5[%mul3A_113] : memref<1280xi32, #tpu.memory_space<vmem>> -> memref<128xi32, #tpu.memory_space<vmem>>
      %dma_wait3A_119 = arith.constant 0 : i32
      %dma_wait3A_120 = arith.constant 0 : i32
      %dma_wait3A_121 = tpu.memref_slice %arg2[%dma_wait3A_119, %dma_wait3A_120] : memref<100000x128xf32, #tpu.memory_space<hbm>> -> memref<100000x128xf32, #tpu.memory_space<hbm>>
      tpu.wait_indirect_dma semaphore(%arg9 : memref<!tpu.dma_semaphore, #tpu.memory_space<semaphore_mem>>) src(%dma_wait3A_121 : memref<100000x128xf32, #tpu.memory_space<hbm>>) dst(%arg7 : memref<128x128xf32, #tpu.memory_space<vmem>>)
      %mul3A_122 = arith.constant 128 : i32
      %mul3A_123 = arith.muli %mul3A_49, %mul3A_122 : i32
      %add3A_124 = arith.addi %mul3A_2, %mul3A_123 : i32
      %jit3A_125 = arith.constant 4096 : i32
      %div3A_126 = arith.divsi %add3A_124, %jit3A_125 : i32
      %sign3A_127 = arith.constant 0 : i32
      %sign3A_128 = arith.cmpi sgt, %add3A_124, %sign3A_127 : i32
      %sign3A_129 = arith.extui %sign3A_128 : i1 to i32
      %sign3A_130 = arith.constant 0 : i32
      %sign3A_131 = arith.cmpi slt, %add3A_124, %sign3A_130 : i32
      %sign3A_132 = arith.extui %sign3A_131 : i1 to i32
      %sign3A_133 = arith.subi %sign3A_129, %sign3A_132 : i32
      %sign3A_134 = arith.constant 0 : i32
      %sign3A_135 = arith.cmpi sgt, %jit3A_125, %sign3A_134 : i32
      %sign3A_136 = arith.extui %sign3A_135 : i1 to i32
      %sign3A_137 = arith.constant 0 : i32
      %sign3A_138 = arith.cmpi slt, %jit3A_125, %sign3A_137 : i32
      %sign3A_139 = arith.extui %sign3A_138 : i1 to i32
      %sign3A_140 = arith.subi %sign3A_136, %sign3A_139 : i32
      %ne3A_141 = arith.cmpi ne, %sign3A_133, %sign3A_140 : i32
      %rem3A_142 = arith.remsi %add3A_124, %jit3A_125 : i32
      %ne3A_143 = arith.constant 0 : i32
      %ne3A_144 = arith.cmpi ne, %rem3A_142, %ne3A_143 : i32
      %and3A_145 = arith.andi %ne3A_141, %ne3A_144 : i1
      %sub3A_146 = arith.constant 1 : i32
      %sub3A_147 = arith.subi %div3A_126, %sub3A_146 : i32
      %select_n3A_148 = arith.select %and3A_145, %sub3A_147, %div3A_126 : i32
      %jit3A_149 = arith.constant 4096 : i32
      %eq3A_150 = arith.constant 0 : i32
      %eq3A_151 = arith.cmpi eq, %jit3A_149, %eq3A_150 : i32
      %jit3A_152 = arith.constant 1 : i32
      %select_n3A_153 = arith.select %eq3A_151, %jit3A_152, %jit3A_149 : i32
      %rem3A_154 = arith.remsi %add3A_124, %select_n3A_153 : i32
      %ne3A_155 = arith.constant 0 : i32
      %ne3A_156 = arith.cmpi ne, %rem3A_154, %ne3A_155 : i32
      %lt3A_157 = arith.constant 0 : i32
      %lt3A_158 = arith.cmpi slt, %rem3A_154, %lt3A_157 : i32
      %lt3A_159 = arith.constant 0 : i32
      %lt3A_160 = arith.cmpi slt, %select_n3A_153, %lt3A_159 : i32
      %ne3A_161 = arith.xori %lt3A_158, %lt3A_160 : i1
      %and3A_162 = arith.andi %ne3A_161, %ne3A_156 : i1
      %add3A_163 = arith.addi %rem3A_154, %select_n3A_153 : i32
      %select_n3A_164 = arith.select %and3A_162, %add3A_163, %rem3A_154 : i32
      %dma_wait3A_165 = arith.constant 0 : i32
      %dma_wait3A_166 = tpu.memref_slice %arg4[%select_n3A_148, %select_n3A_164, %dma_wait3A_165] : memref<10x4096x128xf32, #tpu.memory_space<hbm>> -> memref<1x128x128xf32, #tpu.memory_space<hbm>>
      %dma_wait3A_167 = tpu.memref_squeeze %dma_wait3A_166 : memref<1x128x128xf32, #tpu.memory_space<hbm>> -> memref<128x128xf32, #tpu.memory_space<hbm>>
      %dma_wait3A_168 = arith.constant 0 : i32
      %dma_wait3A_169 = tpu.memref_slice %arg4[%select_n3A_148, %select_n3A_164, %dma_wait3A_168] : memref<10x4096x128xf32, #tpu.memory_space<hbm>> -> memref<1x128x128xf32, #tpu.memory_space<hbm>>
      %dma_wait3A_170 = tpu.memref_squeeze %dma_wait3A_169 : memref<1x128x128xf32, #tpu.memory_space<hbm>> -> memref<128x128xf32, #tpu.memory_space<hbm>>
      tpu.wait_dma2 semaphore(%arg10 : memref<!tpu.dma_semaphore, #tpu.memory_space<semaphore_mem>>) src(%arg6 : memref<128x128xf32, #tpu.memory_space<vmem>>) dst(%dma_wait3A_170 : memref<128x128xf32, #tpu.memory_space<hbm>>)
      %add3A_171 = arith.constant 1 : i32
      %add3A_172 = arith.addi %mul3A_49, %add3A_171 : i32
      %mul3A_173 = arith.constant 128 : i32
      %mul3A_174 = arith.muli %add3A_172, %mul3A_173 : i32
      %add3A_175 = arith.addi %mul3A_2, %mul3A_174 : i32
      %jit3A_176 = arith.constant 4096 : i32
      %div3A_177 = arith.divsi %add3A_175, %jit3A_176 : i32
      %sign3A_178 = arith.constant 0 : i32
      %sign3A_179 = arith.cmpi sgt, %add3A_175, %sign3A_178 : i32
      %sign3A_180 = arith.extui %sign3A_179 : i1 to i32
      %sign3A_181 = arith.constant 0 : i32
      %sign3A_182 = arith.cmpi slt, %add3A_175, %sign3A_181 : i32
      %sign3A_183 = arith.extui %sign3A_182 : i1 to i32
      %sign3A_184 = arith.subi %sign3A_180, %sign3A_183 : i32
      %sign3A_185 = arith.constant 0 : i32
      %sign3A_186 = arith.cmpi sgt, %jit3A_176, %sign3A_185 : i32
      %sign3A_187 = arith.extui %sign3A_186 : i1 to i32
      %sign3A_188 = arith.constant 0 : i32
      %sign3A_189 = arith.cmpi slt, %jit3A_176, %sign3A_188 : i32
      %sign3A_190 = arith.extui %sign3A_189 : i1 to i32
      %sign3A_191 = arith.subi %sign3A_187, %sign3A_190 : i32
      %ne3A_192 = arith.cmpi ne, %sign3A_184, %sign3A_191 : i32
      %rem3A_193 = arith.remsi %add3A_175, %jit3A_176 : i32
      %ne3A_194 = arith.constant 0 : i32
      %ne3A_195 = arith.cmpi ne, %rem3A_193, %ne3A_194 : i32
      %and3A_196 = arith.andi %ne3A_192, %ne3A_195 : i1
      %sub3A_197 = arith.constant 1 : i32
      %sub3A_198 = arith.subi %div3A_177, %sub3A_197 : i32
      %select_n3A_199 = arith.select %and3A_196, %sub3A_198, %div3A_177 : i32
      %jit3A_200 = arith.constant 4096 : i32
      %eq3A_201 = arith.constant 0 : i32
      %eq3A_202 = arith.cmpi eq, %jit3A_200, %eq3A_201 : i32
      %jit3A_203 = arith.constant 1 : i32
      %select_n3A_204 = arith.select %eq3A_202, %jit3A_203, %jit3A_200 : i32
      %rem3A_205 = arith.remsi %add3A_175, %select_n3A_204 : i32
      %ne3A_206 = arith.constant 0 : i32
      %ne3A_207 = arith.cmpi ne, %rem3A_205, %ne3A_206 : i32
      %lt3A_208 = arith.constant 0 : i32
      %lt3A_209 = arith.cmpi slt, %rem3A_205, %lt3A_208 : i32
      %lt3A_210 = arith.constant 0 : i32
      %lt3A_211 = arith.cmpi slt, %select_n3A_204, %lt3A_210 : i32
      %ne3A_212 = arith.xori %lt3A_209, %lt3A_211 : i1
      %and3A_213 = arith.andi %ne3A_212, %ne3A_207 : i1
      %add3A_214 = arith.addi %rem3A_205, %select_n3A_204 : i32
      %select_n3A_215 = arith.select %and3A_213, %add3A_214, %rem3A_205 : i32
      %dma_start3A_216 = arith.constant 0 : i32
      %dma_start3A_217 = tpu.memref_slice %arg4[%select_n3A_199, %select_n3A_215, %dma_start3A_216] : memref<10x4096x128xf32, #tpu.memory_space<hbm>> -> memref<1x128x128xf32, #tpu.memory_space<hbm>>
      %dma_start3A_218 = tpu.memref_squeeze %dma_start3A_217 : memref<1x128x128xf32, #tpu.memory_space<hbm>> -> memref<128x128xf32, #tpu.memory_space<hbm>>
      %dma_start3A_219 = arith.constant 0 : i32
      %dma_start3A_220 = tpu.memref_slice %arg4[%select_n3A_199, %select_n3A_215, %dma_start3A_219] : memref<10x4096x128xf32, #tpu.memory_space<hbm>> -> memref<1x128x128xf32, #tpu.memory_space<hbm>>
      %dma_start3A_221 = tpu.memref_squeeze %dma_start3A_220 : memref<1x128x128xf32, #tpu.memory_space<hbm>> -> memref<128x128xf32, #tpu.memory_space<hbm>>
      tpu.enqueue_dma source(%arg7 : memref<128x128xf32, #tpu.memory_space<vmem>>) target(%dma_start3A_221 : memref<128x128xf32, #tpu.memory_space<hbm>>) target_semaphore(%arg11 : memref<!tpu.dma_semaphore, #tpu.memory_space<semaphore_mem>>)
      %scan3A_222 = arith.constant 0 : i32
      scf.yield %scan3A_222 : i32
    }
    %scan3A_8 = arith.constant 5 : i32
    %add3A_9 = arith.constant 1152 : i32
    %add3A_10 = arith.addi %mul3A_2, %add3A_9 : i32
    %jit3A = arith.constant 4096 : i32
    %div3A = arith.divsi %add3A_10, %jit3A : i32
    %sign3A = arith.constant 0 : i32
    %sign3A_11 = arith.cmpi sgt, %add3A_10, %sign3A : i32
    %sign3A_12 = arith.extui %sign3A_11 : i1 to i32
    %sign3A_13 = arith.constant 0 : i32
    %sign3A_14 = arith.cmpi slt, %add3A_10, %sign3A_13 : i32
    %sign3A_15 = arith.extui %sign3A_14 : i1 to i32
    %sign3A_16 = arith.subi %sign3A_12, %sign3A_15 : i32
    %sign3A_17 = arith.constant 0 : i32
    %sign3A_18 = arith.cmpi sgt, %jit3A, %sign3A_17 : i32
    %sign3A_19 = arith.extui %sign3A_18 : i1 to i32
    %sign3A_20 = arith.constant 0 : i32
    %sign3A_21 = arith.cmpi slt, %jit3A, %sign3A_20 : i32
    %sign3A_22 = arith.extui %sign3A_21 : i1 to i32
    %sign3A_23 = arith.subi %sign3A_19, %sign3A_22 : i32
    %ne3A = arith.cmpi ne, %sign3A_16, %sign3A_23 : i32
    %rem3A = arith.remsi %add3A_10, %jit3A : i32
    %ne3A_24 = arith.constant 0 : i32
    %ne3A_25 = arith.cmpi ne, %rem3A, %ne3A_24 : i32
    %and3A = arith.andi %ne3A, %ne3A_25 : i1
    %sub3A = arith.constant 1 : i32
    %sub3A_26 = arith.subi %div3A, %sub3A : i32
    %select_n3A = arith.select %and3A, %sub3A_26, %div3A : i32
    %jit3A_27 = arith.constant 4096 : i32
    %eq3A = arith.constant 0 : i32
    %eq3A_28 = arith.cmpi eq, %jit3A_27, %eq3A : i32
    %jit3A_29 = arith.constant 1 : i32
    %select_n3A_30 = arith.select %eq3A_28, %jit3A_29, %jit3A_27 : i32
    %rem3A_31 = arith.remsi %add3A_10, %select_n3A_30 : i32
    %ne3A_32 = arith.constant 0 : i32
    %ne3A_33 = arith.cmpi ne, %rem3A_31, %ne3A_32 : i32
    %lt3A = arith.constant 0 : i32
    %lt3A_34 = arith.cmpi slt, %rem3A_31, %lt3A : i32
    %lt3A_35 = arith.constant 0 : i32
    %lt3A_36 = arith.cmpi slt, %select_n3A_30, %lt3A_35 : i32
    %ne3A_37 = arith.xori %lt3A_34, %lt3A_36 : i1
    %and3A_38 = arith.andi %ne3A_37, %ne3A_33 : i1
    %add3A_39 = arith.addi %rem3A_31, %select_n3A_30 : i32
    %select_n3A_40 = arith.select %and3A_38, %add3A_39, %rem3A_31 : i32
    %dma_wait3A = arith.constant 0 : i32
    %dma_wait3A_41 = tpu.memref_slice %arg4[%select_n3A, %select_n3A_40, %dma_wait3A] : memref<10x4096x128xf32, #tpu.memory_space<hbm>> -> memref<1x128x128xf32, #tpu.memory_space<hbm>>
    %dma_wait3A_42 = tpu.memref_squeeze %dma_wait3A_41 : memref<1x128x128xf32, #tpu.memory_space<hbm>> -> memref<128x128xf32, #tpu.memory_space<hbm>>
    %dma_wait3A_43 = arith.constant 0 : i32
    %dma_wait3A_44 = tpu.memref_slice %arg4[%select_n3A, %select_n3A_40, %dma_wait3A_43] : memref<10x4096x128xf32, #tpu.memory_space<hbm>> -> memref<1x128x128xf32, #tpu.memory_space<hbm>>
    %dma_wait3A_45 = tpu.memref_squeeze %dma_wait3A_44 : memref<1x128x128xf32, #tpu.memory_space<hbm>> -> memref<128x128xf32, #tpu.memory_space<hbm>>
    tpu.wait_dma2 semaphore(%arg11 : memref<!tpu.dma_semaphore, #tpu.memory_space<semaphore_mem>>) src(%arg7 : memref<128x128xf32, #tpu.memory_space<vmem>>) dst(%dma_wait3A_45 : memref<128x128xf32, #tpu.memory_space<hbm>>)
    return
  }
}

module attributes {stable_mosaic.version = 14 : i64} {
  func.func @_lstm_body(%arg0: i32, %arg1: memref<1x4096x128xf32, #tpu.memory_space<vmem>>, %arg2: memref<128x512xbf16, #tpu.memory_space<vmem>>, %arg3: memref<128x512xbf16, #tpu.memory_space<vmem>>, %arg4: memref<4096x128xf32, #tpu.memory_space<vmem>>, %arg5: memref<4096x128xf32, #tpu.memory_space<vmem>>, %arg6: memref<4096x128xf32, #tpu.memory_space<vmem>>, %arg7: memref<4096x128xf32, #tpu.memory_space<vmem>>, %arg8: memref<4096x128xbf16, #tpu.memory_space<vmem>>, %arg9: memref<4096x128xf32, #tpu.memory_space<vmem>>) attributes {dimension_semantics = [#tpu.dimension_semantics<arbitrary>], iteration_bounds = array<i64: 10>, scalar_prefetch = 0 : i64, scratch_operands = 2 : i64, tpu.core_type = #tpu.core_type<tc>, window_params = [{transform_indices = @transform_0, window_bounds = array<i64: 1, 4096, 128>}, {pipeline_mode = #tpu.pipeline_mode<synchronous>, transform_indices = @transform_1, window_bounds = array<i64: 128, 512>}, {pipeline_mode = #tpu.pipeline_mode<synchronous>, transform_indices = @transform_2, window_bounds = array<i64: 128, 512>}, {pipeline_mode = #tpu.pipeline_mode<synchronous>, transform_indices = @transform_3, window_bounds = array<i64: 4096, 128>}, {pipeline_mode = #tpu.pipeline_mode<synchronous>, transform_indices = @transform_4, window_bounds = array<i64: 4096, 128>}, {pipeline_mode = #tpu.pipeline_mode<synchronous>, transform_indices = @transform_5, window_bounds = array<i64: 4096, 128>}, {pipeline_mode = #tpu.pipeline_mode<synchronous>, transform_indices = @transform_6, window_bounds = array<i64: 4096, 128>}]} {
    %eq3A = arith.constant 0 : i32
    %eq3A_0 = arith.cmpi eq, %arg0, %eq3A : i32
    %convert_element_type3A = arith.extui %eq3A_0 : i1 to i32
    %cond3A = arith.constant 0 : i32
    %cond3A_1 = arith.cmpi ne, %convert_element_type3A, %cond3A : i32
    scf.if %cond3A_1 {
      %get3A_61 = arith.constant 0 : index
      %get3A_62 = arith.constant 0 : index
      %get3A_63 = vector.load %arg4[%get3A_61, %get3A_62] : memref<4096x128xf32, #tpu.memory_space<vmem>>, vector<4096x128xf32>
      %convert_element_type3A_64 = arith.truncf %get3A_63 : vector<4096x128xf32> to vector<4096x128xbf16>
      %swap3A_65 = arith.constant 0 : index
      %swap3A_66 = arith.constant 0 : index
      %swap3A_67 = vector.load %arg8[%swap3A_65, %swap3A_66] : memref<4096x128xbf16, #tpu.memory_space<vmem>>, vector<4096x128xbf16>
      tpu.vector_store %arg8[%swap3A_65, %swap3A_66], %convert_element_type3A_64 {strides = array<i32>} : memref<4096x128xbf16, #tpu.memory_space<vmem>>, vector<4096x128xbf16>,
      %get3A_68 = arith.constant 0 : index
      %get3A_69 = arith.constant 0 : index
      %get3A_70 = vector.load %arg5[%get3A_68, %get3A_69] : memref<4096x128xf32, #tpu.memory_space<vmem>>, vector<4096x128xf32>
      %swap3A_71 = arith.constant 0 : index
      %swap3A_72 = arith.constant 0 : index
      %swap3A_73 = vector.load %arg9[%swap3A_71, %swap3A_72] : memref<4096x128xf32, #tpu.memory_space<vmem>>, vector<4096x128xf32>
      tpu.vector_store %arg9[%swap3A_71, %swap3A_72], %get3A_70 {strides = array<i32>} : memref<4096x128xf32, #tpu.memory_space<vmem>>, vector<4096x128xf32>,
    } else {
    }
    %get3A = arith.constant 0 : index
    %get3A_2 = arith.constant 0 : index
    %get3A_3 = arith.constant 0 : index
    %get3A_4 = vector.load %arg1[%get3A, %get3A_2, %get3A_3] : memref<1x4096x128xf32, #tpu.memory_space<vmem>>, vector<1x4096x128xf32>
    %get3A_5 = vector.shape_cast %get3A_4 : vector<1x4096x128xf32> to vector<4096x128xf32>
    %convert_element_type3A_6 = arith.truncf %get3A_5 : vector<4096x128xf32> to vector<4096x128xbf16>
    %get3A_7 = arith.constant 0 : index
    %get3A_8 = arith.constant 0 : index
    %get3A_9 = vector.load %arg8[%get3A_7, %get3A_8] : memref<4096x128xbf16, #tpu.memory_space<vmem>>, vector<4096x128xbf16>
    %get3A_10 = arith.constant 0 : index
    %get3A_11 = arith.constant 0 : index
    %get3A_12 = vector.load %arg2[%get3A_10, %get3A_11] : memref<128x512xbf16, #tpu.memory_space<vmem>>, vector<128x512xbf16>
    %dot_general3A = arith.constant dense<0.000000e+00> : vector<4096x512xf32>
    %dot_general3A_13 = tpu.matmul %convert_element_type3A_6, %get3A_12, %dot_general3A {dimension_numbers = #tpu.dot_dimension_numbers<[1], [0], [0], [1], [0, 0, 1, 1], [], []>, transpose_lhs_hint = false} : vector<4096x128xbf16>, vector<128x512xbf16>, vector<4096x512xf32> -> vector<4096x512xf32>
    %get3A_14 = arith.constant 0 : index
    %get3A_15 = arith.constant 0 : index
    %get3A_16 = vector.load %arg3[%get3A_14, %get3A_15] : memref<128x512xbf16, #tpu.memory_space<vmem>>, vector<128x512xbf16>
    %dot_general3A_17 = arith.constant dense<0.000000e+00> : vector<4096x512xf32>
    %dot_general3A_18 = tpu.matmul %get3A_9, %get3A_16, %dot_general3A_17 {dimension_numbers = #tpu.dot_dimension_numbers<[1], [0], [0], [1], [0, 0, 1, 1], [], []>, transpose_lhs_hint = false} : vector<4096x128xbf16>, vector<128x512xbf16>, vector<4096x512xf32> -> vector<4096x512xf32>
    %add3A = arith.addf %dot_general3A_13, %dot_general3A_18 : vector<4096x512xf32>
    %slice3A = vector.extract_strided_slice %add3A {offsets = [0, 0], sizes = [4096, 128], strides = [1, 1]} : vector<4096x512xf32> to vector<4096x128xf32>
    %tanh3A = math.tanh %slice3A : vector<4096x128xf32>
    %mul3A = arith.constant 5.000000e-01 : f32
    %mul3A_19 = vector.broadcast %mul3A : f32 to vector<4096x128xf32>
    %mul3A_20 = arith.mulf %mul3A_19, %tanh3A : vector<4096x128xf32>
    %add3A_21 = arith.constant 5.000000e-01 : f32
    %add3A_22 = vector.broadcast %add3A_21 : f32 to vector<4096x128xf32>
    %add3A_23 = arith.addf %add3A_22, %mul3A_20 : vector<4096x128xf32>
    %slice3A_24 = vector.extract_strided_slice %add3A {offsets = [0, 128], sizes = [4096, 128], strides = [1, 1]} : vector<4096x512xf32> to vector<4096x128xf32>
    %tanh3A_25 = math.tanh %slice3A_24 : vector<4096x128xf32>
    %mul3A_26 = arith.constant 5.000000e-01 : f32
    %mul3A_27 = vector.broadcast %mul3A_26 : f32 to vector<4096x128xf32>
    %mul3A_28 = arith.mulf %mul3A_27, %tanh3A_25 : vector<4096x128xf32>
    %add3A_29 = arith.constant 5.000000e-01 : f32
    %add3A_30 = vector.broadcast %add3A_29 : f32 to vector<4096x128xf32>
    %add3A_31 = arith.addf %add3A_30, %mul3A_28 : vector<4096x128xf32>
    %slice3A_32 = vector.extract_strided_slice %add3A {offsets = [0, 256], sizes = [4096, 128], strides = [1, 1]} : vector<4096x512xf32> to vector<4096x128xf32>
    %tanh3A_33 = math.tanh %slice3A_32 : vector<4096x128xf32>
    %slice3A_34 = vector.extract_strided_slice %add3A {offsets = [0, 384], sizes = [4096, 128], strides = [1, 1]} : vector<4096x512xf32> to vector<4096x128xf32>
    %tanh3A_35 = math.tanh %slice3A_34 : vector<4096x128xf32>
    %mul3A_36 = arith.constant 5.000000e-01 : f32
    %mul3A_37 = vector.broadcast %mul3A_36 : f32 to vector<4096x128xf32>
    %mul3A_38 = arith.mulf %mul3A_37, %tanh3A_35 : vector<4096x128xf32>
    %add3A_39 = arith.constant 5.000000e-01 : f32
    %add3A_40 = vector.broadcast %add3A_39 : f32 to vector<4096x128xf32>
    %add3A_41 = arith.addf %add3A_40, %mul3A_38 : vector<4096x128xf32>
    %get3A_42 = arith.constant 0 : index
    %get3A_43 = arith.constant 0 : index
    %get3A_44 = vector.load %arg9[%get3A_42, %get3A_43] : memref<4096x128xf32, #tpu.memory_space<vmem>>, vector<4096x128xf32>
    %mul3A_45 = arith.mulf %add3A_31, %get3A_44 : vector<4096x128xf32>
    %mul3A_46 = arith.mulf %add3A_23, %tanh3A_33 : vector<4096x128xf32>
    %add3A_47 = arith.addf %mul3A_45, %mul3A_46 : vector<4096x128xf32>
    %tanh3A_48 = math.tanh %add3A_47 : vector<4096x128xf32>
    %mul3A_49 = arith.mulf %add3A_41, %tanh3A_48 : vector<4096x128xf32>
    %swap3A = arith.constant 0 : index
    %swap3A_50 = arith.constant 0 : index
    %swap3A_51 = vector.load %arg9[%swap3A, %swap3A_50] : memref<4096x128xf32, #tpu.memory_space<vmem>>, vector<4096x128xf32>
    tpu.vector_store %arg9[%swap3A, %swap3A_50], %add3A_47 {strides = array<i32>} : memref<4096x128xf32, #tpu.memory_space<vmem>>, vector<4096x128xf32>,
    %convert_element_type3A_52 = arith.truncf %mul3A_49 : vector<4096x128xf32> to vector<4096x128xbf16>
    %swap3A_53 = arith.constant 0 : index
    %swap3A_54 = arith.constant 0 : index
    %swap3A_55 = vector.load %arg8[%swap3A_53, %swap3A_54] : memref<4096x128xbf16, #tpu.memory_space<vmem>>, vector<4096x128xbf16>
    tpu.vector_store %arg8[%swap3A_53, %swap3A_54], %convert_element_type3A_52 {strides = array<i32>} : memref<4096x128xbf16, #tpu.memory_space<vmem>>, vector<4096x128xbf16>,
    %eq3A_56 = arith.constant 9 : i32
    %eq3A_57 = arith.cmpi eq, %arg0, %eq3A_56 : i32
    %convert_element_type3A_58 = arith.extui %eq3A_57 : i1 to i32
    %cond3A_59 = arith.constant 0 : i32
    %cond3A_60 = arith.cmpi ne, %convert_element_type3A_58, %cond3A_59 : i32
    scf.if %cond3A_60 {
      %swap3A_61 = arith.constant 0 : index
      %swap3A_62 = arith.constant 0 : index
      %swap3A_63 = vector.load %arg6[%swap3A_61, %swap3A_62] : memref<4096x128xf32, #tpu.memory_space<vmem>>, vector<4096x128xf32>
      tpu.vector_store %arg6[%swap3A_61, %swap3A_62], %mul3A_49 {strides = array<i32>} : memref<4096x128xf32, #tpu.memory_space<vmem>>, vector<4096x128xf32>,
      %swap3A_64 = arith.constant 0 : index
      %swap3A_65 = arith.constant 0 : index
      %swap3A_66 = vector.load %arg7[%swap3A_64, %swap3A_65] : memref<4096x128xf32, #tpu.memory_space<vmem>>, vector<4096x128xf32>
      tpu.vector_store %arg7[%swap3A_64, %swap3A_65], %add3A_47 {strides = array<i32>} : memref<4096x128xf32, #tpu.memory_space<vmem>>, vector<4096x128xf32>,
    } else {
    }
    return
  }
  func.func @transform_0(%arg0: i32) -> (i32, i32, i32) {
    %c0_i32 = arith.constant 0 : i32
    %c0_i32_0 = arith.constant 0 : i32
    %c0_i32_1 = arith.constant 0 : i32
    return %arg0, %c0_i32, %c0_i32_0 : i32, i32, i32
  }
  func.func @transform_1(%arg0: i32) -> (i32, i32) {
    %c0_i32 = arith.constant 0 : i32
    %c0_i32_0 = arith.constant 0 : i32
    %c0_i32_1 = arith.constant 0 : i32
    return %c0_i32, %c0_i32_0 : i32, i32
  }
  func.func @transform_2(%arg0: i32) -> (i32, i32) {
    %c0_i32 = arith.constant 0 : i32
    %c0_i32_0 = arith.constant 0 : i32
    %c0_i32_1 = arith.constant 0 : i32
    return %c0_i32, %c0_i32_0 : i32, i32
  }
  func.func @transform_3(%arg0: i32) -> (i32, i32) {
    %c0_i32 = arith.constant 0 : i32
    %c0_i32_0 = arith.constant 0 : i32
    %c0_i32_1 = arith.constant 0 : i32
    return %c0_i32, %c0_i32_0 : i32, i32
  }
  func.func @transform_4(%arg0: i32) -> (i32, i32) {
    %c0_i32 = arith.constant 0 : i32
    %c0_i32_0 = arith.constant 0 : i32
    %c0_i32_1 = arith.constant 0 : i32
    return %c0_i32, %c0_i32_0 : i32, i32
  }
  func.func @transform_5(%arg0: i32) -> (i32, i32) {
    %c0_i32 = arith.constant 0 : i32
    %c0_i32_0 = arith.constant 0 : i32
    %c0_i32_1 = arith.constant 0 : i32
    return %c0_i32, %c0_i32_0 : i32, i32
  }
  func.func @transform_6(%arg0: i32) -> (i32, i32) {
    %c0_i32 = arith.constant 0 : i32
    %c0_i32_0 = arith.constant 0 : i32
    %c0_i32_1 = arith.constant 0 : i32
    return %c0_i32, %c0_i32_0 : i32, i32
  }
}

module attributes {stable_mosaic.version = 14 : i64} {
  func.func @_lstm_body(%arg0: i32, %arg1: memref<1x4096x128xf32, #tpu.memory_space<vmem>>, %arg2: memref<128x512xbf16, #tpu.memory_space<vmem>>, %arg3: memref<128x512xbf16, #tpu.memory_space<vmem>>, %arg4: memref<4096x128xf32, #tpu.memory_space<vmem>>, %arg5: memref<4096x128xf32, #tpu.memory_space<vmem>>, %arg6: memref<4096x128xf32, #tpu.memory_space<vmem>>, %arg7: memref<4096x128xf32, #tpu.memory_space<vmem>>, %arg8: memref<4096x128xbf16, #tpu.memory_space<vmem>>, %arg9: memref<4096x128xf32, #tpu.memory_space<vmem>>) attributes {dimension_semantics = [#tpu.dimension_semantics<arbitrary>], iteration_bounds = array<i64: 10>, scalar_prefetch = 0 : i64, scratch_operands = 2 : i64, tpu.core_type = #tpu.core_type<tc>, window_params = [{transform_indices = @transform_0, window_bounds = array<i64: 1, 4096, 128>}, {pipeline_mode = #tpu.pipeline_mode<synchronous>, transform_indices = @transform_1, window_bounds = array<i64: 128, 512>}, {pipeline_mode = #tpu.pipeline_mode<synchronous>, transform_indices = @transform_2, window_bounds = array<i64: 128, 512>}, {pipeline_mode = #tpu.pipeline_mode<synchronous>, transform_indices = @transform_3, window_bounds = array<i64: 4096, 128>}, {pipeline_mode = #tpu.pipeline_mode<synchronous>, transform_indices = @transform_4, window_bounds = array<i64: 4096, 128>}, {pipeline_mode = #tpu.pipeline_mode<synchronous>, transform_indices = @transform_5, window_bounds = array<i64: 4096, 128>}, {pipeline_mode = #tpu.pipeline_mode<synchronous>, transform_indices = @transform_6, window_bounds = array<i64: 4096, 128>}]} {
    %eq3A = arith.constant 0 : i32
    %eq3A_0 = arith.cmpi eq, %arg0, %eq3A : i32
    %convert_element_type3A = arith.extui %eq3A_0 : i1 to i32
    %cond3A = arith.constant 0 : i32
    %cond3A_1 = arith.cmpi ne, %convert_element_type3A, %cond3A : i32
    scf.if %cond3A_1 {
      %get3A_61 = arith.constant 0 : index
      %get3A_62 = arith.constant 0 : index
      %get3A_63 = vector.load %arg4[%get3A_61, %get3A_62] : memref<4096x128xf32, #tpu.memory_space<vmem>>, vector<4096x128xf32>
      %convert_element_type3A_64 = arith.truncf %get3A_63 : vector<4096x128xf32> to vector<4096x128xbf16>
      %swap3A_65 = arith.constant 0 : index
      %swap3A_66 = arith.constant 0 : index
      %swap3A_67 = vector.load %arg8[%swap3A_65, %swap3A_66] : memref<4096x128xbf16, #tpu.memory_space<vmem>>, vector<4096x128xbf16>
      tpu.vector_store %arg8[%swap3A_65, %swap3A_66], %convert_element_type3A_64 {strides = array<i32>} : memref<4096x128xbf16, #tpu.memory_space<vmem>>, vector<4096x128xbf16>,
      %get3A_68 = arith.constant 0 : index
      %get3A_69 = arith.constant 0 : index
      %get3A_70 = vector.load %arg5[%get3A_68, %get3A_69] : memref<4096x128xf32, #tpu.memory_space<vmem>>, vector<4096x128xf32>
      %swap3A_71 = arith.constant 0 : index
      %swap3A_72 = arith.constant 0 : index
      %swap3A_73 = vector.load %arg9[%swap3A_71, %swap3A_72] : memref<4096x128xf32, #tpu.memory_space<vmem>>, vector<4096x128xf32>
      tpu.vector_store %arg9[%swap3A_71, %swap3A_72], %get3A_70 {strides = array<i32>} : memref<4096x128xf32, #tpu.memory_space<vmem>>, vector<4096x128xf32>,
    } else {
    }
    %get3A = arith.constant 0 : index
    %get3A_2 = arith.constant 0 : index
    %get3A_3 = arith.constant 0 : index
    %get3A_4 = vector.load %arg1[%get3A, %get3A_2, %get3A_3] : memref<1x4096x128xf32, #tpu.memory_space<vmem>>, vector<1x4096x128xf32>
    %get3A_5 = vector.shape_cast %get3A_4 : vector<1x4096x128xf32> to vector<4096x128xf32>
    %convert_element_type3A_6 = arith.truncf %get3A_5 : vector<4096x128xf32> to vector<4096x128xbf16>
    %get3A_7 = arith.constant 0 : index
    %get3A_8 = arith.constant 0 : index
    %get3A_9 = vector.load %arg8[%get3A_7, %get3A_8] : memref<4096x128xbf16, #tpu.memory_space<vmem>>, vector<4096x128xbf16>
    %get3A_10 = arith.constant 0 : index
    %get3A_11 = arith.constant 0 : index
    %get3A_12 = vector.load %arg2[%get3A_10, %get3A_11] : memref<128x512xbf16, #tpu.memory_space<vmem>>, vector<128x512xbf16>
    %dot_general3A = arith.constant dense<0.000000e+00> : vector<4096x512xf32>
    %dot_general3A_13 = tpu.matmul %convert_element_type3A_6, %get3A_12, %dot_general3A {dimension_numbers = #tpu.dot_dimension_numbers<[1], [0], [0], [1], [0, 0, 1, 1], [], []>, transpose_lhs_hint = false} : vector<4096x128xbf16>, vector<128x512xbf16>, vector<4096x512xf32> -> vector<4096x512xf32>
    %get3A_14 = arith.constant 0 : index
    %get3A_15 = arith.constant 0 : index
    %get3A_16 = vector.load %arg3[%get3A_14, %get3A_15] : memref<128x512xbf16, #tpu.memory_space<vmem>>, vector<128x512xbf16>
    %dot_general3A_17 = arith.constant dense<0.000000e+00> : vector<4096x512xf32>
    %dot_general3A_18 = tpu.matmul %get3A_9, %get3A_16, %dot_general3A_17 {dimension_numbers = #tpu.dot_dimension_numbers<[1], [0], [0], [1], [0, 0, 1, 1], [], []>, transpose_lhs_hint = false} : vector<4096x128xbf16>, vector<128x512xbf16>, vector<4096x512xf32> -> vector<4096x512xf32>
    %add3A = arith.addf %dot_general3A_13, %dot_general3A_18 : vector<4096x512xf32>
    %slice3A = vector.extract_strided_slice %add3A {offsets = [0, 0], sizes = [4096, 128], strides = [1, 1]} : vector<4096x512xf32> to vector<4096x128xf32>
    %tanh3A = math.tanh %slice3A : vector<4096x128xf32>
    %mul3A = arith.constant 5.000000e-01 : f32
    %mul3A_19 = vector.broadcast %mul3A : f32 to vector<4096x128xf32>
    %mul3A_20 = arith.mulf %mul3A_19, %tanh3A : vector<4096x128xf32>
    %add3A_21 = arith.constant 5.000000e-01 : f32
    %add3A_22 = vector.broadcast %add3A_21 : f32 to vector<4096x128xf32>
    %add3A_23 = arith.addf %add3A_22, %mul3A_20 : vector<4096x128xf32>
    %slice3A_24 = vector.extract_strided_slice %add3A {offsets = [0, 128], sizes = [4096, 128], strides = [1, 1]} : vector<4096x512xf32> to vector<4096x128xf32>
    %tanh3A_25 = math.tanh %slice3A_24 : vector<4096x128xf32>
    %mul3A_26 = arith.constant 5.000000e-01 : f32
    %mul3A_27 = vector.broadcast %mul3A_26 : f32 to vector<4096x128xf32>
    %mul3A_28 = arith.mulf %mul3A_27, %tanh3A_25 : vector<4096x128xf32>
    %add3A_29 = arith.constant 5.000000e-01 : f32
    %add3A_30 = vector.broadcast %add3A_29 : f32 to vector<4096x128xf32>
    %add3A_31 = arith.addf %add3A_30, %mul3A_28 : vector<4096x128xf32>
    %slice3A_32 = vector.extract_strided_slice %add3A {offsets = [0, 256], sizes = [4096, 128], strides = [1, 1]} : vector<4096x512xf32> to vector<4096x128xf32>
    %tanh3A_33 = math.tanh %slice3A_32 : vector<4096x128xf32>
    %slice3A_34 = vector.extract_strided_slice %add3A {offsets = [0, 384], sizes = [4096, 128], strides = [1, 1]} : vector<4096x512xf32> to vector<4096x128xf32>
    %tanh3A_35 = math.tanh %slice3A_34 : vector<4096x128xf32>
    %mul3A_36 = arith.constant 5.000000e-01 : f32
    %mul3A_37 = vector.broadcast %mul3A_36 : f32 to vector<4096x128xf32>
    %mul3A_38 = arith.mulf %mul3A_37, %tanh3A_35 : vector<4096x128xf32>
    %add3A_39 = arith.constant 5.000000e-01 : f32
    %add3A_40 = vector.broadcast %add3A_39 : f32 to vector<4096x128xf32>
    %add3A_41 = arith.addf %add3A_40, %mul3A_38 : vector<4096x128xf32>
    %get3A_42 = arith.constant 0 : index
    %get3A_43 = arith.constant 0 : index
    %get3A_44 = vector.load %arg9[%get3A_42, %get3A_43] : memref<4096x128xf32, #tpu.memory_space<vmem>>, vector<4096x128xf32>
    %mul3A_45 = arith.mulf %add3A_31, %get3A_44 : vector<4096x128xf32>
    %mul3A_46 = arith.mulf %add3A_23, %tanh3A_33 : vector<4096x128xf32>
    %add3A_47 = arith.addf %mul3A_45, %mul3A_46 : vector<4096x128xf32>
    %tanh3A_48 = math.tanh %add3A_47 : vector<4096x128xf32>
    %mul3A_49 = arith.mulf %add3A_41, %tanh3A_48 : vector<4096x128xf32>
    %swap3A = arith.constant 0 : index
    %swap3A_50 = arith.constant 0 : index
    %swap3A_51 = vector.load %arg9[%swap3A, %swap3A_50] : memref<4096x128xf32, #tpu.memory_space<vmem>>, vector<4096x128xf32>
    tpu.vector_store %arg9[%swap3A, %swap3A_50], %add3A_47 {strides = array<i32>} : memref<4096x128xf32, #tpu.memory_space<vmem>>, vector<4096x128xf32>,
    %convert_element_type3A_52 = arith.truncf %mul3A_49 : vector<4096x128xf32> to vector<4096x128xbf16>
    %swap3A_53 = arith.constant 0 : index
    %swap3A_54 = arith.constant 0 : index
    %swap3A_55 = vector.load %arg8[%swap3A_53, %swap3A_54] : memref<4096x128xbf16, #tpu.memory_space<vmem>>, vector<4096x128xbf16>
    tpu.vector_store %arg8[%swap3A_53, %swap3A_54], %convert_element_type3A_52 {strides = array<i32>} : memref<4096x128xbf16, #tpu.memory_space<vmem>>, vector<4096x128xbf16>,
    %eq3A_56 = arith.constant 9 : i32
    %eq3A_57 = arith.cmpi eq, %arg0, %eq3A_56 : i32
    %convert_element_type3A_58 = arith.extui %eq3A_57 : i1 to i32
    %cond3A_59 = arith.constant 0 : i32
    %cond3A_60 = arith.cmpi ne, %convert_element_type3A_58, %cond3A_59 : i32
    scf.if %cond3A_60 {
      %swap3A_61 = arith.constant 0 : index
      %swap3A_62 = arith.constant 0 : index
      %swap3A_63 = vector.load %arg6[%swap3A_61, %swap3A_62] : memref<4096x128xf32, #tpu.memory_space<vmem>>, vector<4096x128xf32>
      tpu.vector_store %arg6[%swap3A_61, %swap3A_62], %mul3A_49 {strides = array<i32>} : memref<4096x128xf32, #tpu.memory_space<vmem>>, vector<4096x128xf32>,
      %swap3A_64 = arith.constant 0 : index
      %swap3A_65 = arith.constant 0 : index
      %swap3A_66 = vector.load %arg7[%swap3A_64, %swap3A_65] : memref<4096x128xf32, #tpu.memory_space<vmem>>, vector<4096x128xf32>
      tpu.vector_store %arg7[%swap3A_64, %swap3A_65], %add3A_47 {strides = array<i32>} : memref<4096x128xf32, #tpu.memory_space<vmem>>, vector<4096x128xf32>,
    } else {
    }
    return
  }
  func.func @transform_0(%arg0: i32) -> (i32, i32, i32) {
    %c0_i32 = arith.constant 0 : i32
    %c0_i32_0 = arith.constant 0 : i32
    %c0_i32_1 = arith.constant 0 : i32
    return %arg0, %c0_i32, %c0_i32_0 : i32, i32, i32
  }
  func.func @transform_1(%arg0: i32) -> (i32, i32) {
    %c0_i32 = arith.constant 0 : i32
    %c0_i32_0 = arith.constant 0 : i32
    %c0_i32_1 = arith.constant 0 : i32
    return %c0_i32, %c0_i32_0 : i32, i32
  }
  func.func @transform_2(%arg0: i32) -> (i32, i32) {
    %c0_i32 = arith.constant 0 : i32
    %c0_i32_0 = arith.constant 0 : i32
    %c0_i32_1 = arith.constant 0 : i32
    return %c0_i32, %c0_i32_0 : i32, i32
  }
  func.func @transform_3(%arg0: i32) -> (i32, i32) {
    %c0_i32 = arith.constant 0 : i32
    %c0_i32_0 = arith.constant 0 : i32
    %c0_i32_1 = arith.constant 0 : i32
    return %c0_i32, %c0_i32_0 : i32, i32
  }
  func.func @transform_4(%arg0: i32) -> (i32, i32) {
    %c0_i32 = arith.constant 0 : i32
    %c0_i32_0 = arith.constant 0 : i32
    %c0_i32_1 = arith.constant 0 : i32
    return %c0_i32, %c0_i32_0 : i32, i32
  }
  func.func @transform_5(%arg0: i32) -> (i32, i32) {
    %c0_i32 = arith.constant 0 : i32
    %c0_i32_0 = arith.constant 0 : i32
    %c0_i32_1 = arith.constant 0 : i32
    return %c0_i32, %c0_i32_0 : i32, i32
  }
  func.func @transform_6(%arg0: i32) -> (i32, i32) {
    %c0_i32 = arith.constant 0 : i32
    %c0_i32_0 = arith.constant 0 : i32
    %c0_i32_1 = arith.constant 0 : i32
    return %c0_i32, %c0_i32_0 : i32, i32
  }
}

</mosaic_0001>

<sc_bundles>
// kernel: kernel.12.cloned.1.call-start
scs
__scs_entry_jumppad:
0x0: {  	(pc) =	sbr.rel $0x88, $3  }
0x1: {  	(tag) =	ssettag $0x0;
	lr =	simm.s32 $0x1  }
0x2: {  	[smem:$0x3F9B] =	sst lr;
	_ =	strace $0xD0000000  }
0x3: {  	_ = 	snop  }
0x4: {  	_ = 	snop  }
0x5: {  	_ = 	snop  }
0x6: {  	_ = 	snop  }
0x7: {  	_ = 	snop  }
__scs_overlays_trampoline_lowered:
0x8: {  	[smem:$0x3FAA] =	sst s0  }
0x9: {  	[smem:$0x3FAB] =	sst s1  }
0xa: {  	[smem:$0x3FAC] =	sst s2  }
0xb: {  	[smem:$0x3FAD] =	sst s3  }
0xc: {  	[smem:$0x3FAE] =	sst s4  }
0xd: {  	[smem:$0x3FAF] =	sst s5  }
0xe: {  	[smem:$0x3FB0] =	sst s6  }
0xf: {  	[smem:$0x3FB1] =	sst s7  }
0x10: {  	[smem:$0x3FB2] =	sst s8  }
0x11: {  	[smem:$0x3FB3] =	sst s9;
	s0 =	simm.s32 @!p0 $0x0  }
0x12: {  	s1 =	sld [smem:$0x3F99];
	s0 =	simm.s32 @p0 $0x1  }
0x13: {  	[smem:$0x3FB4] =	sst s0;
	s0 =	simm.s32 @!p1 $0x0  }
0x14: {  	s2 =	sld [smem:$0x3F98];
	s0 =	simm.s32 @p1 $0x1  }
0x15: {  	[smem:$0x3FB5] =	sst s0;
	s0 =	simm.s32 @!p2 $0x0  }
0x16: {  	s3 =	sld [smem:$0x3FDB];
	s0 =	simm.s32 @p2 $0x1  }
0x17: {  	s4 =	simm.s32 $0x1BF5;
	[smem:$0x3FB7] =	sst s0  }
0x18: {  	s0 =	sld [smem:$0x3F9A];
	_ =	swait.ge [sflag:s4], $0x0  }
0x19: {  	s7 =	sld [smem:$0x3F9B]  }
0x1a: {  	s8 =	sadd.s32 $0xFFFFE003, lr  }
0x1b: {  	s9 =	sadd.s32 $0xFFFFFEF7, lr;
	s5 =	simm.s32 $0xFFFFFFFF;
	p2 =	slt.u32 s8, $0xFFFFF086  }
0x1c: {  	p1 =	slt.u32 s9, $0xF7A;
	s5 =	simm.s32 @!p2 $0x0  }
0x1d: {  	s5 =	simm.s32 @p1 $0x1;
	p0 =	seq.s32 s7, s2  }
0x1e: {  	s7 =	smul.u32 @!p0 $0xF7A, s2;
	p2 =	seq.s32 @!p0 s5, $0x0  }
0x1f: {  	s9 =	smul.u32 $0xF7A, s1;
	s8 =	simm.s32 @!p0 $0x1BF5;
	p2 =	por !p2, p0  }
0x20: {  	[sflag:s8] =	ssyncset.s32 @!p0 $0xFFFFF086;
	s6 =	sadd.s32 @!p0 s3, s7;
	s7 =	simm.s32 @!p0 $0x108  }
0x21: {  	s3 =	sadd.s32 s3, s9;
	s6 =	sadd.s32 @!p0 $0x88, s6;
	s7 =	simm.s32 @p2 $0x1082  }
0x22: {  	[simem:s7], [sflag:s8] =	dma.local @!p0 [hbm:s6], $0xF7A  }
0x23: {  	s9 =	sor.u32 $0xD0000000, s2;
	s6 =	simm.s32 $0x108;
	_ =	swait.ge @!p0 [sflag:s8], $0x0  }
0x24: {  	s3 =	sadd.s32 $0x88, s3;
	s6 =	simm.s32 @!p1 $0x1082;
	[sflag:s4] =	ssyncset.s32 $0xFFFFF086  }
0x25: {  	[simem:s6], [sflag:s4] =	dma.local [hbm:s3], $0xF7A  }
0x26: {  	[smem:$0x3F9B] =	sst s1;
	(tag) =	ssettag s2;
	_ =	strace s9  }
0x27: {  	s1 =	sld [smem:$0x3FAB]  }
0x28: {  	s2 =	sld [smem:$0x3FAC]  }
0x29: {  	s4 =	sld [smem:$0x3FAE]  }
0x2a: {  	p0 =	seq.s32 s5, $0x0;
	s5 =	sld [smem:$0x3FAF]  }
0x2b: {  	s6 =	sld [smem:$0x3FB0]  }
0x2c: {  	s7 =	sld [smem:$0x3FB1]  }
0x2d: {  	s3 =	simm.s32 $0x108;
	s8 =	sld [smem:$0x3FB2]  }
0x2e: {  	s3 =	simm.s32 @!p0 $0x1082;
	s9 =	sld [smem:$0x3FB3]  }
0x2f: {  	lr =	sadd.s32 s0, s3;
	s0 =	sld [smem:$0x3FAA]  }
0x30: {  	s3 =	sld [smem:$0x3FAD]  }
0x31: {  	[smem:$0x3FB6] =	sst s10  }
0x32: {  	s10 =	sld [smem:$0x3FB4];
	_ =	sdelay $0x3  }
0x33: {  	p0 =	seq.s32 s10, $0x1;
	s10 =	sld [smem:$0x3FB6];
	_ =	sdelay $0x3  }
0x34: {  	[smem:$0x3FB6] =	sst s10  }
0x35: {  	s10 =	sld [smem:$0x3FB5];
	_ =	sdelay $0x3  }
0x36: {  	p1 =	seq.s32 s10, $0x1;
	s10 =	sld [smem:$0x3FB6];
	_ =	sdelay $0x3  }
0x37: {  	[smem:$0x3FB6] =	sst s10  }
0x38: {  	s10 =	sld [smem:$0x3FB7]  }
0x39: {  	_ = 	snop;
	(pc) =	sbr.ind lr, $3  }
0x3a: {  	_ = 	snop  }
0x3b: {  	_ = 	snop  }
0x3c: {  	p2 =	seq.s32 s10, $0x1;
	s10 =	sld [smem:$0x3FB6]  }
0x3d: {  	_ =	shalt  }
0x3e: {  	_ =	shalt  }
0x3f: {  	_ =	shalt  }
0x40: {  	_ =	shalt  }
0x41: {  	_ =	shalt  }
0x42: {  	_ =	shalt  }
0x43: {  	_ =	shalt  }
0x44: {  	_ =	shalt  }
0x45: {  	_ =	shalt  }
0x46: {  	_ =	shalt  }
0x47: {  	_ =	shalt  }
0x48: {  	_ =	shalt  }
0x49: {  	_ =	shalt  }
0x4a: {  	_ =	shalt  }
0x4b: {  	_ =	shalt  }
0x4c: {  	_ =	shalt  }
0x4d: {  	_ =	shalt  }
0x4e: {  	_ =	shalt  }
0x4f: {  	_ =	shalt  }
0x50: {  	_ =	shalt  }
0x51: {  	_ =	shalt  }
0x52: {  	_ =	shalt  }
0x53: {  	_ =	shalt  }
0x54: {  	_ =	shalt  }
0x55: {  	_ =	shalt  }
0x56: {  	_ =	shalt  }
0x57: {  	_ =	shalt  }
0x58: {  	_ =	shalt  }
0x59: {  	_ =	shalt  }
0x5a: {  	_ =	shalt  }
0x5b: {  	_ =	shalt  }
0x5c: {  	_ =	shalt  }
0x5d: {  	_ =	shalt  }
0x5e: {  	_ =	shalt  }
0x5f: {  	_ =	shalt  }
0x60: {  	_ =	shalt  }
0x61: {  	_ =	shalt  }
0x62: {  	_ =	shalt  }
0x63: {  	_ =	shalt  }
0x64: {  	_ =	shalt  }
0x65: {  	_ =	shalt  }
0x66: {  	_ =	shalt  }
0x67: {  	_ =	shalt  }
0x68: {  	_ =	shalt  }
0x69: {  	_ =	shalt  }
0x6a: {  	_ =	shalt  }
0x6b: {  	_ =	shalt  }
0x6c: {  	_ =	shalt  }
0x6d: {  	_ =	shalt  }
0x6e: {  	_ =	shalt  }
0x6f: {  	_ =	shalt  }
0x70: {  	_ =	shalt  }
0x71: {  	_ =	shalt  }
0x72: {  	_ =	shalt  }
0x73: {  	_ =	shalt  }
0x74: {  	_ =	shalt  }
0x75: {  	_ =	shalt  }
0x76: {  	_ =	shalt  }
0x77: {  	_ =	shalt  }
0x78: {  	_ =	shalt  }
0x79: {  	_ =	shalt  }
0x7a: {  	_ =	shalt  }
0x7b: {  	_ =	shalt  }
0x7c: {  	_ =	shalt  }
0x7d: {  	_ =	shalt  }
0x7e: {  	_ =	shalt  }
0x7f: {  	_ =	shalt  }
0x80: {  	_ =	shalt  }
0x81: {  	_ =	shalt  }
0x82: {  	_ =	shalt  }
0x83: {  	_ =	shalt  }
0x84: {  	_ =	shalt  }
0x85: {  	_ =	shalt  }
0x86: {  	_ =	shalt  }
0x87: {  	_ =	shalt  }
.Lfunc_end0:
.L_simem_size_0:
called_computation_lowered:
.L_overlay_start_0:
0x88: {  	s2 =	sld [smem:$0x3FD9]  }
0x89: {  	s3 =	sld [smem:$0x3FFE];
	_ =	sdelay $0x1  }
0x8a: {  	s1 =	srdreg.scid  }
0x8b: {  	s0 =	sand.u32 $0x1, s1  }
0x8c: {  	s16 =	sshll.u32 s0, $0xA;
	s2 =	sadd.s32 s3, s2  }
0x8d: {  	s2 =	sadd.s32 s2, s16  }
0x8e: {  	[smem:$0x3FC2] =	sst s2  }
0x8f: {  	_ = 	snop  }
0x90: {  	(tm) =	ssettm $0x1  }
0x91: {  	s17 =	sld [smem:$0x3FFB];
	_ =	sdelay $0x3  }
0x92: {  	_ =	strace s17  }
0x93: {  	s2 =	sld [smem:$0x3FFC];
	_ =	sdelay $0x3  }
0x94: {  	_ =	strace s2  }
0x95: {  	s2 =	sld [smem:$0x3FFD];
	_ =	sdelay $0x3  }
0x96: {  	_ =	strace s2  }
0x97: {  	_ =	strace $0x8FFFFFFF  }
0x98: {  	s18 =	sld [smem:$0x3FDB];
	_ =	sdelay $0x1  }
0x99: {  	s19 =	simm.s32 $_scs_section_size  }
0x9a: {  	s4 =	simm.s32 $_size__tile_overlayer_lowered;
	s5 =	simm.s32 $_tile_overlayer_lowered  }
0x9b: {  	s22 =	simm.s32 $0x1BFF;
	s21 =	sshll.u32 s5, $0x1;
	s2 =	sadd.s32 s19, s18  }
0x9c: {  	s6 =	simm.s32 $0x0;
	s20 =	sshll.u32 s4, $0x1;
	s4 =	sadd.s32 s21, s2  }
0x9d: {  	[timem:s6], [sflag:s22] =	dma.local [hbm:s4], s20  }
0x9e: {  	_ =	swait.ge [sflag:s22], s20  }
0x9f: {  	s3 =	ssub.s32 $0x0, s20;
	[sflag:s22] =	ssyncset.done $0x0  }
0xa0: {  	[sflag:s22] =	ssyncadd.s32 s3;
	_ =	sdelay $0x1  }
0xa1: {  	s23 =	simm.s32 $0x1B8B  }
0xa2: {  	_ =	swait.ge [sflag:s23], $0x1  }
0xa3: {  	[sflag:s23] =	ssyncset.done $0x0  }
0xa4: {  	s25 =	simm.s32 $0x1B8E;
	s24 =	sld [smem:$0x3FFE];
	[sflag:s23] =	ssyncadd.s32 $0xFFFFFFFF  }
0xa5: {  	s26 =	simm.s32 $execute0_lowered;
	[smem:$0x3FD2] =	sst s25  }
0xa6: {  	s4 =	sshll.u32 s26, $0x1;
	_ =	strace $0x80000046;
	[dreg:$0x1] =	wrdreg $0xFFFFFFFF  }
0xa7: {  	s28 =	simm.s32 $_size_execute0_lowered;
	s2 =	sadd.s32 s2, s4;
	[dreg:$0x0] =	wrdreg $0x0  }
0xa8: {  	s4 =	sshll.u32 s28, $0x1;
	[dreg:$0x2] =	wrdreg s2  }
0xa9: {  	[dreg:$0x3] =	wrdreg s4  }
0xaa: {  	[dreg:$0x4] =	wrdreg $0xC0  }
0xab: {  	_ =	task [dreg:s6], $0x5FFFF  }
0xac: {  	[dreg:$0x1] =	wrdreg $0xFFFFFFFF  }
0xad: {  	[dreg:$0x0] =	wrdreg $0x60  }
0xae: {  	[dreg:$0x2] =	wrdreg s24  }
0xaf: {  	[dreg:$0x3] =	wrdreg $0x9  }
0xb0: {  	_ =	task.clear_ibuf [dreg:s6], $0x4FFFF;
	_ =	strace $0x90000046  }
0xb1: {  	s29 =	simm.s32 $0x9;
	_ =	strace $0x80000048  }
0xb2: {  	_ =	swait.ge [sflag:s29], $0x1  }
0xb3: {  	[sflag:s29] =	ssyncadd.s32 $0xFFFFFFFF  }
0xb4: {  	_ =	strace $0x90000048  }
0xb5: {  	_ =	sfence  }
0xb6: {  	s30 =	sld [smem:$0x0];
	_ =	sdelay $0x2  }
0xb7: {  	s31 =	sshll.u32 s1, $0xD;
	s1 =	sshrl.u32 s1, $0x2  }
0xb8: {  	s3 =	sand.u32 $0x4000, s31;
	s1 =	sadd.s32 s1, s30  }
0xb9: {  	s0 =	sor.u32 s3, s0;
	s1 =	sshll.u32 s1, $0x11  }
0xba: {  	s0 =	sor.u32 s1, s0  }
0xbb: {  	s0 =	sadd.s32 $0x8F2B, s0  }
0xbc: {  	[sflag:s0] =	ssyncadd.remote.s32 $0x1  }
0xbd: {  	_ =	sfence.sel $0xFFFF  }
0xbe: {  	[dreg:$0x0] =	wrdreg $0xFFFFFFFF;
	(pc) =	sbr.abs _section_cstart, $3  }
0xbf: {  	[dreg:$0x1] =	wrdreg $0xFFFFFFFF  }
0xc0: {  	_ =	task.clear_ibuf [dreg:s6], $0x2FFFF;
	_ =	strace $0x9FFFFFFF  }
0xc1: {  	(tm) =	ssettm $0x7FFFFFFF  }
tec
execute0_lowered:
.L_overlay_start_1:
0x0: {  	(tag) =	ssettag $0x1  }
0x1: {  	s1 =	srdreg.scid  }
0x2: {  	s0 =	stileid.u32;
	s4 =	rddreg [dreg:$0x0]  }
0x3: {  	s2 =	simm.s32 $0x0;
	s30 =	simm.s32 $0x5;
	s9 =	simm.s32 $0x80  }
0x4: {  	s11 =	simm.s32 $0x500;
	s13 =	simm.s32 $0x1;
	s10 =	simm.s32 $0x2  }
0x5: {  	s8 =	simm.s32 $0x3;
	s29 =	simm.s32 $0x100;
	s28 =	simm.s32 $0x180  }
0x6: {  	s25 =	simm.s32 $0x200;
	p0 =	por $0x0, $0x0;
	s23 =	simm.s32 $0x280  }
0x7: {  	s21 =	simm.s32 $0x300;
	s1 =	sand.u32 $0x1, s1;
	s3 =	sshll.u32 s0, $0x1  }
0x8: {  	s19 =	simm.s32 $0x380;
	s17 =	simm.s32 $0x400;
	s3 =	sor.u32 s1, s3  }
0x9: {  	s15 =	simm.s32 $0x480;
	s1 =	ssub.s32 $0x2, s1;
	s5 =	smul.u32 $0xA0, s3  }
0xa: {  	[smem:$0x7FF] =	sst s2;
	s6 =	smul.u32 $0x5000, s3;
	s7 =	sshrl.u32 s1, $0x1  }
0xb: {  	_ =	strace $0x80000047;
	s3 =	sadd.s32 $0x18AC00, s4;
	s1 =	ssub.s32 s1, s7  }
0xc: {  	s5 =	sadd.s32 s5, s4;
	s4 =	sadd.s32 s6, s4;
	s1 =	smax.u32 s1, $0x1  }
0xd: {  	s6 =	simm.s32 $0x4;
	s5 =	sadd.s32 $0x189800, s5;
	p1 =	sne.s32 s1, $0x1  }
.Ltmp0:
0xe: {  	s26 =	sadd.s32 $0x2E00, s4;
	s24 =	sadd.s32 $0x3600, s4;
	(pc) =	sbr.rel @!p1 .LBB2_3-.Ltmp0, $4  }
0xf: {  	s22 =	sadd.s32 $0x3E00, s4;
	s20 =	sadd.s32 $0x4600, s4;
	s18 =	sadd.s32 $0x4E00, s4  }
0x10: {  	s16 =	sadd.s32 $0x5600, s4;
	s14 =	sadd.s32 $0x5E00, s4;
	s12 =	sadd.s32 $0x6600, s4  }
0x11: {  	s7 =	sadd.s32 $0x6E00, s4;
	s4 =	sadd.s32 $0x7600, s4;
	[dreg:$0x2] =	wrdreg s5  }
0x12: {  	s31 =	sadd.s32 $0xFFFFFFFF, s1;
	s5 =	simm.s32 $0x4500;
	s1 =	rddreg [dreg:$0x2]  }
0x13: {  	[tilespmem:s2], [sflag:$0x5] =	stream.linear.gather [hbm4b:s1+s2], $0x500, $0x38;
	[tilespmem:$0x8500] =	vst v63  }
0x14: {  	_ =	swait.ge [sflag:s30], $0x500  }
0x15: {  	[sflag:s30] =	ssyncset.done $0x0  }
0x16: {  	[sflag:s30] =	ssyncadd.s32 $0xFFFFFB00  }
0x17: {  	[tilespmem:s11], [sflag:$0x1] =	stream.indirect.gather [hbm4b:s3+s9], $0x80, s2, s9, $0xb8;
	[tilespmem:$0x8500] =	vst v63  }
0x18: {  	_ =	swait.ge [sflag:s13], $0x4000  }
0x19: {  	[sflag:s13] =	ssyncset.done $0x0  }
0x1a: {  	[sflag:s13] =	ssyncadd.s32 $0xFFFFC000  }
0x1b: {  	[hbm4b:s26+s2] =	stream.linear.scatter [tilespmem:s11], [sflag:$0x3], $0x4000, $0x38;
	[tilespmem:$0x8500] =	vst v63  }
0x1c: {  	_ = 	snop  }
0x1d: {  	[tilespmem:s5], [sflag:$0x2] =	stream.indirect.gather [hbm4b:s3+s9], $0x80, s9, s9, $0xb8;
	[tilespmem:$0x8500] =	vst v63  }
0x1e: {  	_ =	swait.ge [sflag:s10], $0x4000  }
0x1f: {  	[sflag:s10] =	ssyncset.done $0x0  }
0x20: {  	[sflag:s10] =	ssyncadd.s32 $0xFFFFC000  }
0x21: {  	_ =	swait.ge [sflag:s8], $0x4000  }
0x22: {  	[sflag:s8] =	ssyncset.done $0x0  }
0x23: {  	[sflag:s8] =	ssyncadd.s32 $0xFFFFC000  }
0x24: {  	[hbm4b:s24+s2] =	stream.linear.scatter [tilespmem:s5], [sflag:$0x4], $0x4000, $0x38;
	[tilespmem:$0x8500] =	vst v63  }
0x25: {  	_ = 	snop  }
0x26: {  	[tilespmem:s11], [sflag:$0x1] =	stream.indirect.gather [hbm4b:s3+s9], $0x80, s29, s9, $0xb8;
	[tilespmem:$0x8500] =	vst v63  }
0x27: {  	_ =	swait.ge [sflag:s13], $0x4000  }
0x28: {  	[sflag:s13] =	ssyncset.done $0x0  }
0x29: {  	[sflag:s13] =	ssyncadd.s32 $0xFFFFC000  }
0x2a: {  	_ =	swait.ge [sflag:s6], $0x4000  }
0x2b: {  	[sflag:s6] =	ssyncset.done $0x0  }
0x2c: {  	[sflag:s6] =	ssyncadd.s32 $0xFFFFC000  }
0x2d: {  	[hbm4b:s22+s2] =	stream.linear.scatter [tilespmem:s11], [sflag:$0x3], $0x4000, $0x38;
	[tilespmem:$0x8500] =	vst v63  }
0x2e: {  	_ = 	snop  }
0x2f: {  	[tilespmem:s5], [sflag:$0x2] =	stream.indirect.gather [hbm4b:s3+s9], $0x80, s28, s9, $0xb8;
	[tilespmem:$0x8500] =	vst v63  }
0x30: {  	_ =	swait.ge [sflag:s10], $0x4000  }
0x31: {  	[sflag:s10] =	ssyncset.done $0x0  }
0x32: {  	[sflag:s10] =	ssyncadd.s32 $0xFFFFC000  }
0x33: {  	_ =	swait.ge [sflag:s8], $0x4000  }
0x34: {  	[sflag:s8] =	ssyncset.done $0x0  }
0x35: {  	[sflag:s8] =	ssyncadd.s32 $0xFFFFC000  }
0x36: {  	[hbm4b:s20+s2] =	stream.linear.scatter [tilespmem:s5], [sflag:$0x4], $0x4000, $0x38;
	[tilespmem:$0x8500] =	vst v63  }
0x37: {  	_ = 	snop  }
0x38: {  	[tilespmem:s11], [sflag:$0x1] =	stream.indirect.gather [hbm4b:s3+s9], $0x80, s25, s9, $0xb8;
	[tilespmem:$0x8500] =	vst v63  }
0x39: {  	_ =	swait.ge [sflag:s13], $0x4000  }
0x3a: {  	[sflag:s13] =	ssyncset.done $0x0  }
0x3b: {  	[sflag:s13] =	ssyncadd.s32 $0xFFFFC000  }
0x3c: {  	_ =	swait.ge [sflag:s6], $0x4000  }
0x3d: {  	[sflag:s6] =	ssyncset.done $0x0  }
0x3e: {  	[sflag:s6] =	ssyncadd.s32 $0xFFFFC000  }
0x3f: {  	[hbm4b:s18+s2] =	stream.linear.scatter [tilespmem:s11], [sflag:$0x3], $0x4000, $0x38;
	[tilespmem:$0x8500] =	vst v63  }
0x40: {  	_ = 	snop  }
0x41: {  	[tilespmem:s5], [sflag:$0x2] =	stream.indirect.gather [hbm4b:s3+s9], $0x80, s23, s9, $0xb8;
	[tilespmem:$0x8500] =	vst v63  }
0x42: {  	_ =	swait.ge [sflag:s10], $0x4000  }
0x43: {  	[sflag:s10] =	ssyncset.done $0x0  }
0x44: {  	[sflag:s10] =	ssyncadd.s32 $0xFFFFC000  }
0x45: {  	_ =	swait.ge [sflag:s8], $0x4000  }
0x46: {  	[sflag:s8] =	ssyncset.done $0x0  }
0x47: {  	[sflag:s8] =	ssyncadd.s32 $0xFFFFC000  }
0x48: {  	[hbm4b:s16+s2] =	stream.linear.scatter [tilespmem:s5], [sflag:$0x4], $0x4000, $0x38;
	[tilespmem:$0x8500] =	vst v63  }
0x49: {  	_ = 	snop  }
0x4a: {  	[tilespmem:s11], [sflag:$0x1] =	stream.indirect.gather [hbm4b:s3+s9], $0x80, s21, s9, $0xb8;
	[tilespmem:$0x8500] =	vst v63  }
0x4b: {  	_ =	swait.ge [sflag:s13], $0x4000  }
0x4c: {  	[sflag:s13] =	ssyncset.done $0x0  }
0x4d: {  	[sflag:s13] =	ssyncadd.s32 $0xFFFFC000  }
0x4e: {  	_ =	swait.ge [sflag:s6], $0x4000  }
0x4f: {  	[sflag:s6] =	ssyncset.done $0x0  }
0x50: {  	[sflag:s6] =	ssyncadd.s32 $0xFFFFC000  }
0x51: {  	[hbm4b:s14+s2] =	stream.linear.scatter [tilespmem:s11], [sflag:$0x3], $0x4000, $0x38;
	[tilespmem:$0x8500] =	vst v63  }
0x52: {  	_ = 	snop  }
0x53: {  	[tilespmem:s5], [sflag:$0x2] =	stream.indirect.gather [hbm4b:s3+s9], $0x80, s19, s9, $0xb8;
	[tilespmem:$0x8500] =	vst v63  }
0x54: {  	_ =	swait.ge [sflag:s10], $0x4000  }
0x55: {  	[sflag:s10] =	ssyncset.done $0x0  }
0x56: {  	[sflag:s10] =	ssyncadd.s32 $0xFFFFC000  }
0x57: {  	_ =	swait.ge [sflag:s8], $0x4000  }
0x58: {  	[sflag:s8] =	ssyncset.done $0x0  }
0x59: {  	[sflag:s8] =	ssyncadd.s32 $0xFFFFC000  }
0x5a: {  	[hbm4b:s12+s2] =	stream.linear.scatter [tilespmem:s5], [sflag:$0x4], $0x4000, $0x38;
	[tilespmem:$0x8500] =	vst v63  }
0x5b: {  	_ = 	snop  }
0x5c: {  	[tilespmem:s11], [sflag:$0x1] =	stream.indirect.gather [hbm4b:s3+s9], $0x80, s17, s9, $0xb8;
	[tilespmem:$0x8500] =	vst v63  }
0x5d: {  	_ =	swait.ge [sflag:s13], $0x4000  }
0x5e: {  	[sflag:s13] =	ssyncset.done $0x0  }
0x5f: {  	[sflag:s13] =	ssyncadd.s32 $0xFFFFC000  }
0x60: {  	_ =	swait.ge [sflag:s6], $0x4000  }
0x61: {  	[sflag:s6] =	ssyncset.done $0x0  }
0x62: {  	[sflag:s6] =	ssyncadd.s32 $0xFFFFC000  }
0x63: {  	[hbm4b:s7+s2] =	stream.linear.scatter [tilespmem:s11], [sflag:$0x3], $0x4000, $0x38;
	[tilespmem:$0x8500] =	vst v63  }
0x64: {  	_ = 	snop  }
0x65: {  	[tilespmem:s5], [sflag:$0x2] =	stream.indirect.gather [hbm4b:s3+s9], $0x80, s15, s9, $0xb8;
	[tilespmem:$0x8500] =	vst v63  }
0x66: {  	_ =	swait.ge [sflag:s10], $0x4000  }
0x67: {  	[sflag:s10] =	ssyncset.done $0x0  }
0x68: {  	[sflag:s10] =	ssyncadd.s32 $0xFFFFC000  }
0x69: {  	p1 =	sne.s32 s31, $0x1;
	_ =	swait.ge [sflag:s8], $0x4000  }
.Ltmp1:
0x6a: {  	[sflag:s8] =	ssyncset.done $0x0;
	(pc) =	sbr.rel @!p1 .LBB2_3-.Ltmp1, $4  }
0x6b: {  	[sflag:s8] =	ssyncadd.s32 $0xFFFFC000  }
0x6c: {  	[hbm4b:s4+s2] =	stream.linear.scatter [tilespmem:s5], [sflag:$0x4], $0x4000, $0x38;
	[tilespmem:$0x8500] =	vst v63  }
0x6d: {  	s31 =	sadd.s32 $0xFFFFFFFF, s31;
	_ =	swait.ge [sflag:s6], $0x4000  }
0x6e: {  	p0 =	por $0x1, $0x1;
	s1 =	rddreg [dreg:$0x2];
	[sflag:s6] =	ssyncset.done $0x0  }
.LBB2_2:
0x6f: {  	[sflag:s6] =	ssyncadd.s32 $0xFFFFC000  }
0x70: {  	[tilespmem:s2], [sflag:$0x5] =	stream.linear.gather [hbm4b:s1+s2], $0x500, $0x38;
	[tilespmem:$0x8500] =	vst v63  }
0x71: {  	_ =	swait.ge [sflag:s30], $0x500  }
0x72: {  	[sflag:s30] =	ssyncset.done $0x0  }
0x73: {  	[sflag:s30] =	ssyncadd.s32 $0xFFFFFB00  }
0x74: {  	[tilespmem:s11], [sflag:$0x1] =	stream.indirect.gather [hbm4b:s3+s9], $0x80, s2, s9, $0xb8;
	[tilespmem:$0x8500] =	vst v63  }
0x75: {  	_ =	swait.ge [sflag:s13], $0x4000  }
0x76: {  	[sflag:s13] =	ssyncset.done $0x0  }
0x77: {  	[sflag:s13] =	ssyncadd.s32 $0xFFFFC000  }
0x78: {  	[hbm4b:s26+s2] =	stream.linear.scatter [tilespmem:s11], [sflag:$0x3], $0x4000, $0x38;
	[tilespmem:$0x8500] =	vst v63  }
0x79: {  	_ = 	snop  }
0x7a: {  	[tilespmem:s5], [sflag:$0x2] =	stream.indirect.gather [hbm4b:s3+s9], $0x80, s9, s9, $0xb8;
	[tilespmem:$0x8500] =	vst v63  }
0x7b: {  	_ =	swait.ge [sflag:s10], $0x4000  }
0x7c: {  	[sflag:s10] =	ssyncset.done $0x0  }
0x7d: {  	[sflag:s10] =	ssyncadd.s32 $0xFFFFC000  }
0x7e: {  	_ =	swait.ge [sflag:s8], $0x4000  }
0x7f: {  	[sflag:s8] =	ssyncset.done $0x0  }
0x80: {  	[sflag:s8] =	ssyncadd.s32 $0xFFFFC000  }
0x81: {  	[hbm4b:s24+s2] =	stream.linear.scatter [tilespmem:s5], [sflag:$0x4], $0x4000, $0x38;
	[tilespmem:$0x8500] =	vst v63  }
0x82: {  	_ = 	snop  }
0x83: {  	[tilespmem:s11], [sflag:$0x1] =	stream.indirect.gather [hbm4b:s3+s9], $0x80, s29, s9, $0xb8;
	[tilespmem:$0x8500] =	vst v63  }
0x84: {  	_ =	swait.ge [sflag:s13], $0x4000  }
0x85: {  	[sflag:s13] =	ssyncset.done $0x0  }
0x86: {  	[sflag:s13] =	ssyncadd.s32 $0xFFFFC000  }
0x87: {  	_ =	swait.ge [sflag:s6], $0x4000  }
0x88: {  	[sflag:s6] =	ssyncset.done $0x0  }
0x89: {  	[sflag:s6] =	ssyncadd.s32 $0xFFFFC000  }
0x8a: {  	[hbm4b:s22+s2] =	stream.linear.scatter [tilespmem:s11], [sflag:$0x3], $0x4000, $0x38;
	[tilespmem:$0x8500] =	vst v63  }
0x8b: {  	_ = 	snop  }
0x8c: {  	[tilespmem:s5], [sflag:$0x2] =	stream.indirect.gather [hbm4b:s3+s9], $0x80, s28, s9, $0xb8;
	[tilespmem:$0x8500] =	vst v63  }
0x8d: {  	_ =	swait.ge [sflag:s10], $0x4000  }
0x8e: {  	[sflag:s10] =	ssyncset.done $0x0  }
0x8f: {  	[sflag:s10] =	ssyncadd.s32 $0xFFFFC000  }
0x90: {  	_ =	swait.ge [sflag:s8], $0x4000  }
0x91: {  	[sflag:s8] =	ssyncset.done $0x0  }
0x92: {  	[sflag:s8] =	ssyncadd.s32 $0xFFFFC000  }
0x93: {  	[hbm4b:s20+s2] =	stream.linear.scatter [tilespmem:s5], [sflag:$0x4], $0x4000, $0x38;
	[tilespmem:$0x8500] =	vst v63  }
0x94: {  	_ = 	snop  }
0x95: {  	[tilespmem:s11], [sflag:$0x1] =	stream.indirect.gather [hbm4b:s3+s9], $0x80, s25, s9, $0xb8;
	[tilespmem:$0x8500] =	vst v63  }
0x96: {  	_ =	swait.ge [sflag:s13], $0x4000  }
0x97: {  	[sflag:s13] =	ssyncset.done $0x0  }
0x98: {  	[sflag:s13] =	ssyncadd.s32 $0xFFFFC000  }
0x99: {  	_ =	swait.ge [sflag:s6], $0x4000  }
0x9a: {  	[sflag:s6] =	ssyncset.done $0x0  }
0x9b: {  	[sflag:s6] =	ssyncadd.s32 $0xFFFFC000  }
0x9c: {  	[hbm4b:s18+s2] =	stream.linear.scatter [tilespmem:s11], [sflag:$0x3], $0x4000, $0x38;
	[tilespmem:$0x8500] =	vst v63  }
0x9d: {  	_ = 	snop  }
0x9e: {  	[tilespmem:s5], [sflag:$0x2] =	stream.indirect.gather [hbm4b:s3+s9], $0x80, s23, s9, $0xb8;
	[tilespmem:$0x8500] =	vst v63  }
0x9f: {  	_ =	swait.ge [sflag:s10], $0x4000  }
0xa0: {  	[sflag:s10] =	ssyncset.done $0x0  }
0xa1: {  	[sflag:s10] =	ssyncadd.s32 $0xFFFFC000  }
0xa2: {  	_ =	swait.ge [sflag:s8], $0x4000  }
0xa3: {  	[sflag:s8] =	ssyncset.done $0x0  }
0xa4: {  	[sflag:s8] =	ssyncadd.s32 $0xFFFFC000  }
0xa5: {  	[hbm4b:s16+s2] =	stream.linear.scatter [tilespmem:s5], [sflag:$0x4], $0x4000, $0x38;
	[tilespmem:$0x8500] =	vst v63  }
0xa6: {  	_ = 	snop  }
0xa7: {  	[tilespmem:s11], [sflag:$0x1] =	stream.indirect.gather [hbm4b:s3+s9], $0x80, s21, s9, $0xb8;
	[tilespmem:$0x8500] =	vst v63  }
0xa8: {  	_ =	swait.ge [sflag:s13], $0x4000  }
0xa9: {  	[sflag:s13] =	ssyncset.done $0x0  }
0xaa: {  	[sflag:s13] =	ssyncadd.s32 $0xFFFFC000  }
0xab: {  	_ =	swait.ge [sflag:s6], $0x4000  }
0xac: {  	[sflag:s6] =	ssyncset.done $0x0  }
0xad: {  	[sflag:s6] =	ssyncadd.s32 $0xFFFFC000  }
0xae: {  	[hbm4b:s14+s2] =	stream.linear.scatter [tilespmem:s11], [sflag:$0x3], $0x4000, $0x38;
	[tilespmem:$0x8500] =	vst v63  }
0xaf: {  	_ = 	snop  }
0xb0: {  	[tilespmem:s5], [sflag:$0x2] =	stream.indirect.gather [hbm4b:s3+s9], $0x80, s19, s9, $0xb8;
	[tilespmem:$0x8500] =	vst v63  }
0xb1: {  	_ =	swait.ge [sflag:s10], $0x4000  }
0xb2: {  	[sflag:s10] =	ssyncset.done $0x0  }
0xb3: {  	[sflag:s10] =	ssyncadd.s32 $0xFFFFC000  }
0xb4: {  	_ =	swait.ge [sflag:s8], $0x4000  }
0xb5: {  	[sflag:s8] =	ssyncset.done $0x0  }
0xb6: {  	[sflag:s8] =	ssyncadd.s32 $0xFFFFC000  }
0xb7: {  	[hbm4b:s12+s2] =	stream.linear.scatter [tilespmem:s5], [sflag:$0x4], $0x4000, $0x38;
	[tilespmem:$0x8500] =	vst v63  }
0xb8: {  	_ = 	snop  }
0xb9: {  	[tilespmem:s11], [sflag:$0x1] =	stream.indirect.gather [hbm4b:s3+s9], $0x80, s17, s9, $0xb8;
	[tilespmem:$0x8500] =	vst v63  }
0xba: {  	_ =	swait.ge [sflag:s13], $0x4000  }
0xbb: {  	[sflag:s13] =	ssyncset.done $0x0  }
0xbc: {  	[sflag:s13] =	ssyncadd.s32 $0xFFFFC000  }
0xbd: {  	_ =	swait.ge [sflag:s6], $0x4000  }
0xbe: {  	[sflag:s6] =	ssyncset.done $0x0  }
0xbf: {  	[sflag:s6] =	ssyncadd.s32 $0xFFFFC000  }
0xc0: {  	[hbm4b:s7+s2] =	stream.linear.scatter [tilespmem:s11], [sflag:$0x3], $0x4000, $0x38;
	[tilespmem:$0x8500] =	vst v63  }
0xc1: {  	_ = 	snop  }
0xc2: {  	[tilespmem:s5], [sflag:$0x2] =	stream.indirect.gather [hbm4b:s3+s9], $0x80, s15, s9, $0xb8;
	[tilespmem:$0x8500] =	vst v63  }
0xc3: {  	_ =	swait.ge [sflag:s10], $0x4000  }
0xc4: {  	[sflag:s10] =	ssyncset.done $0x0  }
0xc5: {  	[sflag:s10] =	ssyncadd.s32 $0xFFFFC000  }
0xc6: {  	p1 =	sne.s32 s31, $0x1;
	_ =	swait.ge [sflag:s8], $0x4000  }
.Ltmp2:
0xc7: {  	[sflag:s8] =	ssyncset.done $0x0;
	(pc) =	sbr.rel @p1 .LBB2_2-.Ltmp2, $4  }
0xc8: {  	[sflag:s8] =	ssyncadd.s32 $0xFFFFC000  }
0xc9: {  	[hbm4b:s4+s2] =	stream.linear.scatter [tilespmem:s5], [sflag:$0x4], $0x4000, $0x38;
	[tilespmem:$0x8500] =	vst v63  }
0xca: {  	_ =	swait.ge [sflag:s6], $0x4000  }
0xcb: {  	s31 =	sadd.s32 $0xFFFFFFFF, s31;
	s1 =	rddreg [dreg:$0x2];
	[sflag:s6] =	ssyncset.done $0x0  }
.LBB2_3:
0xcc: {  	[sflag:s6] =	ssyncadd.s32 @p0 $0xFFFFC000  }
0xcd: {  	[tilespmem:s2], [sflag:$0x5] =	stream.linear.gather [hbm4b:s1+s2], $0x500, $0x38;
	[tilespmem:$0x8500] =	vst v63  }
0xce: {  	_ =	swait.ge [sflag:s30], $0x500  }
0xcf: {  	[sflag:s30] =	ssyncset.done $0x0  }
0xd0: {  	[sflag:s30] =	ssyncadd.s32 $0xFFFFFB00  }
0xd1: {  	[tilespmem:s11], [sflag:$0x1] =	stream.indirect.gather [hbm4b:s3+s9], $0x80, s2, s9, $0xb8;
	[tilespmem:$0x8500] =	vst v63  }
0xd2: {  	_ =	swait.ge [sflag:s13], $0x4000  }
0xd3: {  	[sflag:s13] =	ssyncset.done $0x0  }
0xd4: {  	[sflag:s13] =	ssyncadd.s32 $0xFFFFC000  }
0xd5: {  	[hbm4b:s26+s2] =	stream.linear.scatter [tilespmem:s11], [sflag:$0x3], $0x4000, $0x38;
	[tilespmem:$0x8500] =	vst v63  }
0xd6: {  	_ = 	snop  }
0xd7: {  	[tilespmem:s5], [sflag:$0x2] =	stream.indirect.gather [hbm4b:s3+s9], $0x80, s9, s9, $0xb8;
	[tilespmem:$0x8500] =	vst v63  }
0xd8: {  	_ =	swait.ge [sflag:s10], $0x4000  }
0xd9: {  	[sflag:s10] =	ssyncset.done $0x0  }
0xda: {  	[sflag:s10] =	ssyncadd.s32 $0xFFFFC000  }
0xdb: {  	_ =	swait.ge [sflag:s8], $0x4000  }
0xdc: {  	[sflag:s8] =	ssyncset.done $0x0  }
0xdd: {  	[sflag:s8] =	ssyncadd.s32 $0xFFFFC000  }
0xde: {  	[hbm4b:s24+s2] =	stream.linear.scatter [tilespmem:s5], [sflag:$0x4], $0x4000, $0x38;
	[tilespmem:$0x8500] =	vst v63  }
0xdf: {  	_ = 	snop  }
0xe0: {  	[tilespmem:s11], [sflag:$0x1] =	stream.indirect.gather [hbm4b:s3+s9], $0x80, s29, s9, $0xb8;
	[tilespmem:$0x8500] =	vst v63  }
0xe1: {  	_ =	swait.ge [sflag:s13], $0x4000  }
0xe2: {  	[sflag:s13] =	ssyncset.done $0x0  }
0xe3: {  	[sflag:s13] =	ssyncadd.s32 $0xFFFFC000  }
0xe4: {  	_ =	swait.ge [sflag:s6], $0x4000  }
0xe5: {  	[sflag:s6] =	ssyncset.done $0x0  }
0xe6: {  	[sflag:s6] =	ssyncadd.s32 $0xFFFFC000  }
0xe7: {  	[hbm4b:s22+s2] =	stream.linear.scatter [tilespmem:s11], [sflag:$0x3], $0x4000, $0x38;
	[tilespmem:$0x8500] =	vst v63  }
0xe8: {  	_ = 	snop  }
0xe9: {  	[tilespmem:s5], [sflag:$0x2] =	stream.indirect.gather [hbm4b:s3+s9], $0x80, s28, s9, $0xb8;
	[tilespmem:$0x8500] =	vst v63  }
0xea: {  	_ =	swait.ge [sflag:s10], $0x4000  }
0xeb: {  	[sflag:s10] =	ssyncset.done $0x0  }
0xec: {  	[sflag:s10] =	ssyncadd.s32 $0xFFFFC000  }
0xed: {  	_ =	swait.ge [sflag:s8], $0x4000  }
0xee: {  	[sflag:s8] =	ssyncset.done $0x0  }
0xef: {  	[sflag:s8] =	ssyncadd.s32 $0xFFFFC000  }
0xf0: {  	[hbm4b:s20+s2] =	stream.linear.scatter [tilespmem:s5], [sflag:$0x4], $0x4000, $0x38;
	[tilespmem:$0x8500] =	vst v63  }
0xf1: {  	_ = 	snop  }
0xf2: {  	[tilespmem:s11], [sflag:$0x1] =	stream.indirect.gather [hbm4b:s3+s9], $0x80, s25, s9, $0xb8;
	[tilespmem:$0x8500] =	vst v63  }
0xf3: {  	_ =	swait.ge [sflag:s13], $0x4000  }
0xf4: {  	[sflag:s13] =	ssyncset.done $0x0  }
0xf5: {  	[sflag:s13] =	ssyncadd.s32 $0xFFFFC000  }
0xf6: {  	_ =	swait.ge [sflag:s6], $0x4000  }
0xf7: {  	[sflag:s6] =	ssyncset.done $0x0  }
0xf8: {  	[sflag:s6] =	ssyncadd.s32 $0xFFFFC000  }
0xf9: {  	[hbm4b:s18+s2] =	stream.linear.scatter [tilespmem:s11], [sflag:$0x3], $0x4000, $0x38;
	[tilespmem:$0x8500] =	vst v63  }
0xfa: {  	_ = 	snop  }
0xfb: {  	[tilespmem:s5], [sflag:$0x2] =	stream.indirect.gather [hbm4b:s3+s9], $0x80, s23, s9, $0xb8;
	[tilespmem:$0x8500] =	vst v63  }
0xfc: {  	_ =	swait.ge [sflag:s10], $0x4000  }
0xfd: {  	[sflag:s10] =	ssyncset.done $0x0  }
0xfe: {  	[sflag:s10] =	ssyncadd.s32 $0xFFFFC000  }
0xff: {  	_ =	swait.ge [sflag:s8], $0x4000  }
0x100: {  	[sflag:s8] =	ssyncset.done $0x0  }
0x101: {  	[sflag:s8] =	ssyncadd.s32 $0xFFFFC000  }
0x102: {  	[hbm4b:s16+s2] =	stream.linear.scatter [tilespmem:s5], [sflag:$0x4], $0x4000, $0x38;
	[tilespmem:$0x8500] =	vst v63  }
0x103: {  	_ = 	snop  }
0x104: {  	[tilespmem:s11], [sflag:$0x1] =	stream.indirect.gather [hbm4b:s3+s9], $0x80, s21, s9, $0xb8;
	[tilespmem:$0x8500] =	vst v63  }
0x105: {  	_ =	swait.ge [sflag:s13], $0x4000  }
0x106: {  	[sflag:s13] =	ssyncset.done $0x0  }
0x107: {  	[sflag:s13] =	ssyncadd.s32 $0xFFFFC000  }
0x108: {  	_ =	swait.ge [sflag:s6], $0x4000  }
0x109: {  	[sflag:s6] =	ssyncset.done $0x0  }
0x10a: {  	[sflag:s6] =	ssyncadd.s32 $0xFFFFC000  }
0x10b: {  	[hbm4b:s14+s2] =	stream.linear.scatter [tilespmem:s11], [sflag:$0x3], $0x4000, $0x38;
	[tilespmem:$0x8500] =	vst v63  }
0x10c: {  	_ = 	snop  }
0x10d: {  	[tilespmem:s5], [sflag:$0x2] =	stream.indirect.gather [hbm4b:s3+s9], $0x80, s19, s9, $0xb8;
	[tilespmem:$0x8500] =	vst v63  }
0x10e: {  	_ =	swait.ge [sflag:s10], $0x4000  }
0x10f: {  	[sflag:s10] =	ssyncset.done $0x0  }
0x110: {  	[sflag:s10] =	ssyncadd.s32 $0xFFFFC000  }
0x111: {  	_ =	swait.ge [sflag:s8], $0x4000  }
0x112: {  	[sflag:s8] =	ssyncset.done $0x0  }
0x113: {  	[sflag:s8] =	ssyncadd.s32 $0xFFFFC000  }
0x114: {  	[hbm4b:s12+s2] =	stream.linear.scatter [tilespmem:s5], [sflag:$0x4], $0x4000, $0x38;
	[tilespmem:$0x8500] =	vst v63  }
0x115: {  	_ = 	snop  }
0x116: {  	[tilespmem:s11], [sflag:$0x1] =	stream.indirect.gather [hbm4b:s3+s9], $0x80, s17, s9, $0xb8;
	[tilespmem:$0x8500] =	vst v63  }
0x117: {  	_ =	swait.ge [sflag:s13], $0x4000  }
0x118: {  	[sflag:s13] =	ssyncset.done $0x0  }
0x119: {  	[sflag:s13] =	ssyncadd.s32 $0xFFFFC000  }
0x11a: {  	_ =	swait.ge [sflag:s6], $0x4000  }
0x11b: {  	[sflag:s6] =	ssyncset.done $0x0  }
0x11c: {  	[sflag:s6] =	ssyncadd.s32 $0xFFFFC000  }
0x11d: {  	[hbm4b:s7+s2] =	stream.linear.scatter [tilespmem:s11], [sflag:$0x3], $0x4000, $0x38;
	[tilespmem:$0x8500] =	vst v63  }
0x11e: {  	_ = 	snop  }
0x11f: {  	[tilespmem:s5], [sflag:$0x2] =	stream.indirect.gather [hbm4b:s3+s9], $0x80, s15, s9, $0xb8;
	[tilespmem:$0x8500] =	vst v63  }
0x120: {  	_ =	swait.ge [sflag:s10], $0x4000  }
0x121: {  	[sflag:s10] =	ssyncset.done $0x0  }
0x122: {  	[sflag:s10] =	ssyncadd.s32 $0xFFFFC000  }
0x123: {  	_ =	swait.ge [sflag:s8], $0x4000  }
0x124: {  	[sflag:s8] =	ssyncset.done $0x0  }
0x125: {  	[sflag:s8] =	ssyncadd.s32 $0xFFFFC000  }
0x126: {  	[hbm4b:s4+s2] =	stream.linear.scatter [tilespmem:s5], [sflag:$0x4], $0x4000, $0x38;
	[tilespmem:$0x8500] =	vst v63  }
0x127: {  	_ =	swait.ge [sflag:s6], $0x4000  }
0x128: {  	[sflag:s6] =	ssyncset.done $0x0  }
0x129: {  	[sflag:s6] =	ssyncadd.s32 $0xFFFFC000  }
0x12a: {  	_ =	sfence.sel $0x180000  }
0x12b: {  	[bflag:$0x0] =	sbarrier.arrive $0xFFFF  }
0x12c: {  	_ =	strace $0x90000047  }
0x12d: {  	[bflag:$0x2] =	sbarrier.arrive $0xFFFF  }
0x12e: {  	p0 =	sne.s32 s0, $0x0;
	s0 =	rddreg [dreg:$0x1]  }
0x12f: {  	s0 =	sadd.s32 @!p0 $0x100000, s0  }
0x130: {  	[sflag:s0] =	ssyncadd.tile.s32 @!p0 $0x1;
	_ =	shalt  }
.Lfunc_end2:
_tile_overlayer_lowered:
.L_overlay_start_2:
0x131: {  	(tag) =	ssettag $0x2  }
0x132: {  	s0 =	rddreg [dreg:$0x0];
	s2 =	stileid.u32  }
0x133: {  	s1 =	rddreg [dreg:$0x1];
	p0 =	sne.s32 s2, $0x0  }
0x134: {  	s3 =	rddreg [dreg:$0x2];
	[bflag:$0x3] =	sbarrier.arrive $0xFFFF;
	s2 =	simm.s32 @!p0 $0x1C05  }
0x135: {  	[timem:s3], [sflag:s2] =	dma.local @!p0 [hbm:s0], s1  }
0x136: {  	s0 =	simm.s32 @!p0 $0x5  }
0x137: {  	_ =	swait.ge @!p0 [sflag:s0], s1  }
0x138: {  	s1 =	ssub.s32 @!p0 $0x0, s1;
	[sflag:s0] =	ssyncset.done @!p0 $0x0  }
0x139: {  	[sflag:s0] =	ssyncadd.s32 @!p0 s1  }
0x13a: {  	[bflag:$0x3] =	sbarrier.arrive $0xFFFF  }
0x13b: {  	_ =	shalt  }

// kernel: kernel.15.cloned.1.call-start
scs
__scs_entry_jumppad:
0x0: {  	(pc) =	sbr.rel $0x88, $3  }
0x1: {  	(tag) =	ssettag $0x0;
	lr =	simm.s32 $0x1  }
0x2: {  	[smem:$0x3F9B] =	sst lr;
	_ =	strace $0xD0000000  }
0x3: {  	_ = 	snop  }
0x4: {  	_ = 	snop  }
0x5: {  	_ = 	snop  }
0x6: {  	_ = 	snop  }
0x7: {  	_ = 	snop  }
__scs_overlays_trampoline_lowered:
0x8: {  	[smem:$0x3FAA] =	sst s0  }
0x9: {  	[smem:$0x3FAB] =	sst s1  }
0xa: {  	[smem:$0x3FAC] =	sst s2  }
0xb: {  	[smem:$0x3FAD] =	sst s3  }
0xc: {  	[smem:$0x3FAE] =	sst s4  }
0xd: {  	[smem:$0x3FAF] =	sst s5  }
0xe: {  	[smem:$0x3FB0] =	sst s6  }
0xf: {  	[smem:$0x3FB1] =	sst s7  }
0x10: {  	[smem:$0x3FB2] =	sst s8  }
0x11: {  	[smem:$0x3FB3] =	sst s9;
	s0 =	simm.s32 @!p0 $0x0  }
0x12: {  	s1 =	sld [smem:$0x3F99];
	s0 =	simm.s32 @p0 $0x1  }
0x13: {  	[smem:$0x3FB4] =	sst s0;
	s0 =	simm.s32 @!p1 $0x0  }
0x14: {  	s2 =	sld [smem:$0x3F98];
	s0 =	simm.s32 @p1 $0x1  }
0x15: {  	[smem:$0x3FB5] =	sst s0;
	s0 =	simm.s32 @!p2 $0x0  }
0x16: {  	s3 =	sld [smem:$0x3FDB];
	s0 =	simm.s32 @p2 $0x1  }
0x17: {  	s4 =	simm.s32 $0x1BF5;
	[smem:$0x3FB7] =	sst s0  }
0x18: {  	s0 =	sld [smem:$0x3F9A];
	_ =	swait.ge [sflag:s4], $0x0  }
0x19: {  	s7 =	sld [smem:$0x3F9B]  }
0x1a: {  	s8 =	sadd.s32 $0xFFFFE003, lr  }
0x1b: {  	s9 =	sadd.s32 $0xFFFFFEF7, lr;
	s5 =	simm.s32 $0xFFFFFFFF;
	p2 =	slt.u32 s8, $0xFFFFF086  }
0x1c: {  	p1 =	slt.u32 s9, $0xF7A;
	s5 =	simm.s32 @!p2 $0x0  }
0x1d: {  	s5 =	simm.s32 @p1 $0x1;
	p0 =	seq.s32 s7, s2  }
0x1e: {  	s7 =	smul.u32 @!p0 $0xF7A, s2;
	p2 =	seq.s32 @!p0 s5, $0x0  }
0x1f: {  	s9 =	smul.u32 $0xF7A, s1;
	s8 =	simm.s32 @!p0 $0x1BF5;
	p2 =	por !p2, p0  }
0x20: {  	[sflag:s8] =	ssyncset.s32 @!p0 $0xFFFFF086;
	s6 =	sadd.s32 @!p0 s3, s7;
	s7 =	simm.s32 @!p0 $0x108  }
0x21: {  	s3 =	sadd.s32 s3, s9;
	s6 =	sadd.s32 @!p0 $0x88, s6;
	s7 =	simm.s32 @p2 $0x1082  }
0x22: {  	[simem:s7], [sflag:s8] =	dma.local @!p0 [hbm:s6], $0xF7A  }
0x23: {  	s9 =	sor.u32 $0xD0000000, s2;
	s6 =	simm.s32 $0x108;
	_ =	swait.ge @!p0 [sflag:s8], $0x0  }
0x24: {  	s3 =	sadd.s32 $0x88, s3;
	s6 =	simm.s32 @!p1 $0x1082;
	[sflag:s4] =	ssyncset.s32 $0xFFFFF086  }
0x25: {  	[simem:s6], [sflag:s4] =	dma.local [hbm:s3], $0xF7A  }
0x26: {  	[smem:$0x3F9B] =	sst s1;
	(tag) =	ssettag s2;
	_ =	strace s9  }
0x27: {  	s1 =	sld [smem:$0x3FAB]  }
0x28: {  	s2 =	sld [smem:$0x3FAC]  }
0x29: {  	s4 =	sld [smem:$0x3FAE]  }
0x2a: {  	p0 =	seq.s32 s5, $0x0;
	s5 =	sld [smem:$0x3FAF]  }
0x2b: {  	s6 =	sld [smem:$0x3FB0]  }
0x2c: {  	s7 =	sld [smem:$0x3FB1]  }
0x2d: {  	s3 =	simm.s32 $0x108;
	s8 =	sld [smem:$0x3FB2]  }
0x2e: {  	s3 =	simm.s32 @!p0 $0x1082;
	s9 =	sld [smem:$0x3FB3]  }
0x2f: {  	lr =	sadd.s32 s0, s3;
	s0 =	sld [smem:$0x3FAA]  }
0x30: {  	s3 =	sld [smem:$0x3FAD]  }
0x31: {  	[smem:$0x3FB6] =	sst s10  }
0x32: {  	s10 =	sld [smem:$0x3FB4];
	_ =	sdelay $0x3  }
0x33: {  	p0 =	seq.s32 s10, $0x1;
	s10 =	sld [smem:$0x3FB6];
	_ =	sdelay $0x3  }
0x34: {  	[smem:$0x3FB6] =	sst s10  }
0x35: {  	s10 =	sld [smem:$0x3FB5];
	_ =	sdelay $0x3  }
0x36: {  	p1 =	seq.s32 s10, $0x1;
	s10 =	sld [smem:$0x3FB6];
	_ =	sdelay $0x3  }
0x37: {  	[smem:$0x3FB6] =	sst s10  }
0x38: {  	s10 =	sld [smem:$0x3FB7]  }
0x39: {  	_ = 	snop;
	(pc) =	sbr.ind lr, $3  }
0x3a: {  	_ = 	snop  }
0x3b: {  	_ = 	snop  }
0x3c: {  	p2 =	seq.s32 s10, $0x1;
	s10 =	sld [smem:$0x3FB6]  }
0x3d: {  	_ =	shalt  }
0x3e: {  	_ =	shalt  }
0x3f: {  	_ =	shalt  }
0x40: {  	_ =	shalt  }
0x41: {  	_ =	shalt  }
0x42: {  	_ =	shalt  }
0x43: {  	_ =	shalt  }
0x44: {  	_ =	shalt  }
0x45: {  	_ =	shalt  }
0x46: {  	_ =	shalt  }
0x47: {  	_ =	shalt  }
0x48: {  	_ =	shalt  }
0x49: {  	_ =	shalt  }
0x4a: {  	_ =	shalt  }
0x4b: {  	_ =	shalt  }
0x4c: {  	_ =	shalt  }
0x4d: {  	_ =	shalt  }
0x4e: {  	_ =	shalt  }
0x4f: {  	_ =	shalt  }
0x50: {  	_ =	shalt  }
0x51: {  	_ =	shalt  }
0x52: {  	_ =	shalt  }
0x53: {  	_ =	shalt  }
0x54: {  	_ =	shalt  }
0x55: {  	_ =	shalt  }
0x56: {  	_ =	shalt  }
0x57: {  	_ =	shalt  }
0x58: {  	_ =	shalt  }
0x59: {  	_ =	shalt  }
0x5a: {  	_ =	shalt  }
0x5b: {  	_ =	shalt  }
0x5c: {  	_ =	shalt  }
0x5d: {  	_ =	shalt  }
0x5e: {  	_ =	shalt  }
0x5f: {  	_ =	shalt  }
0x60: {  	_ =	shalt  }
0x61: {  	_ =	shalt  }
0x62: {  	_ =	shalt  }
0x63: {  	_ =	shalt  }
0x64: {  	_ =	shalt  }
0x65: {  	_ =	shalt  }
0x66: {  	_ =	shalt  }
0x67: {  	_ =	shalt  }
0x68: {  	_ =	shalt  }
0x69: {  	_ =	shalt  }
0x6a: {  	_ =	shalt  }
0x6b: {  	_ =	shalt  }
0x6c: {  	_ =	shalt  }
0x6d: {  	_ =	shalt  }
0x6e: {  	_ =	shalt  }
0x6f: {  	_ =	shalt  }
0x70: {  	_ =	shalt  }
0x71: {  	_ =	shalt  }
0x72: {  	_ =	shalt  }
0x73: {  	_ =	shalt  }
0x74: {  	_ =	shalt  }
0x75: {  	_ =	shalt  }
0x76: {  	_ =	shalt  }
0x77: {  	_ =	shalt  }
0x78: {  	_ =	shalt  }
0x79: {  	_ =	shalt  }
0x7a: {  	_ =	shalt  }
0x7b: {  	_ =	shalt  }
0x7c: {  	_ =	shalt  }
0x7d: {  	_ =	shalt  }
0x7e: {  	_ =	shalt  }
0x7f: {  	_ =	shalt  }
0x80: {  	_ =	shalt  }
0x81: {  	_ =	shalt  }
0x82: {  	_ =	shalt  }
0x83: {  	_ =	shalt  }
0x84: {  	_ =	shalt  }
0x85: {  	_ =	shalt  }
0x86: {  	_ =	shalt  }
0x87: {  	_ =	shalt  }
.Lfunc_end0:
.L_simem_size_0:
called_computation.1_lowered:
.L_overlay_start_0:
0x88: {  	s2 =	sld [smem:$0x3FD9]  }
0x89: {  	s3 =	sld [smem:$0x3FFE];
	_ =	sdelay $0x1  }
0x8a: {  	s1 =	srdreg.scid  }
0x8b: {  	s0 =	sand.u32 $0x1, s1  }
0x8c: {  	s17 =	sshll.u32 s0, $0xA;
	s2 =	sadd.s32 s3, s2  }
0x8d: {  	s2 =	sadd.s32 s2, s17  }
0x8e: {  	[smem:$0x3FC2] =	sst s2  }
0x8f: {  	_ = 	snop  }
0x90: {  	s18 =	sld [smem:$0x3FD0];
	(tm) =	ssettm $0x1  }
0x91: {  	s19 =	sld [smem:$0x3FFB];
	_ =	sdelay $0x3  }
0x92: {  	_ =	strace s19  }
0x93: {  	s2 =	sld [smem:$0x3FFC];
	_ =	sdelay $0x3  }
0x94: {  	_ =	strace s2  }
0x95: {  	s2 =	sld [smem:$0x3FFD];
	_ =	sdelay $0x3  }
0x96: {  	_ =	strace s2  }
0x97: {  	_ =	strace $0x8FFFFFFF  }
0x98: {  	s20 =	sld [smem:$0x3FDB];
	_ =	sdelay $0x1  }
0x99: {  	s4 =	simm.s32 $_scs_section_size  }
0x9a: {  	s5 =	simm.s32 $_size__tile_overlayer_lowered;
	s6 =	simm.s32 $_tile_overlayer_lowered  }
0x9b: {  	s7 =	simm.s32 $0x1BFF;
	s21 =	sshll.u32 s6, $0x1;
	s4 =	sadd.s32 s4, s20  }
0x9c: {  	s22 =	simm.s32 $0x0;
	s5 =	sshll.u32 s5, $0x1;
	s6 =	sadd.s32 s21, s4  }
0x9d: {  	[timem:s22], [sflag:s7] =	dma.local [hbm:s6], s5  }
0x9e: {  	_ =	swait.ge [sflag:s7], s5  }
0x9f: {  	s5 =	ssub.s32 $0x0, s5;
	[sflag:s7] =	ssyncset.done $0x0  }
0xa0: {  	[sflag:s7] =	ssyncadd.s32 s5;
	_ =	sdelay $0x1  }
0xa1: {  	s23 =	simm.s32 $0x1B8B  }
0xa2: {  	_ =	swait.ge [sflag:s23], $0x1  }
0xa3: {  	[sflag:s23] =	ssyncset.done $0x0  }
0xa4: {  	[sflag:s23] =	ssyncadd.s32 $0xFFFFFFFF  }
0xa5: {  	s5 =	sld [smem:$0x0]  }
0xa6: {  	s6 =	sand.u32 $0xFFFFFFFE, s1  }
0xa7: {  	p0 =	sne.s32 s1, s6  }
0xa8: {  	s6 =	sshll.u32 @p0 s6, $0xE  }
0xa9: {  	s6 =	sadd.s32 @p0 $0x11B8D, s6;
	s7 =	sshll.u32 @p0 s5, $0x11  }
0xaa: {  	s6 =	sor.u32 @p0 s7, s6  }
0xab: {  	[sflag:s6] =	ssyncadd.remote.s32 @p0 $0x1;
	_ =	sdelay $0x1  }
0xac: {  	s6 =	simm.s32 @p0 $0x1B8D  }
0xad: {  	_ =	swait.eq @p0 [sflag:s6], $0x1  }
0xae: {  	[sflag:s6] =	ssyncadd.s32 @p0 $0xFFFFFFFF  }
0xaf: {  	s7 =	sshll.u32 @!p0 s1, $0xE  }
0xb0: {  	s7 =	sor.u32 @!p0 $0x4000, s7;
	s6 =	simm.s32 @!p0 $0x1B8D  }
0xb1: {  	s5 =	sshll.u32 @!p0 s5, $0x11;
	s7 =	sadd.s32 @!p0 $0x11B8D, s7;
	_ =	swait.eq @!p0 [sflag:s6], $0x1  }
0xb2: {  	s5 =	sor.u32 @!p0 s5, s7;
	[sflag:s6] =	ssyncadd.s32 @!p0 $0xFFFFFFFF  }
0xb3: {  	s25 =	simm.s32 $0x1B8E;
	s24 =	sld [smem:$0x3FFE];
	[sflag:s5] =	ssyncadd.remote.s32 @!p0 $0x1  }
0xb4: {  	s26 =	simm.s32 $execute0_lowered;
	[smem:$0x3FD2] =	sst s25  }
0xb5: {  	s6 =	sshll.u32 s26, $0x1;
	_ =	strace $0x80000049;
	[dreg:$0x1] =	wrdreg $0xFFFFFFFF  }
0xb6: {  	s28 =	simm.s32 $_size_execute0_lowered;
	s4 =	sadd.s32 s4, s6;
	[dreg:$0x0] =	wrdreg $0x0  }
0xb7: {  	s6 =	sshll.u32 s28, $0x1;
	[dreg:$0x2] =	wrdreg s4  }
0xb8: {  	[dreg:$0x3] =	wrdreg s6  }
0xb9: {  	[dreg:$0x4] =	wrdreg $0xC0  }
0xba: {  	_ =	task [dreg:s22], $0x5FFFF  }
0xbb: {  	[dreg:$0x1] =	wrdreg $0xFFFFFFFF  }
0xbc: {  	[dreg:$0x0] =	wrdreg $0x60  }
0xbd: {  	[dreg:$0x2] =	wrdreg s24  }
0xbe: {  	[dreg:$0x3] =	wrdreg s18  }
0xbf: {  	[dreg:$0x4] =	wrdreg $0xA  }
0xc0: {  	_ =	task.clear_ibuf [dreg:s22], $0x5FFFF;
	_ =	strace $0x90000049  }
0xc1: {  	s29 =	simm.s32 $0xA;
	_ =	strace $0x8000004B  }
0xc2: {  	_ =	swait.ge [sflag:s29], $0x1  }
0xc3: {  	[sflag:s29] =	ssyncadd.s32 $0xFFFFFFFF  }
0xc4: {  	_ =	strace $0x9000004B  }
0xc5: {  	_ =	sfence  }
0xc6: {  	s30 =	sld [smem:$0x0];
	_ =	sdelay $0x2  }
0xc7: {  	s31 =	sshll.u32 s1, $0xD;
	s1 =	sshrl.u32 s1, $0x2  }
0xc8: {  	s4 =	sand.u32 $0x4000, s31;
	s1 =	sadd.s32 s1, s30  }
0xc9: {  	s0 =	sor.u32 s4, s0;
	s1 =	sshll.u32 s1, $0x11  }
0xca: {  	s0 =	sor.u32 s1, s0  }
0xcb: {  	s0 =	sadd.s32 $0x8F2B, s0  }
0xcc: {  	[sflag:s0] =	ssyncadd.remote.s32 $0x1  }
0xcd: {  	_ =	sfence.sel $0xFFFF  }
0xce: {  	[dreg:$0x0] =	wrdreg $0xFFFFFFFF;
	(pc) =	sbr.abs _section_cstart, $3  }
0xcf: {  	[dreg:$0x1] =	wrdreg $0xFFFFFFFF  }
0xd0: {  	_ =	task.clear_ibuf [dreg:s22], $0x2FFFF;
	_ =	strace $0x9FFFFFFF  }
0xd1: {  	(tm) =	ssettm $0x7FFFFFFF  }
tec
execute0_lowered:
.L_overlay_start_1:
0x0: {  	(tag) =	ssettag $0x1  }
0x1: {  	s1 =	rddreg [dreg:$0x0]  }
0x2: {  	s2 =	srdreg.scid;
	s0 =	stileid.u32  }
0x3: {  	s4 =	rddreg [dreg:$0x1];
	s30 =	simm.s32 $0x5;
	s9 =	simm.s32 $0x80  }
0x4: {  	s11 =	simm.s32 $0x500;
	s13 =	simm.s32 $0x1;
	s10 =	simm.s32 $0x2  }
0x5: {  	s29 =	simm.s32 $0x100;
	s28 =	simm.s32 $0x180;
	s25 =	simm.s32 $0x200  }
0x6: {  	p0 =	por $0x0, $0x0;
	s23 =	simm.s32 $0x280;
	s21 =	simm.s32 $0x300  }
0x7: {  	s19 =	simm.s32 $0x380;
	s3 =	sand.u32 $0x1, s2;
	s5 =	sshll.u32 s0, $0x1  }
0x8: {  	s17 =	simm.s32 $0x400;
	s2 =	simm.s32 $0x0;
	s5 =	sor.u32 s3, s5  }
0x9: {  	[smem:$0x7FF] =	sst s2;
	s6 =	ssub.s32 $0x2, s3;
	s7 =	smul.u32 $0xA0, s5  }
0xa: {  	s3 =	sadd.s32 $0x18AC00, s1;
	s5 =	smul.u32 $0x5000, s5;
	s8 =	sshrl.u32 s6, $0x1  }
0xb: {  	_ =	strace $0x8000004A;
	s6 =	ssub.s32 s6, s8;
	s8 =	simm.s32 $0x3  }
0xc: {  	s4 =	sadd.s32 s4, s7;
	s1 =	sadd.s32 s5, s1;
	s15 =	smax.u32 s6, $0x1  }
0xd: {  	s5 =	simm.s32 $0x4500;
	s6 =	simm.s32 $0x4;
	p1 =	sne.s32 s15, $0x1  }
.Ltmp0:
0xe: {  	[dreg:$0x3] =	wrdreg s4;
	s26 =	sadd.s32 $0xA6A00, s1;
	(pc) =	sbr.rel @!p1 .LBB2_3-.Ltmp0, $4  }
0xf: {  	s24 =	sadd.s32 $0xA7200, s1;
	s22 =	sadd.s32 $0xA7A00, s1;
	s20 =	sadd.s32 $0xA8200, s1  }
0x10: {  	s18 =	sadd.s32 $0xA8A00, s1;
	s16 =	sadd.s32 $0xA9200, s1;
	s14 =	sadd.s32 $0xA9A00, s1  }
0x11: {  	s12 =	sadd.s32 $0xAA200, s1;
	s7 =	sadd.s32 $0xAAA00, s1;
	s4 =	sadd.s32 $0xAB200, s1  }
0x12: {  	s31 =	sadd.s32 $0xFFFFFFFF, s15;
	s15 =	simm.s32 $0x480;
	s1 =	rddreg [dreg:$0x3]  }
0x13: {  	[tilespmem:s2], [sflag:$0x5] =	stream.linear.gather [hbm4b:s1+s2], $0x500, $0x38;
	[tilespmem:$0x8500] =	vst v63  }
0x14: {  	_ =	swait.ge [sflag:s30], $0x500  }
0x15: {  	[sflag:s30] =	ssyncset.done $0x0  }
0x16: {  	[sflag:s30] =	ssyncadd.s32 $0xFFFFFB00  }
0x17: {  	[tilespmem:s11], [sflag:$0x1] =	stream.indirect.gather [hbm4b:s3+s9], $0x80, s2, s9, $0xb8;
	[tilespmem:$0x8500] =	vst v63  }
0x18: {  	_ =	swait.ge [sflag:s13], $0x4000  }
0x19: {  	[sflag:s13] =	ssyncset.done $0x0  }
0x1a: {  	[sflag:s13] =	ssyncadd.s32 $0xFFFFC000  }
0x1b: {  	[hbm4b:s26+s2] =	stream.linear.scatter [tilespmem:s11], [sflag:$0x3], $0x4000, $0x38;
	[tilespmem:$0x8500] =	vst v63  }
0x1c: {  	_ = 	snop  }
0x1d: {  	[tilespmem:s5], [sflag:$0x2] =	stream.indirect.gather [hbm4b:s3+s9], $0x80, s9, s9, $0xb8;
	[tilespmem:$0x8500] =	vst v63  }
0x1e: {  	_ =	swait.ge [sflag:s10], $0x4000  }
0x1f: {  	[sflag:s10] =	ssyncset.done $0x0  }
0x20: {  	[sflag:s10] =	ssyncadd.s32 $0xFFFFC000  }
0x21: {  	_ =	swait.ge [sflag:s8], $0x4000  }
0x22: {  	[sflag:s8] =	ssyncset.done $0x0  }
0x23: {  	[sflag:s8] =	ssyncadd.s32 $0xFFFFC000  }
0x24: {  	[hbm4b:s24+s2] =	stream.linear.scatter [tilespmem:s5], [sflag:$0x4], $0x4000, $0x38;
	[tilespmem:$0x8500] =	vst v63  }
0x25: {  	_ = 	snop  }
0x26: {  	[tilespmem:s11], [sflag:$0x1] =	stream.indirect.gather [hbm4b:s3+s9], $0x80, s29, s9, $0xb8;
	[tilespmem:$0x8500] =	vst v63  }
0x27: {  	_ =	swait.ge [sflag:s13], $0x4000  }
0x28: {  	[sflag:s13] =	ssyncset.done $0x0  }
0x29: {  	[sflag:s13] =	ssyncadd.s32 $0xFFFFC000  }
0x2a: {  	_ =	swait.ge [sflag:s6], $0x4000  }
0x2b: {  	[sflag:s6] =	ssyncset.done $0x0  }
0x2c: {  	[sflag:s6] =	ssyncadd.s32 $0xFFFFC000  }
0x2d: {  	[hbm4b:s22+s2] =	stream.linear.scatter [tilespmem:s11], [sflag:$0x3], $0x4000, $0x38;
	[tilespmem:$0x8500] =	vst v63  }
0x2e: {  	_ = 	snop  }
0x2f: {  	[tilespmem:s5], [sflag:$0x2] =	stream.indirect.gather [hbm4b:s3+s9], $0x80, s28, s9, $0xb8;
	[tilespmem:$0x8500] =	vst v63  }
0x30: {  	_ =	swait.ge [sflag:s10], $0x4000  }
0x31: {  	[sflag:s10] =	ssyncset.done $0x0  }
0x32: {  	[sflag:s10] =	ssyncadd.s32 $0xFFFFC000  }
0x33: {  	_ =	swait.ge [sflag:s8], $0x4000  }
0x34: {  	[sflag:s8] =	ssyncset.done $0x0  }
0x35: {  	[sflag:s8] =	ssyncadd.s32 $0xFFFFC000  }
0x36: {  	[hbm4b:s20+s2] =	stream.linear.scatter [tilespmem:s5], [sflag:$0x4], $0x4000, $0x38;
	[tilespmem:$0x8500] =	vst v63  }
0x37: {  	_ = 	snop  }
0x38: {  	[tilespmem:s11], [sflag:$0x1] =	stream.indirect.gather [hbm4b:s3+s9], $0x80, s25, s9, $0xb8;
	[tilespmem:$0x8500] =	vst v63  }
0x39: {  	_ =	swait.ge [sflag:s13], $0x4000  }
0x3a: {  	[sflag:s13] =	ssyncset.done $0x0  }
0x3b: {  	[sflag:s13] =	ssyncadd.s32 $0xFFFFC000  }
0x3c: {  	_ =	swait.ge [sflag:s6], $0x4000  }
0x3d: {  	[sflag:s6] =	ssyncset.done $0x0  }
0x3e: {  	[sflag:s6] =	ssyncadd.s32 $0xFFFFC000  }
0x3f: {  	[hbm4b:s18+s2] =	stream.linear.scatter [tilespmem:s11], [sflag:$0x3], $0x4000, $0x38;
	[tilespmem:$0x8500] =	vst v63  }
0x40: {  	_ = 	snop  }
0x41: {  	[tilespmem:s5], [sflag:$0x2] =	stream.indirect.gather [hbm4b:s3+s9], $0x80, s23, s9, $0xb8;
	[tilespmem:$0x8500] =	vst v63  }
0x42: {  	_ =	swait.ge [sflag:s10], $0x4000  }
0x43: {  	[sflag:s10] =	ssyncset.done $0x0  }
0x44: {  	[sflag:s10] =	ssyncadd.s32 $0xFFFFC000  }
0x45: {  	_ =	swait.ge [sflag:s8], $0x4000  }
0x46: {  	[sflag:s8] =	ssyncset.done $0x0  }
0x47: {  	[sflag:s8] =	ssyncadd.s32 $0xFFFFC000  }
0x48: {  	[hbm4b:s16+s2] =	stream.linear.scatter [tilespmem:s5], [sflag:$0x4], $0x4000, $0x38;
	[tilespmem:$0x8500] =	vst v63  }
0x49: {  	_ = 	snop  }
0x4a: {  	[tilespmem:s11], [sflag:$0x1] =	stream.indirect.gather [hbm4b:s3+s9], $0x80, s21, s9, $0xb8;
	[tilespmem:$0x8500] =	vst v63  }
0x4b: {  	_ =	swait.ge [sflag:s13], $0x4000  }
0x4c: {  	[sflag:s13] =	ssyncset.done $0x0  }
0x4d: {  	[sflag:s13] =	ssyncadd.s32 $0xFFFFC000  }
0x4e: {  	_ =	swait.ge [sflag:s6], $0x4000  }
0x4f: {  	[sflag:s6] =	ssyncset.done $0x0  }
0x50: {  	[sflag:s6] =	ssyncadd.s32 $0xFFFFC000  }
0x51: {  	[hbm4b:s14+s2] =	stream.linear.scatter [tilespmem:s11], [sflag:$0x3], $0x4000, $0x38;
	[tilespmem:$0x8500] =	vst v63  }
0x52: {  	_ = 	snop  }
0x53: {  	[tilespmem:s5], [sflag:$0x2] =	stream.indirect.gather [hbm4b:s3+s9], $0x80, s19, s9, $0xb8;
	[tilespmem:$0x8500] =	vst v63  }
0x54: {  	_ =	swait.ge [sflag:s10], $0x4000  }
0x55: {  	[sflag:s10] =	ssyncset.done $0x0  }
0x56: {  	[sflag:s10] =	ssyncadd.s32 $0xFFFFC000  }
0x57: {  	_ =	swait.ge [sflag:s8], $0x4000  }
0x58: {  	[sflag:s8] =	ssyncset.done $0x0  }
0x59: {  	[sflag:s8] =	ssyncadd.s32 $0xFFFFC000  }
0x5a: {  	[hbm4b:s12+s2] =	stream.linear.scatter [tilespmem:s5], [sflag:$0x4], $0x4000, $0x38;
	[tilespmem:$0x8500] =	vst v63  }
0x5b: {  	_ = 	snop  }
0x5c: {  	[tilespmem:s11], [sflag:$0x1] =	stream.indirect.gather [hbm4b:s3+s9], $0x80, s17, s9, $0xb8;
	[tilespmem:$0x8500] =	vst v63  }
0x5d: {  	_ =	swait.ge [sflag:s13], $0x4000  }
0x5e: {  	[sflag:s13] =	ssyncset.done $0x0  }
0x5f: {  	[sflag:s13] =	ssyncadd.s32 $0xFFFFC000  }
0x60: {  	_ =	swait.ge [sflag:s6], $0x4000  }
0x61: {  	[sflag:s6] =	ssyncset.done $0x0  }
0x62: {  	[sflag:s6] =	ssyncadd.s32 $0xFFFFC000  }
0x63: {  	[hbm4b:s7+s2] =	stream.linear.scatter [tilespmem:s11], [sflag:$0x3], $0x4000, $0x38;
	[tilespmem:$0x8500] =	vst v63  }
0x64: {  	_ = 	snop  }
0x65: {  	[tilespmem:s5], [sflag:$0x2] =	stream.indirect.gather [hbm4b:s3+s9], $0x80, s15, s9, $0xb8;
	[tilespmem:$0x8500] =	vst v63  }
0x66: {  	_ =	swait.ge [sflag:s10], $0x4000  }
0x67: {  	[sflag:s10] =	ssyncset.done $0x0  }
0x68: {  	[sflag:s10] =	ssyncadd.s32 $0xFFFFC000  }
0x69: {  	p1 =	sne.s32 s31, $0x1;
	_ =	swait.ge [sflag:s8], $0x4000  }
.Ltmp1:
0x6a: {  	[sflag:s8] =	ssyncset.done $0x0;
	(pc) =	sbr.rel @!p1 .LBB2_3-.Ltmp1, $4  }
0x6b: {  	[sflag:s8] =	ssyncadd.s32 $0xFFFFC000  }
0x6c: {  	[hbm4b:s4+s2] =	stream.linear.scatter [tilespmem:s5], [sflag:$0x4], $0x4000, $0x38;
	[tilespmem:$0x8500] =	vst v63  }
0x6d: {  	s31 =	sadd.s32 $0xFFFFFFFF, s31;
	_ =	swait.ge [sflag:s6], $0x4000  }
0x6e: {  	p0 =	por $0x1, $0x1;
	s1 =	rddreg [dreg:$0x3];
	[sflag:s6] =	ssyncset.done $0x0  }
.LBB2_2:
0x6f: {  	[sflag:s6] =	ssyncadd.s32 $0xFFFFC000  }
0x70: {  	[tilespmem:s2], [sflag:$0x5] =	stream.linear.gather [hbm4b:s1+s2], $0x500, $0x38;
	[tilespmem:$0x8500] =	vst v63  }
0x71: {  	_ =	swait.ge [sflag:s30], $0x500  }
0x72: {  	[sflag:s30] =	ssyncset.done $0x0  }
0x73: {  	[sflag:s30] =	ssyncadd.s32 $0xFFFFFB00  }
0x74: {  	[tilespmem:s11], [sflag:$0x1] =	stream.indirect.gather [hbm4b:s3+s9], $0x80, s2, s9, $0xb8;
	[tilespmem:$0x8500] =	vst v63  }
0x75: {  	_ =	swait.ge [sflag:s13], $0x4000  }
0x76: {  	[sflag:s13] =	ssyncset.done $0x0  }
0x77: {  	[sflag:s13] =	ssyncadd.s32 $0xFFFFC000  }
0x78: {  	[hbm4b:s26+s2] =	stream.linear.scatter [tilespmem:s11], [sflag:$0x3], $0x4000, $0x38;
	[tilespmem:$0x8500] =	vst v63  }
0x79: {  	_ = 	snop  }
0x7a: {  	[tilespmem:s5], [sflag:$0x2] =	stream.indirect.gather [hbm4b:s3+s9], $0x80, s9, s9, $0xb8;
	[tilespmem:$0x8500] =	vst v63  }
0x7b: {  	_ =	swait.ge [sflag:s10], $0x4000  }
0x7c: {  	[sflag:s10] =	ssyncset.done $0x0  }
0x7d: {  	[sflag:s10] =	ssyncadd.s32 $0xFFFFC000  }
0x7e: {  	_ =	swait.ge [sflag:s8], $0x4000  }
0x7f: {  	[sflag:s8] =	ssyncset.done $0x0  }
0x80: {  	[sflag:s8] =	ssyncadd.s32 $0xFFFFC000  }
0x81: {  	[hbm4b:s24+s2] =	stream.linear.scatter [tilespmem:s5], [sflag:$0x4], $0x4000, $0x38;
	[tilespmem:$0x8500] =	vst v63  }
0x82: {  	_ = 	snop  }
0x83: {  	[tilespmem:s11], [sflag:$0x1] =	stream.indirect.gather [hbm4b:s3+s9], $0x80, s29, s9, $0xb8;
	[tilespmem:$0x8500] =	vst v63  }
0x84: {  	_ =	swait.ge [sflag:s13], $0x4000  }
0x85: {  	[sflag:s13] =	ssyncset.done $0x0  }
0x86: {  	[sflag:s13] =	ssyncadd.s32 $0xFFFFC000  }
0x87: {  	_ =	swait.ge [sflag:s6], $0x4000  }
0x88: {  	[sflag:s6] =	ssyncset.done $0x0  }
0x89: {  	[sflag:s6] =	ssyncadd.s32 $0xFFFFC000  }
0x8a: {  	[hbm4b:s22+s2] =	stream.linear.scatter [tilespmem:s11], [sflag:$0x3], $0x4000, $0x38;
	[tilespmem:$0x8500] =	vst v63  }
0x8b: {  	_ = 	snop  }
0x8c: {  	[tilespmem:s5], [sflag:$0x2] =	stream.indirect.gather [hbm4b:s3+s9], $0x80, s28, s9, $0xb8;
	[tilespmem:$0x8500] =	vst v63  }
0x8d: {  	_ =	swait.ge [sflag:s10], $0x4000  }
0x8e: {  	[sflag:s10] =	ssyncset.done $0x0  }
0x8f: {  	[sflag:s10] =	ssyncadd.s32 $0xFFFFC000  }
0x90: {  	_ =	swait.ge [sflag:s8], $0x4000  }
0x91: {  	[sflag:s8] =	ssyncset.done $0x0  }
0x92: {  	[sflag:s8] =	ssyncadd.s32 $0xFFFFC000  }
0x93: {  	[hbm4b:s20+s2] =	stream.linear.scatter [tilespmem:s5], [sflag:$0x4], $0x4000, $0x38;
	[tilespmem:$0x8500] =	vst v63  }
0x94: {  	_ = 	snop  }
0x95: {  	[tilespmem:s11], [sflag:$0x1] =	stream.indirect.gather [hbm4b:s3+s9], $0x80, s25, s9, $0xb8;
	[tilespmem:$0x8500] =	vst v63  }
0x96: {  	_ =	swait.ge [sflag:s13], $0x4000  }
0x97: {  	[sflag:s13] =	ssyncset.done $0x0  }
0x98: {  	[sflag:s13] =	ssyncadd.s32 $0xFFFFC000  }
0x99: {  	_ =	swait.ge [sflag:s6], $0x4000  }
0x9a: {  	[sflag:s6] =	ssyncset.done $0x0  }
0x9b: {  	[sflag:s6] =	ssyncadd.s32 $0xFFFFC000  }
0x9c: {  	[hbm4b:s18+s2] =	stream.linear.scatter [tilespmem:s11], [sflag:$0x3], $0x4000, $0x38;
	[tilespmem:$0x8500] =	vst v63  }
0x9d: {  	_ = 	snop  }
0x9e: {  	[tilespmem:s5], [sflag:$0x2] =	stream.indirect.gather [hbm4b:s3+s9], $0x80, s23, s9, $0xb8;
	[tilespmem:$0x8500] =	vst v63  }
0x9f: {  	_ =	swait.ge [sflag:s10], $0x4000  }
0xa0: {  	[sflag:s10] =	ssyncset.done $0x0  }
0xa1: {  	[sflag:s10] =	ssyncadd.s32 $0xFFFFC000  }
0xa2: {  	_ =	swait.ge [sflag:s8], $0x4000  }
0xa3: {  	[sflag:s8] =	ssyncset.done $0x0  }
0xa4: {  	[sflag:s8] =	ssyncadd.s32 $0xFFFFC000  }
0xa5: {  	[hbm4b:s16+s2] =	stream.linear.scatter [tilespmem:s5], [sflag:$0x4], $0x4000, $0x38;
	[tilespmem:$0x8500] =	vst v63  }
0xa6: {  	_ = 	snop  }
0xa7: {  	[tilespmem:s11], [sflag:$0x1] =	stream.indirect.gather [hbm4b:s3+s9], $0x80, s21, s9, $0xb8;
	[tilespmem:$0x8500] =	vst v63  }
0xa8: {  	_ =	swait.ge [sflag:s13], $0x4000  }
0xa9: {  	[sflag:s13] =	ssyncset.done $0x0  }
0xaa: {  	[sflag:s13] =	ssyncadd.s32 $0xFFFFC000  }
0xab: {  	_ =	swait.ge [sflag:s6], $0x4000  }
0xac: {  	[sflag:s6] =	ssyncset.done $0x0  }
0xad: {  	[sflag:s6] =	ssyncadd.s32 $0xFFFFC000  }
0xae: {  	[hbm4b:s14+s2] =	stream.linear.scatter [tilespmem:s11], [sflag:$0x3], $0x4000, $0x38;
	[tilespmem:$0x8500] =	vst v63  }
0xaf: {  	_ = 	snop  }
0xb0: {  	[tilespmem:s5], [sflag:$0x2] =	stream.indirect.gather [hbm4b:s3+s9], $0x80, s19, s9, $0xb8;
	[tilespmem:$0x8500] =	vst v63  }
0xb1: {  	_ =	swait.ge [sflag:s10], $0x4000  }
0xb2: {  	[sflag:s10] =	ssyncset.done $0x0  }
0xb3: {  	[sflag:s10] =	ssyncadd.s32 $0xFFFFC000  }
0xb4: {  	_ =	swait.ge [sflag:s8], $0x4000  }
0xb5: {  	[sflag:s8] =	ssyncset.done $0x0  }
0xb6: {  	[sflag:s8] =	ssyncadd.s32 $0xFFFFC000  }
0xb7: {  	[hbm4b:s12+s2] =	stream.linear.scatter [tilespmem:s5], [sflag:$0x4], $0x4000, $0x38;
	[tilespmem:$0x8500] =	vst v63  }
0xb8: {  	_ = 	snop  }
0xb9: {  	[tilespmem:s11], [sflag:$0x1] =	stream.indirect.gather [hbm4b:s3+s9], $0x80, s17, s9, $0xb8;
	[tilespmem:$0x8500] =	vst v63  }
0xba: {  	_ =	swait.ge [sflag:s13], $0x4000  }
0xbb: {  	[sflag:s13] =	ssyncset.done $0x0  }
0xbc: {  	[sflag:s13] =	ssyncadd.s32 $0xFFFFC000  }
0xbd: {  	_ =	swait.ge [sflag:s6], $0x4000  }
0xbe: {  	[sflag:s6] =	ssyncset.done $0x0  }
0xbf: {  	[sflag:s6] =	ssyncadd.s32 $0xFFFFC000  }
0xc0: {  	[hbm4b:s7+s2] =	stream.linear.scatter [tilespmem:s11], [sflag:$0x3], $0x4000, $0x38;
	[tilespmem:$0x8500] =	vst v63  }
0xc1: {  	_ = 	snop  }
0xc2: {  	[tilespmem:s5], [sflag:$0x2] =	stream.indirect.gather [hbm4b:s3+s9], $0x80, s15, s9, $0xb8;
	[tilespmem:$0x8500] =	vst v63  }
0xc3: {  	_ =	swait.ge [sflag:s10], $0x4000  }
0xc4: {  	[sflag:s10] =	ssyncset.done $0x0  }
0xc5: {  	[sflag:s10] =	ssyncadd.s32 $0xFFFFC000  }
0xc6: {  	p1 =	sne.s32 s31, $0x1;
	_ =	swait.ge [sflag:s8], $0x4000  }
.Ltmp2:
0xc7: {  	[sflag:s8] =	ssyncset.done $0x0;
	(pc) =	sbr.rel @p1 .LBB2_2-.Ltmp2, $4  }
0xc8: {  	[sflag:s8] =	ssyncadd.s32 $0xFFFFC000  }
0xc9: {  	[hbm4b:s4+s2] =	stream.linear.scatter [tilespmem:s5], [sflag:$0x4], $0x4000, $0x38;
	[tilespmem:$0x8500] =	vst v63  }
0xca: {  	_ =	swait.ge [sflag:s6], $0x4000  }
0xcb: {  	s31 =	sadd.s32 $0xFFFFFFFF, s31;
	s1 =	rddreg [dreg:$0x3];
	[sflag:s6] =	ssyncset.done $0x0  }
.LBB2_3:
0xcc: {  	[sflag:s6] =	ssyncadd.s32 @p0 $0xFFFFC000  }
0xcd: {  	[tilespmem:s2], [sflag:$0x5] =	stream.linear.gather [hbm4b:s1+s2], $0x500, $0x38;
	[tilespmem:$0x8500] =	vst v63  }
0xce: {  	_ =	swait.ge [sflag:s30], $0x500  }
0xcf: {  	[sflag:s30] =	ssyncset.done $0x0  }
0xd0: {  	[sflag:s30] =	ssyncadd.s32 $0xFFFFFB00  }
0xd1: {  	[tilespmem:s11], [sflag:$0x1] =	stream.indirect.gather [hbm4b:s3+s9], $0x80, s2, s9, $0xb8;
	[tilespmem:$0x8500] =	vst v63  }
0xd2: {  	_ =	swait.ge [sflag:s13], $0x4000  }
0xd3: {  	[sflag:s13] =	ssyncset.done $0x0  }
0xd4: {  	[sflag:s13] =	ssyncadd.s32 $0xFFFFC000  }
0xd5: {  	[hbm4b:s26+s2] =	stream.linear.scatter [tilespmem:s11], [sflag:$0x3], $0x4000, $0x38;
	[tilespmem:$0x8500] =	vst v63  }
0xd6: {  	_ = 	snop  }
0xd7: {  	[tilespmem:s5], [sflag:$0x2] =	stream.indirect.gather [hbm4b:s3+s9], $0x80, s9, s9, $0xb8;
	[tilespmem:$0x8500] =	vst v63  }
0xd8: {  	_ =	swait.ge [sflag:s10], $0x4000  }
0xd9: {  	[sflag:s10] =	ssyncset.done $0x0  }
0xda: {  	[sflag:s10] =	ssyncadd.s32 $0xFFFFC000  }
0xdb: {  	_ =	swait.ge [sflag:s8], $0x4000  }
0xdc: {  	[sflag:s8] =	ssyncset.done $0x0  }
0xdd: {  	[sflag:s8] =	ssyncadd.s32 $0xFFFFC000  }
0xde: {  	[hbm4b:s24+s2] =	stream.linear.scatter [tilespmem:s5], [sflag:$0x4], $0x4000, $0x38;
	[tilespmem:$0x8500] =	vst v63  }
0xdf: {  	_ = 	snop  }
0xe0: {  	[tilespmem:s11], [sflag:$0x1] =	stream.indirect.gather [hbm4b:s3+s9], $0x80, s29, s9, $0xb8;
	[tilespmem:$0x8500] =	vst v63  }
0xe1: {  	_ =	swait.ge [sflag:s13], $0x4000  }
0xe2: {  	[sflag:s13] =	ssyncset.done $0x0  }
0xe3: {  	[sflag:s13] =	ssyncadd.s32 $0xFFFFC000  }
0xe4: {  	_ =	swait.ge [sflag:s6], $0x4000  }
0xe5: {  	[sflag:s6] =	ssyncset.done $0x0  }
0xe6: {  	[sflag:s6] =	ssyncadd.s32 $0xFFFFC000  }
0xe7: {  	[hbm4b:s22+s2] =	stream.linear.scatter [tilespmem:s11], [sflag:$0x3], $0x4000, $0x38;
	[tilespmem:$0x8500] =	vst v63  }
0xe8: {  	_ = 	snop  }
0xe9: {  	[tilespmem:s5], [sflag:$0x2] =	stream.indirect.gather [hbm4b:s3+s9], $0x80, s28, s9, $0xb8;
	[tilespmem:$0x8500] =	vst v63  }
0xea: {  	_ =	swait.ge [sflag:s10], $0x4000  }
0xeb: {  	[sflag:s10] =	ssyncset.done $0x0  }
0xec: {  	[sflag:s10] =	ssyncadd.s32 $0xFFFFC000  }
0xed: {  	_ =	swait.ge [sflag:s8], $0x4000  }
0xee: {  	[sflag:s8] =	ssyncset.done $0x0  }
0xef: {  	[sflag:s8] =	ssyncadd.s32 $0xFFFFC000  }
0xf0: {  	[hbm4b:s20+s2] =	stream.linear.scatter [tilespmem:s5], [sflag:$0x4], $0x4000, $0x38;
	[tilespmem:$0x8500] =	vst v63  }
0xf1: {  	_ = 	snop  }
0xf2: {  	[tilespmem:s11], [sflag:$0x1] =	stream.indirect.gather [hbm4b:s3+s9], $0x80, s25, s9, $0xb8;
	[tilespmem:$0x8500] =	vst v63  }
0xf3: {  	_ =	swait.ge [sflag:s13], $0x4000  }
0xf4: {  	[sflag:s13] =	ssyncset.done $0x0  }
0xf5: {  	[sflag:s13] =	ssyncadd.s32 $0xFFFFC000  }
0xf6: {  	_ =	swait.ge [sflag:s6], $0x4000  }
0xf7: {  	[sflag:s6] =	ssyncset.done $0x0  }
0xf8: {  	[sflag:s6] =	ssyncadd.s32 $0xFFFFC000  }
0xf9: {  	[hbm4b:s18+s2] =	stream.linear.scatter [tilespmem:s11], [sflag:$0x3], $0x4000, $0x38;
	[tilespmem:$0x8500] =	vst v63  }
0xfa: {  	_ = 	snop  }
0xfb: {  	[tilespmem:s5], [sflag:$0x2] =	stream.indirect.gather [hbm4b:s3+s9], $0x80, s23, s9, $0xb8;
	[tilespmem:$0x8500] =	vst v63  }
0xfc: {  	_ =	swait.ge [sflag:s10], $0x4000  }
0xfd: {  	[sflag:s10] =	ssyncset.done $0x0  }
0xfe: {  	[sflag:s10] =	ssyncadd.s32 $0xFFFFC000  }
0xff: {  	_ =	swait.ge [sflag:s8], $0x4000  }
0x100: {  	[sflag:s8] =	ssyncset.done $0x0  }
0x101: {  	[sflag:s8] =	ssyncadd.s32 $0xFFFFC000  }
0x102: {  	[hbm4b:s16+s2] =	stream.linear.scatter [tilespmem:s5], [sflag:$0x4], $0x4000, $0x38;
	[tilespmem:$0x8500] =	vst v63  }
0x103: {  	_ = 	snop  }
0x104: {  	[tilespmem:s11], [sflag:$0x1] =	stream.indirect.gather [hbm4b:s3+s9], $0x80, s21, s9, $0xb8;
	[tilespmem:$0x8500] =	vst v63  }
0x105: {  	_ =	swait.ge [sflag:s13], $0x4000  }
0x106: {  	[sflag:s13] =	ssyncset.done $0x0  }
0x107: {  	[sflag:s13] =	ssyncadd.s32 $0xFFFFC000  }
0x108: {  	_ =	swait.ge [sflag:s6], $0x4000  }
0x109: {  	[sflag:s6] =	ssyncset.done $0x0  }
0x10a: {  	[sflag:s6] =	ssyncadd.s32 $0xFFFFC000  }
0x10b: {  	[hbm4b:s14+s2] =	stream.linear.scatter [tilespmem:s11], [sflag:$0x3], $0x4000, $0x38;
	[tilespmem:$0x8500] =	vst v63  }
0x10c: {  	_ = 	snop  }
0x10d: {  	[tilespmem:s5], [sflag:$0x2] =	stream.indirect.gather [hbm4b:s3+s9], $0x80, s19, s9, $0xb8;
	[tilespmem:$0x8500] =	vst v63  }
0x10e: {  	_ =	swait.ge [sflag:s10], $0x4000  }
0x10f: {  	[sflag:s10] =	ssyncset.done $0x0  }
0x110: {  	[sflag:s10] =	ssyncadd.s32 $0xFFFFC000  }
0x111: {  	_ =	swait.ge [sflag:s8], $0x4000  }
0x112: {  	[sflag:s8] =	ssyncset.done $0x0  }
0x113: {  	[sflag:s8] =	ssyncadd.s32 $0xFFFFC000  }
0x114: {  	[hbm4b:s12+s2] =	stream.linear.scatter [tilespmem:s5], [sflag:$0x4], $0x4000, $0x38;
	[tilespmem:$0x8500] =	vst v63  }
0x115: {  	_ = 	snop  }
0x116: {  	[tilespmem:s11], [sflag:$0x1] =	stream.indirect.gather [hbm4b:s3+s9], $0x80, s17, s9, $0xb8;
	[tilespmem:$0x8500] =	vst v63  }
0x117: {  	_ =	swait.ge [sflag:s13], $0x4000  }
0x118: {  	[sflag:s13] =	ssyncset.done $0x0  }
0x119: {  	[sflag:s13] =	ssyncadd.s32 $0xFFFFC000  }
0x11a: {  	_ =	swait.ge [sflag:s6], $0x4000  }
0x11b: {  	[sflag:s6] =	ssyncset.done $0x0  }
0x11c: {  	[sflag:s6] =	ssyncadd.s32 $0xFFFFC000  }
0x11d: {  	[hbm4b:s7+s2] =	stream.linear.scatter [tilespmem:s11], [sflag:$0x3], $0x4000, $0x38;
	[tilespmem:$0x8500] =	vst v63  }
0x11e: {  	_ = 	snop  }
0x11f: {  	[tilespmem:s5], [sflag:$0x2] =	stream.indirect.gather [hbm4b:s3+s9], $0x80, s15, s9, $0xb8;
	[tilespmem:$0x8500] =	vst v63  }
0x120: {  	_ =	swait.ge [sflag:s10], $0x4000  }
0x121: {  	[sflag:s10] =	ssyncset.done $0x0  }
0x122: {  	[sflag:s10] =	ssyncadd.s32 $0xFFFFC000  }
0x123: {  	_ =	swait.ge [sflag:s8], $0x4000  }
0x124: {  	[sflag:s8] =	ssyncset.done $0x0  }
0x125: {  	[sflag:s8] =	ssyncadd.s32 $0xFFFFC000  }
0x126: {  	[hbm4b:s4+s2] =	stream.linear.scatter [tilespmem:s5], [sflag:$0x4], $0x4000, $0x38;
	[tilespmem:$0x8500] =	vst v63  }
0x127: {  	_ =	swait.ge [sflag:s6], $0x4000  }
0x128: {  	[sflag:s6] =	ssyncset.done $0x0  }
0x129: {  	[sflag:s6] =	ssyncadd.s32 $0xFFFFC000  }
0x12a: {  	_ =	sfence.sel $0x180000  }
0x12b: {  	[bflag:$0x0] =	sbarrier.arrive $0xFFFF  }
0x12c: {  	_ =	strace $0x9000004A  }
0x12d: {  	[bflag:$0x2] =	sbarrier.arrive $0xFFFF  }
0x12e: {  	p0 =	sne.s32 s0, $0x0;
	s0 =	rddreg [dreg:$0x2]  }
0x12f: {  	s0 =	sadd.s32 @!p0 $0x100000, s0  }
0x130: {  	[sflag:s0] =	ssyncadd.tile.s32 @!p0 $0x1;
	_ =	shalt  }
.Lfunc_end2:
_tile_overlayer_lowered:
.L_overlay_start_2:
0x131: {  	(tag) =	ssettag $0x2  }
0x132: {  	s0 =	rddreg [dreg:$0x0];
	s2 =	stileid.u32  }
0x133: {  	s1 =	rddreg [dreg:$0x1];
	p0 =	sne.s32 s2, $0x0  }
0x134: {  	s3 =	rddreg [dreg:$0x2];
	[bflag:$0x3] =	sbarrier.arrive $0xFFFF;
	s2 =	simm.s32 @!p0 $0x1C05  }
0x135: {  	[timem:s3], [sflag:s2] =	dma.local @!p0 [hbm:s0], s1  }
0x136: {  	s0 =	simm.s32 @!p0 $0x5  }
0x137: {  	_ =	swait.ge @!p0 [sflag:s0], s1  }
0x138: {  	s1 =	ssub.s32 @!p0 $0x0, s1;
	[sflag:s0] =	ssyncset.done @!p0 $0x0  }
0x139: {  	[sflag:s0] =	ssyncadd.s32 @!p0 s1  }
0x13a: {  	[bflag:$0x3] =	sbarrier.arrive $0xFFFF  }
0x13b: {  	_ =	shalt  }

// kernel: kernel.18.cloned.1.call-start
scs
__scs_entry_jumppad:
0x0: {  	(pc) =	sbr.rel $0x88, $3  }
0x1: {  	(tag) =	ssettag $0x0;
	lr =	simm.s32 $0x1  }
0x2: {  	[smem:$0x3F9B] =	sst lr;
	_ =	strace $0xD0000000  }
0x3: {  	_ = 	snop  }
0x4: {  	_ = 	snop  }
0x5: {  	_ = 	snop  }
0x6: {  	_ = 	snop  }
0x7: {  	_ = 	snop  }
__scs_overlays_trampoline_lowered:
0x8: {  	[smem:$0x3FAA] =	sst s0  }
0x9: {  	[smem:$0x3FAB] =	sst s1  }
0xa: {  	[smem:$0x3FAC] =	sst s2  }
0xb: {  	[smem:$0x3FAD] =	sst s3  }
0xc: {  	[smem:$0x3FAE] =	sst s4  }
0xd: {  	[smem:$0x3FAF] =	sst s5  }
0xe: {  	[smem:$0x3FB0] =	sst s6  }
0xf: {  	[smem:$0x3FB1] =	sst s7  }
0x10: {  	[smem:$0x3FB2] =	sst s8  }
0x11: {  	[smem:$0x3FB3] =	sst s9;
	s0 =	simm.s32 @!p0 $0x0  }
0x12: {  	s1 =	sld [smem:$0x3F99];
	s0 =	simm.s32 @p0 $0x1  }
0x13: {  	[smem:$0x3FB4] =	sst s0;
	s0 =	simm.s32 @!p1 $0x0  }
0x14: {  	s2 =	sld [smem:$0x3F98];
	s0 =	simm.s32 @p1 $0x1  }
0x15: {  	[smem:$0x3FB5] =	sst s0;
	s0 =	simm.s32 @!p2 $0x0  }
0x16: {  	s3 =	sld [smem:$0x3FDB];
	s0 =	simm.s32 @p2 $0x1  }
0x17: {  	s4 =	simm.s32 $0x1BF5;
	[smem:$0x3FB7] =	sst s0  }
0x18: {  	s0 =	sld [smem:$0x3F9A];
	_ =	swait.ge [sflag:s4], $0x0  }
0x19: {  	s7 =	sld [smem:$0x3F9B]  }
0x1a: {  	s8 =	sadd.s32 $0xFFFFE003, lr  }
0x1b: {  	s9 =	sadd.s32 $0xFFFFFEF7, lr;
	s5 =	simm.s32 $0xFFFFFFFF;
	p2 =	slt.u32 s8, $0xFFFFF086  }
0x1c: {  	p1 =	slt.u32 s9, $0xF7A;
	s5 =	simm.s32 @!p2 $0x0  }
0x1d: {  	s5 =	simm.s32 @p1 $0x1;
	p0 =	seq.s32 s7, s2  }
0x1e: {  	s7 =	smul.u32 @!p0 $0xF7A, s2;
	p2 =	seq.s32 @!p0 s5, $0x0  }
0x1f: {  	s9 =	smul.u32 $0xF7A, s1;
	s8 =	simm.s32 @!p0 $0x1BF5;
	p2 =	por !p2, p0  }
0x20: {  	[sflag:s8] =	ssyncset.s32 @!p0 $0xFFFFF086;
	s6 =	sadd.s32 @!p0 s3, s7;
	s7 =	simm.s32 @!p0 $0x108  }
0x21: {  	s3 =	sadd.s32 s3, s9;
	s6 =	sadd.s32 @!p0 $0x88, s6;
	s7 =	simm.s32 @p2 $0x1082  }
0x22: {  	[simem:s7], [sflag:s8] =	dma.local @!p0 [hbm:s6], $0xF7A  }
0x23: {  	s9 =	sor.u32 $0xD0000000, s2;
	s6 =	simm.s32 $0x108;
	_ =	swait.ge @!p0 [sflag:s8], $0x0  }
0x24: {  	s3 =	sadd.s32 $0x88, s3;
	s6 =	simm.s32 @!p1 $0x1082;
	[sflag:s4] =	ssyncset.s32 $0xFFFFF086  }
0x25: {  	[simem:s6], [sflag:s4] =	dma.local [hbm:s3], $0xF7A  }
0x26: {  	[smem:$0x3F9B] =	sst s1;
	(tag) =	ssettag s2;
	_ =	strace s9  }
0x27: {  	s1 =	sld [smem:$0x3FAB]  }
0x28: {  	s2 =	sld [smem:$0x3FAC]  }
0x29: {  	s4 =	sld [smem:$0x3FAE]  }
0x2a: {  	p0 =	seq.s32 s5, $0x0;
	s5 =	sld [smem:$0x3FAF]  }
0x2b: {  	s6 =	sld [smem:$0x3FB0]  }
0x2c: {  	s7 =	sld [smem:$0x3FB1]  }
0x2d: {  	s3 =	simm.s32 $0x108;
	s8 =	sld [smem:$0x3FB2]  }
0x2e: {  	s3 =	simm.s32 @!p0 $0x1082;
	s9 =	sld [smem:$0x3FB3]  }
0x2f: {  	lr =	sadd.s32 s0, s3;
	s0 =	sld [smem:$0x3FAA]  }
0x30: {  	s3 =	sld [smem:$0x3FAD]  }
0x31: {  	[smem:$0x3FB6] =	sst s10  }
0x32: {  	s10 =	sld [smem:$0x3FB4];
	_ =	sdelay $0x3  }
0x33: {  	p0 =	seq.s32 s10, $0x1;
	s10 =	sld [smem:$0x3FB6];
	_ =	sdelay $0x3  }
0x34: {  	[smem:$0x3FB6] =	sst s10  }
0x35: {  	s10 =	sld [smem:$0x3FB5];
	_ =	sdelay $0x3  }
0x36: {  	p1 =	seq.s32 s10, $0x1;
	s10 =	sld [smem:$0x3FB6];
	_ =	sdelay $0x3  }
0x37: {  	[smem:$0x3FB6] =	sst s10  }
0x38: {  	s10 =	sld [smem:$0x3FB7]  }
0x39: {  	_ = 	snop;
	(pc) =	sbr.ind lr, $3  }
0x3a: {  	_ = 	snop  }
0x3b: {  	_ = 	snop  }
0x3c: {  	p2 =	seq.s32 s10, $0x1;
	s10 =	sld [smem:$0x3FB6]  }
0x3d: {  	_ =	shalt  }
0x3e: {  	_ =	shalt  }
0x3f: {  	_ =	shalt  }
0x40: {  	_ =	shalt  }
0x41: {  	_ =	shalt  }
0x42: {  	_ =	shalt  }
0x43: {  	_ =	shalt  }
0x44: {  	_ =	shalt  }
0x45: {  	_ =	shalt  }
0x46: {  	_ =	shalt  }
0x47: {  	_ =	shalt  }
0x48: {  	_ =	shalt  }
0x49: {  	_ =	shalt  }
0x4a: {  	_ =	shalt  }
0x4b: {  	_ =	shalt  }
0x4c: {  	_ =	shalt  }
0x4d: {  	_ =	shalt  }
0x4e: {  	_ =	shalt  }
0x4f: {  	_ =	shalt  }
0x50: {  	_ =	shalt  }
0x51: {  	_ =	shalt  }
0x52: {  	_ =	shalt  }
0x53: {  	_ =	shalt  }
0x54: {  	_ =	shalt  }
0x55: {  	_ =	shalt  }
0x56: {  	_ =	shalt  }
0x57: {  	_ =	shalt  }
0x58: {  	_ =	shalt  }
0x59: {  	_ =	shalt  }
0x5a: {  	_ =	shalt  }
0x5b: {  	_ =	shalt  }
0x5c: {  	_ =	shalt  }
0x5d: {  	_ =	shalt  }
0x5e: {  	_ =	shalt  }
0x5f: {  	_ =	shalt  }
0x60: {  	_ =	shalt  }
0x61: {  	_ =	shalt  }
0x62: {  	_ =	shalt  }
0x63: {  	_ =	shalt  }
0x64: {  	_ =	shalt  }
0x65: {  	_ =	shalt  }
0x66: {  	_ =	shalt  }
0x67: {  	_ =	shalt  }
0x68: {  	_ =	shalt  }
0x69: {  	_ =	shalt  }
0x6a: {  	_ =	shalt  }
0x6b: {  	_ =	shalt  }
0x6c: {  	_ =	shalt  }
0x6d: {  	_ =	shalt  }
0x6e: {  	_ =	shalt  }
0x6f: {  	_ =	shalt  }
0x70: {  	_ =	shalt  }
0x71: {  	_ =	shalt  }
0x72: {  	_ =	shalt  }
0x73: {  	_ =	shalt  }
0x74: {  	_ =	shalt  }
0x75: {  	_ =	shalt  }
0x76: {  	_ =	shalt  }
0x77: {  	_ =	shalt  }
0x78: {  	_ =	shalt  }
0x79: {  	_ =	shalt  }
0x7a: {  	_ =	shalt  }
0x7b: {  	_ =	shalt  }
0x7c: {  	_ =	shalt  }
0x7d: {  	_ =	shalt  }
0x7e: {  	_ =	shalt  }
0x7f: {  	_ =	shalt  }
0x80: {  	_ =	shalt  }
0x81: {  	_ =	shalt  }
0x82: {  	_ =	shalt  }
0x83: {  	_ =	shalt  }
0x84: {  	_ =	shalt  }
0x85: {  	_ =	shalt  }
0x86: {  	_ =	shalt  }
0x87: {  	_ =	shalt  }
.Lfunc_end0:
.L_simem_size_0:
called_computation.2_lowered:
.L_overlay_start_0:
0x88: {  	s2 =	sld [smem:$0x3FD9]  }
0x89: {  	s3 =	sld [smem:$0x3FFE];
	_ =	sdelay $0x1  }
0x8a: {  	s1 =	srdreg.scid  }
0x8b: {  	s0 =	sand.u32 $0x1, s1  }
0x8c: {  	s17 =	sshll.u32 s0, $0xA;
	s2 =	sadd.s32 s3, s2  }
0x8d: {  	s2 =	sadd.s32 s2, s17  }
0x8e: {  	[smem:$0x3FC2] =	sst s2  }
0x8f: {  	_ = 	snop  }
0x90: {  	(tm) =	ssettm $0x1  }
0x91: {  	s18 =	sld [smem:$0x3FFB];
	_ =	sdelay $0x3  }
0x92: {  	_ =	strace s18  }
0x93: {  	s2 =	sld [smem:$0x3FFC];
	_ =	sdelay $0x3  }
0x94: {  	_ =	strace s2  }
0x95: {  	s2 =	sld [smem:$0x3FFD];
	_ =	sdelay $0x3  }
0x96: {  	_ =	strace s2  }
0x97: {  	_ =	strace $0x8FFFFFFF  }
0x98: {  	s19 =	sld [smem:$0x3FDB];
	_ =	sdelay $0x1  }
0x99: {  	s20 =	simm.s32 $_scs_section_size  }
0x9a: {  	s4 =	simm.s32 $_size__tile_overlayer_lowered;
	s5 =	simm.s32 $_tile_overlayer_lowered  }
0x9b: {  	s6 =	simm.s32 $0x1BFF;
	s21 =	sshll.u32 s5, $0x1;
	s3 =	sadd.s32 s20, s19  }
0x9c: {  	s22 =	simm.s32 $0x0;
	s4 =	sshll.u32 s4, $0x1;
	s5 =	sadd.s32 s21, s3  }
0x9d: {  	[timem:s22], [sflag:s6] =	dma.local [hbm:s5], s4  }
0x9e: {  	_ =	swait.ge [sflag:s6], s4  }
0x9f: {  	s4 =	ssub.s32 $0x0, s4;
	[sflag:s6] =	ssyncset.done $0x0  }
0xa0: {  	[sflag:s6] =	ssyncadd.s32 s4;
	_ =	sdelay $0x1  }
0xa1: {  	s23 =	simm.s32 $0x1B8B  }
0xa2: {  	_ =	swait.ge [sflag:s23], $0x1  }
0xa3: {  	[sflag:s23] =	ssyncset.done $0x0  }
0xa4: {  	[sflag:s23] =	ssyncadd.s32 $0xFFFFFFFF  }
0xa5: {  	s4 =	sld [smem:$0x0]  }
0xa6: {  	s5 =	sand.u32 $0xFFFFFFFE, s1  }
0xa7: {  	p0 =	sne.s32 s1, s5  }
0xa8: {  	s5 =	sshll.u32 @p0 s5, $0xE  }
0xa9: {  	s5 =	sadd.s32 @p0 $0x11B8D, s5;
	s6 =	sshll.u32 @p0 s4, $0x11  }
0xaa: {  	s5 =	sor.u32 @p0 s6, s5  }
0xab: {  	[sflag:s5] =	ssyncadd.remote.s32 @p0 $0x1;
	_ =	sdelay $0x1  }
0xac: {  	s5 =	simm.s32 @p0 $0x1B8D  }
0xad: {  	_ =	swait.eq @p0 [sflag:s5], $0x1  }
0xae: {  	[sflag:s5] =	ssyncadd.s32 @p0 $0xFFFFFFFF  }
0xaf: {  	s6 =	sshll.u32 @!p0 s1, $0xE  }
0xb0: {  	s6 =	sor.u32 @!p0 $0x4000, s6;
	s5 =	simm.s32 @!p0 $0x1B8D  }
0xb1: {  	s4 =	sshll.u32 @!p0 s4, $0x11;
	s6 =	sadd.s32 @!p0 $0x11B8D, s6;
	_ =	swait.eq @!p0 [sflag:s5], $0x1  }
0xb2: {  	s4 =	sor.u32 @!p0 s4, s6;
	[sflag:s5] =	ssyncadd.s32 @!p0 $0xFFFFFFFF  }
0xb3: {  	s25 =	simm.s32 $0x1B8E;
	s24 =	sld [smem:$0x3FFE];
	[sflag:s4] =	ssyncadd.remote.s32 @!p0 $0x1  }
0xb4: {  	s26 =	simm.s32 $execute0_lowered;
	[smem:$0x3FD2] =	sst s25  }
0xb5: {  	s5 =	sshll.u32 s26, $0x1;
	_ =	strace $0x8000004C;
	[dreg:$0x1] =	wrdreg $0xFFFFFFFF  }
0xb6: {  	s28 =	simm.s32 $_size_execute0_lowered;
	s3 =	sadd.s32 s3, s5;
	[dreg:$0x0] =	wrdreg $0x0  }
0xb7: {  	s5 =	sshll.u32 s28, $0x1;
	[dreg:$0x2] =	wrdreg s3  }
0xb8: {  	[dreg:$0x3] =	wrdreg s5  }
0xb9: {  	[dreg:$0x4] =	wrdreg $0xC0  }
0xba: {  	_ =	task [dreg:s22], $0x5FFFF  }
0xbb: {  	[dreg:$0x1] =	wrdreg $0xFFFFFFFF  }
0xbc: {  	[dreg:$0x0] =	wrdreg $0x60  }
0xbd: {  	[dreg:$0x2] =	wrdreg s24  }
0xbe: {  	[dreg:$0x3] =	wrdreg $0xB  }
0xbf: {  	_ =	task.clear_ibuf [dreg:s22], $0x4FFFF;
	_ =	strace $0x9000004C  }
0xc0: {  	s29 =	simm.s32 $0xB;
	_ =	strace $0x8000004E  }
0xc1: {  	_ =	swait.ge [sflag:s29], $0x1  }
0xc2: {  	[sflag:s29] =	ssyncadd.s32 $0xFFFFFFFF  }
0xc3: {  	_ =	strace $0x9000004E  }
0xc4: {  	_ =	sfence  }
0xc5: {  	s30 =	sld [smem:$0x0];
	_ =	sdelay $0x2  }
0xc6: {  	s31 =	sshll.u32 s1, $0xD;
	s1 =	sshrl.u32 s1, $0x2  }
0xc7: {  	s4 =	sand.u32 $0x4000, s31;
	s1 =	sadd.s32 s1, s30  }
0xc8: {  	s0 =	sor.u32 s4, s0;
	s1 =	sshll.u32 s1, $0x11  }
0xc9: {  	s0 =	sor.u32 s1, s0  }
0xca: {  	s0 =	sadd.s32 $0x8F2B, s0  }
0xcb: {  	[sflag:s0] =	ssyncadd.remote.s32 $0x1  }
0xcc: {  	_ =	sfence.sel $0xFFFF  }
0xcd: {  	[dreg:$0x0] =	wrdreg $0xFFFFFFFF;
	(pc) =	sbr.abs _section_cstart, $3  }
0xce: {  	[dreg:$0x1] =	wrdreg $0xFFFFFFFF  }
0xcf: {  	_ =	task.clear_ibuf [dreg:s22], $0x2FFFF;
	_ =	strace $0x9FFFFFFF  }
0xd0: {  	(tm) =	ssettm $0x7FFFFFFF  }
0xd1: {  	_ =	shalt  }
tec
execute0_lowered:
.L_overlay_start_1:
0x0: {  	(tag) =	ssettag $0x1  }
0x1: {  	s1 =	srdreg.scid  }
0x2: {  	s0 =	stileid.u32;
	s4 =	rddreg [dreg:$0x0]  }
0x3: {  	s30 =	simm.s32 $0x5;
	s9 =	simm.s32 $0x80;
	s11 =	simm.s32 $0x500  }
0x4: {  	s13 =	simm.s32 $0x1;
	s10 =	simm.s32 $0x2;
	s8 =	simm.s32 $0x3  }
0x5: {  	s29 =	simm.s32 $0x100;
	s28 =	simm.s32 $0x180;
	s24 =	simm.s32 $0x280  }
0x6: {  	s22 =	simm.s32 $0x300;
	s1 =	sand.u32 $0x1, s1;
	s2 =	sshll.u32 s0, $0x1  }
0x7: {  	s20 =	simm.s32 $0x380;
	s18 =	simm.s32 $0x400;
	s3 =	sor.u32 s1, s2  }
0x8: {  	s15 =	simm.s32 $0x480;
	s2 =	simm.s32 $0x0;
	s5 =	smul.u32 $0xA0, s3  }
0x9: {  	s1 =	ssub.s32 $0x2, s1;
	[smem:$0x7FF] =	sst s2;
	s6 =	smul.u32 $0x5000, s3  }
0xa: {  	s3 =	sadd.s32 $0x18AC00, s4;
	s25 =	sshrl.u32 s1, $0x1;
	_ =	strace $0x8000004D  }
0xb: {  	s1 =	ssub.s32 s1, s25;
	s5 =	sadd.s32 s5, s4;
	s4 =	sadd.s32 s6, s4  }
0xc: {  	s25 =	simm.s32 $0x200;
	s1 =	smax.u32 s1, $0x1;
	s26 =	sadd.s32 $0x311600, s4  }
0xd: {  	s23 =	sadd.s32 $0x311E00, s4;
	s21 =	sadd.s32 $0x312600, s4;
	p1 =	sne.s32 s1, $0x1  }
.Ltmp0:
0xe: {  	s5 =	sadd.s32 $0xA2E00, s5;
	s19 =	sadd.s32 $0x312E00, s4;
	(pc) =	sbr.rel @!p1 .LBB2_3-.Ltmp0, $4  }
0xf: {  	p0 =	por $0x0, $0x0;
	s17 =	sadd.s32 $0x313600, s4;
	s16 =	sadd.s32 $0x313E00, s4  }
0x10: {  	s6 =	simm.s32 $0x4;
	s14 =	sadd.s32 $0x314600, s4;
	s12 =	sadd.s32 $0x314E00, s4  }
0x11: {  	s7 =	sadd.s32 $0x315600, s4;
	s4 =	sadd.s32 $0x315E00, s4;
	[dreg:$0x2] =	wrdreg s5  }
0x12: {  	s31 =	sadd.s32 $0xFFFFFFFF, s1;
	s5 =	simm.s32 $0x4500;
	s1 =	rddreg [dreg:$0x2]  }
0x13: {  	[tilespmem:s2], [sflag:$0x5] =	stream.linear.gather [hbm4b:s1+s2], $0x500, $0x38;
	[tilespmem:$0x8500] =	vst v63  }
0x14: {  	_ =	swait.ge [sflag:s30], $0x500  }
0x15: {  	[sflag:s30] =	ssyncset.done $0x0  }
0x16: {  	[sflag:s30] =	ssyncadd.s32 $0xFFFFFB00  }
0x17: {  	[tilespmem:s11], [sflag:$0x1] =	stream.indirect.gather [hbm4b:s3+s9], $0x80, s2, s9, $0xb8;
	[tilespmem:$0x8500] =	vst v63  }
0x18: {  	_ =	swait.ge [sflag:s13], $0x4000  }
0x19: {  	[sflag:s13] =	ssyncset.done $0x0  }
0x1a: {  	[sflag:s13] =	ssyncadd.s32 $0xFFFFC000  }
0x1b: {  	[hbm4b:s26+s2] =	stream.linear.scatter [tilespmem:s11], [sflag:$0x3], $0x4000, $0x38;
	[tilespmem:$0x8500] =	vst v63  }
0x1c: {  	_ = 	snop  }
0x1d: {  	[tilespmem:s5], [sflag:$0x2] =	stream.indirect.gather [hbm4b:s3+s9], $0x80, s9, s9, $0xb8;
	[tilespmem:$0x8500] =	vst v63  }
0x1e: {  	_ =	swait.ge [sflag:s10], $0x4000  }
0x1f: {  	[sflag:s10] =	ssyncset.done $0x0  }
0x20: {  	[sflag:s10] =	ssyncadd.s32 $0xFFFFC000  }
0x21: {  	_ =	swait.ge [sflag:s8], $0x4000  }
0x22: {  	[sflag:s8] =	ssyncset.done $0x0  }
0x23: {  	[sflag:s8] =	ssyncadd.s32 $0xFFFFC000  }
0x24: {  	[hbm4b:s23+s2] =	stream.linear.scatter [tilespmem:s5], [sflag:$0x4], $0x4000, $0x38;
	[tilespmem:$0x8500] =	vst v63  }
0x25: {  	_ = 	snop  }
0x26: {  	[tilespmem:s11], [sflag:$0x1] =	stream.indirect.gather [hbm4b:s3+s9], $0x80, s29, s9, $0xb8;
	[tilespmem:$0x8500] =	vst v63  }
0x27: {  	_ =	swait.ge [sflag:s13], $0x4000  }
0x28: {  	[sflag:s13] =	ssyncset.done $0x0  }
0x29: {  	[sflag:s13] =	ssyncadd.s32 $0xFFFFC000  }
0x2a: {  	_ =	swait.ge [sflag:s6], $0x4000  }
0x2b: {  	[sflag:s6] =	ssyncset.done $0x0  }
0x2c: {  	[sflag:s6] =	ssyncadd.s32 $0xFFFFC000  }
0x2d: {  	[hbm4b:s21+s2] =	stream.linear.scatter [tilespmem:s11], [sflag:$0x3], $0x4000, $0x38;
	[tilespmem:$0x8500] =	vst v63  }
0x2e: {  	_ = 	snop  }
0x2f: {  	[tilespmem:s5], [sflag:$0x2] =	stream.indirect.gather [hbm4b:s3+s9], $0x80, s28, s9, $0xb8;
	[tilespmem:$0x8500] =	vst v63  }
0x30: {  	_ =	swait.ge [sflag:s10], $0x4000  }
0x31: {  	[sflag:s10] =	ssyncset.done $0x0  }
0x32: {  	[sflag:s10] =	ssyncadd.s32 $0xFFFFC000  }
0x33: {  	_ =	swait.ge [sflag:s8], $0x4000  }
0x34: {  	[sflag:s8] =	ssyncset.done $0x0  }
0x35: {  	[sflag:s8] =	ssyncadd.s32 $0xFFFFC000  }
0x36: {  	[hbm4b:s19+s2] =	stream.linear.scatter [tilespmem:s5], [sflag:$0x4], $0x4000, $0x38;
	[tilespmem:$0x8500] =	vst v63  }
0x37: {  	_ = 	snop  }
0x38: {  	[tilespmem:s11], [sflag:$0x1] =	stream.indirect.gather [hbm4b:s3+s9], $0x80, s25, s9, $0xb8;
	[tilespmem:$0x8500] =	vst v63  }
0x39: {  	_ =	swait.ge [sflag:s13], $0x4000  }
0x3a: {  	[sflag:s13] =	ssyncset.done $0x0  }
0x3b: {  	[sflag:s13] =	ssyncadd.s32 $0xFFFFC000  }
0x3c: {  	_ =	swait.ge [sflag:s6], $0x4000  }
0x3d: {  	[sflag:s6] =	ssyncset.done $0x0  }
0x3e: {  	[sflag:s6] =	ssyncadd.s32 $0xFFFFC000  }
0x3f: {  	[hbm4b:s17+s2] =	stream.linear.scatter [tilespmem:s11], [sflag:$0x3], $0x4000, $0x38;
	[tilespmem:$0x8500] =	vst v63  }
0x40: {  	_ = 	snop  }
0x41: {  	[tilespmem:s5], [sflag:$0x2] =	stream.indirect.gather [hbm4b:s3+s9], $0x80, s24, s9, $0xb8;
	[tilespmem:$0x8500] =	vst v63  }
0x42: {  	_ =	swait.ge [sflag:s10], $0x4000  }
0x43: {  	[sflag:s10] =	ssyncset.done $0x0  }
0x44: {  	[sflag:s10] =	ssyncadd.s32 $0xFFFFC000  }
0x45: {  	_ =	swait.ge [sflag:s8], $0x4000  }
0x46: {  	[sflag:s8] =	ssyncset.done $0x0  }
0x47: {  	[sflag:s8] =	ssyncadd.s32 $0xFFFFC000  }
0x48: {  	[hbm4b:s16+s2] =	stream.linear.scatter [tilespmem:s5], [sflag:$0x4], $0x4000, $0x38;
	[tilespmem:$0x8500] =	vst v63  }
0x49: {  	_ = 	snop  }
0x4a: {  	[tilespmem:s11], [sflag:$0x1] =	stream.indirect.gather [hbm4b:s3+s9], $0x80, s22, s9, $0xb8;
	[tilespmem:$0x8500] =	vst v63  }
0x4b: {  	_ =	swait.ge [sflag:s13], $0x4000  }
0x4c: {  	[sflag:s13] =	ssyncset.done $0x0  }
0x4d: {  	[sflag:s13] =	ssyncadd.s32 $0xFFFFC000  }
0x4e: {  	_ =	swait.ge [sflag:s6], $0x4000  }
0x4f: {  	[sflag:s6] =	ssyncset.done $0x0  }
0x50: {  	[sflag:s6] =	ssyncadd.s32 $0xFFFFC000  }
0x51: {  	[hbm4b:s14+s2] =	stream.linear.scatter [tilespmem:s11], [sflag:$0x3], $0x4000, $0x38;
	[tilespmem:$0x8500] =	vst v63  }
0x52: {  	_ = 	snop  }
0x53: {  	[tilespmem:s5], [sflag:$0x2] =	stream.indirect.gather [hbm4b:s3+s9], $0x80, s20, s9, $0xb8;
	[tilespmem:$0x8500] =	vst v63  }
0x54: {  	_ =	swait.ge [sflag:s10], $0x4000  }
0x55: {  	[sflag:s10] =	ssyncset.done $0x0  }
0x56: {  	[sflag:s10] =	ssyncadd.s32 $0xFFFFC000  }
0x57: {  	_ =	swait.ge [sflag:s8], $0x4000  }
0x58: {  	[sflag:s8] =	ssyncset.done $0x0  }
0x59: {  	[sflag:s8] =	ssyncadd.s32 $0xFFFFC000  }
0x5a: {  	[hbm4b:s12+s2] =	stream.linear.scatter [tilespmem:s5], [sflag:$0x4], $0x4000, $0x38;
	[tilespmem:$0x8500] =	vst v63  }
0x5b: {  	_ = 	snop  }
0x5c: {  	[tilespmem:s11], [sflag:$0x1] =	stream.indirect.gather [hbm4b:s3+s9], $0x80, s18, s9, $0xb8;
	[tilespmem:$0x8500] =	vst v63  }
0x5d: {  	_ =	swait.ge [sflag:s13], $0x4000  }
0x5e: {  	[sflag:s13] =	ssyncset.done $0x0  }
0x5f: {  	[sflag:s13] =	ssyncadd.s32 $0xFFFFC000  }
0x60: {  	_ =	swait.ge [sflag:s6], $0x4000  }
0x61: {  	[sflag:s6] =	ssyncset.done $0x0  }
0x62: {  	[sflag:s6] =	ssyncadd.s32 $0xFFFFC000  }
0x63: {  	[hbm4b:s7+s2] =	stream.linear.scatter [tilespmem:s11], [sflag:$0x3], $0x4000, $0x38;
	[tilespmem:$0x8500] =	vst v63  }
0x64: {  	_ = 	snop  }
0x65: {  	[tilespmem:s5], [sflag:$0x2] =	stream.indirect.gather [hbm4b:s3+s9], $0x80, s15, s9, $0xb8;
	[tilespmem:$0x8500] =	vst v63  }
0x66: {  	_ =	swait.ge [sflag:s10], $0x4000  }
0x67: {  	[sflag:s10] =	ssyncset.done $0x0  }
0x68: {  	[sflag:s10] =	ssyncadd.s32 $0xFFFFC000  }
0x69: {  	p1 =	sne.s32 s31, $0x1;
	_ =	swait.ge [sflag:s8], $0x4000  }
.Ltmp1:
0x6a: {  	[sflag:s8] =	ssyncset.done $0x0;
	(pc) =	sbr.rel @!p1 .LBB2_3-.Ltmp1, $4  }
0x6b: {  	[sflag:s8] =	ssyncadd.s32 $0xFFFFC000  }
0x6c: {  	[hbm4b:s4+s2] =	stream.linear.scatter [tilespmem:s5], [sflag:$0x4], $0x4000, $0x38;
	[tilespmem:$0x8500] =	vst v63  }
0x6d: {  	s31 =	sadd.s32 $0xFFFFFFFF, s31;
	_ =	swait.ge [sflag:s6], $0x4000  }
0x6e: {  	p0 =	por $0x1, $0x1;
	s1 =	rddreg [dreg:$0x2];
	[sflag:s6] =	ssyncset.done $0x0  }
.LBB2_2:
0x6f: {  	[sflag:s6] =	ssyncadd.s32 $0xFFFFC000  }
0x70: {  	[tilespmem:s2], [sflag:$0x5] =	stream.linear.gather [hbm4b:s1+s2], $0x500, $0x38;
	[tilespmem:$0x8500] =	vst v63  }
0x71: {  	_ =	swait.ge [sflag:s30], $0x500  }
0x72: {  	[sflag:s30] =	ssyncset.done $0x0  }
0x73: {  	[sflag:s30] =	ssyncadd.s32 $0xFFFFFB00  }
0x74: {  	[tilespmem:s11], [sflag:$0x1] =	stream.indirect.gather [hbm4b:s3+s9], $0x80, s2, s9, $0xb8;
	[tilespmem:$0x8500] =	vst v63  }
0x75: {  	_ =	swait.ge [sflag:s13], $0x4000  }
0x76: {  	[sflag:s13] =	ssyncset.done $0x0  }
0x77: {  	[sflag:s13] =	ssyncadd.s32 $0xFFFFC000  }
0x78: {  	[hbm4b:s26+s2] =	stream.linear.scatter [tilespmem:s11], [sflag:$0x3], $0x4000, $0x38;
	[tilespmem:$0x8500] =	vst v63  }
0x79: {  	_ = 	snop  }
0x7a: {  	[tilespmem:s5], [sflag:$0x2] =	stream.indirect.gather [hbm4b:s3+s9], $0x80, s9, s9, $0xb8;
	[tilespmem:$0x8500] =	vst v63  }
0x7b: {  	_ =	swait.ge [sflag:s10], $0x4000  }
0x7c: {  	[sflag:s10] =	ssyncset.done $0x0  }
0x7d: {  	[sflag:s10] =	ssyncadd.s32 $0xFFFFC000  }
0x7e: {  	_ =	swait.ge [sflag:s8], $0x4000  }
0x7f: {  	[sflag:s8] =	ssyncset.done $0x0  }
0x80: {  	[sflag:s8] =	ssyncadd.s32 $0xFFFFC000  }
0x81: {  	[hbm4b:s23+s2] =	stream.linear.scatter [tilespmem:s5], [sflag:$0x4], $0x4000, $0x38;
	[tilespmem:$0x8500] =	vst v63  }
0x82: {  	_ = 	snop  }
0x83: {  	[tilespmem:s11], [sflag:$0x1] =	stream.indirect.gather [hbm4b:s3+s9], $0x80, s29, s9, $0xb8;
	[tilespmem:$0x8500] =	vst v63  }
0x84: {  	_ =	swait.ge [sflag:s13], $0x4000  }
0x85: {  	[sflag:s13] =	ssyncset.done $0x0  }
0x86: {  	[sflag:s13] =	ssyncadd.s32 $0xFFFFC000  }
0x87: {  	_ =	swait.ge [sflag:s6], $0x4000  }
0x88: {  	[sflag:s6] =	ssyncset.done $0x0  }
0x89: {  	[sflag:s6] =	ssyncadd.s32 $0xFFFFC000  }
0x8a: {  	[hbm4b:s21+s2] =	stream.linear.scatter [tilespmem:s11], [sflag:$0x3], $0x4000, $0x38;
	[tilespmem:$0x8500] =	vst v63  }
0x8b: {  	_ = 	snop  }
0x8c: {  	[tilespmem:s5], [sflag:$0x2] =	stream.indirect.gather [hbm4b:s3+s9], $0x80, s28, s9, $0xb8;
	[tilespmem:$0x8500] =	vst v63  }
0x8d: {  	_ =	swait.ge [sflag:s10], $0x4000  }
0x8e: {  	[sflag:s10] =	ssyncset.done $0x0  }
0x8f: {  	[sflag:s10] =	ssyncadd.s32 $0xFFFFC000  }
0x90: {  	_ =	swait.ge [sflag:s8], $0x4000  }
0x91: {  	[sflag:s8] =	ssyncset.done $0x0  }
0x92: {  	[sflag:s8] =	ssyncadd.s32 $0xFFFFC000  }
0x93: {  	[hbm4b:s19+s2] =	stream.linear.scatter [tilespmem:s5], [sflag:$0x4], $0x4000, $0x38;
	[tilespmem:$0x8500] =	vst v63  }
0x94: {  	_ = 	snop  }
0x95: {  	[tilespmem:s11], [sflag:$0x1] =	stream.indirect.gather [hbm4b:s3+s9], $0x80, s25, s9, $0xb8;
	[tilespmem:$0x8500] =	vst v63  }
0x96: {  	_ =	swait.ge [sflag:s13], $0x4000  }
0x97: {  	[sflag:s13] =	ssyncset.done $0x0  }
0x98: {  	[sflag:s13] =	ssyncadd.s32 $0xFFFFC000  }
0x99: {  	_ =	swait.ge [sflag:s6], $0x4000  }
0x9a: {  	[sflag:s6] =	ssyncset.done $0x0  }
0x9b: {  	[sflag:s6] =	ssyncadd.s32 $0xFFFFC000  }
0x9c: {  	[hbm4b:s17+s2] =	stream.linear.scatter [tilespmem:s11], [sflag:$0x3], $0x4000, $0x38;
	[tilespmem:$0x8500] =	vst v63  }
0x9d: {  	_ = 	snop  }
0x9e: {  	[tilespmem:s5], [sflag:$0x2] =	stream.indirect.gather [hbm4b:s3+s9], $0x80, s24, s9, $0xb8;
	[tilespmem:$0x8500] =	vst v63  }
0x9f: {  	_ =	swait.ge [sflag:s10], $0x4000  }
0xa0: {  	[sflag:s10] =	ssyncset.done $0x0  }
0xa1: {  	[sflag:s10] =	ssyncadd.s32 $0xFFFFC000  }
0xa2: {  	_ =	swait.ge [sflag:s8], $0x4000  }
0xa3: {  	[sflag:s8] =	ssyncset.done $0x0  }
0xa4: {  	[sflag:s8] =	ssyncadd.s32 $0xFFFFC000  }
0xa5: {  	[hbm4b:s16+s2] =	stream.linear.scatter [tilespmem:s5], [sflag:$0x4], $0x4000, $0x38;
	[tilespmem:$0x8500] =	vst v63  }
0xa6: {  	_ = 	snop  }
0xa7: {  	[tilespmem:s11], [sflag:$0x1] =	stream.indirect.gather [hbm4b:s3+s9], $0x80, s22, s9, $0xb8;
	[tilespmem:$0x8500] =	vst v63  }
0xa8: {  	_ =	swait.ge [sflag:s13], $0x4000  }
0xa9: {  	[sflag:s13] =	ssyncset.done $0x0  }
0xaa: {  	[sflag:s13] =	ssyncadd.s32 $0xFFFFC000  }
0xab: {  	_ =	swait.ge [sflag:s6], $0x4000  }
0xac: {  	[sflag:s6] =	ssyncset.done $0x0  }
0xad: {  	[sflag:s6] =	ssyncadd.s32 $0xFFFFC000  }
0xae: {  	[hbm4b:s14+s2] =	stream.linear.scatter [tilespmem:s11], [sflag:$0x3], $0x4000, $0x38;
	[tilespmem:$0x8500] =	vst v63  }
0xaf: {  	_ = 	snop  }
0xb0: {  	[tilespmem:s5], [sflag:$0x2] =	stream.indirect.gather [hbm4b:s3+s9], $0x80, s20, s9, $0xb8;
	[tilespmem:$0x8500] =	vst v63  }
0xb1: {  	_ =	swait.ge [sflag:s10], $0x4000  }
0xb2: {  	[sflag:s10] =	ssyncset.done $0x0  }
0xb3: {  	[sflag:s10] =	ssyncadd.s32 $0xFFFFC000  }
0xb4: {  	_ =	swait.ge [sflag:s8], $0x4000  }
0xb5: {  	[sflag:s8] =	ssyncset.done $0x0  }
0xb6: {  	[sflag:s8] =	ssyncadd.s32 $0xFFFFC000  }
0xb7: {  	[hbm4b:s12+s2] =	stream.linear.scatter [tilespmem:s5], [sflag:$0x4], $0x4000, $0x38;
	[tilespmem:$0x8500] =	vst v63  }
0xb8: {  	_ = 	snop  }
0xb9: {  	[tilespmem:s11], [sflag:$0x1] =	stream.indirect.gather [hbm4b:s3+s9], $0x80, s18, s9, $0xb8;
	[tilespmem:$0x8500] =	vst v63  }
0xba: {  	_ =	swait.ge [sflag:s13], $0x4000  }
0xbb: {  	[sflag:s13] =	ssyncset.done $0x0  }
0xbc: {  	[sflag:s13] =	ssyncadd.s32 $0xFFFFC000  }
0xbd: {  	_ =	swait.ge [sflag:s6], $0x4000  }
0xbe: {  	[sflag:s6] =	ssyncset.done $0x0  }
0xbf: {  	[sflag:s6] =	ssyncadd.s32 $0xFFFFC000  }
0xc0: {  	[hbm4b:s7+s2] =	stream.linear.scatter [tilespmem:s11], [sflag:$0x3], $0x4000, $0x38;
	[tilespmem:$0x8500] =	vst v63  }
0xc1: {  	_ = 	snop  }
0xc2: {  	[tilespmem:s5], [sflag:$0x2] =	stream.indirect.gather [hbm4b:s3+s9], $0x80, s15, s9, $0xb8;
	[tilespmem:$0x8500] =	vst v63  }
0xc3: {  	_ =	swait.ge [sflag:s10], $0x4000  }
0xc4: {  	[sflag:s10] =	ssyncset.done $0x0  }
0xc5: {  	[sflag:s10] =	ssyncadd.s32 $0xFFFFC000  }
0xc6: {  	p1 =	sne.s32 s31, $0x1;
	_ =	swait.ge [sflag:s8], $0x4000  }
.Ltmp2:
0xc7: {  	[sflag:s8] =	ssyncset.done $0x0;
	(pc) =	sbr.rel @p1 .LBB2_2-.Ltmp2, $4  }
0xc8: {  	[sflag:s8] =	ssyncadd.s32 $0xFFFFC000  }
0xc9: {  	[hbm4b:s4+s2] =	stream.linear.scatter [tilespmem:s5], [sflag:$0x4], $0x4000, $0x38;
	[tilespmem:$0x8500] =	vst v63  }
0xca: {  	_ =	swait.ge [sflag:s6], $0x4000  }
0xcb: {  	s31 =	sadd.s32 $0xFFFFFFFF, s31;
	s1 =	rddreg [dreg:$0x2];
	[sflag:s6] =	ssyncset.done $0x0  }
.LBB2_3:
0xcc: {  	[sflag:s6] =	ssyncadd.s32 @p0 $0xFFFFC000  }
0xcd: {  	[tilespmem:s2], [sflag:$0x5] =	stream.linear.gather [hbm4b:s1+s2], $0x500, $0x38;
	[tilespmem:$0x8500] =	vst v63  }
0xce: {  	_ =	swait.ge [sflag:s30], $0x500  }
0xcf: {  	[sflag:s30] =	ssyncset.done $0x0  }
0xd0: {  	[sflag:s30] =	ssyncadd.s32 $0xFFFFFB00  }
0xd1: {  	[tilespmem:s11], [sflag:$0x1] =	stream.indirect.gather [hbm4b:s3+s9], $0x80, s2, s9, $0xb8;
	[tilespmem:$0x8500] =	vst v63  }
0xd2: {  	_ =	swait.ge [sflag:s13], $0x4000  }
0xd3: {  	[sflag:s13] =	ssyncset.done $0x0  }
0xd4: {  	[sflag:s13] =	ssyncadd.s32 $0xFFFFC000  }
0xd5: {  	[hbm4b:s26+s2] =	stream.linear.scatter [tilespmem:s11], [sflag:$0x3], $0x4000, $0x38;
	[tilespmem:$0x8500] =	vst v63  }
0xd6: {  	_ = 	snop  }
0xd7: {  	[tilespmem:s5], [sflag:$0x2] =	stream.indirect.gather [hbm4b:s3+s9], $0x80, s9, s9, $0xb8;
	[tilespmem:$0x8500] =	vst v63  }
0xd8: {  	_ =	swait.ge [sflag:s10], $0x4000  }
0xd9: {  	[sflag:s10] =	ssyncset.done $0x0  }
0xda: {  	[sflag:s10] =	ssyncadd.s32 $0xFFFFC000  }
0xdb: {  	_ =	swait.ge [sflag:s8], $0x4000  }
0xdc: {  	[sflag:s8] =	ssyncset.done $0x0  }
0xdd: {  	[sflag:s8] =	ssyncadd.s32 $0xFFFFC000  }
0xde: {  	[hbm4b:s23+s2] =	stream.linear.scatter [tilespmem:s5], [sflag:$0x4], $0x4000, $0x38;
	[tilespmem:$0x8500] =	vst v63  }
0xdf: {  	_ = 	snop  }
0xe0: {  	[tilespmem:s11], [sflag:$0x1] =	stream.indirect.gather [hbm4b:s3+s9], $0x80, s29, s9, $0xb8;
	[tilespmem:$0x8500] =	vst v63  }
0xe1: {  	_ =	swait.ge [sflag:s13], $0x4000  }
0xe2: {  	[sflag:s13] =	ssyncset.done $0x0  }
0xe3: {  	[sflag:s13] =	ssyncadd.s32 $0xFFFFC000  }
0xe4: {  	_ =	swait.ge [sflag:s6], $0x4000  }
0xe5: {  	[sflag:s6] =	ssyncset.done $0x0  }
0xe6: {  	[sflag:s6] =	ssyncadd.s32 $0xFFFFC000  }
0xe7: {  	[hbm4b:s21+s2] =	stream.linear.scatter [tilespmem:s11], [sflag:$0x3], $0x4000, $0x38;
	[tilespmem:$0x8500] =	vst v63  }
0xe8: {  	_ = 	snop  }
0xe9: {  	[tilespmem:s5], [sflag:$0x2] =	stream.indirect.gather [hbm4b:s3+s9], $0x80, s28, s9, $0xb8;
	[tilespmem:$0x8500] =	vst v63  }
0xea: {  	_ =	swait.ge [sflag:s10], $0x4000  }
0xeb: {  	[sflag:s10] =	ssyncset.done $0x0  }
0xec: {  	[sflag:s10] =	ssyncadd.s32 $0xFFFFC000  }
0xed: {  	_ =	swait.ge [sflag:s8], $0x4000  }
0xee: {  	[sflag:s8] =	ssyncset.done $0x0  }
0xef: {  	[sflag:s8] =	ssyncadd.s32 $0xFFFFC000  }
0xf0: {  	[hbm4b:s19+s2] =	stream.linear.scatter [tilespmem:s5], [sflag:$0x4], $0x4000, $0x38;
	[tilespmem:$0x8500] =	vst v63  }
0xf1: {  	_ = 	snop  }
0xf2: {  	[tilespmem:s11], [sflag:$0x1] =	stream.indirect.gather [hbm4b:s3+s9], $0x80, s25, s9, $0xb8;
	[tilespmem:$0x8500] =	vst v63  }
0xf3: {  	_ =	swait.ge [sflag:s13], $0x4000  }
0xf4: {  	[sflag:s13] =	ssyncset.done $0x0  }
0xf5: {  	[sflag:s13] =	ssyncadd.s32 $0xFFFFC000  }
0xf6: {  	_ =	swait.ge [sflag:s6], $0x4000  }
0xf7: {  	[sflag:s6] =	ssyncset.done $0x0  }
0xf8: {  	[sflag:s6] =	ssyncadd.s32 $0xFFFFC000  }
0xf9: {  	[hbm4b:s17+s2] =	stream.linear.scatter [tilespmem:s11], [sflag:$0x3], $0x4000, $0x38;
	[tilespmem:$0x8500] =	vst v63  }
0xfa: {  	_ = 	snop  }
0xfb: {  	[tilespmem:s5], [sflag:$0x2] =	stream.indirect.gather [hbm4b:s3+s9], $0x80, s24, s9, $0xb8;
	[tilespmem:$0x8500] =	vst v63  }
0xfc: {  	_ =	swait.ge [sflag:s10], $0x4000  }
0xfd: {  	[sflag:s10] =	ssyncset.done $0x0  }
0xfe: {  	[sflag:s10] =	ssyncadd.s32 $0xFFFFC000  }
0xff: {  	_ =	swait.ge [sflag:s8], $0x4000  }
0x100: {  	[sflag:s8] =	ssyncset.done $0x0  }
0x101: {  	[sflag:s8] =	ssyncadd.s32 $0xFFFFC000  }
0x102: {  	[hbm4b:s16+s2] =	stream.linear.scatter [tilespmem:s5], [sflag:$0x4], $0x4000, $0x38;
	[tilespmem:$0x8500] =	vst v63  }
0x103: {  	_ = 	snop  }
0x104: {  	[tilespmem:s11], [sflag:$0x1] =	stream.indirect.gather [hbm4b:s3+s9], $0x80, s22, s9, $0xb8;
	[tilespmem:$0x8500] =	vst v63  }
0x105: {  	_ =	swait.ge [sflag:s13], $0x4000  }
0x106: {  	[sflag:s13] =	ssyncset.done $0x0  }
0x107: {  	[sflag:s13] =	ssyncadd.s32 $0xFFFFC000  }
0x108: {  	_ =	swait.ge [sflag:s6], $0x4000  }
0x109: {  	[sflag:s6] =	ssyncset.done $0x0  }
0x10a: {  	[sflag:s6] =	ssyncadd.s32 $0xFFFFC000  }
0x10b: {  	[hbm4b:s14+s2] =	stream.linear.scatter [tilespmem:s11], [sflag:$0x3], $0x4000, $0x38;
	[tilespmem:$0x8500] =	vst v63  }
0x10c: {  	_ = 	snop  }
0x10d: {  	[tilespmem:s5], [sflag:$0x2] =	stream.indirect.gather [hbm4b:s3+s9], $0x80, s20, s9, $0xb8;
	[tilespmem:$0x8500] =	vst v63  }
0x10e: {  	_ =	swait.ge [sflag:s10], $0x4000  }
0x10f: {  	[sflag:s10] =	ssyncset.done $0x0  }
0x110: {  	[sflag:s10] =	ssyncadd.s32 $0xFFFFC000  }
0x111: {  	_ =	swait.ge [sflag:s8], $0x4000  }
0x112: {  	[sflag:s8] =	ssyncset.done $0x0  }
0x113: {  	[sflag:s8] =	ssyncadd.s32 $0xFFFFC000  }
0x114: {  	[hbm4b:s12+s2] =	stream.linear.scatter [tilespmem:s5], [sflag:$0x4], $0x4000, $0x38;
	[tilespmem:$0x8500] =	vst v63  }
0x115: {  	_ = 	snop  }
0x116: {  	[tilespmem:s11], [sflag:$0x1] =	stream.indirect.gather [hbm4b:s3+s9], $0x80, s18, s9, $0xb8;
	[tilespmem:$0x8500] =	vst v63  }
0x117: {  	_ =	swait.ge [sflag:s13], $0x4000  }
0x118: {  	[sflag:s13] =	ssyncset.done $0x0  }
0x119: {  	[sflag:s13] =	ssyncadd.s32 $0xFFFFC000  }
0x11a: {  	_ =	swait.ge [sflag:s6], $0x4000  }
0x11b: {  	[sflag:s6] =	ssyncset.done $0x0  }
0x11c: {  	[sflag:s6] =	ssyncadd.s32 $0xFFFFC000  }
0x11d: {  	[hbm4b:s7+s2] =	stream.linear.scatter [tilespmem:s11], [sflag:$0x3], $0x4000, $0x38;
	[tilespmem:$0x8500] =	vst v63  }
0x11e: {  	_ = 	snop  }
0x11f: {  	[tilespmem:s5], [sflag:$0x2] =	stream.indirect.gather [hbm4b:s3+s9], $0x80, s15, s9, $0xb8;
	[tilespmem:$0x8500] =	vst v63  }
0x120: {  	_ =	swait.ge [sflag:s10], $0x4000  }
0x121: {  	[sflag:s10] =	ssyncset.done $0x0  }
0x122: {  	[sflag:s10] =	ssyncadd.s32 $0xFFFFC000  }
0x123: {  	_ =	swait.ge [sflag:s8], $0x4000  }
0x124: {  	[sflag:s8] =	ssyncset.done $0x0  }
0x125: {  	[sflag:s8] =	ssyncadd.s32 $0xFFFFC000  }
0x126: {  	[hbm4b:s4+s2] =	stream.linear.scatter [tilespmem:s5], [sflag:$0x4], $0x4000, $0x38;
	[tilespmem:$0x8500] =	vst v63  }
0x127: {  	_ =	swait.ge [sflag:s6], $0x4000  }
0x128: {  	[sflag:s6] =	ssyncset.done $0x0  }
0x129: {  	[sflag:s6] =	ssyncadd.s32 $0xFFFFC000  }
0x12a: {  	_ =	sfence.sel $0x180000  }
0x12b: {  	[bflag:$0x0] =	sbarrier.arrive $0xFFFF  }
0x12c: {  	_ =	strace $0x9000004D  }
0x12d: {  	[bflag:$0x2] =	sbarrier.arrive $0xFFFF  }
0x12e: {  	p0 =	sne.s32 s0, $0x0;
	s0 =	rddreg [dreg:$0x1]  }
0x12f: {  	s0 =	sadd.s32 @!p0 $0x100000, s0  }
0x130: {  	[sflag:s0] =	ssyncadd.tile.s32 @!p0 $0x1;
	_ =	shalt  }
.Lfunc_end2:
_tile_overlayer_lowered:
.L_overlay_start_2:
0x131: {  	(tag) =	ssettag $0x2  }
0x132: {  	s0 =	rddreg [dreg:$0x0];
	s2 =	stileid.u32  }
0x133: {  	s1 =	rddreg [dreg:$0x1];
	p0 =	sne.s32 s2, $0x0  }
0x134: {  	s3 =	rddreg [dreg:$0x2];
	[bflag:$0x3] =	sbarrier.arrive $0xFFFF;
	s2 =	simm.s32 @!p0 $0x1C05  }
0x135: {  	[timem:s3], [sflag:s2] =	dma.local @!p0 [hbm:s0], s1  }
0x136: {  	s0 =	simm.s32 @!p0 $0x5  }
0x137: {  	_ =	swait.ge @!p0 [sflag:s0], s1  }
0x138: {  	s1 =	ssub.s32 @!p0 $0x0, s1;
	[sflag:s0] =	ssyncset.done @!p0 $0x0  }
0x139: {  	[sflag:s0] =	ssyncadd.s32 @!p0 s1  }
0x13a: {  	[bflag:$0x3] =	sbarrier.arrive $0xFFFF  }
0x13b: {  	_ =	shalt  }

// kernel: kernel.21.cloned.1.call-start
scs
__scs_entry_jumppad:
0x0: {  	(pc) =	sbr.rel $0x88, $3  }
0x1: {  	(tag) =	ssettag $0x0;
	lr =	simm.s32 $0x1  }
0x2: {  	[smem:$0x3F9B] =	sst lr;
	_ =	strace $0xD0000000  }
0x3: {  	_ = 	snop  }
0x4: {  	_ = 	snop  }
0x5: {  	_ = 	snop  }
0x6: {  	_ = 	snop  }
0x7: {  	_ = 	snop  }
__scs_overlays_trampoline_lowered:
0x8: {  	[smem:$0x3FAA] =	sst s0  }
0x9: {  	[smem:$0x3FAB] =	sst s1  }
0xa: {  	[smem:$0x3FAC] =	sst s2  }
0xb: {  	[smem:$0x3FAD] =	sst s3  }
0xc: {  	[smem:$0x3FAE] =	sst s4  }
0xd: {  	[smem:$0x3FAF] =	sst s5  }
0xe: {  	[smem:$0x3FB0] =	sst s6  }
0xf: {  	[smem:$0x3FB1] =	sst s7  }
0x10: {  	[smem:$0x3FB2] =	sst s8  }
0x11: {  	[smem:$0x3FB3] =	sst s9;
	s0 =	simm.s32 @!p0 $0x0  }
0x12: {  	s1 =	sld [smem:$0x3F99];
	s0 =	simm.s32 @p0 $0x1  }
0x13: {  	[smem:$0x3FB4] =	sst s0;
	s0 =	simm.s32 @!p1 $0x0  }
0x14: {  	s2 =	sld [smem:$0x3F98];
	s0 =	simm.s32 @p1 $0x1  }
0x15: {  	[smem:$0x3FB5] =	sst s0;
	s0 =	simm.s32 @!p2 $0x0  }
0x16: {  	s3 =	sld [smem:$0x3FDB];
	s0 =	simm.s32 @p2 $0x1  }
0x17: {  	s4 =	simm.s32 $0x1BF5;
	[smem:$0x3FB7] =	sst s0  }
0x18: {  	s0 =	sld [smem:$0x3F9A];
	_ =	swait.ge [sflag:s4], $0x0  }
0x19: {  	s7 =	sld [smem:$0x3F9B]  }
0x1a: {  	s8 =	sadd.s32 $0xFFFFE003, lr  }
0x1b: {  	s9 =	sadd.s32 $0xFFFFFEF7, lr;
	s5 =	simm.s32 $0xFFFFFFFF;
	p2 =	slt.u32 s8, $0xFFFFF086  }
0x1c: {  	p1 =	slt.u32 s9, $0xF7A;
	s5 =	simm.s32 @!p2 $0x0  }
0x1d: {  	s5 =	simm.s32 @p1 $0x1;
	p0 =	seq.s32 s7, s2  }
0x1e: {  	s7 =	smul.u32 @!p0 $0xF7A, s2;
	p2 =	seq.s32 @!p0 s5, $0x0  }
0x1f: {  	s9 =	smul.u32 $0xF7A, s1;
	s8 =	simm.s32 @!p0 $0x1BF5;
	p2 =	por !p2, p0  }
0x20: {  	[sflag:s8] =	ssyncset.s32 @!p0 $0xFFFFF086;
	s6 =	sadd.s32 @!p0 s3, s7;
	s7 =	simm.s32 @!p0 $0x108  }
0x21: {  	s3 =	sadd.s32 s3, s9;
	s6 =	sadd.s32 @!p0 $0x88, s6;
	s7 =	simm.s32 @p2 $0x1082  }
0x22: {  	[simem:s7], [sflag:s8] =	dma.local @!p0 [hbm:s6], $0xF7A  }
0x23: {  	s9 =	sor.u32 $0xD0000000, s2;
	s6 =	simm.s32 $0x108;
	_ =	swait.ge @!p0 [sflag:s8], $0x0  }
0x24: {  	s3 =	sadd.s32 $0x88, s3;
	s6 =	simm.s32 @!p1 $0x1082;
	[sflag:s4] =	ssyncset.s32 $0xFFFFF086  }
0x25: {  	[simem:s6], [sflag:s4] =	dma.local [hbm:s3], $0xF7A  }
0x26: {  	[smem:$0x3F9B] =	sst s1;
	(tag) =	ssettag s2;
	_ =	strace s9  }
0x27: {  	s1 =	sld [smem:$0x3FAB]  }
0x28: {  	s2 =	sld [smem:$0x3FAC]  }
0x29: {  	s4 =	sld [smem:$0x3FAE]  }
0x2a: {  	p0 =	seq.s32 s5, $0x0;
	s5 =	sld [smem:$0x3FAF]  }
0x2b: {  	s6 =	sld [smem:$0x3FB0]  }
0x2c: {  	s7 =	sld [smem:$0x3FB1]  }
0x2d: {  	s3 =	simm.s32 $0x108;
	s8 =	sld [smem:$0x3FB2]  }
0x2e: {  	s3 =	simm.s32 @!p0 $0x1082;
	s9 =	sld [smem:$0x3FB3]  }
0x2f: {  	lr =	sadd.s32 s0, s3;
	s0 =	sld [smem:$0x3FAA]  }
0x30: {  	s3 =	sld [smem:$0x3FAD]  }
0x31: {  	[smem:$0x3FB6] =	sst s10  }
0x32: {  	s10 =	sld [smem:$0x3FB4];
	_ =	sdelay $0x3  }
0x33: {  	p0 =	seq.s32 s10, $0x1;
	s10 =	sld [smem:$0x3FB6];
	_ =	sdelay $0x3  }
0x34: {  	[smem:$0x3FB6] =	sst s10  }
0x35: {  	s10 =	sld [smem:$0x3FB5];
	_ =	sdelay $0x3  }
0x36: {  	p1 =	seq.s32 s10, $0x1;
	s10 =	sld [smem:$0x3FB6];
	_ =	sdelay $0x3  }
0x37: {  	[smem:$0x3FB6] =	sst s10  }
0x38: {  	s10 =	sld [smem:$0x3FB7]  }
0x39: {  	_ = 	snop;
	(pc) =	sbr.ind lr, $3  }
0x3a: {  	_ = 	snop  }
0x3b: {  	_ = 	snop  }
0x3c: {  	p2 =	seq.s32 s10, $0x1;
	s10 =	sld [smem:$0x3FB6]  }
0x3d: {  	_ =	shalt  }
0x3e: {  	_ =	shalt  }
0x3f: {  	_ =	shalt  }
0x40: {  	_ =	shalt  }
0x41: {  	_ =	shalt  }
0x42: {  	_ =	shalt  }
0x43: {  	_ =	shalt  }
0x44: {  	_ =	shalt  }
0x45: {  	_ =	shalt  }
0x46: {  	_ =	shalt  }
0x47: {  	_ =	shalt  }
0x48: {  	_ =	shalt  }
0x49: {  	_ =	shalt  }
0x4a: {  	_ =	shalt  }
0x4b: {  	_ =	shalt  }
0x4c: {  	_ =	shalt  }
0x4d: {  	_ =	shalt  }
0x4e: {  	_ =	shalt  }
0x4f: {  	_ =	shalt  }
0x50: {  	_ =	shalt  }
0x51: {  	_ =	shalt  }
0x52: {  	_ =	shalt  }
0x53: {  	_ =	shalt  }
0x54: {  	_ =	shalt  }
0x55: {  	_ =	shalt  }
0x56: {  	_ =	shalt  }
0x57: {  	_ =	shalt  }
0x58: {  	_ =	shalt  }
0x59: {  	_ =	shalt  }
0x5a: {  	_ =	shalt  }
0x5b: {  	_ =	shalt  }
0x5c: {  	_ =	shalt  }
0x5d: {  	_ =	shalt  }
0x5e: {  	_ =	shalt  }
0x5f: {  	_ =	shalt  }
0x60: {  	_ =	shalt  }
0x61: {  	_ =	shalt  }
0x62: {  	_ =	shalt  }
0x63: {  	_ =	shalt  }
0x64: {  	_ =	shalt  }
0x65: {  	_ =	shalt  }
0x66: {  	_ =	shalt  }
0x67: {  	_ =	shalt  }
0x68: {  	_ =	shalt  }
0x69: {  	_ =	shalt  }
0x6a: {  	_ =	shalt  }
0x6b: {  	_ =	shalt  }
0x6c: {  	_ =	shalt  }
0x6d: {  	_ =	shalt  }
0x6e: {  	_ =	shalt  }
0x6f: {  	_ =	shalt  }
0x70: {  	_ =	shalt  }
0x71: {  	_ =	shalt  }
0x72: {  	_ =	shalt  }
0x73: {  	_ =	shalt  }
0x74: {  	_ =	shalt  }
0x75: {  	_ =	shalt  }
0x76: {  	_ =	shalt  }
0x77: {  	_ =	shalt  }
0x78: {  	_ =	shalt  }
0x79: {  	_ =	shalt  }
0x7a: {  	_ =	shalt  }
0x7b: {  	_ =	shalt  }
0x7c: {  	_ =	shalt  }
0x7d: {  	_ =	shalt  }
0x7e: {  	_ =	shalt  }
0x7f: {  	_ =	shalt  }
0x80: {  	_ =	shalt  }
0x81: {  	_ =	shalt  }
0x82: {  	_ =	shalt  }
0x83: {  	_ =	shalt  }
0x84: {  	_ =	shalt  }
0x85: {  	_ =	shalt  }
0x86: {  	_ =	shalt  }
0x87: {  	_ =	shalt  }
.Lfunc_end0:
.L_simem_size_0:
called_computation.3_lowered:
.L_overlay_start_0:
0x88: {  	s2 =	sld [smem:$0x3FD9]  }
0x89: {  	s3 =	sld [smem:$0x3FFE];
	_ =	sdelay $0x1  }
0x8a: {  	s1 =	srdreg.scid  }
0x8b: {  	s0 =	sand.u32 $0x1, s1  }
0x8c: {  	s17 =	sshll.u32 s0, $0xA;
	s2 =	sadd.s32 s3, s2  }
0x8d: {  	s2 =	sadd.s32 s2, s17  }
0x8e: {  	[smem:$0x3FC2] =	sst s2  }
0x8f: {  	_ = 	snop  }
0x90: {  	(tm) =	ssettm $0x1  }
0x91: {  	s18 =	sld [smem:$0x3FFB];
	_ =	sdelay $0x3  }
0x92: {  	_ =	strace s18  }
0x93: {  	s2 =	sld [smem:$0x3FFC];
	_ =	sdelay $0x3  }
0x94: {  	_ =	strace s2  }
0x95: {  	s2 =	sld [smem:$0x3FFD];
	_ =	sdelay $0x3  }
0x96: {  	_ =	strace s2  }
0x97: {  	_ =	strace $0x8FFFFFFF  }
0x98: {  	s19 =	sld [smem:$0x3FDB];
	_ =	sdelay $0x1  }
0x99: {  	s20 =	simm.s32 $_scs_section_size  }
0x9a: {  	s4 =	simm.s32 $_size__tile_overlayer_lowered;
	s5 =	simm.s32 $_tile_overlayer_lowered  }
0x9b: {  	s6 =	simm.s32 $0x1BFF;
	s21 =	sshll.u32 s5, $0x1;
	s3 =	sadd.s32 s20, s19  }
0x9c: {  	s22 =	simm.s32 $0x0;
	s4 =	sshll.u32 s4, $0x1;
	s5 =	sadd.s32 s21, s3  }
0x9d: {  	[timem:s22], [sflag:s6] =	dma.local [hbm:s5], s4  }
0x9e: {  	_ =	swait.ge [sflag:s6], s4  }
0x9f: {  	s4 =	ssub.s32 $0x0, s4;
	[sflag:s6] =	ssyncset.done $0x0  }
0xa0: {  	[sflag:s6] =	ssyncadd.s32 s4;
	_ =	sdelay $0x1  }
0xa1: {  	s23 =	simm.s32 $0x1B8B  }
0xa2: {  	_ =	swait.ge [sflag:s23], $0x1  }
0xa3: {  	[sflag:s23] =	ssyncset.done $0x0  }
0xa4: {  	[sflag:s23] =	ssyncadd.s32 $0xFFFFFFFF  }
0xa5: {  	s4 =	sld [smem:$0x0]  }
0xa6: {  	s5 =	sand.u32 $0xFFFFFFFE, s1  }
0xa7: {  	p0 =	sne.s32 s1, s5  }
0xa8: {  	s5 =	sshll.u32 @p0 s5, $0xE  }
0xa9: {  	s5 =	sadd.s32 @p0 $0x11B8D, s5;
	s6 =	sshll.u32 @p0 s4, $0x11  }
0xaa: {  	s5 =	sor.u32 @p0 s6, s5  }
0xab: {  	[sflag:s5] =	ssyncadd.remote.s32 @p0 $0x1;
	_ =	sdelay $0x1  }
0xac: {  	s5 =	simm.s32 @p0 $0x1B8D  }
0xad: {  	_ =	swait.eq @p0 [sflag:s5], $0x1  }
0xae: {  	[sflag:s5] =	ssyncadd.s32 @p0 $0xFFFFFFFF  }
0xaf: {  	s6 =	sshll.u32 @!p0 s1, $0xE  }
0xb0: {  	s6 =	sor.u32 @!p0 $0x4000, s6;
	s5 =	simm.s32 @!p0 $0x1B8D  }
0xb1: {  	s4 =	sshll.u32 @!p0 s4, $0x11;
	s6 =	sadd.s32 @!p0 $0x11B8D, s6;
	_ =	swait.eq @!p0 [sflag:s5], $0x1  }
0xb2: {  	s4 =	sor.u32 @!p0 s4, s6;
	[sflag:s5] =	ssyncadd.s32 @!p0 $0xFFFFFFFF  }
0xb3: {  	s25 =	simm.s32 $0x1B8E;
	s24 =	sld [smem:$0x3FFE];
	[sflag:s4] =	ssyncadd.remote.s32 @!p0 $0x1  }
0xb4: {  	s26 =	simm.s32 $execute0_lowered;
	[smem:$0x3FD2] =	sst s25  }
0xb5: {  	s5 =	sshll.u32 s26, $0x1;
	_ =	strace $0x8000004F;
	[dreg:$0x1] =	wrdreg $0xFFFFFFFF  }
0xb6: {  	s28 =	simm.s32 $_size_execute0_lowered;
	s3 =	sadd.s32 s3, s5;
	[dreg:$0x0] =	wrdreg $0x0  }
0xb7: {  	s5 =	sshll.u32 s28, $0x1;
	[dreg:$0x2] =	wrdreg s3  }
0xb8: {  	[dreg:$0x3] =	wrdreg s5  }
0xb9: {  	[dreg:$0x4] =	wrdreg $0xC0  }
0xba: {  	_ =	task [dreg:s22], $0x5FFFF  }
0xbb: {  	[dreg:$0x1] =	wrdreg $0xFFFFFFFF  }
0xbc: {  	[dreg:$0x0] =	wrdreg $0x60  }
0xbd: {  	[dreg:$0x2] =	wrdreg s24  }
0xbe: {  	[dreg:$0x3] =	wrdreg $0xC  }
0xbf: {  	_ =	task.clear_ibuf [dreg:s22], $0x4FFFF;
	_ =	strace $0x9000004F  }
0xc0: {  	s29 =	simm.s32 $0xC;
	_ =	strace $0x80000051  }
0xc1: {  	_ =	swait.ge [sflag:s29], $0x1  }
0xc2: {  	[sflag:s29] =	ssyncadd.s32 $0xFFFFFFFF  }
0xc3: {  	_ =	strace $0x90000051  }
0xc4: {  	_ =	sfence  }
0xc5: {  	s30 =	sld [smem:$0x0];
	_ =	sdelay $0x2  }
0xc6: {  	s31 =	sshll.u32 s1, $0xD;
	s1 =	sshrl.u32 s1, $0x2  }
0xc7: {  	s4 =	sand.u32 $0x4000, s31;
	s1 =	sadd.s32 s1, s30  }
0xc8: {  	s0 =	sor.u32 s4, s0;
	s1 =	sshll.u32 s1, $0x11  }
0xc9: {  	s0 =	sor.u32 s1, s0  }
0xca: {  	s0 =	sadd.s32 $0x8F2B, s0  }
0xcb: {  	[sflag:s0] =	ssyncadd.remote.s32 $0x1  }
0xcc: {  	_ =	sfence.sel $0xFFFF  }
0xcd: {  	[dreg:$0x0] =	wrdreg $0xFFFFFFFF;
	(pc) =	sbr.abs _section_cstart, $3  }
0xce: {  	[dreg:$0x1] =	wrdreg $0xFFFFFFFF  }
0xcf: {  	_ =	task.clear_ibuf [dreg:s22], $0x2FFFF;
	_ =	strace $0x9FFFFFFF  }
0xd0: {  	(tm) =	ssettm $0x7FFFFFFF  }
0xd1: {  	_ =	shalt  }
tec
execute0_lowered:
.L_overlay_start_1:
0x0: {  	(tag) =	ssettag $0x1  }
0x1: {  	s1 =	srdreg.scid  }
0x2: {  	s0 =	stileid.u32;
	s4 =	rddreg [dreg:$0x0]  }
0x3: {  	s30 =	simm.s32 $0x5;
	s9 =	simm.s32 $0x80;
	s11 =	simm.s32 $0x500  }
0x4: {  	s13 =	simm.s32 $0x1;
	s10 =	simm.s32 $0x2;
	s8 =	simm.s32 $0x3  }
0x5: {  	s29 =	simm.s32 $0x100;
	s28 =	simm.s32 $0x180;
	s24 =	simm.s32 $0x280  }
0x6: {  	s22 =	simm.s32 $0x300;
	s1 =	sand.u32 $0x1, s1;
	s2 =	sshll.u32 s0, $0x1  }
0x7: {  	s20 =	simm.s32 $0x380;
	s18 =	simm.s32 $0x400;
	s3 =	sor.u32 s1, s2  }
0x8: {  	s15 =	simm.s32 $0x480;
	s2 =	simm.s32 $0x0;
	s5 =	smul.u32 $0xA0, s3  }
0x9: {  	s1 =	ssub.s32 $0x2, s1;
	[smem:$0x7FF] =	sst s2;
	s6 =	smul.u32 $0x5000, s3  }
0xa: {  	s3 =	sadd.s32 $0x18AC00, s4;
	s25 =	sshrl.u32 s1, $0x1;
	_ =	strace $0x80000050  }
0xb: {  	s1 =	ssub.s32 s1, s25;
	s5 =	sadd.s32 s5, s4;
	s4 =	sadd.s32 s6, s4  }
0xc: {  	s25 =	simm.s32 $0x200;
	s1 =	smax.u32 s1, $0x1;
	s26 =	sadd.s32 $0x3B1600, s4  }
0xd: {  	s23 =	sadd.s32 $0x3B1E00, s4;
	s21 =	sadd.s32 $0x3B2600, s4;
	p1 =	sne.s32 s1, $0x1  }
.Ltmp0:
0xe: {  	s5 =	sadd.s32 $0xA4200, s5;
	s19 =	sadd.s32 $0x3B2E00, s4;
	(pc) =	sbr.rel @!p1 .LBB2_3-.Ltmp0, $4  }
0xf: {  	p0 =	por $0x0, $0x0;
	s17 =	sadd.s32 $0x3B3600, s4;
	s16 =	sadd.s32 $0x3B3E00, s4  }
0x10: {  	s6 =	simm.s32 $0x4;
	s14 =	sadd.s32 $0x3B4600, s4;
	s12 =	sadd.s32 $0x3B4E00, s4  }
0x11: {  	s7 =	sadd.s32 $0x3B5600, s4;
	s4 =	sadd.s32 $0x3B5E00, s4;
	[dreg:$0x2] =	wrdreg s5  }
0x12: {  	s31 =	sadd.s32 $0xFFFFFFFF, s1;
	s5 =	simm.s32 $0x4500;
	s1 =	rddreg [dreg:$0x2]  }
0x13: {  	[tilespmem:s2], [sflag:$0x5] =	stream.linear.gather [hbm4b:s1+s2], $0x500, $0x38;
	[tilespmem:$0x8500] =	vst v63  }
0x14: {  	_ =	swait.ge [sflag:s30], $0x500  }
0x15: {  	[sflag:s30] =	ssyncset.done $0x0  }
0x16: {  	[sflag:s30] =	ssyncadd.s32 $0xFFFFFB00  }
0x17: {  	[tilespmem:s11], [sflag:$0x1] =	stream.indirect.gather [hbm4b:s3+s9], $0x80, s2, s9, $0xb8;
	[tilespmem:$0x8500] =	vst v63  }
0x18: {  	_ =	swait.ge [sflag:s13], $0x4000  }
0x19: {  	[sflag:s13] =	ssyncset.done $0x0  }
0x1a: {  	[sflag:s13] =	ssyncadd.s32 $0xFFFFC000  }
0x1b: {  	[hbm4b:s26+s2] =	stream.linear.scatter [tilespmem:s11], [sflag:$0x3], $0x4000, $0x38;
	[tilespmem:$0x8500] =	vst v63  }
0x1c: {  	_ = 	snop  }
0x1d: {  	[tilespmem:s5], [sflag:$0x2] =	stream.indirect.gather [hbm4b:s3+s9], $0x80, s9, s9, $0xb8;
	[tilespmem:$0x8500] =	vst v63  }
0x1e: {  	_ =	swait.ge [sflag:s10], $0x4000  }
0x1f: {  	[sflag:s10] =	ssyncset.done $0x0  }
0x20: {  	[sflag:s10] =	ssyncadd.s32 $0xFFFFC000  }
0x21: {  	_ =	swait.ge [sflag:s8], $0x4000  }
0x22: {  	[sflag:s8] =	ssyncset.done $0x0  }
0x23: {  	[sflag:s8] =	ssyncadd.s32 $0xFFFFC000  }
0x24: {  	[hbm4b:s23+s2] =	stream.linear.scatter [tilespmem:s5], [sflag:$0x4], $0x4000, $0x38;
	[tilespmem:$0x8500] =	vst v63  }
0x25: {  	_ = 	snop  }
0x26: {  	[tilespmem:s11], [sflag:$0x1] =	stream.indirect.gather [hbm4b:s3+s9], $0x80, s29, s9, $0xb8;
	[tilespmem:$0x8500] =	vst v63  }
0x27: {  	_ =	swait.ge [sflag:s13], $0x4000  }
0x28: {  	[sflag:s13] =	ssyncset.done $0x0  }
0x29: {  	[sflag:s13] =	ssyncadd.s32 $0xFFFFC000  }
0x2a: {  	_ =	swait.ge [sflag:s6], $0x4000  }
0x2b: {  	[sflag:s6] =	ssyncset.done $0x0  }
0x2c: {  	[sflag:s6] =	ssyncadd.s32 $0xFFFFC000  }
0x2d: {  	[hbm4b:s21+s2] =	stream.linear.scatter [tilespmem:s11], [sflag:$0x3], $0x4000, $0x38;
	[tilespmem:$0x8500] =	vst v63  }
0x2e: {  	_ = 	snop  }
0x2f: {  	[tilespmem:s5], [sflag:$0x2] =	stream.indirect.gather [hbm4b:s3+s9], $0x80, s28, s9, $0xb8;
	[tilespmem:$0x8500] =	vst v63  }
0x30: {  	_ =	swait.ge [sflag:s10], $0x4000  }
0x31: {  	[sflag:s10] =	ssyncset.done $0x0  }
0x32: {  	[sflag:s10] =	ssyncadd.s32 $0xFFFFC000  }
0x33: {  	_ =	swait.ge [sflag:s8], $0x4000  }
0x34: {  	[sflag:s8] =	ssyncset.done $0x0  }
0x35: {  	[sflag:s8] =	ssyncadd.s32 $0xFFFFC000  }
0x36: {  	[hbm4b:s19+s2] =	stream.linear.scatter [tilespmem:s5], [sflag:$0x4], $0x4000, $0x38;
	[tilespmem:$0x8500] =	vst v63  }
0x37: {  	_ = 	snop  }
0x38: {  	[tilespmem:s11], [sflag:$0x1] =	stream.indirect.gather [hbm4b:s3+s9], $0x80, s25, s9, $0xb8;
	[tilespmem:$0x8500] =	vst v63  }
0x39: {  	_ =	swait.ge [sflag:s13], $0x4000  }
0x3a: {  	[sflag:s13] =	ssyncset.done $0x0  }
0x3b: {  	[sflag:s13] =	ssyncadd.s32 $0xFFFFC000  }
0x3c: {  	_ =	swait.ge [sflag:s6], $0x4000  }
0x3d: {  	[sflag:s6] =	ssyncset.done $0x0  }
0x3e: {  	[sflag:s6] =	ssyncadd.s32 $0xFFFFC000  }
0x3f: {  	[hbm4b:s17+s2] =	stream.linear.scatter [tilespmem:s11], [sflag:$0x3], $0x4000, $0x38;
	[tilespmem:$0x8500] =	vst v63  }
0x40: {  	_ = 	snop  }
0x41: {  	[tilespmem:s5], [sflag:$0x2] =	stream.indirect.gather [hbm4b:s3+s9], $0x80, s24, s9, $0xb8;
	[tilespmem:$0x8500] =	vst v63  }
0x42: {  	_ =	swait.ge [sflag:s10], $0x4000  }
0x43: {  	[sflag:s10] =	ssyncset.done $0x0  }
0x44: {  	[sflag:s10] =	ssyncadd.s32 $0xFFFFC000  }
0x45: {  	_ =	swait.ge [sflag:s8], $0x4000  }
0x46: {  	[sflag:s8] =	ssyncset.done $0x0  }
0x47: {  	[sflag:s8] =	ssyncadd.s32 $0xFFFFC000  }
0x48: {  	[hbm4b:s16+s2] =	stream.linear.scatter [tilespmem:s5], [sflag:$0x4], $0x4000, $0x38;
	[tilespmem:$0x8500] =	vst v63  }
0x49: {  	_ = 	snop  }
0x4a: {  	[tilespmem:s11], [sflag:$0x1] =	stream.indirect.gather [hbm4b:s3+s9], $0x80, s22, s9, $0xb8;
	[tilespmem:$0x8500] =	vst v63  }
0x4b: {  	_ =	swait.ge [sflag:s13], $0x4000  }
0x4c: {  	[sflag:s13] =	ssyncset.done $0x0  }
0x4d: {  	[sflag:s13] =	ssyncadd.s32 $0xFFFFC000  }
0x4e: {  	_ =	swait.ge [sflag:s6], $0x4000  }
0x4f: {  	[sflag:s6] =	ssyncset.done $0x0  }
0x50: {  	[sflag:s6] =	ssyncadd.s32 $0xFFFFC000  }
0x51: {  	[hbm4b:s14+s2] =	stream.linear.scatter [tilespmem:s11], [sflag:$0x3], $0x4000, $0x38;
	[tilespmem:$0x8500] =	vst v63  }
0x52: {  	_ = 	snop  }
0x53: {  	[tilespmem:s5], [sflag:$0x2] =	stream.indirect.gather [hbm4b:s3+s9], $0x80, s20, s9, $0xb8;
	[tilespmem:$0x8500] =	vst v63  }
0x54: {  	_ =	swait.ge [sflag:s10], $0x4000  }
0x55: {  	[sflag:s10] =	ssyncset.done $0x0  }
0x56: {  	[sflag:s10] =	ssyncadd.s32 $0xFFFFC000  }
0x57: {  	_ =	swait.ge [sflag:s8], $0x4000  }
0x58: {  	[sflag:s8] =	ssyncset.done $0x0  }
0x59: {  	[sflag:s8] =	ssyncadd.s32 $0xFFFFC000  }
0x5a: {  	[hbm4b:s12+s2] =	stream.linear.scatter [tilespmem:s5], [sflag:$0x4], $0x4000, $0x38;
	[tilespmem:$0x8500] =	vst v63  }
0x5b: {  	_ = 	snop  }
0x5c: {  	[tilespmem:s11], [sflag:$0x1] =	stream.indirect.gather [hbm4b:s3+s9], $0x80, s18, s9, $0xb8;
	[tilespmem:$0x8500] =	vst v63  }
0x5d: {  	_ =	swait.ge [sflag:s13], $0x4000  }
0x5e: {  	[sflag:s13] =	ssyncset.done $0x0  }
0x5f: {  	[sflag:s13] =	ssyncadd.s32 $0xFFFFC000  }
0x60: {  	_ =	swait.ge [sflag:s6], $0x4000  }
0x61: {  	[sflag:s6] =	ssyncset.done $0x0  }
0x62: {  	[sflag:s6] =	ssyncadd.s32 $0xFFFFC000  }
0x63: {  	[hbm4b:s7+s2] =	stream.linear.scatter [tilespmem:s11], [sflag:$0x3], $0x4000, $0x38;
	[tilespmem:$0x8500] =	vst v63  }
0x64: {  	_ = 	snop  }
0x65: {  	[tilespmem:s5], [sflag:$0x2] =	stream.indirect.gather [hbm4b:s3+s9], $0x80, s15, s9, $0xb8;
	[tilespmem:$0x8500] =	vst v63  }
0x66: {  	_ =	swait.ge [sflag:s10], $0x4000  }
0x67: {  	[sflag:s10] =	ssyncset.done $0x0  }
0x68: {  	[sflag:s10] =	ssyncadd.s32 $0xFFFFC000  }
0x69: {  	p1 =	sne.s32 s31, $0x1;
	_ =	swait.ge [sflag:s8], $0x4000  }
.Ltmp1:
0x6a: {  	[sflag:s8] =	ssyncset.done $0x0;
	(pc) =	sbr.rel @!p1 .LBB2_3-.Ltmp1, $4  }
0x6b: {  	[sflag:s8] =	ssyncadd.s32 $0xFFFFC000  }
0x6c: {  	[hbm4b:s4+s2] =	stream.linear.scatter [tilespmem:s5], [sflag:$0x4], $0x4000, $0x38;
	[tilespmem:$0x8500] =	vst v63  }
0x6d: {  	s31 =	sadd.s32 $0xFFFFFFFF, s31;
	_ =	swait.ge [sflag:s6], $0x4000  }
0x6e: {  	p0 =	por $0x1, $0x1;
	s1 =	rddreg [dreg:$0x2];
	[sflag:s6] =	ssyncset.done $0x0  }
.LBB2_2:
0x6f: {  	[sflag:s6] =	ssyncadd.s32 $0xFFFFC000  }
0x70: {  	[tilespmem:s2], [sflag:$0x5] =	stream.linear.gather [hbm4b:s1+s2], $0x500, $0x38;
	[tilespmem:$0x8500] =	vst v63  }
0x71: {  	_ =	swait.ge [sflag:s30], $0x500  }
0x72: {  	[sflag:s30] =	ssyncset.done $0x0  }
0x73: {  	[sflag:s30] =	ssyncadd.s32 $0xFFFFFB00  }
0x74: {  	[tilespmem:s11], [sflag:$0x1] =	stream.indirect.gather [hbm4b:s3+s9], $0x80, s2, s9, $0xb8;
	[tilespmem:$0x8500] =	vst v63  }
0x75: {  	_ =	swait.ge [sflag:s13], $0x4000  }
0x76: {  	[sflag:s13] =	ssyncset.done $0x0  }
0x77: {  	[sflag:s13] =	ssyncadd.s32 $0xFFFFC000  }
0x78: {  	[hbm4b:s26+s2] =	stream.linear.scatter [tilespmem:s11], [sflag:$0x3], $0x4000, $0x38;
	[tilespmem:$0x8500] =	vst v63  }
0x79: {  	_ = 	snop  }
0x7a: {  	[tilespmem:s5], [sflag:$0x2] =	stream.indirect.gather [hbm4b:s3+s9], $0x80, s9, s9, $0xb8;
	[tilespmem:$0x8500] =	vst v63  }
0x7b: {  	_ =	swait.ge [sflag:s10], $0x4000  }
0x7c: {  	[sflag:s10] =	ssyncset.done $0x0  }
0x7d: {  	[sflag:s10] =	ssyncadd.s32 $0xFFFFC000  }
0x7e: {  	_ =	swait.ge [sflag:s8], $0x4000  }
0x7f: {  	[sflag:s8] =	ssyncset.done $0x0  }
0x80: {  	[sflag:s8] =	ssyncadd.s32 $0xFFFFC000  }
0x81: {  	[hbm4b:s23+s2] =	stream.linear.scatter [tilespmem:s5], [sflag:$0x4], $0x4000, $0x38;
	[tilespmem:$0x8500] =	vst v63  }
0x82: {  	_ = 	snop  }
0x83: {  	[tilespmem:s11], [sflag:$0x1] =	stream.indirect.gather [hbm4b:s3+s9], $0x80, s29, s9, $0xb8;
	[tilespmem:$0x8500] =	vst v63  }
0x84: {  	_ =	swait.ge [sflag:s13], $0x4000  }
0x85: {  	[sflag:s13] =	ssyncset.done $0x0  }
0x86: {  	[sflag:s13] =	ssyncadd.s32 $0xFFFFC000  }
0x87: {  	_ =	swait.ge [sflag:s6], $0x4000  }
0x88: {  	[sflag:s6] =	ssyncset.done $0x0  }
0x89: {  	[sflag:s6] =	ssyncadd.s32 $0xFFFFC000  }
0x8a: {  	[hbm4b:s21+s2] =	stream.linear.scatter [tilespmem:s11], [sflag:$0x3], $0x4000, $0x38;
	[tilespmem:$0x8500] =	vst v63  }
0x8b: {  	_ = 	snop  }
0x8c: {  	[tilespmem:s5], [sflag:$0x2] =	stream.indirect.gather [hbm4b:s3+s9], $0x80, s28, s9, $0xb8;
	[tilespmem:$0x8500] =	vst v63  }
0x8d: {  	_ =	swait.ge [sflag:s10], $0x4000  }
0x8e: {  	[sflag:s10] =	ssyncset.done $0x0  }
0x8f: {  	[sflag:s10] =	ssyncadd.s32 $0xFFFFC000  }
0x90: {  	_ =	swait.ge [sflag:s8], $0x4000  }
0x91: {  	[sflag:s8] =	ssyncset.done $0x0  }
0x92: {  	[sflag:s8] =	ssyncadd.s32 $0xFFFFC000  }
0x93: {  	[hbm4b:s19+s2] =	stream.linear.scatter [tilespmem:s5], [sflag:$0x4], $0x4000, $0x38;
	[tilespmem:$0x8500] =	vst v63  }
0x94: {  	_ = 	snop  }
0x95: {  	[tilespmem:s11], [sflag:$0x1] =	stream.indirect.gather [hbm4b:s3+s9], $0x80, s25, s9, $0xb8;
	[tilespmem:$0x8500] =	vst v63  }
0x96: {  	_ =	swait.ge [sflag:s13], $0x4000  }
0x97: {  	[sflag:s13] =	ssyncset.done $0x0  }
0x98: {  	[sflag:s13] =	ssyncadd.s32 $0xFFFFC000  }
0x99: {  	_ =	swait.ge [sflag:s6], $0x4000  }
0x9a: {  	[sflag:s6] =	ssyncset.done $0x0  }
0x9b: {  	[sflag:s6] =	ssyncadd.s32 $0xFFFFC000  }
0x9c: {  	[hbm4b:s17+s2] =	stream.linear.scatter [tilespmem:s11], [sflag:$0x3], $0x4000, $0x38;
	[tilespmem:$0x8500] =	vst v63  }
0x9d: {  	_ = 	snop  }
0x9e: {  	[tilespmem:s5], [sflag:$0x2] =	stream.indirect.gather [hbm4b:s3+s9], $0x80, s24, s9, $0xb8;
	[tilespmem:$0x8500] =	vst v63  }
0x9f: {  	_ =	swait.ge [sflag:s10], $0x4000  }
0xa0: {  	[sflag:s10] =	ssyncset.done $0x0  }
0xa1: {  	[sflag:s10] =	ssyncadd.s32 $0xFFFFC000  }
0xa2: {  	_ =	swait.ge [sflag:s8], $0x4000  }
0xa3: {  	[sflag:s8] =	ssyncset.done $0x0  }
0xa4: {  	[sflag:s8] =	ssyncadd.s32 $0xFFFFC000  }
0xa5: {  	[hbm4b:s16+s2] =	stream.linear.scatter [tilespmem:s5], [sflag:$0x4], $0x4000, $0x38;
	[tilespmem:$0x8500] =	vst v63  }
0xa6: {  	_ = 	snop  }
0xa7: {  	[tilespmem:s11], [sflag:$0x1] =	stream.indirect.gather [hbm4b:s3+s9], $0x80, s22, s9, $0xb8;
	[tilespmem:$0x8500] =	vst v63  }
0xa8: {  	_ =	swait.ge [sflag:s13], $0x4000  }
0xa9: {  	[sflag:s13] =	ssyncset.done $0x0  }
0xaa: {  	[sflag:s13] =	ssyncadd.s32 $0xFFFFC000  }
0xab: {  	_ =	swait.ge [sflag:s6], $0x4000  }
0xac: {  	[sflag:s6] =	ssyncset.done $0x0  }
0xad: {  	[sflag:s6] =	ssyncadd.s32 $0xFFFFC000  }
0xae: {  	[hbm4b:s14+s2] =	stream.linear.scatter [tilespmem:s11], [sflag:$0x3], $0x4000, $0x38;
	[tilespmem:$0x8500] =	vst v63  }
0xaf: {  	_ = 	snop  }
0xb0: {  	[tilespmem:s5], [sflag:$0x2] =	stream.indirect.gather [hbm4b:s3+s9], $0x80, s20, s9, $0xb8;
	[tilespmem:$0x8500] =	vst v63  }
0xb1: {  	_ =	swait.ge [sflag:s10], $0x4000  }
0xb2: {  	[sflag:s10] =	ssyncset.done $0x0  }
0xb3: {  	[sflag:s10] =	ssyncadd.s32 $0xFFFFC000  }
0xb4: {  	_ =	swait.ge [sflag:s8], $0x4000  }
0xb5: {  	[sflag:s8] =	ssyncset.done $0x0  }
0xb6: {  	[sflag:s8] =	ssyncadd.s32 $0xFFFFC000  }
0xb7: {  	[hbm4b:s12+s2] =	stream.linear.scatter [tilespmem:s5], [sflag:$0x4], $0x4000, $0x38;
	[tilespmem:$0x8500] =	vst v63  }
0xb8: {  	_ = 	snop  }
0xb9: {  	[tilespmem:s11], [sflag:$0x1] =	stream.indirect.gather [hbm4b:s3+s9], $0x80, s18, s9, $0xb8;
	[tilespmem:$0x8500] =	vst v63  }
0xba: {  	_ =	swait.ge [sflag:s13], $0x4000  }
0xbb: {  	[sflag:s13] =	ssyncset.done $0x0  }
0xbc: {  	[sflag:s13] =	ssyncadd.s32 $0xFFFFC000  }
0xbd: {  	_ =	swait.ge [sflag:s6], $0x4000  }
0xbe: {  	[sflag:s6] =	ssyncset.done $0x0  }
0xbf: {  	[sflag:s6] =	ssyncadd.s32 $0xFFFFC000  }
0xc0: {  	[hbm4b:s7+s2] =	stream.linear.scatter [tilespmem:s11], [sflag:$0x3], $0x4000, $0x38;
	[tilespmem:$0x8500] =	vst v63  }
0xc1: {  	_ = 	snop  }
0xc2: {  	[tilespmem:s5], [sflag:$0x2] =	stream.indirect.gather [hbm4b:s3+s9], $0x80, s15, s9, $0xb8;
	[tilespmem:$0x8500] =	vst v63  }
0xc3: {  	_ =	swait.ge [sflag:s10], $0x4000  }
0xc4: {  	[sflag:s10] =	ssyncset.done $0x0  }
0xc5: {  	[sflag:s10] =	ssyncadd.s32 $0xFFFFC000  }
0xc6: {  	p1 =	sne.s32 s31, $0x1;
	_ =	swait.ge [sflag:s8], $0x4000  }
.Ltmp2:
0xc7: {  	[sflag:s8] =	ssyncset.done $0x0;
	(pc) =	sbr.rel @p1 .LBB2_2-.Ltmp2, $4  }
0xc8: {  	[sflag:s8] =	ssyncadd.s32 $0xFFFFC000  }
0xc9: {  	[hbm4b:s4+s2] =	stream.linear.scatter [tilespmem:s5], [sflag:$0x4], $0x4000, $0x38;
	[tilespmem:$0x8500] =	vst v63  }
0xca: {  	_ =	swait.ge [sflag:s6], $0x4000  }
0xcb: {  	s31 =	sadd.s32 $0xFFFFFFFF, s31;
	s1 =	rddreg [dreg:$0x2];
	[sflag:s6] =	ssyncset.done $0x0  }
.LBB2_3:
0xcc: {  	[sflag:s6] =	ssyncadd.s32 @p0 $0xFFFFC000  }
0xcd: {  	[tilespmem:s2], [sflag:$0x5] =	stream.linear.gather [hbm4b:s1+s2], $0x500, $0x38;
	[tilespmem:$0x8500] =	vst v63  }
0xce: {  	_ =	swait.ge [sflag:s30], $0x500  }
0xcf: {  	[sflag:s30] =	ssyncset.done $0x0  }
0xd0: {  	[sflag:s30] =	ssyncadd.s32 $0xFFFFFB00  }
0xd1: {  	[tilespmem:s11], [sflag:$0x1] =	stream.indirect.gather [hbm4b:s3+s9], $0x80, s2, s9, $0xb8;
	[tilespmem:$0x8500] =	vst v63  }
0xd2: {  	_ =	swait.ge [sflag:s13], $0x4000  }
0xd3: {  	[sflag:s13] =	ssyncset.done $0x0  }
0xd4: {  	[sflag:s13] =	ssyncadd.s32 $0xFFFFC000  }
0xd5: {  	[hbm4b:s26+s2] =	stream.linear.scatter [tilespmem:s11], [sflag:$0x3], $0x4000, $0x38;
	[tilespmem:$0x8500] =	vst v63  }
0xd6: {  	_ = 	snop  }
0xd7: {  	[tilespmem:s5], [sflag:$0x2] =	stream.indirect.gather [hbm4b:s3+s9], $0x80, s9, s9, $0xb8;
	[tilespmem:$0x8500] =	vst v63  }
0xd8: {  	_ =	swait.ge [sflag:s10], $0x4000  }
0xd9: {  	[sflag:s10] =	ssyncset.done $0x0  }
0xda: {  	[sflag:s10] =	ssyncadd.s32 $0xFFFFC000  }
0xdb: {  	_ =	swait.ge [sflag:s8], $0x4000  }
0xdc: {  	[sflag:s8] =	ssyncset.done $0x0  }
0xdd: {  	[sflag:s8] =	ssyncadd.s32 $0xFFFFC000  }
0xde: {  	[hbm4b:s23+s2] =	stream.linear.scatter [tilespmem:s5], [sflag:$0x4], $0x4000, $0x38;
	[tilespmem:$0x8500] =	vst v63  }
0xdf: {  	_ = 	snop  }
0xe0: {  	[tilespmem:s11], [sflag:$0x1] =	stream.indirect.gather [hbm4b:s3+s9], $0x80, s29, s9, $0xb8;
	[tilespmem:$0x8500] =	vst v63  }
0xe1: {  	_ =	swait.ge [sflag:s13], $0x4000  }
0xe2: {  	[sflag:s13] =	ssyncset.done $0x0  }
0xe3: {  	[sflag:s13] =	ssyncadd.s32 $0xFFFFC000  }
0xe4: {  	_ =	swait.ge [sflag:s6], $0x4000  }
0xe5: {  	[sflag:s6] =	ssyncset.done $0x0  }
0xe6: {  	[sflag:s6] =	ssyncadd.s32 $0xFFFFC000  }
0xe7: {  	[hbm4b:s21+s2] =	stream.linear.scatter [tilespmem:s11], [sflag:$0x3], $0x4000, $0x38;
	[tilespmem:$0x8500] =	vst v63  }
0xe8: {  	_ = 	snop  }
0xe9: {  	[tilespmem:s5], [sflag:$0x2] =	stream.indirect.gather [hbm4b:s3+s9], $0x80, s28, s9, $0xb8;
	[tilespmem:$0x8500] =	vst v63  }
0xea: {  	_ =	swait.ge [sflag:s10], $0x4000  }
0xeb: {  	[sflag:s10] =	ssyncset.done $0x0  }
0xec: {  	[sflag:s10] =	ssyncadd.s32 $0xFFFFC000  }
0xed: {  	_ =	swait.ge [sflag:s8], $0x4000  }
0xee: {  	[sflag:s8] =	ssyncset.done $0x0  }
0xef: {  	[sflag:s8] =	ssyncadd.s32 $0xFFFFC000  }
0xf0: {  	[hbm4b:s19+s2] =	stream.linear.scatter [tilespmem:s5], [sflag:$0x4], $0x4000, $0x38;
	[tilespmem:$0x8500] =	vst v63  }
0xf1: {  	_ = 	snop  }
0xf2: {  	[tilespmem:s11], [sflag:$0x1] =	stream.indirect.gather [hbm4b:s3+s9], $0x80, s25, s9, $0xb8;
	[tilespmem:$0x8500] =	vst v63  }
0xf3: {  	_ =	swait.ge [sflag:s13], $0x4000  }
0xf4: {  	[sflag:s13] =	ssyncset.done $0x0  }
0xf5: {  	[sflag:s13] =	ssyncadd.s32 $0xFFFFC000  }
0xf6: {  	_ =	swait.ge [sflag:s6], $0x4000  }
0xf7: {  	[sflag:s6] =	ssyncset.done $0x0  }
0xf8: {  	[sflag:s6] =	ssyncadd.s32 $0xFFFFC000  }
0xf9: {  	[hbm4b:s17+s2] =	stream.linear.scatter [tilespmem:s11], [sflag:$0x3], $0x4000, $0x38;
	[tilespmem:$0x8500] =	vst v63  }
0xfa: {  	_ = 	snop  }
0xfb: {  	[tilespmem:s5], [sflag:$0x2] =	stream.indirect.gather [hbm4b:s3+s9], $0x80, s24, s9, $0xb8;
	[tilespmem:$0x8500] =	vst v63  }
0xfc: {  	_ =	swait.ge [sflag:s10], $0x4000  }
0xfd: {  	[sflag:s10] =	ssyncset.done $0x0  }
0xfe: {  	[sflag:s10] =	ssyncadd.s32 $0xFFFFC000  }
0xff: {  	_ =	swait.ge [sflag:s8], $0x4000  }
0x100: {  	[sflag:s8] =	ssyncset.done $0x0  }
0x101: {  	[sflag:s8] =	ssyncadd.s32 $0xFFFFC000  }
0x102: {  	[hbm4b:s16+s2] =	stream.linear.scatter [tilespmem:s5], [sflag:$0x4], $0x4000, $0x38;
	[tilespmem:$0x8500] =	vst v63  }
0x103: {  	_ = 	snop  }
0x104: {  	[tilespmem:s11], [sflag:$0x1] =	stream.indirect.gather [hbm4b:s3+s9], $0x80, s22, s9, $0xb8;
	[tilespmem:$0x8500] =	vst v63  }
0x105: {  	_ =	swait.ge [sflag:s13], $0x4000  }
0x106: {  	[sflag:s13] =	ssyncset.done $0x0  }
0x107: {  	[sflag:s13] =	ssyncadd.s32 $0xFFFFC000  }
0x108: {  	_ =	swait.ge [sflag:s6], $0x4000  }
0x109: {  	[sflag:s6] =	ssyncset.done $0x0  }
0x10a: {  	[sflag:s6] =	ssyncadd.s32 $0xFFFFC000  }
0x10b: {  	[hbm4b:s14+s2] =	stream.linear.scatter [tilespmem:s11], [sflag:$0x3], $0x4000, $0x38;
	[tilespmem:$0x8500] =	vst v63  }
0x10c: {  	_ = 	snop  }
0x10d: {  	[tilespmem:s5], [sflag:$0x2] =	stream.indirect.gather [hbm4b:s3+s9], $0x80, s20, s9, $0xb8;
	[tilespmem:$0x8500] =	vst v63  }
0x10e: {  	_ =	swait.ge [sflag:s10], $0x4000  }
0x10f: {  	[sflag:s10] =	ssyncset.done $0x0  }
0x110: {  	[sflag:s10] =	ssyncadd.s32 $0xFFFFC000  }
0x111: {  	_ =	swait.ge [sflag:s8], $0x4000  }
0x112: {  	[sflag:s8] =	ssyncset.done $0x0  }
0x113: {  	[sflag:s8] =	ssyncadd.s32 $0xFFFFC000  }
0x114: {  	[hbm4b:s12+s2] =	stream.linear.scatter [tilespmem:s5], [sflag:$0x4], $0x4000, $0x38;
	[tilespmem:$0x8500] =	vst v63  }
0x115: {  	_ = 	snop  }
0x116: {  	[tilespmem:s11], [sflag:$0x1] =	stream.indirect.gather [hbm4b:s3+s9], $0x80, s18, s9, $0xb8;
	[tilespmem:$0x8500] =	vst v63  }
0x117: {  	_ =	swait.ge [sflag:s13], $0x4000  }
0x118: {  	[sflag:s13] =	ssyncset.done $0x0  }
0x119: {  	[sflag:s13] =	ssyncadd.s32 $0xFFFFC000  }
0x11a: {  	_ =	swait.ge [sflag:s6], $0x4000  }
0x11b: {  	[sflag:s6] =	ssyncset.done $0x0  }
0x11c: {  	[sflag:s6] =	ssyncadd.s32 $0xFFFFC000  }
0x11d: {  	[hbm4b:s7+s2] =	stream.linear.scatter [tilespmem:s11], [sflag:$0x3], $0x4000, $0x38;
	[tilespmem:$0x8500] =	vst v63  }
0x11e: {  	_ = 	snop  }
0x11f: {  	[tilespmem:s5], [sflag:$0x2] =	stream.indirect.gather [hbm4b:s3+s9], $0x80, s15, s9, $0xb8;
	[tilespmem:$0x8500] =	vst v63  }
0x120: {  	_ =	swait.ge [sflag:s10], $0x4000  }
0x121: {  	[sflag:s10] =	ssyncset.done $0x0  }
0x122: {  	[sflag:s10] =	ssyncadd.s32 $0xFFFFC000  }
0x123: {  	_ =	swait.ge [sflag:s8], $0x4000  }
0x124: {  	[sflag:s8] =	ssyncset.done $0x0  }
0x125: {  	[sflag:s8] =	ssyncadd.s32 $0xFFFFC000  }
0x126: {  	[hbm4b:s4+s2] =	stream.linear.scatter [tilespmem:s5], [sflag:$0x4], $0x4000, $0x38;
	[tilespmem:$0x8500] =	vst v63  }
0x127: {  	_ =	swait.ge [sflag:s6], $0x4000  }
0x128: {  	[sflag:s6] =	ssyncset.done $0x0  }
0x129: {  	[sflag:s6] =	ssyncadd.s32 $0xFFFFC000  }
0x12a: {  	_ =	sfence.sel $0x180000  }
0x12b: {  	[bflag:$0x0] =	sbarrier.arrive $0xFFFF  }
0x12c: {  	_ =	strace $0x90000050  }
0x12d: {  	[bflag:$0x2] =	sbarrier.arrive $0xFFFF  }
0x12e: {  	p0 =	sne.s32 s0, $0x0;
	s0 =	rddreg [dreg:$0x1]  }
0x12f: {  	s0 =	sadd.s32 @!p0 $0x100000, s0  }
0x130: {  	[sflag:s0] =	ssyncadd.tile.s32 @!p0 $0x1;
	_ =	shalt  }
.Lfunc_end2:
_tile_overlayer_lowered:
.L_overlay_start_2:
0x131: {  	(tag) =	ssettag $0x2  }
0x132: {  	s0 =	rddreg [dreg:$0x0];
	s2 =	stileid.u32  }
0x133: {  	s1 =	rddreg [dreg:$0x1];
	p0 =	sne.s32 s2, $0x0  }
0x134: {  	s3 =	rddreg [dreg:$0x2];
	[bflag:$0x3] =	sbarrier.arrive $0xFFFF;
	s2 =	simm.s32 @!p0 $0x1C05  }
0x135: {  	[timem:s3], [sflag:s2] =	dma.local @!p0 [hbm:s0], s1  }
0x136: {  	s0 =	simm.s32 @!p0 $0x5  }
0x137: {  	_ =	swait.ge @!p0 [sflag:s0], s1  }
0x138: {  	s1 =	ssub.s32 @!p0 $0x0, s1;
	[sflag:s0] =	ssyncset.done @!p0 $0x0  }
0x139: {  	[sflag:s0] =	ssyncadd.s32 @!p0 s1  }
0x13a: {  	[bflag:$0x3] =	sbarrier.arrive $0xFFFF  }
0x13b: {  	_ =	shalt  }

// kernel: kernel.24.cloned.1.call-start
scs
__scs_entry_jumppad:
0x0: {  	(pc) =	sbr.rel $0x88, $3  }
0x1: {  	(tag) =	ssettag $0x0;
	lr =	simm.s32 $0x1  }
0x2: {  	[smem:$0x3F9B] =	sst lr;
	_ =	strace $0xD0000000  }
0x3: {  	_ = 	snop  }
0x4: {  	_ = 	snop  }
0x5: {  	_ = 	snop  }
0x6: {  	_ = 	snop  }
0x7: {  	_ = 	snop  }
__scs_overlays_trampoline_lowered:
0x8: {  	[smem:$0x3FAA] =	sst s0  }
0x9: {  	[smem:$0x3FAB] =	sst s1  }
0xa: {  	[smem:$0x3FAC] =	sst s2  }
0xb: {  	[smem:$0x3FAD] =	sst s3  }
0xc: {  	[smem:$0x3FAE] =	sst s4  }
0xd: {  	[smem:$0x3FAF] =	sst s5  }
0xe: {  	[smem:$0x3FB0] =	sst s6  }
0xf: {  	[smem:$0x3FB1] =	sst s7  }
0x10: {  	[smem:$0x3FB2] =	sst s8  }
0x11: {  	[smem:$0x3FB3] =	sst s9;
	s0 =	simm.s32 @!p0 $0x0  }
0x12: {  	s1 =	sld [smem:$0x3F99];
	s0 =	simm.s32 @p0 $0x1  }
0x13: {  	[smem:$0x3FB4] =	sst s0;
	s0 =	simm.s32 @!p1 $0x0  }
0x14: {  	s2 =	sld [smem:$0x3F98];
	s0 =	simm.s32 @p1 $0x1  }
0x15: {  	[smem:$0x3FB5] =	sst s0;
	s0 =	simm.s32 @!p2 $0x0  }
0x16: {  	s3 =	sld [smem:$0x3FDB];
	s0 =	simm.s32 @p2 $0x1  }
0x17: {  	s4 =	simm.s32 $0x1BF5;
	[smem:$0x3FB7] =	sst s0  }
0x18: {  	s0 =	sld [smem:$0x3F9A];
	_ =	swait.ge [sflag:s4], $0x0  }
0x19: {  	s7 =	sld [smem:$0x3F9B]  }
0x1a: {  	s8 =	sadd.s32 $0xFFFFE003, lr  }
0x1b: {  	s9 =	sadd.s32 $0xFFFFFEF7, lr;
	s5 =	simm.s32 $0xFFFFFFFF;
	p2 =	slt.u32 s8, $0xFFFFF086  }
0x1c: {  	p1 =	slt.u32 s9, $0xF7A;
	s5 =	simm.s32 @!p2 $0x0  }
0x1d: {  	s5 =	simm.s32 @p1 $0x1;
	p0 =	seq.s32 s7, s2  }
0x1e: {  	s7 =	smul.u32 @!p0 $0xF7A, s2;
	p2 =	seq.s32 @!p0 s5, $0x0  }
0x1f: {  	s9 =	smul.u32 $0xF7A, s1;
	s8 =	simm.s32 @!p0 $0x1BF5;
	p2 =	por !p2, p0  }
0x20: {  	[sflag:s8] =	ssyncset.s32 @!p0 $0xFFFFF086;
	s6 =	sadd.s32 @!p0 s3, s7;
	s7 =	simm.s32 @!p0 $0x108  }
0x21: {  	s3 =	sadd.s32 s3, s9;
	s6 =	sadd.s32 @!p0 $0x88, s6;
	s7 =	simm.s32 @p2 $0x1082  }
0x22: {  	[simem:s7], [sflag:s8] =	dma.local @!p0 [hbm:s6], $0xF7A  }
0x23: {  	s9 =	sor.u32 $0xD0000000, s2;
	s6 =	simm.s32 $0x108;
	_ =	swait.ge @!p0 [sflag:s8], $0x0  }
0x24: {  	s3 =	sadd.s32 $0x88, s3;
	s6 =	simm.s32 @!p1 $0x1082;
	[sflag:s4] =	ssyncset.s32 $0xFFFFF086  }
0x25: {  	[simem:s6], [sflag:s4] =	dma.local [hbm:s3], $0xF7A  }
0x26: {  	[smem:$0x3F9B] =	sst s1;
	(tag) =	ssettag s2;
	_ =	strace s9  }
0x27: {  	s1 =	sld [smem:$0x3FAB]  }
0x28: {  	s2 =	sld [smem:$0x3FAC]  }
0x29: {  	s4 =	sld [smem:$0x3FAE]  }
0x2a: {  	p0 =	seq.s32 s5, $0x0;
	s5 =	sld [smem:$0x3FAF]  }
0x2b: {  	s6 =	sld [smem:$0x3FB0]  }
0x2c: {  	s7 =	sld [smem:$0x3FB1]  }
0x2d: {  	s3 =	simm.s32 $0x108;
	s8 =	sld [smem:$0x3FB2]  }
0x2e: {  	s3 =	simm.s32 @!p0 $0x1082;
	s9 =	sld [smem:$0x3FB3]  }
0x2f: {  	lr =	sadd.s32 s0, s3;
	s0 =	sld [smem:$0x3FAA]  }
0x30: {  	s3 =	sld [smem:$0x3FAD]  }
0x31: {  	[smem:$0x3FB6] =	sst s10  }
0x32: {  	s10 =	sld [smem:$0x3FB4];
	_ =	sdelay $0x3  }
0x33: {  	p0 =	seq.s32 s10, $0x1;
	s10 =	sld [smem:$0x3FB6];
	_ =	sdelay $0x3  }
0x34: {  	[smem:$0x3FB6] =	sst s10  }
0x35: {  	s10 =	sld [smem:$0x3FB5];
	_ =	sdelay $0x3  }
0x36: {  	p1 =	seq.s32 s10, $0x1;
	s10 =	sld [smem:$0x3FB6];
	_ =	sdelay $0x3  }
0x37: {  	[smem:$0x3FB6] =	sst s10  }
0x38: {  	s10 =	sld [smem:$0x3FB7]  }
0x39: {  	_ = 	snop;
	(pc) =	sbr.ind lr, $3  }
0x3a: {  	_ = 	snop  }
0x3b: {  	_ = 	snop  }
0x3c: {  	p2 =	seq.s32 s10, $0x1;
	s10 =	sld [smem:$0x3FB6]  }
0x3d: {  	_ =	shalt  }
0x3e: {  	_ =	shalt  }
0x3f: {  	_ =	shalt  }
0x40: {  	_ =	shalt  }
0x41: {  	_ =	shalt  }
0x42: {  	_ =	shalt  }
0x43: {  	_ =	shalt  }
0x44: {  	_ =	shalt  }
0x45: {  	_ =	shalt  }
0x46: {  	_ =	shalt  }
0x47: {  	_ =	shalt  }
0x48: {  	_ =	shalt  }
0x49: {  	_ =	shalt  }
0x4a: {  	_ =	shalt  }
0x4b: {  	_ =	shalt  }
0x4c: {  	_ =	shalt  }
0x4d: {  	_ =	shalt  }
0x4e: {  	_ =	shalt  }
0x4f: {  	_ =	shalt  }
0x50: {  	_ =	shalt  }
0x51: {  	_ =	shalt  }
0x52: {  	_ =	shalt  }
0x53: {  	_ =	shalt  }
0x54: {  	_ =	shalt  }
0x55: {  	_ =	shalt  }
0x56: {  	_ =	shalt  }
0x57: {  	_ =	shalt  }
0x58: {  	_ =	shalt  }
0x59: {  	_ =	shalt  }
0x5a: {  	_ =	shalt  }
0x5b: {  	_ =	shalt  }
0x5c: {  	_ =	shalt  }
0x5d: {  	_ =	shalt  }
0x5e: {  	_ =	shalt  }
0x5f: {  	_ =	shalt  }
0x60: {  	_ =	shalt  }
0x61: {  	_ =	shalt  }
0x62: {  	_ =	shalt  }
0x63: {  	_ =	shalt  }
0x64: {  	_ =	shalt  }
0x65: {  	_ =	shalt  }
0x66: {  	_ =	shalt  }
0x67: {  	_ =	shalt  }
0x68: {  	_ =	shalt  }
0x69: {  	_ =	shalt  }
0x6a: {  	_ =	shalt  }
0x6b: {  	_ =	shalt  }
0x6c: {  	_ =	shalt  }
0x6d: {  	_ =	shalt  }
0x6e: {  	_ =	shalt  }
0x6f: {  	_ =	shalt  }
0x70: {  	_ =	shalt  }
0x71: {  	_ =	shalt  }
0x72: {  	_ =	shalt  }
0x73: {  	_ =	shalt  }
0x74: {  	_ =	shalt  }
0x75: {  	_ =	shalt  }
0x76: {  	_ =	shalt  }
0x77: {  	_ =	shalt  }
0x78: {  	_ =	shalt  }
0x79: {  	_ =	shalt  }
0x7a: {  	_ =	shalt  }
0x7b: {  	_ =	shalt  }
0x7c: {  	_ =	shalt  }
0x7d: {  	_ =	shalt  }
0x7e: {  	_ =	shalt  }
0x7f: {  	_ =	shalt  }
0x80: {  	_ =	shalt  }
0x81: {  	_ =	shalt  }
0x82: {  	_ =	shalt  }
0x83: {  	_ =	shalt  }
0x84: {  	_ =	shalt  }
0x85: {  	_ =	shalt  }
0x86: {  	_ =	shalt  }
0x87: {  	_ =	shalt  }
.Lfunc_end0:
.L_simem_size_0:
called_computation.4_lowered:
.L_overlay_start_0:
0x88: {  	s2 =	sld [smem:$0x3FD9]  }
0x89: {  	s3 =	sld [smem:$0x3FFE];
	_ =	sdelay $0x1  }
0x8a: {  	s1 =	srdreg.scid  }
0x8b: {  	s0 =	sand.u32 $0x1, s1  }
0x8c: {  	s17 =	sshll.u32 s0, $0xA;
	s2 =	sadd.s32 s3, s2  }
0x8d: {  	s2 =	sadd.s32 s2, s17  }
0x8e: {  	[smem:$0x3FC2] =	sst s2  }
0x8f: {  	_ = 	snop  }
0x90: {  	(tm) =	ssettm $0x1  }
0x91: {  	s18 =	sld [smem:$0x3FFB];
	_ =	sdelay $0x3  }
0x92: {  	_ =	strace s18  }
0x93: {  	s2 =	sld [smem:$0x3FFC];
	_ =	sdelay $0x3  }
0x94: {  	_ =	strace s2  }
0x95: {  	s2 =	sld [smem:$0x3FFD];
	_ =	sdelay $0x3  }
0x96: {  	_ =	strace s2  }
0x97: {  	_ =	strace $0x8FFFFFFF  }
0x98: {  	s19 =	sld [smem:$0x3FDB];
	_ =	sdelay $0x1  }
0x99: {  	s20 =	simm.s32 $_scs_section_size  }
0x9a: {  	s4 =	simm.s32 $_size__tile_overlayer_lowered;
	s5 =	simm.s32 $_tile_overlayer_lowered  }
0x9b: {  	s6 =	simm.s32 $0x1BFF;
	s21 =	sshll.u32 s5, $0x1;
	s3 =	sadd.s32 s20, s19  }
0x9c: {  	s22 =	simm.s32 $0x0;
	s4 =	sshll.u32 s4, $0x1;
	s5 =	sadd.s32 s21, s3  }
0x9d: {  	[timem:s22], [sflag:s6] =	dma.local [hbm:s5], s4  }
0x9e: {  	_ =	swait.ge [sflag:s6], s4  }
0x9f: {  	s4 =	ssub.s32 $0x0, s4;
	[sflag:s6] =	ssyncset.done $0x0  }
0xa0: {  	[sflag:s6] =	ssyncadd.s32 s4;
	_ =	sdelay $0x1  }
0xa1: {  	s23 =	simm.s32 $0x1B8B  }
0xa2: {  	_ =	swait.ge [sflag:s23], $0x1  }
0xa3: {  	[sflag:s23] =	ssyncset.done $0x0  }
0xa4: {  	[sflag:s23] =	ssyncadd.s32 $0xFFFFFFFF  }
0xa5: {  	s4 =	sld [smem:$0x0]  }
0xa6: {  	s5 =	sand.u32 $0xFFFFFFFE, s1  }
0xa7: {  	p0 =	sne.s32 s1, s5  }
0xa8: {  	s5 =	sshll.u32 @p0 s5, $0xE  }
0xa9: {  	s5 =	sadd.s32 @p0 $0x11B8D, s5;
	s6 =	sshll.u32 @p0 s4, $0x11  }
0xaa: {  	s5 =	sor.u32 @p0 s6, s5  }
0xab: {  	[sflag:s5] =	ssyncadd.remote.s32 @p0 $0x1;
	_ =	sdelay $0x1  }
0xac: {  	s5 =	simm.s32 @p0 $0x1B8D  }
0xad: {  	_ =	swait.eq @p0 [sflag:s5], $0x1  }
0xae: {  	[sflag:s5] =	ssyncadd.s32 @p0 $0xFFFFFFFF  }
0xaf: {  	s6 =	sshll.u32 @!p0 s1, $0xE  }
0xb0: {  	s6 =	sor.u32 @!p0 $0x4000, s6;
	s5 =	simm.s32 @!p0 $0x1B8D  }
0xb1: {  	s4 =	sshll.u32 @!p0 s4, $0x11;
	s6 =	sadd.s32 @!p0 $0x11B8D, s6;
	_ =	swait.eq @!p0 [sflag:s5], $0x1  }
0xb2: {  	s4 =	sor.u32 @!p0 s4, s6;
	[sflag:s5] =	ssyncadd.s32 @!p0 $0xFFFFFFFF  }
0xb3: {  	s25 =	simm.s32 $0x1B8E;
	s24 =	sld [smem:$0x3FFE];
	[sflag:s4] =	ssyncadd.remote.s32 @!p0 $0x1  }
0xb4: {  	s26 =	simm.s32 $execute0_lowered;
	[smem:$0x3FD2] =	sst s25  }
0xb5: {  	s5 =	sshll.u32 s26, $0x1;
	_ =	strace $0x80000052;
	[dreg:$0x1] =	wrdreg $0xFFFFFFFF  }
0xb6: {  	s28 =	simm.s32 $_size_execute0_lowered;
	s3 =	sadd.s32 s3, s5;
	[dreg:$0x0] =	wrdreg $0x0  }
0xb7: {  	s5 =	sshll.u32 s28, $0x1;
	[dreg:$0x2] =	wrdreg s3  }
0xb8: {  	[dreg:$0x3] =	wrdreg s5  }
0xb9: {  	[dreg:$0x4] =	wrdreg $0xC0  }
0xba: {  	_ =	task [dreg:s22], $0x5FFFF  }
0xbb: {  	[dreg:$0x1] =	wrdreg $0xFFFFFFFF  }
0xbc: {  	[dreg:$0x0] =	wrdreg $0x60  }
0xbd: {  	[dreg:$0x2] =	wrdreg s24  }
0xbe: {  	[dreg:$0x3] =	wrdreg $0xD  }
0xbf: {  	_ =	task.clear_ibuf [dreg:s22], $0x4FFFF;
	_ =	strace $0x90000052  }
0xc0: {  	s29 =	simm.s32 $0xD;
	_ =	strace $0x80000054  }
0xc1: {  	_ =	swait.ge [sflag:s29], $0x1  }
0xc2: {  	[sflag:s29] =	ssyncadd.s32 $0xFFFFFFFF  }
0xc3: {  	_ =	strace $0x90000054  }
0xc4: {  	_ =	sfence  }
0xc5: {  	s30 =	sld [smem:$0x0];
	_ =	sdelay $0x2  }
0xc6: {  	s31 =	sshll.u32 s1, $0xD;
	s1 =	sshrl.u32 s1, $0x2  }
0xc7: {  	s4 =	sand.u32 $0x4000, s31;
	s1 =	sadd.s32 s1, s30  }
0xc8: {  	s0 =	sor.u32 s4, s0;
	s1 =	sshll.u32 s1, $0x11  }
0xc9: {  	s0 =	sor.u32 s1, s0  }
0xca: {  	s0 =	sadd.s32 $0x8F2B, s0  }
0xcb: {  	[sflag:s0] =	ssyncadd.remote.s32 $0x1  }
0xcc: {  	_ =	sfence.sel $0xFFFF  }
0xcd: {  	[dreg:$0x0] =	wrdreg $0xFFFFFFFF;
	(pc) =	sbr.abs _section_cstart, $3  }
0xce: {  	[dreg:$0x1] =	wrdreg $0xFFFFFFFF  }
0xcf: {  	_ =	task.clear_ibuf [dreg:s22], $0x2FFFF;
	_ =	strace $0x9FFFFFFF  }
0xd0: {  	(tm) =	ssettm $0x7FFFFFFF  }
0xd1: {  	_ =	shalt  }
tec
execute0_lowered:
.L_overlay_start_1:
0x0: {  	(tag) =	ssettag $0x1  }
0x1: {  	s1 =	srdreg.scid  }
0x2: {  	s0 =	stileid.u32;
	s4 =	rddreg [dreg:$0x0]  }
0x3: {  	s30 =	simm.s32 $0x5;
	s9 =	simm.s32 $0x80;
	s11 =	simm.s32 $0x500  }
0x4: {  	s13 =	simm.s32 $0x1;
	s10 =	simm.s32 $0x2;
	s8 =	simm.s32 $0x3  }
0x5: {  	s29 =	simm.s32 $0x100;
	s28 =	simm.s32 $0x180;
	s24 =	simm.s32 $0x280  }
0x6: {  	s22 =	simm.s32 $0x300;
	s1 =	sand.u32 $0x1, s1;
	s2 =	sshll.u32 s0, $0x1  }
0x7: {  	s20 =	simm.s32 $0x380;
	s18 =	simm.s32 $0x400;
	s3 =	sor.u32 s1, s2  }
0x8: {  	s15 =	simm.s32 $0x480;
	s2 =	simm.s32 $0x0;
	s5 =	smul.u32 $0xA0, s3  }
0x9: {  	s1 =	ssub.s32 $0x2, s1;
	[smem:$0x7FF] =	sst s2;
	s6 =	smul.u32 $0x5000, s3  }
0xa: {  	s3 =	sadd.s32 $0x18AC00, s4;
	s25 =	sshrl.u32 s1, $0x1;
	_ =	strace $0x80000053  }
0xb: {  	s1 =	ssub.s32 s1, s25;
	s5 =	sadd.s32 s5, s4;
	s4 =	sadd.s32 s6, s4  }
0xc: {  	s25 =	simm.s32 $0x200;
	s1 =	smax.u32 s1, $0x1;
	s26 =	sadd.s32 $0x451600, s4  }
0xd: {  	s23 =	sadd.s32 $0x451E00, s4;
	s21 =	sadd.s32 $0x452600, s4;
	p1 =	sne.s32 s1, $0x1  }
.Ltmp0:
0xe: {  	s5 =	sadd.s32 $0xA5600, s5;
	s19 =	sadd.s32 $0x452E00, s4;
	(pc) =	sbr.rel @!p1 .LBB2_3-.Ltmp0, $4  }
0xf: {  	p0 =	por $0x0, $0x0;
	s17 =	sadd.s32 $0x453600, s4;
	s16 =	sadd.s32 $0x453E00, s4  }
0x10: {  	s6 =	simm.s32 $0x4;
	s14 =	sadd.s32 $0x454600, s4;
	s12 =	sadd.s32 $0x454E00, s4  }
0x11: {  	s7 =	sadd.s32 $0x455600, s4;
	s4 =	sadd.s32 $0x455E00, s4;
	[dreg:$0x2] =	wrdreg s5  }
0x12: {  	s31 =	sadd.s32 $0xFFFFFFFF, s1;
	s5 =	simm.s32 $0x4500;
	s1 =	rddreg [dreg:$0x2]  }
0x13: {  	[tilespmem:s2], [sflag:$0x5] =	stream.linear.gather [hbm4b:s1+s2], $0x500, $0x38;
	[tilespmem:$0x8500] =	vst v63  }
0x14: {  	_ =	swait.ge [sflag:s30], $0x500  }
0x15: {  	[sflag:s30] =	ssyncset.done $0x0  }
0x16: {  	[sflag:s30] =	ssyncadd.s32 $0xFFFFFB00  }
0x17: {  	[tilespmem:s11], [sflag:$0x1] =	stream.indirect.gather [hbm4b:s3+s9], $0x80, s2, s9, $0xb8;
	[tilespmem:$0x8500] =	vst v63  }
0x18: {  	_ =	swait.ge [sflag:s13], $0x4000  }
0x19: {  	[sflag:s13] =	ssyncset.done $0x0  }
0x1a: {  	[sflag:s13] =	ssyncadd.s32 $0xFFFFC000  }
0x1b: {  	[hbm4b:s26+s2] =	stream.linear.scatter [tilespmem:s11], [sflag:$0x3], $0x4000, $0x38;
	[tilespmem:$0x8500] =	vst v63  }
0x1c: {  	_ = 	snop  }
0x1d: {  	[tilespmem:s5], [sflag:$0x2] =	stream.indirect.gather [hbm4b:s3+s9], $0x80, s9, s9, $0xb8;
	[tilespmem:$0x8500] =	vst v63  }
0x1e: {  	_ =	swait.ge [sflag:s10], $0x4000  }
0x1f: {  	[sflag:s10] =	ssyncset.done $0x0  }
0x20: {  	[sflag:s10] =	ssyncadd.s32 $0xFFFFC000  }
0x21: {  	_ =	swait.ge [sflag:s8], $0x4000  }
0x22: {  	[sflag:s8] =	ssyncset.done $0x0  }
0x23: {  	[sflag:s8] =	ssyncadd.s32 $0xFFFFC000  }
0x24: {  	[hbm4b:s23+s2] =	stream.linear.scatter [tilespmem:s5], [sflag:$0x4], $0x4000, $0x38;
	[tilespmem:$0x8500] =	vst v63  }
0x25: {  	_ = 	snop  }
0x26: {  	[tilespmem:s11], [sflag:$0x1] =	stream.indirect.gather [hbm4b:s3+s9], $0x80, s29, s9, $0xb8;
	[tilespmem:$0x8500] =	vst v63  }
0x27: {  	_ =	swait.ge [sflag:s13], $0x4000  }
0x28: {  	[sflag:s13] =	ssyncset.done $0x0  }
0x29: {  	[sflag:s13] =	ssyncadd.s32 $0xFFFFC000  }
0x2a: {  	_ =	swait.ge [sflag:s6], $0x4000  }
0x2b: {  	[sflag:s6] =	ssyncset.done $0x0  }
0x2c: {  	[sflag:s6] =	ssyncadd.s32 $0xFFFFC000  }
0x2d: {  	[hbm4b:s21+s2] =	stream.linear.scatter [tilespmem:s11], [sflag:$0x3], $0x4000, $0x38;
	[tilespmem:$0x8500] =	vst v63  }
0x2e: {  	_ = 	snop  }
0x2f: {  	[tilespmem:s5], [sflag:$0x2] =	stream.indirect.gather [hbm4b:s3+s9], $0x80, s28, s9, $0xb8;
	[tilespmem:$0x8500] =	vst v63  }
0x30: {  	_ =	swait.ge [sflag:s10], $0x4000  }
0x31: {  	[sflag:s10] =	ssyncset.done $0x0  }
0x32: {  	[sflag:s10] =	ssyncadd.s32 $0xFFFFC000  }
0x33: {  	_ =	swait.ge [sflag:s8], $0x4000  }
0x34: {  	[sflag:s8] =	ssyncset.done $0x0  }
0x35: {  	[sflag:s8] =	ssyncadd.s32 $0xFFFFC000  }
0x36: {  	[hbm4b:s19+s2] =	stream.linear.scatter [tilespmem:s5], [sflag:$0x4], $0x4000, $0x38;
	[tilespmem:$0x8500] =	vst v63  }
0x37: {  	_ = 	snop  }
0x38: {  	[tilespmem:s11], [sflag:$0x1] =	stream.indirect.gather [hbm4b:s3+s9], $0x80, s25, s9, $0xb8;
	[tilespmem:$0x8500] =	vst v63  }
0x39: {  	_ =	swait.ge [sflag:s13], $0x4000  }
0x3a: {  	[sflag:s13] =	ssyncset.done $0x0  }
0x3b: {  	[sflag:s13] =	ssyncadd.s32 $0xFFFFC000  }
0x3c: {  	_ =	swait.ge [sflag:s6], $0x4000  }
0x3d: {  	[sflag:s6] =	ssyncset.done $0x0  }
0x3e: {  	[sflag:s6] =	ssyncadd.s32 $0xFFFFC000  }
0x3f: {  	[hbm4b:s17+s2] =	stream.linear.scatter [tilespmem:s11], [sflag:$0x3], $0x4000, $0x38;
	[tilespmem:$0x8500] =	vst v63  }
0x40: {  	_ = 	snop  }
0x41: {  	[tilespmem:s5], [sflag:$0x2] =	stream.indirect.gather [hbm4b:s3+s9], $0x80, s24, s9, $0xb8;
	[tilespmem:$0x8500] =	vst v63  }
0x42: {  	_ =	swait.ge [sflag:s10], $0x4000  }
0x43: {  	[sflag:s10] =	ssyncset.done $0x0  }
0x44: {  	[sflag:s10] =	ssyncadd.s32 $0xFFFFC000  }
0x45: {  	_ =	swait.ge [sflag:s8], $0x4000  }
0x46: {  	[sflag:s8] =	ssyncset.done $0x0  }
0x47: {  	[sflag:s8] =	ssyncadd.s32 $0xFFFFC000  }
0x48: {  	[hbm4b:s16+s2] =	stream.linear.scatter [tilespmem:s5], [sflag:$0x4], $0x4000, $0x38;
	[tilespmem:$0x8500] =	vst v63  }
0x49: {  	_ = 	snop  }
0x4a: {  	[tilespmem:s11], [sflag:$0x1] =	stream.indirect.gather [hbm4b:s3+s9], $0x80, s22, s9, $0xb8;
	[tilespmem:$0x8500] =	vst v63  }
0x4b: {  	_ =	swait.ge [sflag:s13], $0x4000  }
0x4c: {  	[sflag:s13] =	ssyncset.done $0x0  }
0x4d: {  	[sflag:s13] =	ssyncadd.s32 $0xFFFFC000  }
0x4e: {  	_ =	swait.ge [sflag:s6], $0x4000  }
0x4f: {  	[sflag:s6] =	ssyncset.done $0x0  }
0x50: {  	[sflag:s6] =	ssyncadd.s32 $0xFFFFC000  }
0x51: {  	[hbm4b:s14+s2] =	stream.linear.scatter [tilespmem:s11], [sflag:$0x3], $0x4000, $0x38;
	[tilespmem:$0x8500] =	vst v63  }
0x52: {  	_ = 	snop  }
0x53: {  	[tilespmem:s5], [sflag:$0x2] =	stream.indirect.gather [hbm4b:s3+s9], $0x80, s20, s9, $0xb8;
	[tilespmem:$0x8500] =	vst v63  }
0x54: {  	_ =	swait.ge [sflag:s10], $0x4000  }
0x55: {  	[sflag:s10] =	ssyncset.done $0x0  }
0x56: {  	[sflag:s10] =	ssyncadd.s32 $0xFFFFC000  }
0x57: {  	_ =	swait.ge [sflag:s8], $0x4000  }
0x58: {  	[sflag:s8] =	ssyncset.done $0x0  }
0x59: {  	[sflag:s8] =	ssyncadd.s32 $0xFFFFC000  }
0x5a: {  	[hbm4b:s12+s2] =	stream.linear.scatter [tilespmem:s5], [sflag:$0x4], $0x4000, $0x38;
	[tilespmem:$0x8500] =	vst v63  }
0x5b: {  	_ = 	snop  }
0x5c: {  	[tilespmem:s11], [sflag:$0x1] =	stream.indirect.gather [hbm4b:s3+s9], $0x80, s18, s9, $0xb8;
	[tilespmem:$0x8500] =	vst v63  }
0x5d: {  	_ =	swait.ge [sflag:s13], $0x4000  }
0x5e: {  	[sflag:s13] =	ssyncset.done $0x0  }
0x5f: {  	[sflag:s13] =	ssyncadd.s32 $0xFFFFC000  }
0x60: {  	_ =	swait.ge [sflag:s6], $0x4000  }
0x61: {  	[sflag:s6] =	ssyncset.done $0x0  }
0x62: {  	[sflag:s6] =	ssyncadd.s32 $0xFFFFC000  }
0x63: {  	[hbm4b:s7+s2] =	stream.linear.scatter [tilespmem:s11], [sflag:$0x3], $0x4000, $0x38;
	[tilespmem:$0x8500] =	vst v63  }
0x64: {  	_ = 	snop  }
0x65: {  	[tilespmem:s5], [sflag:$0x2] =	stream.indirect.gather [hbm4b:s3+s9], $0x80, s15, s9, $0xb8;
	[tilespmem:$0x8500] =	vst v63  }
0x66: {  	_ =	swait.ge [sflag:s10], $0x4000  }
0x67: {  	[sflag:s10] =	ssyncset.done $0x0  }
0x68: {  	[sflag:s10] =	ssyncadd.s32 $0xFFFFC000  }
0x69: {  	p1 =	sne.s32 s31, $0x1;
	_ =	swait.ge [sflag:s8], $0x4000  }
.Ltmp1:
0x6a: {  	[sflag:s8] =	ssyncset.done $0x0;
	(pc) =	sbr.rel @!p1 .LBB2_3-.Ltmp1, $4  }
0x6b: {  	[sflag:s8] =	ssyncadd.s32 $0xFFFFC000  }
0x6c: {  	[hbm4b:s4+s2] =	stream.linear.scatter [tilespmem:s5], [sflag:$0x4], $0x4000, $0x38;
	[tilespmem:$0x8500] =	vst v63  }
0x6d: {  	s31 =	sadd.s32 $0xFFFFFFFF, s31;
	_ =	swait.ge [sflag:s6], $0x4000  }
0x6e: {  	p0 =	por $0x1, $0x1;
	s1 =	rddreg [dreg:$0x2];
	[sflag:s6] =	ssyncset.done $0x0  }
.LBB2_2:
0x6f: {  	[sflag:s6] =	ssyncadd.s32 $0xFFFFC000  }
0x70: {  	[tilespmem:s2], [sflag:$0x5] =	stream.linear.gather [hbm4b:s1+s2], $0x500, $0x38;
	[tilespmem:$0x8500] =	vst v63  }
0x71: {  	_ =	swait.ge [sflag:s30], $0x500  }
0x72: {  	[sflag:s30] =	ssyncset.done $0x0  }
0x73: {  	[sflag:s30] =	ssyncadd.s32 $0xFFFFFB00  }
0x74: {  	[tilespmem:s11], [sflag:$0x1] =	stream.indirect.gather [hbm4b:s3+s9], $0x80, s2, s9, $0xb8;
	[tilespmem:$0x8500] =	vst v63  }
0x75: {  	_ =	swait.ge [sflag:s13], $0x4000  }
0x76: {  	[sflag:s13] =	ssyncset.done $0x0  }
0x77: {  	[sflag:s13] =	ssyncadd.s32 $0xFFFFC000  }
0x78: {  	[hbm4b:s26+s2] =	stream.linear.scatter [tilespmem:s11], [sflag:$0x3], $0x4000, $0x38;
	[tilespmem:$0x8500] =	vst v63  }
0x79: {  	_ = 	snop  }
0x7a: {  	[tilespmem:s5], [sflag:$0x2] =	stream.indirect.gather [hbm4b:s3+s9], $0x80, s9, s9, $0xb8;
	[tilespmem:$0x8500] =	vst v63  }
0x7b: {  	_ =	swait.ge [sflag:s10], $0x4000  }
0x7c: {  	[sflag:s10] =	ssyncset.done $0x0  }
0x7d: {  	[sflag:s10] =	ssyncadd.s32 $0xFFFFC000  }
0x7e: {  	_ =	swait.ge [sflag:s8], $0x4000  }
0x7f: {  	[sflag:s8] =	ssyncset.done $0x0  }
0x80: {  	[sflag:s8] =	ssyncadd.s32 $0xFFFFC000  }
0x81: {  	[hbm4b:s23+s2] =	stream.linear.scatter [tilespmem:s5], [sflag:$0x4], $0x4000, $0x38;
	[tilespmem:$0x8500] =	vst v63  }
0x82: {  	_ = 	snop  }
0x83: {  	[tilespmem:s11], [sflag:$0x1] =	stream.indirect.gather [hbm4b:s3+s9], $0x80, s29, s9, $0xb8;
	[tilespmem:$0x8500] =	vst v63  }
0x84: {  	_ =	swait.ge [sflag:s13], $0x4000  }
0x85: {  	[sflag:s13] =	ssyncset.done $0x0  }
0x86: {  	[sflag:s13] =	ssyncadd.s32 $0xFFFFC000  }
0x87: {  	_ =	swait.ge [sflag:s6], $0x4000  }
0x88: {  	[sflag:s6] =	ssyncset.done $0x0  }
0x89: {  	[sflag:s6] =	ssyncadd.s32 $0xFFFFC000  }
0x8a: {  	[hbm4b:s21+s2] =	stream.linear.scatter [tilespmem:s11], [sflag:$0x3], $0x4000, $0x38;
	[tilespmem:$0x8500] =	vst v63  }
0x8b: {  	_ = 	snop  }
0x8c: {  	[tilespmem:s5], [sflag:$0x2] =	stream.indirect.gather [hbm4b:s3+s9], $0x80, s28, s9, $0xb8;
	[tilespmem:$0x8500] =	vst v63  }
0x8d: {  	_ =	swait.ge [sflag:s10], $0x4000  }
0x8e: {  	[sflag:s10] =	ssyncset.done $0x0  }
0x8f: {  	[sflag:s10] =	ssyncadd.s32 $0xFFFFC000  }
0x90: {  	_ =	swait.ge [sflag:s8], $0x4000  }
0x91: {  	[sflag:s8] =	ssyncset.done $0x0  }
0x92: {  	[sflag:s8] =	ssyncadd.s32 $0xFFFFC000  }
0x93: {  	[hbm4b:s19+s2] =	stream.linear.scatter [tilespmem:s5], [sflag:$0x4], $0x4000, $0x38;
	[tilespmem:$0x8500] =	vst v63  }
0x94: {  	_ = 	snop  }
0x95: {  	[tilespmem:s11], [sflag:$0x1] =	stream.indirect.gather [hbm4b:s3+s9], $0x80, s25, s9, $0xb8;
	[tilespmem:$0x8500] =	vst v63  }
0x96: {  	_ =	swait.ge [sflag:s13], $0x4000  }
0x97: {  	[sflag:s13] =	ssyncset.done $0x0  }
0x98: {  	[sflag:s13] =	ssyncadd.s32 $0xFFFFC000  }
0x99: {  	_ =	swait.ge [sflag:s6], $0x4000  }
0x9a: {  	[sflag:s6] =	ssyncset.done $0x0  }
0x9b: {  	[sflag:s6] =	ssyncadd.s32 $0xFFFFC000  }
0x9c: {  	[hbm4b:s17+s2] =	stream.linear.scatter [tilespmem:s11], [sflag:$0x3], $0x4000, $0x38;
	[tilespmem:$0x8500] =	vst v63  }
0x9d: {  	_ = 	snop  }
0x9e: {  	[tilespmem:s5], [sflag:$0x2] =	stream.indirect.gather [hbm4b:s3+s9], $0x80, s24, s9, $0xb8;
	[tilespmem:$0x8500] =	vst v63  }
0x9f: {  	_ =	swait.ge [sflag:s10], $0x4000  }
0xa0: {  	[sflag:s10] =	ssyncset.done $0x0  }
0xa1: {  	[sflag:s10] =	ssyncadd.s32 $0xFFFFC000  }
0xa2: {  	_ =	swait.ge [sflag:s8], $0x4000  }
0xa3: {  	[sflag:s8] =	ssyncset.done $0x0  }
0xa4: {  	[sflag:s8] =	ssyncadd.s32 $0xFFFFC000  }
0xa5: {  	[hbm4b:s16+s2] =	stream.linear.scatter [tilespmem:s5], [sflag:$0x4], $0x4000, $0x38;
	[tilespmem:$0x8500] =	vst v63  }
0xa6: {  	_ = 	snop  }
0xa7: {  	[tilespmem:s11], [sflag:$0x1] =	stream.indirect.gather [hbm4b:s3+s9], $0x80, s22, s9, $0xb8;
	[tilespmem:$0x8500] =	vst v63  }
0xa8: {  	_ =	swait.ge [sflag:s13], $0x4000  }
0xa9: {  	[sflag:s13] =	ssyncset.done $0x0  }
0xaa: {  	[sflag:s13] =	ssyncadd.s32 $0xFFFFC000  }
0xab: {  	_ =	swait.ge [sflag:s6], $0x4000  }
0xac: {  	[sflag:s6] =	ssyncset.done $0x0  }
0xad: {  	[sflag:s6] =	ssyncadd.s32 $0xFFFFC000  }
0xae: {  	[hbm4b:s14+s2] =	stream.linear.scatter [tilespmem:s11], [sflag:$0x3], $0x4000, $0x38;
	[tilespmem:$0x8500] =	vst v63  }
0xaf: {  	_ = 	snop  }
0xb0: {  	[tilespmem:s5], [sflag:$0x2] =	stream.indirect.gather [hbm4b:s3+s9], $0x80, s20, s9, $0xb8;
	[tilespmem:$0x8500] =	vst v63  }
0xb1: {  	_ =	swait.ge [sflag:s10], $0x4000  }
0xb2: {  	[sflag:s10] =	ssyncset.done $0x0  }
0xb3: {  	[sflag:s10] =	ssyncadd.s32 $0xFFFFC000  }
0xb4: {  	_ =	swait.ge [sflag:s8], $0x4000  }
0xb5: {  	[sflag:s8] =	ssyncset.done $0x0  }
0xb6: {  	[sflag:s8] =	ssyncadd.s32 $0xFFFFC000  }
0xb7: {  	[hbm4b:s12+s2] =	stream.linear.scatter [tilespmem:s5], [sflag:$0x4], $0x4000, $0x38;
	[tilespmem:$0x8500] =	vst v63  }
0xb8: {  	_ = 	snop  }
0xb9: {  	[tilespmem:s11], [sflag:$0x1] =	stream.indirect.gather [hbm4b:s3+s9], $0x80, s18, s9, $0xb8;
	[tilespmem:$0x8500] =	vst v63  }
0xba: {  	_ =	swait.ge [sflag:s13], $0x4000  }
0xbb: {  	[sflag:s13] =	ssyncset.done $0x0  }
0xbc: {  	[sflag:s13] =	ssyncadd.s32 $0xFFFFC000  }
0xbd: {  	_ =	swait.ge [sflag:s6], $0x4000  }
0xbe: {  	[sflag:s6] =	ssyncset.done $0x0  }
0xbf: {  	[sflag:s6] =	ssyncadd.s32 $0xFFFFC000  }
0xc0: {  	[hbm4b:s7+s2] =	stream.linear.scatter [tilespmem:s11], [sflag:$0x3], $0x4000, $0x38;
	[tilespmem:$0x8500] =	vst v63  }
0xc1: {  	_ = 	snop  }
0xc2: {  	[tilespmem:s5], [sflag:$0x2] =	stream.indirect.gather [hbm4b:s3+s9], $0x80, s15, s9, $0xb8;
	[tilespmem:$0x8500] =	vst v63  }
0xc3: {  	_ =	swait.ge [sflag:s10], $0x4000  }
0xc4: {  	[sflag:s10] =	ssyncset.done $0x0  }
0xc5: {  	[sflag:s10] =	ssyncadd.s32 $0xFFFFC000  }
0xc6: {  	p1 =	sne.s32 s31, $0x1;
	_ =	swait.ge [sflag:s8], $0x4000  }
.Ltmp2:
0xc7: {  	[sflag:s8] =	ssyncset.done $0x0;
	(pc) =	sbr.rel @p1 .LBB2_2-.Ltmp2, $4  }
0xc8: {  	[sflag:s8] =	ssyncadd.s32 $0xFFFFC000  }
0xc9: {  	[hbm4b:s4+s2] =	stream.linear.scatter [tilespmem:s5], [sflag:$0x4], $0x4000, $0x38;
	[tilespmem:$0x8500] =	vst v63  }
0xca: {  	_ =	swait.ge [sflag:s6], $0x4000  }
0xcb: {  	s31 =	sadd.s32 $0xFFFFFFFF, s31;
	s1 =	rddreg [dreg:$0x2];
	[sflag:s6] =	ssyncset.done $0x0  }
.LBB2_3:
0xcc: {  	[sflag:s6] =	ssyncadd.s32 @p0 $0xFFFFC000  }
0xcd: {  	[tilespmem:s2], [sflag:$0x5] =	stream.linear.gather [hbm4b:s1+s2], $0x500, $0x38;
	[tilespmem:$0x8500] =	vst v63  }
0xce: {  	_ =	swait.ge [sflag:s30], $0x500  }
0xcf: {  	[sflag:s30] =	ssyncset.done $0x0  }
0xd0: {  	[sflag:s30] =	ssyncadd.s32 $0xFFFFFB00  }
0xd1: {  	[tilespmem:s11], [sflag:$0x1] =	stream.indirect.gather [hbm4b:s3+s9], $0x80, s2, s9, $0xb8;
	[tilespmem:$0x8500] =	vst v63  }
0xd2: {  	_ =	swait.ge [sflag:s13], $0x4000  }
0xd3: {  	[sflag:s13] =	ssyncset.done $0x0  }
0xd4: {  	[sflag:s13] =	ssyncadd.s32 $0xFFFFC000  }
0xd5: {  	[hbm4b:s26+s2] =	stream.linear.scatter [tilespmem:s11], [sflag:$0x3], $0x4000, $0x38;
	[tilespmem:$0x8500] =	vst v63  }
0xd6: {  	_ = 	snop  }
0xd7: {  	[tilespmem:s5], [sflag:$0x2] =	stream.indirect.gather [hbm4b:s3+s9], $0x80, s9, s9, $0xb8;
	[tilespmem:$0x8500] =	vst v63  }
0xd8: {  	_ =	swait.ge [sflag:s10], $0x4000  }
0xd9: {  	[sflag:s10] =	ssyncset.done $0x0  }
0xda: {  	[sflag:s10] =	ssyncadd.s32 $0xFFFFC000  }
0xdb: {  	_ =	swait.ge [sflag:s8], $0x4000  }
0xdc: {  	[sflag:s8] =	ssyncset.done $0x0  }
0xdd: {  	[sflag:s8] =	ssyncadd.s32 $0xFFFFC000  }
0xde: {  	[hbm4b:s23+s2] =	stream.linear.scatter [tilespmem:s5], [sflag:$0x4], $0x4000, $0x38;
	[tilespmem:$0x8500] =	vst v63  }
0xdf: {  	_ = 	snop  }
0xe0: {  	[tilespmem:s11], [sflag:$0x1] =	stream.indirect.gather [hbm4b:s3+s9], $0x80, s29, s9, $0xb8;
	[tilespmem:$0x8500] =	vst v63  }
0xe1: {  	_ =	swait.ge [sflag:s13], $0x4000  }
0xe2: {  	[sflag:s13] =	ssyncset.done $0x0  }
0xe3: {  	[sflag:s13] =	ssyncadd.s32 $0xFFFFC000  }
0xe4: {  	_ =	swait.ge [sflag:s6], $0x4000  }
0xe5: {  	[sflag:s6] =	ssyncset.done $0x0  }
0xe6: {  	[sflag:s6] =	ssyncadd.s32 $0xFFFFC000  }
0xe7: {  	[hbm4b:s21+s2] =	stream.linear.scatter [tilespmem:s11], [sflag:$0x3], $0x4000, $0x38;
	[tilespmem:$0x8500] =	vst v63  }
0xe8: {  	_ = 	snop  }
0xe9: {  	[tilespmem:s5], [sflag:$0x2] =	stream.indirect.gather [hbm4b:s3+s9], $0x80, s28, s9, $0xb8;
	[tilespmem:$0x8500] =	vst v63  }
0xea: {  	_ =	swait.ge [sflag:s10], $0x4000  }
0xeb: {  	[sflag:s10] =	ssyncset.done $0x0  }
0xec: {  	[sflag:s10] =	ssyncadd.s32 $0xFFFFC000  }
0xed: {  	_ =	swait.ge [sflag:s8], $0x4000  }
0xee: {  	[sflag:s8] =	ssyncset.done $0x0  }
0xef: {  	[sflag:s8] =	ssyncadd.s32 $0xFFFFC000  }
0xf0: {  	[hbm4b:s19+s2] =	stream.linear.scatter [tilespmem:s5], [sflag:$0x4], $0x4000, $0x38;
	[tilespmem:$0x8500] =	vst v63  }
0xf1: {  	_ = 	snop  }
0xf2: {  	[tilespmem:s11], [sflag:$0x1] =	stream.indirect.gather [hbm4b:s3+s9], $0x80, s25, s9, $0xb8;
	[tilespmem:$0x8500] =	vst v63  }
0xf3: {  	_ =	swait.ge [sflag:s13], $0x4000  }
0xf4: {  	[sflag:s13] =	ssyncset.done $0x0  }
0xf5: {  	[sflag:s13] =	ssyncadd.s32 $0xFFFFC000  }
0xf6: {  	_ =	swait.ge [sflag:s6], $0x4000  }
0xf7: {  	[sflag:s6] =	ssyncset.done $0x0  }
0xf8: {  	[sflag:s6] =	ssyncadd.s32 $0xFFFFC000  }
0xf9: {  	[hbm4b:s17+s2] =	stream.linear.scatter [tilespmem:s11], [sflag:$0x3], $0x4000, $0x38;
	[tilespmem:$0x8500] =	vst v63  }
0xfa: {  	_ = 	snop  }
0xfb: {  	[tilespmem:s5], [sflag:$0x2] =	stream.indirect.gather [hbm4b:s3+s9], $0x80, s24, s9, $0xb8;
	[tilespmem:$0x8500] =	vst v63  }
0xfc: {  	_ =	swait.ge [sflag:s10], $0x4000  }
0xfd: {  	[sflag:s10] =	ssyncset.done $0x0  }
0xfe: {  	[sflag:s10] =	ssyncadd.s32 $0xFFFFC000  }
0xff: {  	_ =	swait.ge [sflag:s8], $0x4000  }
0x100: {  	[sflag:s8] =	ssyncset.done $0x0  }
0x101: {  	[sflag:s8] =	ssyncadd.s32 $0xFFFFC000  }
0x102: {  	[hbm4b:s16+s2] =	stream.linear.scatter [tilespmem:s5], [sflag:$0x4], $0x4000, $0x38;
	[tilespmem:$0x8500] =	vst v63  }
0x103: {  	_ = 	snop  }
0x104: {  	[tilespmem:s11], [sflag:$0x1] =	stream.indirect.gather [hbm4b:s3+s9], $0x80, s22, s9, $0xb8;
	[tilespmem:$0x8500] =	vst v63  }
0x105: {  	_ =	swait.ge [sflag:s13], $0x4000  }
0x106: {  	[sflag:s13] =	ssyncset.done $0x0  }
0x107: {  	[sflag:s13] =	ssyncadd.s32 $0xFFFFC000  }
0x108: {  	_ =	swait.ge [sflag:s6], $0x4000  }
0x109: {  	[sflag:s6] =	ssyncset.done $0x0  }
0x10a: {  	[sflag:s6] =	ssyncadd.s32 $0xFFFFC000  }
0x10b: {  	[hbm4b:s14+s2] =	stream.linear.scatter [tilespmem:s11], [sflag:$0x3], $0x4000, $0x38;
	[tilespmem:$0x8500] =	vst v63  }
0x10c: {  	_ = 	snop  }
0x10d: {  	[tilespmem:s5], [sflag:$0x2] =	stream.indirect.gather [hbm4b:s3+s9], $0x80, s20, s9, $0xb8;
	[tilespmem:$0x8500] =	vst v63  }
0x10e: {  	_ =	swait.ge [sflag:s10], $0x4000  }
0x10f: {  	[sflag:s10] =	ssyncset.done $0x0  }
0x110: {  	[sflag:s10] =	ssyncadd.s32 $0xFFFFC000  }
0x111: {  	_ =	swait.ge [sflag:s8], $0x4000  }
0x112: {  	[sflag:s8] =	ssyncset.done $0x0  }
0x113: {  	[sflag:s8] =	ssyncadd.s32 $0xFFFFC000  }
0x114: {  	[hbm4b:s12+s2] =	stream.linear.scatter [tilespmem:s5], [sflag:$0x4], $0x4000, $0x38;
	[tilespmem:$0x8500] =	vst v63  }
0x115: {  	_ = 	snop  }
0x116: {  	[tilespmem:s11], [sflag:$0x1] =	stream.indirect.gather [hbm4b:s3+s9], $0x80, s18, s9, $0xb8;
	[tilespmem:$0x8500] =	vst v63  }
0x117: {  	_ =	swait.ge [sflag:s13], $0x4000  }
0x118: {  	[sflag:s13] =	ssyncset.done $0x0  }
0x119: {  	[sflag:s13] =	ssyncadd.s32 $0xFFFFC000  }
0x11a: {  	_ =	swait.ge [sflag:s6], $0x4000  }
0x11b: {  	[sflag:s6] =	ssyncset.done $0x0  }
0x11c: {  	[sflag:s6] =	ssyncadd.s32 $0xFFFFC000  }
0x11d: {  	[hbm4b:s7+s2] =	stream.linear.scatter [tilespmem:s11], [sflag:$0x3], $0x4000, $0x38;
	[tilespmem:$0x8500] =	vst v63  }
0x11e: {  	_ = 	snop  }
0x11f: {  	[tilespmem:s5], [sflag:$0x2] =	stream.indirect.gather [hbm4b:s3+s9], $0x80, s15, s9, $0xb8;
	[tilespmem:$0x8500] =	vst v63  }
0x120: {  	_ =	swait.ge [sflag:s10], $0x4000  }
0x121: {  	[sflag:s10] =	ssyncset.done $0x0  }
0x122: {  	[sflag:s10] =	ssyncadd.s32 $0xFFFFC000  }
0x123: {  	_ =	swait.ge [sflag:s8], $0x4000  }
0x124: {  	[sflag:s8] =	ssyncset.done $0x0  }
0x125: {  	[sflag:s8] =	ssyncadd.s32 $0xFFFFC000  }
0x126: {  	[hbm4b:s4+s2] =	stream.linear.scatter [tilespmem:s5], [sflag:$0x4], $0x4000, $0x38;
	[tilespmem:$0x8500] =	vst v63  }
0x127: {  	_ =	swait.ge [sflag:s6], $0x4000  }
0x128: {  	[sflag:s6] =	ssyncset.done $0x0  }
0x129: {  	[sflag:s6] =	ssyncadd.s32 $0xFFFFC000  }
0x12a: {  	_ =	sfence.sel $0x180000  }
0x12b: {  	[bflag:$0x0] =	sbarrier.arrive $0xFFFF  }
0x12c: {  	_ =	strace $0x90000053  }
0x12d: {  	[bflag:$0x2] =	sbarrier.arrive $0xFFFF  }
0x12e: {  	p0 =	sne.s32 s0, $0x0;
	s0 =	rddreg [dreg:$0x1]  }
0x12f: {  	s0 =	sadd.s32 @!p0 $0x100000, s0  }
0x130: {  	[sflag:s0] =	ssyncadd.tile.s32 @!p0 $0x1;
	_ =	shalt  }
.Lfunc_end2:
_tile_overlayer_lowered:
.L_overlay_start_2:
0x131: {  	(tag) =	ssettag $0x2  }
0x132: {  	s0 =	rddreg [dreg:$0x0];
	s2 =	stileid.u32  }
0x133: {  	s1 =	rddreg [dreg:$0x1];
	p0 =	sne.s32 s2, $0x0  }
0x134: {  	s3 =	rddreg [dreg:$0x2];
	[bflag:$0x3] =	sbarrier.arrive $0xFFFF;
	s2 =	simm.s32 @!p0 $0x1C05  }
0x135: {  	[timem:s3], [sflag:s2] =	dma.local @!p0 [hbm:s0], s1  }
0x136: {  	s0 =	simm.s32 @!p0 $0x5  }
0x137: {  	_ =	swait.ge @!p0 [sflag:s0], s1  }
0x138: {  	s1 =	ssub.s32 @!p0 $0x0, s1;
	[sflag:s0] =	ssyncset.done @!p0 $0x0  }
0x139: {  	[sflag:s0] =	ssyncadd.s32 @!p0 s1  }
0x13a: {  	[bflag:$0x3] =	sbarrier.arrive $0xFFFF  }
0x13b: {  	_ =	shalt  }

</sc_bundles>
